<compile_context>
chip_gen: v7x
topology: tpu7x:2x2x1
jax: 0.10.2.dev20260603
libtpu: 0.0.44.dev20260713+nightly
codegen_flags: <defaults>
</compile_context>

<pallas_src>
import jax
import jax.numpy as jnp
from jax import lax
from jax.experimental import pallas as pl
from jax.experimental.pallas import tpu as pltpu
from jax.experimental.pallas import tpu_sc as plsc

B = 16384
LREV = 50
D = 64
A = 16
NNZ = 65536
NLAB = 16384
VOCAB = 100000
FL = LREV * D

NC, NS, LANE = 2, 16, 16
NW = NC * NS
PAIR = 2 * LREV
PPW = (B // 2) // NW
PBLK = 32
NPB = PPW // PBLK

_SC_PARAMS = pltpu.CompilerParams(
    needs_layout_passes=False, use_tc_tiling_on_sc=False)


def _sc_mesh():
    return plsc.VectorSubcoreMesh(
        core_axis_name="c", subcore_axis_name="s",
        num_cores=NC, num_subcores=NS)



def _gather_body(hist2, wemb, ewh, idx_blk, bufa, bufb,
                 sga, sgb, swa, swb):
    cid = lax.axis_index("c")
    sid = lax.axis_index("s")
    wid = sid * NC + cid
    pbase = wid * PPW

    def g_start(p, buf, sem):
        pltpu.async_copy(wemb.at[idx_blk.at[p]], buf, sem)

    def g_wait(p, buf, sem):
        pltpu.make_async_copy(wemb.at[idx_blk.at[p]], buf, sem).wait()

    def w_start(pp, buf, sem):
        pltpu.async_copy(buf, ewh.at[pl.ds(pp * PAIR, PAIR)], sem)

    def w_wait(pp, buf, sem):
        pltpu.make_async_copy(
            buf, ewh.at[pl.ds(pp * PAIR, PAIR)], sem).wait()

    @pl.loop(0, NPB)
    def _blk(j):
        pb0 = pbase + j * PBLK
        pltpu.sync_copy(hist2.at[pl.ds(pb0, PBLK)], idx_blk)
        g_start(0, bufa, sga)
        g_start(1, bufb, sgb)

        @pl.loop(0, PBLK, step=2)
        def _p(p):
            g_wait(p, bufa, sga)
            w_start(pb0 + p, bufa, swa)
            g_wait(p + 1, bufb, sgb)
            w_start(pb0 + p + 1, bufb, swb)
            w_wait(pb0 + p, bufa, swa)

            @pl.when(p < PBLK - 2)
            def _():
                g_start(p + 2, bufa, sga)

            w_wait(pb0 + p + 1, bufb, swb)

            @pl.when(p < PBLK - 2)
            def _():
                g_start(p + 3, bufb, sgb)


def _gather_call(hist2, wemb):
    f = pl.kernel(
        _gather_body,
        out_type=jax.ShapeDtypeStruct((B * LREV, D), jnp.float32),
        mesh=_sc_mesh(),
        compiler_params=_SC_PARAMS,
        scratch_types=[
            pltpu.VMEM((PBLK, PAIR), jnp.int32),
            pltpu.VMEM((PAIR, D), jnp.float32),
            pltpu.VMEM((PAIR, D), jnp.float32),
            pltpu.SemaphoreType.DMA,
            pltpu.SemaphoreType.DMA,
            pltpu.SemaphoreType.DMA,
            pltpu.SemaphoreType.DMA,
        ],
    )
    return f(hist2, wemb)



def _v_body(x_ref, m_ref, o_ref):
    o_ref[...] = lax.dot_general(
        x_ref[...], m_ref[...], (((1,), (0,)), ((), ())),
        preferred_element_type=jnp.float32)


def _compute_v(review_positive, M_w):
    blk = B // 8
    return pl.pallas_call(
        _v_body,
        grid=(8,),
        in_specs=[pl.BlockSpec((blk, D), lambda i: (i, 0)),
                  pl.BlockSpec((D, D), lambda i: (0, 0))],
        out_specs=pl.BlockSpec((blk, D), lambda i: (i, 0)),
        out_shape=jax.ShapeDtypeStruct((B, D), jnp.float32),
    )(review_positive, M_w)


RBLK = 256


def _attn_body(ew_ref, v_ref, ve_ref, s64_ref, e2_ref, m3_ref,
               w_ref, b_ref, o_ref):
    ew = ew_ref[...]
    vrep = lax.dot_general(v_ref[...], ve_ref[...],
                           (((1,), (0,)), ((), ())),
                           preferred_element_type=jnp.float32)
    dx = lax.dot_general(ew * vrep, s64_ref[...],
                         (((1,), (0,)), ((), ())),
                         preferred_element_type=jnp.float32)
    m = jnp.max(dx, axis=1, keepdims=True)
    es = jnp.exp(dx - m)
    ax = es / jnp.sum(es, axis=1, keepdims=True)
    arep = lax.dot_general(ax, e2_ref[...], (((1,), (0,)), ((), ())),
                           preferred_element_type=jnp.float32)
    zs = lax.dot_general(arep * ew, m3_ref[...], (((1,), (0,)), ((), ())),
                         preferred_element_type=jnp.float32)
    o_ref[...] = lax.dot_general(
        zs, w_ref[...], (((1,), (1,)), ((), ())),
        preferred_element_type=jnp.float32) + b_ref[...]


def _attn_call(ew2, v, W_w, W_b2d):
    k = jnp.arange(FL, dtype=jnp.int32)
    ve = (k[None, :] % D == jnp.arange(D)[:, None]).astype(jnp.float32)
    s64 = (k[:, None] // D == jnp.arange(LREV)[None, :]).astype(jnp.float32)
    e2 = (k[None, :] % LREV == jnp.arange(LREV)[:, None]).astype(jnp.float32)
    m3 = (k[:, None] // LREV == jnp.arange(D)[None, :]).astype(jnp.float32)
    nblk = B // RBLK
    return pl.pallas_call(
        _attn_body,
        grid=(nblk,),
        in_specs=[pl.BlockSpec((RBLK, FL), lambda i: (i, 0)),
                  pl.BlockSpec((RBLK, D), lambda i: (i, 0)),
                  pl.BlockSpec((D, FL), lambda i: (0, 0)),
                  pl.BlockSpec((FL, LREV), lambda i: (0, 0)),
                  pl.BlockSpec((LREV, FL), lambda i: (0, 0)),
                  pl.BlockSpec((FL, D), lambda i: (0, 0)),
                  pl.BlockSpec((A, D), lambda i: (0, 0)),
                  pl.BlockSpec((1, A), lambda i: (0, 0))],
        out_specs=pl.BlockSpec((RBLK, A), lambda i: (i, 0)),
        out_shape=jax.ShapeDtypeStruct((B, A), jnp.float32),
    )(ew2, v, ve, s64, e2, m3, W_w, W_b2d)



NZ_PER_TILE = NNZ // NS
CHUNK = 128
NCHUNK = NZ_PER_TILE // CHUNK
ROWS_PER_TILE = NLAB // NS


def _spmm_body(pt, uidx, uval, iidx, ival, uout, iout,
               rows2d, cols2d, vals2d, gat, scl, zrow, acc, sem):
    cid = lax.axis_index("c")
    sid = lax.axis_index("s")
    zero16 = jnp.zeros((LANE,), jnp.float32)

    for i in range(64):
        zrow[i, :] = zero16
    for k in range(ROWS_PER_TILE // 64):
        pltpu.sync_copy(zrow, acc.at[pl.ds(sid * ROWS_PER_TILE + k * 64, 64)])
    plsc.subcore_barrier()

    def process(idx_hbm, val_hbm, out_hbm):
        pltpu.sync_copy(idx_hbm.at[0, pl.ds(sid * NCHUNK, NCHUNK)], rows2d)
        pltpu.sync_copy(idx_hbm.at[1, pl.ds(sid * NCHUNK, NCHUNK)], cols2d)
        pltpu.sync_copy(val_hbm.at[pl.ds(sid * NCHUNK, NCHUNK)], vals2d)

        @pl.loop(0, NCHUNK)
        def _chunk(t):
            pltpu.async_copy(pt.at[cols2d.at[t]], gat, sem).wait()
            vvs = [vals2d[t, pl.ds(16 * k, LANE)] for k in range(CHUNK // 16)]
            for i in range(CHUNK):
                scl[i, :] = gat[i, :] * vvs[i // 16][i % 16]

            pltpu.sync_copy(scl, acc.at[rows2d.at[t]], add=True)

        plsc.subcore_barrier()
        pltpu.sync_copy(acc.at[pl.ds(sid * ROWS_PER_TILE, ROWS_PER_TILE)],
                        out_hbm.at[pl.ds(sid * ROWS_PER_TILE, ROWS_PER_TILE)])

    @pl.when(cid == 0)
    def _():
        process(uidx, uval, uout)

    @pl.when(cid == 1)
    def _():
        process(iidx, ival, iout)


def _spmm_call(pt, uidx, uval, iidx, ival):
    f = pl.kernel(
        _spmm_body,
        out_type=(jax.ShapeDtypeStruct((NLAB, A), jnp.float32),
                  jax.ShapeDtypeStruct((NLAB, A), jnp.float32)),
        mesh=_sc_mesh(),
        compiler_params=_SC_PARAMS,
        scratch_types=[
            pltpu.VMEM((NCHUNK, CHUNK), jnp.int32),
            pltpu.VMEM((NCHUNK, CHUNK), jnp.int32),
            pltpu.VMEM((NCHUNK, CHUNK), jnp.float32),
            pltpu.VMEM((CHUNK, A), jnp.float32),
            pltpu.VMEM((CHUNK, A), jnp.float32),
            pltpu.VMEM((64, A), jnp.float32),
            pltpu.VMEM_SHARED((NLAB, A), jnp.float32),
            pltpu.SemaphoreType.DMA,
        ],
    )
    return f(pt, uidx, uval, iidx, ival)



def kernel(historical_review, review_positive, review_negative,
           user_histor_index, user_histor_value,
           item_histor_index, item_histor_value,
           word_embedding, M_w, W_w, W_b, T_w):
    hist2 = historical_review.astype(jnp.int32).reshape(B // 2, PAIR)
    uidx = user_histor_index.astype(jnp.int32).reshape(2, NNZ // CHUNK, CHUNK)
    iidx = item_histor_index.astype(jnp.int32).reshape(2, NNZ // CHUNK, CHUNK)
    uval = user_histor_value.reshape(NNZ // CHUNK, CHUNK)
    ival = item_histor_value.reshape(NNZ // CHUNK, CHUNK)

    ew = _gather_call(hist2, word_embedding)
    v = _compute_v(review_positive, M_w)
    pt = _attn_call(ew.reshape(B, FL), v, W_w, W_b.reshape(1, A))
    return _spmm_call(pt, uidx, uval, iidx, ival)

# --- scband reference (transcript-rebuilt; emitter-appended) ---
"""Pipeline reference for scband-aspect-rating-2-39900246180589 (READ-ONLY COPY).

The authoritative reference and input builder live on the scoring server;
editing this copy changes nothing except your own understanding.
"""

import jax, jax.numpy as jnp
import numpy as np

VOCAB = 100000
D = 64      # conf.word_dimension
A = 16      # conf.aspect_dimension
B = 16384   # number of historical reviews
L = 50      # review length
NNZ = 65536
NUM_LABELS = 16384  # label.shape[0]


def setup_inputs(seed: int = 0) -> dict:
    key = jax.random.key(seed)
    ks = jax.random.split(key, 12)
    historical_review = jax.random.randint(ks[0], (B, L), 0, VOCAB, dtype=jnp.int64) if jax.config.jax_enable_x64 else jax.random.randint(ks[0], (B, L), 0, VOCAB)
    review_positive = jax.random.normal(ks[1], (B, D), dtype=jnp.float32)
    review_negative = jax.random.normal(ks[2], (B, D), dtype=jnp.float32)
    user_histor_index = jax.random.randint(ks[3], (2, NNZ), 0, NUM_LABELS)
    user_histor_value = jax.random.uniform(ks[4], (NNZ,), dtype=jnp.float32)
    item_histor_index = jax.random.randint(ks[5], (2, NNZ), 0, NUM_LABELS)
    item_histor_value = jax.random.uniform(ks[6], (NNZ,), dtype=jnp.float32)
    # learned parameters
    word_embedding = jax.random.normal(ks[7], (VOCAB, D), dtype=jnp.float32) * 0.02  # frozen (requires_grad=False)
    M_w = jax.random.normal(ks[8], (D, D), dtype=jnp.float32) * (1.0 / np.sqrt(D))   # transform_M.weight [D, D], no bias
    W_w = jax.random.normal(ks[9], (A, D), dtype=jnp.float32) * (1.0 / np.sqrt(D))   # transform_W.weight [A, D]
    W_b = jnp.zeros((A,), dtype=jnp.float32)                                          # transform_W.bias [A]
    T_w = jax.random.normal(ks[10], (D, A), dtype=jnp.float32) * (1.0 / np.sqrt(A))  # transform_T.weight [D, A], no bias
    return {
        'historical_review': historical_review,
        'review_positive': review_positive,
        'review_negative': review_negative,
        'user_histor_index': user_histor_index,
        'user_histor_value': user_histor_value,
        'item_histor_index': item_histor_index,
        'item_histor_value': item_histor_value,
        'word_embedding': word_embedding,
        'M_w': M_w,
        'W_w': W_w,
        'W_b': W_b,
        'T_w': T_w,
    }


def reference(historical_review, review_positive, review_negative,
              user_histor_index, user_histor_value,
              item_histor_index, item_histor_value,
              word_embedding, M_w, W_w, W_b, T_w):
    # e_w = self.word_embedding(w)  -> gather
    e_w = jnp.take(word_embedding, historical_review, axis=0)          # [B, L, D]
    y_s = review_positive.reshape(review_positive.shape[0], review_positive.shape[1], 1)  # [B, D, 1]
    # dx = matmul(transform_M(e_w), y_s)
    dx = jnp.matmul(jnp.matmul(e_w, M_w.T), y_s)                       # [B, L, 1]
    ax = jax.nn.softmax(dx, axis=1)                                    # softmax over L
    # z_s = matmul(e_w.view(B, D, -1), ax).view(-1, D)  (faithful reshape, as in original)
    z_s = jnp.matmul(e_w.reshape(e_w.shape[0], e_w.shape[2], -1), ax).reshape(-1, D)  # [B, D]
    p_t = jnp.matmul(z_s, W_w.T) + W_b                                 # [B, A]
    r_s = jnp.matmul(p_t, T_w.T)                                       # [B, D] (computed but unused, as in original)
    del r_s
    # sparse mm: out[row] += val * p_t[col]
    def spmm(idx, val):
        rows = idx[0]
        cols = idx[1]
        return jnp.zeros((NUM_LABELS, p_t.shape[1]), dtype=p_t.dtype).at[rows].add(val[:, None] * p_t[cols])
    user_aspect_embedding = spmm(user_histor_index, user_histor_value)  # [NUM_LABELS, A]
    item_aspect_embedding = spmm(item_histor_index, item_histor_value)  # [NUM_LABELS, A]
    return (user_aspect_embedding, item_aspect_embedding)

if __name__ == "__main__":
    import jax
    _d = setup_inputs()
    print(jax.jit(kernel)(*tuple(_d.values())))

</pallas_src>

<mosaic_0001>
#map = affine_map<(d0, d1) -> (0, 0)>
#map1 = affine_map<(d0, d1) -> (0, 0, 0)>
module attributes {stable_mosaic.version = 14 : i64} {
  func.func @_spmm_body(%arg0: i32, %arg1: i32, %arg2: memref<16384x16xf32, #tpu.memory_space<hbm>>, %arg3: memref<2x512x128xi32, #tpu.memory_space<hbm>>, %arg4: memref<512x128xf32, #tpu.memory_space<hbm>>, %arg5: memref<2x512x128xi32, #tpu.memory_space<hbm>>, %arg6: memref<512x128xf32, #tpu.memory_space<hbm>>, %arg7: memref<16384x16xf32, #tpu.memory_space<hbm>>, %arg8: memref<16384x16xf32, #tpu.memory_space<hbm>>, %arg9: memref<32x128xi32, #tpu.memory_space<vmem>>, %arg10: memref<32x128xi32, #tpu.memory_space<vmem>>, %arg11: memref<32x128xf32, #tpu.memory_space<vmem>>, %arg12: memref<128x16xf32, #tpu.memory_space<vmem>>, %arg13: memref<128x16xf32, #tpu.memory_space<vmem>>, %arg14: memref<64x16xf32, #tpu.memory_space<vmem>>, %arg15: memref<16384x16xf32, #tpu.memory_space<vmem_shared>>, %arg16: memref<!tpu.dma_semaphore, #tpu.memory_space<semaphore_mem>>) attributes {dimension_semantics = [#tpu.dimension_semantics<core_parallel>, #tpu.dimension_semantics<subcore_parallel>], iteration_bounds = array<i64: 2, 16>, scalar_prefetch = 0 : i64, scratch_operands = 8 : i64, tpu.core_type = #tpu.core_type<sc_vector_subcore>, window_params = [{transform_indices = #map}, {transform_indices = #map1}, {transform_indices = #map}, {transform_indices = #map1}, {transform_indices = #map}, {transform_indices = #map}, {transform_indices = #map}]} {
    %broadcast_in_dim3A = arith.constant 0.000000e+00 : f32
    %broadcast_in_dim3A_0 = vector.broadcast %broadcast_in_dim3A : f32 to vector<16xf32>
    %swap3A = arith.constant 0 : i32
    %swap3A_1 = arith.index_cast %swap3A : i32 to index
    %swap3A_2 = arith.constant 0 : index
    %swap3A_3 = tpu.vector_load %arg14[%swap3A_1, %swap3A_2] {strides = array<i32>} : memref<64x16xf32, #tpu.memory_space<vmem>>, vector<16xf32>,
    tpu.vector_store %arg14[%swap3A_1, %swap3A_2], %broadcast_in_dim3A_0 {strides = array<i32>} : memref<64x16xf32, #tpu.memory_space<vmem>>, vector<16xf32>,
    %swap3A_4 = arith.constant 1 : i32
    %swap3A_5 = arith.index_cast %swap3A_4 : i32 to index
    %swap3A_6 = arith.constant 0 : index
    %swap3A_7 = tpu.vector_load %arg14[%swap3A_5, %swap3A_6] {strides = array<i32>} : memref<64x16xf32, #tpu.memory_space<vmem>>, vector<16xf32>,
    tpu.vector_store %arg14[%swap3A_5, %swap3A_6], %broadcast_in_dim3A_0 {strides = array<i32>} : memref<64x16xf32, #tpu.memory_space<vmem>>, vector<16xf32>,
    %swap3A_8 = arith.constant 2 : i32
    %swap3A_9 = arith.index_cast %swap3A_8 : i32 to index
    %swap3A_10 = arith.constant 0 : index
    %swap3A_11 = tpu.vector_load %arg14[%swap3A_9, %swap3A_10] {strides = array<i32>} : memref<64x16xf32, #tpu.memory_space<vmem>>, vector<16xf32>,
    tpu.vector_store %arg14[%swap3A_9, %swap3A_10], %broadcast_in_dim3A_0 {strides = array<i32>} : memref<64x16xf32, #tpu.memory_space<vmem>>, vector<16xf32>,
    %swap3A_12 = arith.constant 3 : i32
    %swap3A_13 = arith.index_cast %swap3A_12 : i32 to index
    %swap3A_14 = arith.constant 0 : index
    %swap3A_15 = tpu.vector_load %arg14[%swap3A_13, %swap3A_14] {strides = array<i32>} : memref<64x16xf32, #tpu.memory_space<vmem>>, vector<16xf32>,
    tpu.vector_store %arg14[%swap3A_13, %swap3A_14], %broadcast_in_dim3A_0 {strides = array<i32>} : memref<64x16xf32, #tpu.memory_space<vmem>>, vector<16xf32>,
    %swap3A_16 = arith.constant 4 : i32
    %swap3A_17 = arith.index_cast %swap3A_16 : i32 to index
    %swap3A_18 = arith.constant 0 : index
    %swap3A_19 = tpu.vector_load %arg14[%swap3A_17, %swap3A_18] {strides = array<i32>} : memref<64x16xf32, #tpu.memory_space<vmem>>, vector<16xf32>,
    tpu.vector_store %arg14[%swap3A_17, %swap3A_18], %broadcast_in_dim3A_0 {strides = array<i32>} : memref<64x16xf32, #tpu.memory_space<vmem>>, vector<16xf32>,
    %swap3A_20 = arith.constant 5 : i32
    %swap3A_21 = arith.index_cast %swap3A_20 : i32 to index
    %swap3A_22 = arith.constant 0 : index
    %swap3A_23 = tpu.vector_load %arg14[%swap3A_21, %swap3A_22] {strides = array<i32>} : memref<64x16xf32, #tpu.memory_space<vmem>>, vector<16xf32>,
    tpu.vector_store %arg14[%swap3A_21, %swap3A_22], %broadcast_in_dim3A_0 {strides = array<i32>} : memref<64x16xf32, #tpu.memory_space<vmem>>, vector<16xf32>,
    %swap3A_24 = arith.constant 6 : i32
    %swap3A_25 = arith.index_cast %swap3A_24 : i32 to index
    %swap3A_26 = arith.constant 0 : index
    %swap3A_27 = tpu.vector_load %arg14[%swap3A_25, %swap3A_26] {strides = array<i32>} : memref<64x16xf32, #tpu.memory_space<vmem>>, vector<16xf32>,
    tpu.vector_store %arg14[%swap3A_25, %swap3A_26], %broadcast_in_dim3A_0 {strides = array<i32>} : memref<64x16xf32, #tpu.memory_space<vmem>>, vector<16xf32>,
    %swap3A_28 = arith.constant 7 : i32
    %swap3A_29 = arith.index_cast %swap3A_28 : i32 to index
    %swap3A_30 = arith.constant 0 : index
    %swap3A_31 = tpu.vector_load %arg14[%swap3A_29, %swap3A_30] {strides = array<i32>} : memref<64x16xf32, #tpu.memory_space<vmem>>, vector<16xf32>,
    tpu.vector_store %arg14[%swap3A_29, %swap3A_30], %broadcast_in_dim3A_0 {strides = array<i32>} : memref<64x16xf32, #tpu.memory_space<vmem>>, vector<16xf32>,
    %swap3A_32 = arith.constant 8 : i32
    %swap3A_33 = arith.index_cast %swap3A_32 : i32 to index
    %swap3A_34 = arith.constant 0 : index
    %swap3A_35 = tpu.vector_load %arg14[%swap3A_33, %swap3A_34] {strides = array<i32>} : memref<64x16xf32, #tpu.memory_space<vmem>>, vector<16xf32>,
    tpu.vector_store %arg14[%swap3A_33, %swap3A_34], %broadcast_in_dim3A_0 {strides = array<i32>} : memref<64x16xf32, #tpu.memory_space<vmem>>, vector<16xf32>,
    %swap3A_36 = arith.constant 9 : i32
    %swap3A_37 = arith.index_cast %swap3A_36 : i32 to index
    %swap3A_38 = arith.constant 0 : index
    %swap3A_39 = tpu.vector_load %arg14[%swap3A_37, %swap3A_38] {strides = array<i32>} : memref<64x16xf32, #tpu.memory_space<vmem>>, vector<16xf32>,
    tpu.vector_store %arg14[%swap3A_37, %swap3A_38], %broadcast_in_dim3A_0 {strides = array<i32>} : memref<64x16xf32, #tpu.memory_space<vmem>>, vector<16xf32>,
    %swap3A_40 = arith.constant 10 : i32
    %swap3A_41 = arith.index_cast %swap3A_40 : i32 to index
    %swap3A_42 = arith.constant 0 : index
    %swap3A_43 = tpu.vector_load %arg14[%swap3A_41, %swap3A_42] {strides = array<i32>} : memref<64x16xf32, #tpu.memory_space<vmem>>, vector<16xf32>,
    tpu.vector_store %arg14[%swap3A_41, %swap3A_42], %broadcast_in_dim3A_0 {strides = array<i32>} : memref<64x16xf32, #tpu.memory_space<vmem>>, vector<16xf32>,
    %swap3A_44 = arith.constant 11 : i32
    %swap3A_45 = arith.index_cast %swap3A_44 : i32 to index
    %swap3A_46 = arith.constant 0 : index
    %swap3A_47 = tpu.vector_load %arg14[%swap3A_45, %swap3A_46] {strides = array<i32>} : memref<64x16xf32, #tpu.memory_space<vmem>>, vector<16xf32>,
    tpu.vector_store %arg14[%swap3A_45, %swap3A_46], %broadcast_in_dim3A_0 {strides = array<i32>} : memref<64x16xf32, #tpu.memory_space<vmem>>, vector<16xf32>,
    %swap3A_48 = arith.constant 12 : i32
    %swap3A_49 = arith.index_cast %swap3A_48 : i32 to index
    %swap3A_50 = arith.constant 0 : index
    %swap3A_51 = tpu.vector_load %arg14[%swap3A_49, %swap3A_50] {strides = array<i32>} : memref<64x16xf32, #tpu.memory_space<vmem>>, vector<16xf32>,
    tpu.vector_store %arg14[%swap3A_49, %swap3A_50], %broadcast_in_dim3A_0 {strides = array<i32>} : memref<64x16xf32, #tpu.memory_space<vmem>>, vector<16xf32>,
    %swap3A_52 = arith.constant 13 : i32
    %swap3A_53 = arith.index_cast %swap3A_52 : i32 to index
    %swap3A_54 = arith.constant 0 : index
    %swap3A_55 = tpu.vector_load %arg14[%swap3A_53, %swap3A_54] {strides = array<i32>} : memref<64x16xf32, #tpu.memory_space<vmem>>, vector<16xf32>,
    tpu.vector_store %arg14[%swap3A_53, %swap3A_54], %broadcast_in_dim3A_0 {strides = array<i32>} : memref<64x16xf32, #tpu.memory_space<vmem>>, vector<16xf32>,
    %swap3A_56 = arith.constant 14 : i32
    %swap3A_57 = arith.index_cast %swap3A_56 : i32 to index
    %swap3A_58 = arith.constant 0 : index
    %swap3A_59 = tpu.vector_load %arg14[%swap3A_57, %swap3A_58] {strides = array<i32>} : memref<64x16xf32, #tpu.memory_space<vmem>>, vector<16xf32>,
    tpu.vector_store %arg14[%swap3A_57, %swap3A_58], %broadcast_in_dim3A_0 {strides = array<i32>} : memref<64x16xf32, #tpu.memory_space<vmem>>, vector<16xf32>,
    %swap3A_60 = arith.constant 15 : i32
    %swap3A_61 = arith.index_cast %swap3A_60 : i32 to index
    %swap3A_62 = arith.constant 0 : index
    %swap3A_63 = tpu.vector_load %arg14[%swap3A_61, %swap3A_62] {strides = array<i32>} : memref<64x16xf32, #tpu.memory_space<vmem>>, vector<16xf32>,
    tpu.vector_store %arg14[%swap3A_61, %swap3A_62], %broadcast_in_dim3A_0 {strides = array<i32>} : memref<64x16xf32, #tpu.memory_space<vmem>>, vector<16xf32>,
    %swap3A_64 = arith.constant 16 : i32
    %swap3A_65 = arith.index_cast %swap3A_64 : i32 to index
    %swap3A_66 = arith.constant 0 : index
    %swap3A_67 = tpu.vector_load %arg14[%swap3A_65, %swap3A_66] {strides = array<i32>} : memref<64x16xf32, #tpu.memory_space<vmem>>, vector<16xf32>,
    tpu.vector_store %arg14[%swap3A_65, %swap3A_66], %broadcast_in_dim3A_0 {strides = array<i32>} : memref<64x16xf32, #tpu.memory_space<vmem>>, vector<16xf32>,
    %swap3A_68 = arith.constant 17 : i32
    %swap3A_69 = arith.index_cast %swap3A_68 : i32 to index
    %swap3A_70 = arith.constant 0 : index
    %swap3A_71 = tpu.vector_load %arg14[%swap3A_69, %swap3A_70] {strides = array<i32>} : memref<64x16xf32, #tpu.memory_space<vmem>>, vector<16xf32>,
    tpu.vector_store %arg14[%swap3A_69, %swap3A_70], %broadcast_in_dim3A_0 {strides = array<i32>} : memref<64x16xf32, #tpu.memory_space<vmem>>, vector<16xf32>,
    %swap3A_72 = arith.constant 18 : i32
    %swap3A_73 = arith.index_cast %swap3A_72 : i32 to index
    %swap3A_74 = arith.constant 0 : index
    %swap3A_75 = tpu.vector_load %arg14[%swap3A_73, %swap3A_74] {strides = array<i32>} : memref<64x16xf32, #tpu.memory_space<vmem>>, vector<16xf32>,
    tpu.vector_store %arg14[%swap3A_73, %swap3A_74], %broadcast_in_dim3A_0 {strides = array<i32>} : memref<64x16xf32, #tpu.memory_space<vmem>>, vector<16xf32>,
    %swap3A_76 = arith.constant 19 : i32
    %swap3A_77 = arith.index_cast %swap3A_76 : i32 to index
    %swap3A_78 = arith.constant 0 : index
    %swap3A_79 = tpu.vector_load %arg14[%swap3A_77, %swap3A_78] {strides = array<i32>} : memref<64x16xf32, #tpu.memory_space<vmem>>, vector<16xf32>,
    tpu.vector_store %arg14[%swap3A_77, %swap3A_78], %broadcast_in_dim3A_0 {strides = array<i32>} : memref<64x16xf32, #tpu.memory_space<vmem>>, vector<16xf32>,
    %swap3A_80 = arith.constant 20 : i32
    %swap3A_81 = arith.index_cast %swap3A_80 : i32 to index
    %swap3A_82 = arith.constant 0 : index
    %swap3A_83 = tpu.vector_load %arg14[%swap3A_81, %swap3A_82] {strides = array<i32>} : memref<64x16xf32, #tpu.memory_space<vmem>>, vector<16xf32>,
    tpu.vector_store %arg14[%swap3A_81, %swap3A_82], %broadcast_in_dim3A_0 {strides = array<i32>} : memref<64x16xf32, #tpu.memory_space<vmem>>, vector<16xf32>,
    %swap3A_84 = arith.constant 21 : i32
    %swap3A_85 = arith.index_cast %swap3A_84 : i32 to index
    %swap3A_86 = arith.constant 0 : index
    %swap3A_87 = tpu.vector_load %arg14[%swap3A_85, %swap3A_86] {strides = array<i32>} : memref<64x16xf32, #tpu.memory_space<vmem>>, vector<16xf32>,
    tpu.vector_store %arg14[%swap3A_85, %swap3A_86], %broadcast_in_dim3A_0 {strides = array<i32>} : memref<64x16xf32, #tpu.memory_space<vmem>>, vector<16xf32>,
    %swap3A_88 = arith.constant 22 : i32
    %swap3A_89 = arith.index_cast %swap3A_88 : i32 to index
    %swap3A_90 = arith.constant 0 : index
    %swap3A_91 = tpu.vector_load %arg14[%swap3A_89, %swap3A_90] {strides = array<i32>} : memref<64x16xf32, #tpu.memory_space<vmem>>, vector<16xf32>,
    tpu.vector_store %arg14[%swap3A_89, %swap3A_90], %broadcast_in_dim3A_0 {strides = array<i32>} : memref<64x16xf32, #tpu.memory_space<vmem>>, vector<16xf32>,
    %swap3A_92 = arith.constant 23 : i32
    %swap3A_93 = arith.index_cast %swap3A_92 : i32 to index
    %swap3A_94 = arith.constant 0 : index
    %swap3A_95 = tpu.vector_load %arg14[%swap3A_93, %swap3A_94] {strides = array<i32>} : memref<64x16xf32, #tpu.memory_space<vmem>>, vector<16xf32>,
    tpu.vector_store %arg14[%swap3A_93, %swap3A_94], %broadcast_in_dim3A_0 {strides = array<i32>} : memref<64x16xf32, #tpu.memory_space<vmem>>, vector<16xf32>,
    %swap3A_96 = arith.constant 24 : i32
    %swap3A_97 = arith.index_cast %swap3A_96 : i32 to index
    %swap3A_98 = arith.constant 0 : index
    %swap3A_99 = tpu.vector_load %arg14[%swap3A_97, %swap3A_98] {strides = array<i32>} : memref<64x16xf32, #tpu.memory_space<vmem>>, vector<16xf32>,
    tpu.vector_store %arg14[%swap3A_97, %swap3A_98], %broadcast_in_dim3A_0 {strides = array<i32>} : memref<64x16xf32, #tpu.memory_space<vmem>>, vector<16xf32>,
    %swap3A_100 = arith.constant 25 : i32
    %swap3A_101 = arith.index_cast %swap3A_100 : i32 to index
    %swap3A_102 = arith.constant 0 : index
    %swap3A_103 = tpu.vector_load %arg14[%swap3A_101, %swap3A_102] {strides = array<i32>} : memref<64x16xf32, #tpu.memory_space<vmem>>, vector<16xf32>,
    tpu.vector_store %arg14[%swap3A_101, %swap3A_102], %broadcast_in_dim3A_0 {strides = array<i32>} : memref<64x16xf32, #tpu.memory_space<vmem>>, vector<16xf32>,
    %swap3A_104 = arith.constant 26 : i32
    %swap3A_105 = arith.index_cast %swap3A_104 : i32 to index
    %swap3A_106 = arith.constant 0 : index
    %swap3A_107 = tpu.vector_load %arg14[%swap3A_105, %swap3A_106] {strides = array<i32>} : memref<64x16xf32, #tpu.memory_space<vmem>>, vector<16xf32>,
    tpu.vector_store %arg14[%swap3A_105, %swap3A_106], %broadcast_in_dim3A_0 {strides = array<i32>} : memref<64x16xf32, #tpu.memory_space<vmem>>, vector<16xf32>,
    %swap3A_108 = arith.constant 27 : i32
    %swap3A_109 = arith.index_cast %swap3A_108 : i32 to index
    %swap3A_110 = arith.constant 0 : index
    %swap3A_111 = tpu.vector_load %arg14[%swap3A_109, %swap3A_110] {strides = array<i32>} : memref<64x16xf32, #tpu.memory_space<vmem>>, vector<16xf32>,
    tpu.vector_store %arg14[%swap3A_109, %swap3A_110], %broadcast_in_dim3A_0 {strides = array<i32>} : memref<64x16xf32, #tpu.memory_space<vmem>>, vector<16xf32>,
    %swap3A_112 = arith.constant 28 : i32
    %swap3A_113 = arith.index_cast %swap3A_112 : i32 to index
    %swap3A_114 = arith.constant 0 : index
    %swap3A_115 = tpu.vector_load %arg14[%swap3A_113, %swap3A_114] {strides = array<i32>} : memref<64x16xf32, #tpu.memory_space<vmem>>, vector<16xf32>,
    tpu.vector_store %arg14[%swap3A_113, %swap3A_114], %broadcast_in_dim3A_0 {strides = array<i32>} : memref<64x16xf32, #tpu.memory_space<vmem>>, vector<16xf32>,
    %swap3A_116 = arith.constant 29 : i32
    %swap3A_117 = arith.index_cast %swap3A_116 : i32 to index
    %swap3A_118 = arith.constant 0 : index
    %swap3A_119 = tpu.vector_load %arg14[%swap3A_117, %swap3A_118] {strides = array<i32>} : memref<64x16xf32, #tpu.memory_space<vmem>>, vector<16xf32>,
    tpu.vector_store %arg14[%swap3A_117, %swap3A_118], %broadcast_in_dim3A_0 {strides = array<i32>} : memref<64x16xf32, #tpu.memory_space<vmem>>, vector<16xf32>,
    %swap3A_120 = arith.constant 30 : i32
    %swap3A_121 = arith.index_cast %swap3A_120 : i32 to index
    %swap3A_122 = arith.constant 0 : index
    %swap3A_123 = tpu.vector_load %arg14[%swap3A_121, %swap3A_122] {strides = array<i32>} : memref<64x16xf32, #tpu.memory_space<vmem>>, vector<16xf32>,
    tpu.vector_store %arg14[%swap3A_121, %swap3A_122], %broadcast_in_dim3A_0 {strides = array<i32>} : memref<64x16xf32, #tpu.memory_space<vmem>>, vector<16xf32>,
    %swap3A_124 = arith.constant 31 : i32
    %swap3A_125 = arith.index_cast %swap3A_124 : i32 to index
    %swap3A_126 = arith.constant 0 : index
    %swap3A_127 = tpu.vector_load %arg14[%swap3A_125, %swap3A_126] {strides = array<i32>} : memref<64x16xf32, #tpu.memory_space<vmem>>, vector<16xf32>,
    tpu.vector_store %arg14[%swap3A_125, %swap3A_126], %broadcast_in_dim3A_0 {strides = array<i32>} : memref<64x16xf32, #tpu.memory_space<vmem>>, vector<16xf32>,
    %swap3A_128 = arith.constant 32 : i32
    %swap3A_129 = arith.index_cast %swap3A_128 : i32 to index
    %swap3A_130 = arith.constant 0 : index
    %swap3A_131 = tpu.vector_load %arg14[%swap3A_129, %swap3A_130] {strides = array<i32>} : memref<64x16xf32, #tpu.memory_space<vmem>>, vector<16xf32>,
    tpu.vector_store %arg14[%swap3A_129, %swap3A_130], %broadcast_in_dim3A_0 {strides = array<i32>} : memref<64x16xf32, #tpu.memory_space<vmem>>, vector<16xf32>,
    %swap3A_132 = arith.constant 33 : i32
    %swap3A_133 = arith.index_cast %swap3A_132 : i32 to index
    %swap3A_134 = arith.constant 0 : index
    %swap3A_135 = tpu.vector_load %arg14[%swap3A_133, %swap3A_134] {strides = array<i32>} : memref<64x16xf32, #tpu.memory_space<vmem>>, vector<16xf32>,
    tpu.vector_store %arg14[%swap3A_133, %swap3A_134], %broadcast_in_dim3A_0 {strides = array<i32>} : memref<64x16xf32, #tpu.memory_space<vmem>>, vector<16xf32>,
    %swap3A_136 = arith.constant 34 : i32
    %swap3A_137 = arith.index_cast %swap3A_136 : i32 to index
    %swap3A_138 = arith.constant 0 : index
    %swap3A_139 = tpu.vector_load %arg14[%swap3A_137, %swap3A_138] {strides = array<i32>} : memref<64x16xf32, #tpu.memory_space<vmem>>, vector<16xf32>,
    tpu.vector_store %arg14[%swap3A_137, %swap3A_138], %broadcast_in_dim3A_0 {strides = array<i32>} : memref<64x16xf32, #tpu.memory_space<vmem>>, vector<16xf32>,
    %swap3A_140 = arith.constant 35 : i32
    %swap3A_141 = arith.index_cast %swap3A_140 : i32 to index
    %swap3A_142 = arith.constant 0 : index
    %swap3A_143 = tpu.vector_load %arg14[%swap3A_141, %swap3A_142] {strides = array<i32>} : memref<64x16xf32, #tpu.memory_space<vmem>>, vector<16xf32>,
    tpu.vector_store %arg14[%swap3A_141, %swap3A_142], %broadcast_in_dim3A_0 {strides = array<i32>} : memref<64x16xf32, #tpu.memory_space<vmem>>, vector<16xf32>,
    %swap3A_144 = arith.constant 36 : i32
    %swap3A_145 = arith.index_cast %swap3A_144 : i32 to index
    %swap3A_146 = arith.constant 0 : index
    %swap3A_147 = tpu.vector_load %arg14[%swap3A_145, %swap3A_146] {strides = array<i32>} : memref<64x16xf32, #tpu.memory_space<vmem>>, vector<16xf32>,
    tpu.vector_store %arg14[%swap3A_145, %swap3A_146], %broadcast_in_dim3A_0 {strides = array<i32>} : memref<64x16xf32, #tpu.memory_space<vmem>>, vector<16xf32>,
    %swap3A_148 = arith.constant 37 : i32
    %swap3A_149 = arith.index_cast %swap3A_148 : i32 to index
    %swap3A_150 = arith.constant 0 : index
    %swap3A_151 = tpu.vector_load %arg14[%swap3A_149, %swap3A_150] {strides = array<i32>} : memref<64x16xf32, #tpu.memory_space<vmem>>, vector<16xf32>,
    tpu.vector_store %arg14[%swap3A_149, %swap3A_150], %broadcast_in_dim3A_0 {strides = array<i32>} : memref<64x16xf32, #tpu.memory_space<vmem>>, vector<16xf32>,
    %swap3A_152 = arith.constant 38 : i32
    %swap3A_153 = arith.index_cast %swap3A_152 : i32 to index
    %swap3A_154 = arith.constant 0 : index
    %swap3A_155 = tpu.vector_load %arg14[%swap3A_153, %swap3A_154] {strides = array<i32>} : memref<64x16xf32, #tpu.memory_space<vmem>>, vector<16xf32>,
    tpu.vector_store %arg14[%swap3A_153, %swap3A_154], %broadcast_in_dim3A_0 {strides = array<i32>} : memref<64x16xf32, #tpu.memory_space<vmem>>, vector<16xf32>,
    %swap3A_156 = arith.constant 39 : i32
    %swap3A_157 = arith.index_cast %swap3A_156 : i32 to index
    %swap3A_158 = arith.constant 0 : index
    %swap3A_159 = tpu.vector_load %arg14[%swap3A_157, %swap3A_158] {strides = array<i32>} : memref<64x16xf32, #tpu.memory_space<vmem>>, vector<16xf32>,
    tpu.vector_store %arg14[%swap3A_157, %swap3A_158], %broadcast_in_dim3A_0 {strides = array<i32>} : memref<64x16xf32, #tpu.memory_space<vmem>>, vector<16xf32>,
    %swap3A_160 = arith.constant 40 : i32
    %swap3A_161 = arith.index_cast %swap3A_160 : i32 to index
    %swap3A_162 = arith.constant 0 : index
    %swap3A_163 = tpu.vector_load %arg14[%swap3A_161, %swap3A_162] {strides = array<i32>} : memref<64x16xf32, #tpu.memory_space<vmem>>, vector<16xf32>,
    tpu.vector_store %arg14[%swap3A_161, %swap3A_162], %broadcast_in_dim3A_0 {strides = array<i32>} : memref<64x16xf32, #tpu.memory_space<vmem>>, vector<16xf32>,
    %swap3A_164 = arith.constant 41 : i32
    %swap3A_165 = arith.index_cast %swap3A_164 : i32 to index
    %swap3A_166 = arith.constant 0 : index
    %swap3A_167 = tpu.vector_load %arg14[%swap3A_165, %swap3A_166] {strides = array<i32>} : memref<64x16xf32, #tpu.memory_space<vmem>>, vector<16xf32>,
    tpu.vector_store %arg14[%swap3A_165, %swap3A_166], %broadcast_in_dim3A_0 {strides = array<i32>} : memref<64x16xf32, #tpu.memory_space<vmem>>, vector<16xf32>,
    %swap3A_168 = arith.constant 42 : i32
    %swap3A_169 = arith.index_cast %swap3A_168 : i32 to index
    %swap3A_170 = arith.constant 0 : index
    %swap3A_171 = tpu.vector_load %arg14[%swap3A_169, %swap3A_170] {strides = array<i32>} : memref<64x16xf32, #tpu.memory_space<vmem>>, vector<16xf32>,
    tpu.vector_store %arg14[%swap3A_169, %swap3A_170], %broadcast_in_dim3A_0 {strides = array<i32>} : memref<64x16xf32, #tpu.memory_space<vmem>>, vector<16xf32>,
    %swap3A_172 = arith.constant 43 : i32
    %swap3A_173 = arith.index_cast %swap3A_172 : i32 to index
    %swap3A_174 = arith.constant 0 : index
    %swap3A_175 = tpu.vector_load %arg14[%swap3A_173, %swap3A_174] {strides = array<i32>} : memref<64x16xf32, #tpu.memory_space<vmem>>, vector<16xf32>,
    tpu.vector_store %arg14[%swap3A_173, %swap3A_174], %broadcast_in_dim3A_0 {strides = array<i32>} : memref<64x16xf32, #tpu.memory_space<vmem>>, vector<16xf32>,
    %swap3A_176 = arith.constant 44 : i32
    %swap3A_177 = arith.index_cast %swap3A_176 : i32 to index
    %swap3A_178 = arith.constant 0 : index
    %swap3A_179 = tpu.vector_load %arg14[%swap3A_177, %swap3A_178] {strides = array<i32>} : memref<64x16xf32, #tpu.memory_space<vmem>>, vector<16xf32>,
    tpu.vector_store %arg14[%swap3A_177, %swap3A_178], %broadcast_in_dim3A_0 {strides = array<i32>} : memref<64x16xf32, #tpu.memory_space<vmem>>, vector<16xf32>,
    %swap3A_180 = arith.constant 45 : i32
    %swap3A_181 = arith.index_cast %swap3A_180 : i32 to index
    %swap3A_182 = arith.constant 0 : index
    %swap3A_183 = tpu.vector_load %arg14[%swap3A_181, %swap3A_182] {strides = array<i32>} : memref<64x16xf32, #tpu.memory_space<vmem>>, vector<16xf32>,
    tpu.vector_store %arg14[%swap3A_181, %swap3A_182], %broadcast_in_dim3A_0 {strides = array<i32>} : memref<64x16xf32, #tpu.memory_space<vmem>>, vector<16xf32>,
    %swap3A_184 = arith.constant 46 : i32
    %swap3A_185 = arith.index_cast %swap3A_184 : i32 to index
    %swap3A_186 = arith.constant 0 : index
    %swap3A_187 = tpu.vector_load %arg14[%swap3A_185, %swap3A_186] {strides = array<i32>} : memref<64x16xf32, #tpu.memory_space<vmem>>, vector<16xf32>,
    tpu.vector_store %arg14[%swap3A_185, %swap3A_186], %broadcast_in_dim3A_0 {strides = array<i32>} : memref<64x16xf32, #tpu.memory_space<vmem>>, vector<16xf32>,
    %swap3A_188 = arith.constant 47 : i32
    %swap3A_189 = arith.index_cast %swap3A_188 : i32 to index
    %swap3A_190 = arith.constant 0 : index
    %swap3A_191 = tpu.vector_load %arg14[%swap3A_189, %swap3A_190] {strides = array<i32>} : memref<64x16xf32, #tpu.memory_space<vmem>>, vector<16xf32>,
    tpu.vector_store %arg14[%swap3A_189, %swap3A_190], %broadcast_in_dim3A_0 {strides = array<i32>} : memref<64x16xf32, #tpu.memory_space<vmem>>, vector<16xf32>,
    %swap3A_192 = arith.constant 48 : i32
    %swap3A_193 = arith.index_cast %swap3A_192 : i32 to index
    %swap3A_194 = arith.constant 0 : index
    %swap3A_195 = tpu.vector_load %arg14[%swap3A_193, %swap3A_194] {strides = array<i32>} : memref<64x16xf32, #tpu.memory_space<vmem>>, vector<16xf32>,
    tpu.vector_store %arg14[%swap3A_193, %swap3A_194], %broadcast_in_dim3A_0 {strides = array<i32>} : memref<64x16xf32, #tpu.memory_space<vmem>>, vector<16xf32>,
    %swap3A_196 = arith.constant 49 : i32
    %swap3A_197 = arith.index_cast %swap3A_196 : i32 to index
    %swap3A_198 = arith.constant 0 : index
    %swap3A_199 = tpu.vector_load %arg14[%swap3A_197, %swap3A_198] {strides = array<i32>} : memref<64x16xf32, #tpu.memory_space<vmem>>, vector<16xf32>,
    tpu.vector_store %arg14[%swap3A_197, %swap3A_198], %broadcast_in_dim3A_0 {strides = array<i32>} : memref<64x16xf32, #tpu.memory_space<vmem>>, vector<16xf32>,
    %swap3A_200 = arith.constant 50 : i32
    %swap3A_201 = arith.index_cast %swap3A_200 : i32 to index
    %swap3A_202 = arith.constant 0 : index
    %swap3A_203 = tpu.vector_load %arg14[%swap3A_201, %swap3A_202] {strides = array<i32>} : memref<64x16xf32, #tpu.memory_space<vmem>>, vector<16xf32>,
    tpu.vector_store %arg14[%swap3A_201, %swap3A_202], %broadcast_in_dim3A_0 {strides = array<i32>} : memref<64x16xf32, #tpu.memory_space<vmem>>, vector<16xf32>,
    %swap3A_204 = arith.constant 51 : i32
    %swap3A_205 = arith.index_cast %swap3A_204 : i32 to index
    %swap3A_206 = arith.constant 0 : index
    %swap3A_207 = tpu.vector_load %arg14[%swap3A_205, %swap3A_206] {strides = array<i32>} : memref<64x16xf32, #tpu.memory_space<vmem>>, vector<16xf32>,
    tpu.vector_store %arg14[%swap3A_205, %swap3A_206], %broadcast_in_dim3A_0 {strides = array<i32>} : memref<64x16xf32, #tpu.memory_space<vmem>>, vector<16xf32>,
    %swap3A_208 = arith.constant 52 : i32
    %swap3A_209 = arith.index_cast %swap3A_208 : i32 to index
    %swap3A_210 = arith.constant 0 : index
    %swap3A_211 = tpu.vector_load %arg14[%swap3A_209, %swap3A_210] {strides = array<i32>} : memref<64x16xf32, #tpu.memory_space<vmem>>, vector<16xf32>,
    tpu.vector_store %arg14[%swap3A_209, %swap3A_210], %broadcast_in_dim3A_0 {strides = array<i32>} : memref<64x16xf32, #tpu.memory_space<vmem>>, vector<16xf32>,
    %swap3A_212 = arith.constant 53 : i32
    %swap3A_213 = arith.index_cast %swap3A_212 : i32 to index
    %swap3A_214 = arith.constant 0 : index
    %swap3A_215 = tpu.vector_load %arg14[%swap3A_213, %swap3A_214] {strides = array<i32>} : memref<64x16xf32, #tpu.memory_space<vmem>>, vector<16xf32>,
    tpu.vector_store %arg14[%swap3A_213, %swap3A_214], %broadcast_in_dim3A_0 {strides = array<i32>} : memref<64x16xf32, #tpu.memory_space<vmem>>, vector<16xf32>,
    %swap3A_216 = arith.constant 54 : i32
    %swap3A_217 = arith.index_cast %swap3A_216 : i32 to index
    %swap3A_218 = arith.constant 0 : index
    %swap3A_219 = tpu.vector_load %arg14[%swap3A_217, %swap3A_218] {strides = array<i32>} : memref<64x16xf32, #tpu.memory_space<vmem>>, vector<16xf32>,
    tpu.vector_store %arg14[%swap3A_217, %swap3A_218], %broadcast_in_dim3A_0 {strides = array<i32>} : memref<64x16xf32, #tpu.memory_space<vmem>>, vector<16xf32>,
    %swap3A_220 = arith.constant 55 : i32
    %swap3A_221 = arith.index_cast %swap3A_220 : i32 to index
    %swap3A_222 = arith.constant 0 : index
    %swap3A_223 = tpu.vector_load %arg14[%swap3A_221, %swap3A_222] {strides = array<i32>} : memref<64x16xf32, #tpu.memory_space<vmem>>, vector<16xf32>,
    tpu.vector_store %arg14[%swap3A_221, %swap3A_222], %broadcast_in_dim3A_0 {strides = array<i32>} : memref<64x16xf32, #tpu.memory_space<vmem>>, vector<16xf32>,
    %swap3A_224 = arith.constant 56 : i32
    %swap3A_225 = arith.index_cast %swap3A_224 : i32 to index
    %swap3A_226 = arith.constant 0 : index
    %swap3A_227 = tpu.vector_load %arg14[%swap3A_225, %swap3A_226] {strides = array<i32>} : memref<64x16xf32, #tpu.memory_space<vmem>>, vector<16xf32>,
    tpu.vector_store %arg14[%swap3A_225, %swap3A_226], %broadcast_in_dim3A_0 {strides = array<i32>} : memref<64x16xf32, #tpu.memory_space<vmem>>, vector<16xf32>,
    %swap3A_228 = arith.constant 57 : i32
    %swap3A_229 = arith.index_cast %swap3A_228 : i32 to index
    %swap3A_230 = arith.constant 0 : index
    %swap3A_231 = tpu.vector_load %arg14[%swap3A_229, %swap3A_230] {strides = array<i32>} : memref<64x16xf32, #tpu.memory_space<vmem>>, vector<16xf32>,
    tpu.vector_store %arg14[%swap3A_229, %swap3A_230], %broadcast_in_dim3A_0 {strides = array<i32>} : memref<64x16xf32, #tpu.memory_space<vmem>>, vector<16xf32>,
    %swap3A_232 = arith.constant 58 : i32
    %swap3A_233 = arith.index_cast %swap3A_232 : i32 to index
    %swap3A_234 = arith.constant 0 : index
    %swap3A_235 = tpu.vector_load %arg14[%swap3A_233, %swap3A_234] {strides = array<i32>} : memref<64x16xf32, #tpu.memory_space<vmem>>, vector<16xf32>,
    tpu.vector_store %arg14[%swap3A_233, %swap3A_234], %broadcast_in_dim3A_0 {strides = array<i32>} : memref<64x16xf32, #tpu.memory_space<vmem>>, vector<16xf32>,
    %swap3A_236 = arith.constant 59 : i32
    %swap3A_237 = arith.index_cast %swap3A_236 : i32 to index
    %swap3A_238 = arith.constant 0 : index
    %swap3A_239 = tpu.vector_load %arg14[%swap3A_237, %swap3A_238] {strides = array<i32>} : memref<64x16xf32, #tpu.memory_space<vmem>>, vector<16xf32>,
    tpu.vector_store %arg14[%swap3A_237, %swap3A_238], %broadcast_in_dim3A_0 {strides = array<i32>} : memref<64x16xf32, #tpu.memory_space<vmem>>, vector<16xf32>,
    %swap3A_240 = arith.constant 60 : i32
    %swap3A_241 = arith.index_cast %swap3A_240 : i32 to index
    %swap3A_242 = arith.constant 0 : index
    %swap3A_243 = tpu.vector_load %arg14[%swap3A_241, %swap3A_242] {strides = array<i32>} : memref<64x16xf32, #tpu.memory_space<vmem>>, vector<16xf32>,
    tpu.vector_store %arg14[%swap3A_241, %swap3A_242], %broadcast_in_dim3A_0 {strides = array<i32>} : memref<64x16xf32, #tpu.memory_space<vmem>>, vector<16xf32>,
    %swap3A_244 = arith.constant 61 : i32
    %swap3A_245 = arith.index_cast %swap3A_244 : i32 to index
    %swap3A_246 = arith.constant 0 : index
    %swap3A_247 = tpu.vector_load %arg14[%swap3A_245, %swap3A_246] {strides = array<i32>} : memref<64x16xf32, #tpu.memory_space<vmem>>, vector<16xf32>,
    tpu.vector_store %arg14[%swap3A_245, %swap3A_246], %broadcast_in_dim3A_0 {strides = array<i32>} : memref<64x16xf32, #tpu.memory_space<vmem>>, vector<16xf32>,
    %swap3A_248 = arith.constant 62 : i32
    %swap3A_249 = arith.index_cast %swap3A_248 : i32 to index
    %swap3A_250 = arith.constant 0 : index
    %swap3A_251 = tpu.vector_load %arg14[%swap3A_249, %swap3A_250] {strides = array<i32>} : memref<64x16xf32, #tpu.memory_space<vmem>>, vector<16xf32>,
    tpu.vector_store %arg14[%swap3A_249, %swap3A_250], %broadcast_in_dim3A_0 {strides = array<i32>} : memref<64x16xf32, #tpu.memory_space<vmem>>, vector<16xf32>,
    %swap3A_252 = arith.constant 63 : i32
    %swap3A_253 = arith.index_cast %swap3A_252 : i32 to index
    %swap3A_254 = arith.constant 0 : index
    %swap3A_255 = tpu.vector_load %arg14[%swap3A_253, %swap3A_254] {strides = array<i32>} : memref<64x16xf32, #tpu.memory_space<vmem>>, vector<16xf32>,
    tpu.vector_store %arg14[%swap3A_253, %swap3A_254], %broadcast_in_dim3A_0 {strides = array<i32>} : memref<64x16xf32, #tpu.memory_space<vmem>>, vector<16xf32>,
    %mul3A = arith.constant 1024 : i32
    %mul3A_256 = arith.muli %arg1, %mul3A : i32
    %add3A = arith.constant 0 : i32
    %add3A_257 = arith.addi %mul3A_256, %add3A : i32
    "tpu.region"() ({
      %run_scoped3A = tpu.sem_alloc : memref<!tpu.dma_semaphore, #tpu.memory_space<semaphore_mem>>
      %dma_start3A = arith.constant 0 : i32
      %dma_start3A_325 = tpu.memref_slice %arg15[%add3A_257, %dma_start3A] : memref<16384x16xf32, #tpu.memory_space<vmem_shared>> -> memref<64x16xf32, #tpu.memory_space<vmem_shared>>
      %dma_start3A_326 = arith.constant 0 : i32
      %dma_start3A_327 = tpu.memref_slice %arg15[%add3A_257, %dma_start3A_326] : memref<16384x16xf32, #tpu.memory_space<vmem_shared>> -> memref<64x16xf32, #tpu.memory_space<vmem_shared>>
      tpu.enqueue_dma source(%arg14 : memref<64x16xf32, #tpu.memory_space<vmem>>) target(%dma_start3A_327 : memref<64x16xf32, #tpu.memory_space<vmem_shared>>) target_semaphore(%run_scoped3A : memref<!tpu.dma_semaphore, #tpu.memory_space<semaphore_mem>>)
      %dma_wait3A = arith.constant 0 : i32
      %dma_wait3A_328 = tpu.memref_slice %arg15[%add3A_257, %dma_wait3A] : memref<16384x16xf32, #tpu.memory_space<vmem_shared>> -> memref<64x16xf32, #tpu.memory_space<vmem_shared>>
      %dma_wait3A_329 = arith.constant 0 : i32
      %dma_wait3A_330 = tpu.memref_slice %arg15[%add3A_257, %dma_wait3A_329] : memref<16384x16xf32, #tpu.memory_space<vmem_shared>> -> memref<64x16xf32, #tpu.memory_space<vmem_shared>>
      tpu.wait_dma2 semaphore(%run_scoped3A : memref<!tpu.dma_semaphore, #tpu.memory_space<semaphore_mem>>) src(%arg14 : memref<64x16xf32, #tpu.memory_space<vmem>>) dst(%dma_wait3A_330 : memref<64x16xf32, #tpu.memory_space<vmem_shared>>)
      tpu.yield
    }) : () -> ()
    %mul3A_258 = arith.constant 1024 : i32
    %mul3A_259 = arith.muli %arg1, %mul3A_258 : i32
    %add3A_260 = arith.constant 64 : i32
    %add3A_261 = arith.addi %mul3A_259, %add3A_260 : i32
    "tpu.region"() ({
      %run_scoped3A = tpu.sem_alloc : memref<!tpu.dma_semaphore, #tpu.memory_space<semaphore_mem>>
      %dma_start3A = arith.constant 0 : i32
      %dma_start3A_325 = tpu.memref_slice %arg15[%add3A_261, %dma_start3A] : memref<16384x16xf32, #tpu.memory_space<vmem_shared>> -> memref<64x16xf32, #tpu.memory_space<vmem_shared>>
      %dma_start3A_326 = arith.constant 0 : i32
      %dma_start3A_327 = tpu.memref_slice %arg15[%add3A_261, %dma_start3A_326] : memref<16384x16xf32, #tpu.memory_space<vmem_shared>> -> memref<64x16xf32, #tpu.memory_space<vmem_shared>>
      tpu.enqueue_dma source(%arg14 : memref<64x16xf32, #tpu.memory_space<vmem>>) target(%dma_start3A_327 : memref<64x16xf32, #tpu.memory_space<vmem_shared>>) target_semaphore(%run_scoped3A : memref<!tpu.dma_semaphore, #tpu.memory_space<semaphore_mem>>)
      %dma_wait3A = arith.constant 0 : i32
      %dma_wait3A_328 = tpu.memref_slice %arg15[%add3A_261, %dma_wait3A] : memref<16384x16xf32, #tpu.memory_space<vmem_shared>> -> memref<64x16xf32, #tpu.memory_space<vmem_shared>>
      %dma_wait3A_329 = arith.constant 0 : i32
      %dma_wait3A_330 = tpu.memref_slice %arg15[%add3A_261, %dma_wait3A_329] : memref<16384x16xf32, #tpu.memory_space<vmem_shared>> -> memref<64x16xf32, #tpu.memory_space<vmem_shared>>
      tpu.wait_dma2 semaphore(%run_scoped3A : memref<!tpu.dma_semaphore, #tpu.memory_space<semaphore_mem>>) src(%arg14 : memref<64x16xf32, #tpu.memory_space<vmem>>) dst(%dma_wait3A_330 : memref<64x16xf32, #tpu.memory_space<vmem_shared>>)
      tpu.yield
    }) : () -> ()
    %mul3A_262 = arith.constant 1024 : i32
    %mul3A_263 = arith.muli %arg1, %mul3A_262 : i32
    %add3A_264 = arith.constant 128 : i32
    %add3A_265 = arith.addi %mul3A_263, %add3A_264 : i32
    "tpu.region"() ({
      %run_scoped3A = tpu.sem_alloc : memref<!tpu.dma_semaphore, #tpu.memory_space<semaphore_mem>>
      %dma_start3A = arith.constant 0 : i32
      %dma_start3A_325 = tpu.memref_slice %arg15[%add3A_265, %dma_start3A] : memref<16384x16xf32, #tpu.memory_space<vmem_shared>> -> memref<64x16xf32, #tpu.memory_space<vmem_shared>>
      %dma_start3A_326 = arith.constant 0 : i32
      %dma_start3A_327 = tpu.memref_slice %arg15[%add3A_265, %dma_start3A_326] : memref<16384x16xf32, #tpu.memory_space<vmem_shared>> -> memref<64x16xf32, #tpu.memory_space<vmem_shared>>
      tpu.enqueue_dma source(%arg14 : memref<64x16xf32, #tpu.memory_space<vmem>>) target(%dma_start3A_327 : memref<64x16xf32, #tpu.memory_space<vmem_shared>>) target_semaphore(%run_scoped3A : memref<!tpu.dma_semaphore, #tpu.memory_space<semaphore_mem>>)
      %dma_wait3A = arith.constant 0 : i32
      %dma_wait3A_328 = tpu.memref_slice %arg15[%add3A_265, %dma_wait3A] : memref<16384x16xf32, #tpu.memory_space<vmem_shared>> -> memref<64x16xf32, #tpu.memory_space<vmem_shared>>
      %dma_wait3A_329 = arith.constant 0 : i32
      %dma_wait3A_330 = tpu.memref_slice %arg15[%add3A_265, %dma_wait3A_329] : memref<16384x16xf32, #tpu.memory_space<vmem_shared>> -> memref<64x16xf32, #tpu.memory_space<vmem_shared>>
      tpu.wait_dma2 semaphore(%run_scoped3A : memref<!tpu.dma_semaphore, #tpu.memory_space<semaphore_mem>>) src(%arg14 : memref<64x16xf32, #tpu.memory_space<vmem>>) dst(%dma_wait3A_330 : memref<64x16xf32, #tpu.memory_space<vmem_shared>>)
      tpu.yield
    }) : () -> ()
    %mul3A_266 = arith.constant 1024 : i32
    %mul3A_267 = arith.muli %arg1, %mul3A_266 : i32
    %add3A_268 = arith.constant 192 : i32
    %add3A_269 = arith.addi %mul3A_267, %add3A_268 : i32
    "tpu.region"() ({
      %run_scoped3A = tpu.sem_alloc : memref<!tpu.dma_semaphore, #tpu.memory_space<semaphore_mem>>
      %dma_start3A = arith.constant 0 : i32
      %dma_start3A_325 = tpu.memref_slice %arg15[%add3A_269, %dma_start3A] : memref<16384x16xf32, #tpu.memory_space<vmem_shared>> -> memref<64x16xf32, #tpu.memory_space<vmem_shared>>
      %dma_start3A_326 = arith.constant 0 : i32
      %dma_start3A_327 = tpu.memref_slice %arg15[%add3A_269, %dma_start3A_326] : memref<16384x16xf32, #tpu.memory_space<vmem_shared>> -> memref<64x16xf32, #tpu.memory_space<vmem_shared>>
      tpu.enqueue_dma source(%arg14 : memref<64x16xf32, #tpu.memory_space<vmem>>) target(%dma_start3A_327 : memref<64x16xf32, #tpu.memory_space<vmem_shared>>) target_semaphore(%run_scoped3A : memref<!tpu.dma_semaphore, #tpu.memory_space<semaphore_mem>>)
      %dma_wait3A = arith.constant 0 : i32
      %dma_wait3A_328 = tpu.memref_slice %arg15[%add3A_269, %dma_wait3A] : memref<16384x16xf32, #tpu.memory_space<vmem_shared>> -> memref<64x16xf32, #tpu.memory_space<vmem_shared>>
      %dma_wait3A_329 = arith.constant 0 : i32
      %dma_wait3A_330 = tpu.memref_slice %arg15[%add3A_269, %dma_wait3A_329] : memref<16384x16xf32, #tpu.memory_space<vmem_shared>> -> memref<64x16xf32, #tpu.memory_space<vmem_shared>>
      tpu.wait_dma2 semaphore(%run_scoped3A : memref<!tpu.dma_semaphore, #tpu.memory_space<semaphore_mem>>) src(%arg14 : memref<64x16xf32, #tpu.memory_space<vmem>>) dst(%dma_wait3A_330 : memref<64x16xf32, #tpu.memory_space<vmem_shared>>)
      tpu.yield
    }) : () -> ()
    %mul3A_270 = arith.constant 1024 : i32
    %mul3A_271 = arith.muli %arg1, %mul3A_270 : i32
    %add3A_272 = arith.constant 256 : i32
    %add3A_273 = arith.addi %mul3A_271, %add3A_272 : i32
    "tpu.region"() ({
      %run_scoped3A = tpu.sem_alloc : memref<!tpu.dma_semaphore, #tpu.memory_space<semaphore_mem>>
      %dma_start3A = arith.constant 0 : i32
      %dma_start3A_325 = tpu.memref_slice %arg15[%add3A_273, %dma_start3A] : memref<16384x16xf32, #tpu.memory_space<vmem_shared>> -> memref<64x16xf32, #tpu.memory_space<vmem_shared>>
      %dma_start3A_326 = arith.constant 0 : i32
      %dma_start3A_327 = tpu.memref_slice %arg15[%add3A_273, %dma_start3A_326] : memref<16384x16xf32, #tpu.memory_space<vmem_shared>> -> memref<64x16xf32, #tpu.memory_space<vmem_shared>>
      tpu.enqueue_dma source(%arg14 : memref<64x16xf32, #tpu.memory_space<vmem>>) target(%dma_start3A_327 : memref<64x16xf32, #tpu.memory_space<vmem_shared>>) target_semaphore(%run_scoped3A : memref<!tpu.dma_semaphore, #tpu.memory_space<semaphore_mem>>)
      %dma_wait3A = arith.constant 0 : i32
      %dma_wait3A_328 = tpu.memref_slice %arg15[%add3A_273, %dma_wait3A] : memref<16384x16xf32, #tpu.memory_space<vmem_shared>> -> memref<64x16xf32, #tpu.memory_space<vmem_shared>>
      %dma_wait3A_329 = arith.constant 0 : i32
      %dma_wait3A_330 = tpu.memref_slice %arg15[%add3A_273, %dma_wait3A_329] : memref<16384x16xf32, #tpu.memory_space<vmem_shared>> -> memref<64x16xf32, #tpu.memory_space<vmem_shared>>
      tpu.wait_dma2 semaphore(%run_scoped3A : memref<!tpu.dma_semaphore, #tpu.memory_space<semaphore_mem>>) src(%arg14 : memref<64x16xf32, #tpu.memory_space<vmem>>) dst(%dma_wait3A_330 : memref<64x16xf32, #tpu.memory_space<vmem_shared>>)
      tpu.yield
    }) : () -> ()
    %mul3A_274 = arith.constant 1024 : i32
    %mul3A_275 = arith.muli %arg1, %mul3A_274 : i32
    %add3A_276 = arith.constant 320 : i32
    %add3A_277 = arith.addi %mul3A_275, %add3A_276 : i32
    "tpu.region"() ({
      %run_scoped3A = tpu.sem_alloc : memref<!tpu.dma_semaphore, #tpu.memory_space<semaphore_mem>>
      %dma_start3A = arith.constant 0 : i32
      %dma_start3A_325 = tpu.memref_slice %arg15[%add3A_277, %dma_start3A] : memref<16384x16xf32, #tpu.memory_space<vmem_shared>> -> memref<64x16xf32, #tpu.memory_space<vmem_shared>>
      %dma_start3A_326 = arith.constant 0 : i32
      %dma_start3A_327 = tpu.memref_slice %arg15[%add3A_277, %dma_start3A_326] : memref<16384x16xf32, #tpu.memory_space<vmem_shared>> -> memref<64x16xf32, #tpu.memory_space<vmem_shared>>
      tpu.enqueue_dma source(%arg14 : memref<64x16xf32, #tpu.memory_space<vmem>>) target(%dma_start3A_327 : memref<64x16xf32, #tpu.memory_space<vmem_shared>>) target_semaphore(%run_scoped3A : memref<!tpu.dma_semaphore, #tpu.memory_space<semaphore_mem>>)
      %dma_wait3A = arith.constant 0 : i32
      %dma_wait3A_328 = tpu.memref_slice %arg15[%add3A_277, %dma_wait3A] : memref<16384x16xf32, #tpu.memory_space<vmem_shared>> -> memref<64x16xf32, #tpu.memory_space<vmem_shared>>
      %dma_wait3A_329 = arith.constant 0 : i32
      %dma_wait3A_330 = tpu.memref_slice %arg15[%add3A_277, %dma_wait3A_329] : memref<16384x16xf32, #tpu.memory_space<vmem_shared>> -> memref<64x16xf32, #tpu.memory_space<vmem_shared>>
      tpu.wait_dma2 semaphore(%run_scoped3A : memref<!tpu.dma_semaphore, #tpu.memory_space<semaphore_mem>>) src(%arg14 : memref<64x16xf32, #tpu.memory_space<vmem>>) dst(%dma_wait3A_330 : memref<64x16xf32, #tpu.memory_space<vmem_shared>>)
      tpu.yield
    }) : () -> ()
    %mul3A_278 = arith.constant 1024 : i32
    %mul3A_279 = arith.muli %arg1, %mul3A_278 : i32
    %add3A_280 = arith.constant 384 : i32
    %add3A_281 = arith.addi %mul3A_279, %add3A_280 : i32
    "tpu.region"() ({
      %run_scoped3A = tpu.sem_alloc : memref<!tpu.dma_semaphore, #tpu.memory_space<semaphore_mem>>
      %dma_start3A = arith.constant 0 : i32
      %dma_start3A_325 = tpu.memref_slice %arg15[%add3A_281, %dma_start3A] : memref<16384x16xf32, #tpu.memory_space<vmem_shared>> -> memref<64x16xf32, #tpu.memory_space<vmem_shared>>
      %dma_start3A_326 = arith.constant 0 : i32
      %dma_start3A_327 = tpu.memref_slice %arg15[%add3A_281, %dma_start3A_326] : memref<16384x16xf32, #tpu.memory_space<vmem_shared>> -> memref<64x16xf32, #tpu.memory_space<vmem_shared>>
      tpu.enqueue_dma source(%arg14 : memref<64x16xf32, #tpu.memory_space<vmem>>) target(%dma_start3A_327 : memref<64x16xf32, #tpu.memory_space<vmem_shared>>) target_semaphore(%run_scoped3A : memref<!tpu.dma_semaphore, #tpu.memory_space<semaphore_mem>>)
      %dma_wait3A = arith.constant 0 : i32
      %dma_wait3A_328 = tpu.memref_slice %arg15[%add3A_281, %dma_wait3A] : memref<16384x16xf32, #tpu.memory_space<vmem_shared>> -> memref<64x16xf32, #tpu.memory_space<vmem_shared>>
      %dma_wait3A_329 = arith.constant 0 : i32
      %dma_wait3A_330 = tpu.memref_slice %arg15[%add3A_281, %dma_wait3A_329] : memref<16384x16xf32, #tpu.memory_space<vmem_shared>> -> memref<64x16xf32, #tpu.memory_space<vmem_shared>>
      tpu.wait_dma2 semaphore(%run_scoped3A : memref<!tpu.dma_semaphore, #tpu.memory_space<semaphore_mem>>) src(%arg14 : memref<64x16xf32, #tpu.memory_space<vmem>>) dst(%dma_wait3A_330 : memref<64x16xf32, #tpu.memory_space<vmem_shared>>)
      tpu.yield
    }) : () -> ()
    %mul3A_282 = arith.constant 1024 : i32
    %mul3A_283 = arith.muli %arg1, %mul3A_282 : i32
    %add3A_284 = arith.constant 448 : i32
    %add3A_285 = arith.addi %mul3A_283, %add3A_284 : i32
    "tpu.region"() ({
      %run_scoped3A = tpu.sem_alloc : memref<!tpu.dma_semaphore, #tpu.memory_space<semaphore_mem>>
      %dma_start3A = arith.constant 0 : i32
      %dma_start3A_325 = tpu.memref_slice %arg15[%add3A_285, %dma_start3A] : memref<16384x16xf32, #tpu.memory_space<vmem_shared>> -> memref<64x16xf32, #tpu.memory_space<vmem_shared>>
      %dma_start3A_326 = arith.constant 0 : i32
      %dma_start3A_327 = tpu.memref_slice %arg15[%add3A_285, %dma_start3A_326] : memref<16384x16xf32, #tpu.memory_space<vmem_shared>> -> memref<64x16xf32, #tpu.memory_space<vmem_shared>>
      tpu.enqueue_dma source(%arg14 : memref<64x16xf32, #tpu.memory_space<vmem>>) target(%dma_start3A_327 : memref<64x16xf32, #tpu.memory_space<vmem_shared>>) target_semaphore(%run_scoped3A : memref<!tpu.dma_semaphore, #tpu.memory_space<semaphore_mem>>)
      %dma_wait3A = arith.constant 0 : i32
      %dma_wait3A_328 = tpu.memref_slice %arg15[%add3A_285, %dma_wait3A] : memref<16384x16xf32, #tpu.memory_space<vmem_shared>> -> memref<64x16xf32, #tpu.memory_space<vmem_shared>>
      %dma_wait3A_329 = arith.constant 0 : i32
      %dma_wait3A_330 = tpu.memref_slice %arg15[%add3A_285, %dma_wait3A_329] : memref<16384x16xf32, #tpu.memory_space<vmem_shared>> -> memref<64x16xf32, #tpu.memory_space<vmem_shared>>
      tpu.wait_dma2 semaphore(%run_scoped3A : memref<!tpu.dma_semaphore, #tpu.memory_space<semaphore_mem>>) src(%arg14 : memref<64x16xf32, #tpu.memory_space<vmem>>) dst(%dma_wait3A_330 : memref<64x16xf32, #tpu.memory_space<vmem_shared>>)
      tpu.yield
    }) : () -> ()
    %mul3A_286 = arith.constant 1024 : i32
    %mul3A_287 = arith.muli %arg1, %mul3A_286 : i32
    %add3A_288 = arith.constant 512 : i32
    %add3A_289 = arith.addi %mul3A_287, %add3A_288 : i32
    "tpu.region"() ({
      %run_scoped3A = tpu.sem_alloc : memref<!tpu.dma_semaphore, #tpu.memory_space<semaphore_mem>>
      %dma_start3A = arith.constant 0 : i32
      %dma_start3A_325 = tpu.memref_slice %arg15[%add3A_289, %dma_start3A] : memref<16384x16xf32, #tpu.memory_space<vmem_shared>> -> memref<64x16xf32, #tpu.memory_space<vmem_shared>>
      %dma_start3A_326 = arith.constant 0 : i32
      %dma_start3A_327 = tpu.memref_slice %arg15[%add3A_289, %dma_start3A_326] : memref<16384x16xf32, #tpu.memory_space<vmem_shared>> -> memref<64x16xf32, #tpu.memory_space<vmem_shared>>
      tpu.enqueue_dma source(%arg14 : memref<64x16xf32, #tpu.memory_space<vmem>>) target(%dma_start3A_327 : memref<64x16xf32, #tpu.memory_space<vmem_shared>>) target_semaphore(%run_scoped3A : memref<!tpu.dma_semaphore, #tpu.memory_space<semaphore_mem>>)
      %dma_wait3A = arith.constant 0 : i32
      %dma_wait3A_328 = tpu.memref_slice %arg15[%add3A_289, %dma_wait3A] : memref<16384x16xf32, #tpu.memory_space<vmem_shared>> -> memref<64x16xf32, #tpu.memory_space<vmem_shared>>
      %dma_wait3A_329 = arith.constant 0 : i32
      %dma_wait3A_330 = tpu.memref_slice %arg15[%add3A_289, %dma_wait3A_329] : memref<16384x16xf32, #tpu.memory_space<vmem_shared>> -> memref<64x16xf32, #tpu.memory_space<vmem_shared>>
      tpu.wait_dma2 semaphore(%run_scoped3A : memref<!tpu.dma_semaphore, #tpu.memory_space<semaphore_mem>>) src(%arg14 : memref<64x16xf32, #tpu.memory_space<vmem>>) dst(%dma_wait3A_330 : memref<64x16xf32, #tpu.memory_space<vmem_shared>>)
      tpu.yield
    }) : () -> ()
    %mul3A_290 = arith.constant 1024 : i32
    %mul3A_291 = arith.muli %arg1, %mul3A_290 : i32
    %add3A_292 = arith.constant 576 : i32
    %add3A_293 = arith.addi %mul3A_291, %add3A_292 : i32
    "tpu.region"() ({
      %run_scoped3A = tpu.sem_alloc : memref<!tpu.dma_semaphore, #tpu.memory_space<semaphore_mem>>
      %dma_start3A = arith.constant 0 : i32
      %dma_start3A_325 = tpu.memref_slice %arg15[%add3A_293, %dma_start3A] : memref<16384x16xf32, #tpu.memory_space<vmem_shared>> -> memref<64x16xf32, #tpu.memory_space<vmem_shared>>
      %dma_start3A_326 = arith.constant 0 : i32
      %dma_start3A_327 = tpu.memref_slice %arg15[%add3A_293, %dma_start3A_326] : memref<16384x16xf32, #tpu.memory_space<vmem_shared>> -> memref<64x16xf32, #tpu.memory_space<vmem_shared>>
      tpu.enqueue_dma source(%arg14 : memref<64x16xf32, #tpu.memory_space<vmem>>) target(%dma_start3A_327 : memref<64x16xf32, #tpu.memory_space<vmem_shared>>) target_semaphore(%run_scoped3A : memref<!tpu.dma_semaphore, #tpu.memory_space<semaphore_mem>>)
      %dma_wait3A = arith.constant 0 : i32
      %dma_wait3A_328 = tpu.memref_slice %arg15[%add3A_293, %dma_wait3A] : memref<16384x16xf32, #tpu.memory_space<vmem_shared>> -> memref<64x16xf32, #tpu.memory_space<vmem_shared>>
      %dma_wait3A_329 = arith.constant 0 : i32
      %dma_wait3A_330 = tpu.memref_slice %arg15[%add3A_293, %dma_wait3A_329] : memref<16384x16xf32, #tpu.memory_space<vmem_shared>> -> memref<64x16xf32, #tpu.memory_space<vmem_shared>>
      tpu.wait_dma2 semaphore(%run_scoped3A : memref<!tpu.dma_semaphore, #tpu.memory_space<semaphore_mem>>) src(%arg14 : memref<64x16xf32, #tpu.memory_space<vmem>>) dst(%dma_wait3A_330 : memref<64x16xf32, #tpu.memory_space<vmem_shared>>)
      tpu.yield
    }) : () -> ()
    %mul3A_294 = arith.constant 1024 : i32
    %mul3A_295 = arith.muli %arg1, %mul3A_294 : i32
    %add3A_296 = arith.constant 640 : i32
    %add3A_297 = arith.addi %mul3A_295, %add3A_296 : i32
    "tpu.region"() ({
      %run_scoped3A = tpu.sem_alloc : memref<!tpu.dma_semaphore, #tpu.memory_space<semaphore_mem>>
      %dma_start3A = arith.constant 0 : i32
      %dma_start3A_325 = tpu.memref_slice %arg15[%add3A_297, %dma_start3A] : memref<16384x16xf32, #tpu.memory_space<vmem_shared>> -> memref<64x16xf32, #tpu.memory_space<vmem_shared>>
      %dma_start3A_326 = arith.constant 0 : i32
      %dma_start3A_327 = tpu.memref_slice %arg15[%add3A_297, %dma_start3A_326] : memref<16384x16xf32, #tpu.memory_space<vmem_shared>> -> memref<64x16xf32, #tpu.memory_space<vmem_shared>>
      tpu.enqueue_dma source(%arg14 : memref<64x16xf32, #tpu.memory_space<vmem>>) target(%dma_start3A_327 : memref<64x16xf32, #tpu.memory_space<vmem_shared>>) target_semaphore(%run_scoped3A : memref<!tpu.dma_semaphore, #tpu.memory_space<semaphore_mem>>)
      %dma_wait3A = arith.constant 0 : i32
      %dma_wait3A_328 = tpu.memref_slice %arg15[%add3A_297, %dma_wait3A] : memref<16384x16xf32, #tpu.memory_space<vmem_shared>> -> memref<64x16xf32, #tpu.memory_space<vmem_shared>>
      %dma_wait3A_329 = arith.constant 0 : i32
      %dma_wait3A_330 = tpu.memref_slice %arg15[%add3A_297, %dma_wait3A_329] : memref<16384x16xf32, #tpu.memory_space<vmem_shared>> -> memref<64x16xf32, #tpu.memory_space<vmem_shared>>
      tpu.wait_dma2 semaphore(%run_scoped3A : memref<!tpu.dma_semaphore, #tpu.memory_space<semaphore_mem>>) src(%arg14 : memref<64x16xf32, #tpu.memory_space<vmem>>) dst(%dma_wait3A_330 : memref<64x16xf32, #tpu.memory_space<vmem_shared>>)
      tpu.yield
    }) : () -> ()
    %mul3A_298 = arith.constant 1024 : i32
    %mul3A_299 = arith.muli %arg1, %mul3A_298 : i32
    %add3A_300 = arith.constant 704 : i32
    %add3A_301 = arith.addi %mul3A_299, %add3A_300 : i32
    "tpu.region"() ({
      %run_scoped3A = tpu.sem_alloc : memref<!tpu.dma_semaphore, #tpu.memory_space<semaphore_mem>>
      %dma_start3A = arith.constant 0 : i32
      %dma_start3A_325 = tpu.memref_slice %arg15[%add3A_301, %dma_start3A] : memref<16384x16xf32, #tpu.memory_space<vmem_shared>> -> memref<64x16xf32, #tpu.memory_space<vmem_shared>>
      %dma_start3A_326 = arith.constant 0 : i32
      %dma_start3A_327 = tpu.memref_slice %arg15[%add3A_301, %dma_start3A_326] : memref<16384x16xf32, #tpu.memory_space<vmem_shared>> -> memref<64x16xf32, #tpu.memory_space<vmem_shared>>
      tpu.enqueue_dma source(%arg14 : memref<64x16xf32, #tpu.memory_space<vmem>>) target(%dma_start3A_327 : memref<64x16xf32, #tpu.memory_space<vmem_shared>>) target_semaphore(%run_scoped3A : memref<!tpu.dma_semaphore, #tpu.memory_space<semaphore_mem>>)
      %dma_wait3A = arith.constant 0 : i32
      %dma_wait3A_328 = tpu.memref_slice %arg15[%add3A_301, %dma_wait3A] : memref<16384x16xf32, #tpu.memory_space<vmem_shared>> -> memref<64x16xf32, #tpu.memory_space<vmem_shared>>
      %dma_wait3A_329 = arith.constant 0 : i32
      %dma_wait3A_330 = tpu.memref_slice %arg15[%add3A_301, %dma_wait3A_329] : memref<16384x16xf32, #tpu.memory_space<vmem_shared>> -> memref<64x16xf32, #tpu.memory_space<vmem_shared>>
      tpu.wait_dma2 semaphore(%run_scoped3A : memref<!tpu.dma_semaphore, #tpu.memory_space<semaphore_mem>>) src(%arg14 : memref<64x16xf32, #tpu.memory_space<vmem>>) dst(%dma_wait3A_330 : memref<64x16xf32, #tpu.memory_space<vmem_shared>>)
      tpu.yield
    }) : () -> ()
    %mul3A_302 = arith.constant 1024 : i32
    %mul3A_303 = arith.muli %arg1, %mul3A_302 : i32
    %add3A_304 = arith.constant 768 : i32
    %add3A_305 = arith.addi %mul3A_303, %add3A_304 : i32
    "tpu.region"() ({
      %run_scoped3A = tpu.sem_alloc : memref<!tpu.dma_semaphore, #tpu.memory_space<semaphore_mem>>
      %dma_start3A = arith.constant 0 : i32
      %dma_start3A_325 = tpu.memref_slice %arg15[%add3A_305, %dma_start3A] : memref<16384x16xf32, #tpu.memory_space<vmem_shared>> -> memref<64x16xf32, #tpu.memory_space<vmem_shared>>
      %dma_start3A_326 = arith.constant 0 : i32
      %dma_start3A_327 = tpu.memref_slice %arg15[%add3A_305, %dma_start3A_326] : memref<16384x16xf32, #tpu.memory_space<vmem_shared>> -> memref<64x16xf32, #tpu.memory_space<vmem_shared>>
      tpu.enqueue_dma source(%arg14 : memref<64x16xf32, #tpu.memory_space<vmem>>) target(%dma_start3A_327 : memref<64x16xf32, #tpu.memory_space<vmem_shared>>) target_semaphore(%run_scoped3A : memref<!tpu.dma_semaphore, #tpu.memory_space<semaphore_mem>>)
      %dma_wait3A = arith.constant 0 : i32
      %dma_wait3A_328 = tpu.memref_slice %arg15[%add3A_305, %dma_wait3A] : memref<16384x16xf32, #tpu.memory_space<vmem_shared>> -> memref<64x16xf32, #tpu.memory_space<vmem_shared>>
      %dma_wait3A_329 = arith.constant 0 : i32
      %dma_wait3A_330 = tpu.memref_slice %arg15[%add3A_305, %dma_wait3A_329] : memref<16384x16xf32, #tpu.memory_space<vmem_shared>> -> memref<64x16xf32, #tpu.memory_space<vmem_shared>>
      tpu.wait_dma2 semaphore(%run_scoped3A : memref<!tpu.dma_semaphore, #tpu.memory_space<semaphore_mem>>) src(%arg14 : memref<64x16xf32, #tpu.memory_space<vmem>>) dst(%dma_wait3A_330 : memref<64x16xf32, #tpu.memory_space<vmem_shared>>)
      tpu.yield
    }) : () -> ()
    %mul3A_306 = arith.constant 1024 : i32
    %mul3A_307 = arith.muli %arg1, %mul3A_306 : i32
    %add3A_308 = arith.constant 832 : i32
    %add3A_309 = arith.addi %mul3A_307, %add3A_308 : i32
    "tpu.region"() ({
      %run_scoped3A = tpu.sem_alloc : memref<!tpu.dma_semaphore, #tpu.memory_space<semaphore_mem>>
      %dma_start3A = arith.constant 0 : i32
      %dma_start3A_325 = tpu.memref_slice %arg15[%add3A_309, %dma_start3A] : memref<16384x16xf32, #tpu.memory_space<vmem_shared>> -> memref<64x16xf32, #tpu.memory_space<vmem_shared>>
      %dma_start3A_326 = arith.constant 0 : i32
      %dma_start3A_327 = tpu.memref_slice %arg15[%add3A_309, %dma_start3A_326] : memref<16384x16xf32, #tpu.memory_space<vmem_shared>> -> memref<64x16xf32, #tpu.memory_space<vmem_shared>>
      tpu.enqueue_dma source(%arg14 : memref<64x16xf32, #tpu.memory_space<vmem>>) target(%dma_start3A_327 : memref<64x16xf32, #tpu.memory_space<vmem_shared>>) target_semaphore(%run_scoped3A : memref<!tpu.dma_semaphore, #tpu.memory_space<semaphore_mem>>)
      %dma_wait3A = arith.constant 0 : i32
      %dma_wait3A_328 = tpu.memref_slice %arg15[%add3A_309, %dma_wait3A] : memref<16384x16xf32, #tpu.memory_space<vmem_shared>> -> memref<64x16xf32, #tpu.memory_space<vmem_shared>>
      %dma_wait3A_329 = arith.constant 0 : i32
      %dma_wait3A_330 = tpu.memref_slice %arg15[%add3A_309, %dma_wait3A_329] : memref<16384x16xf32, #tpu.memory_space<vmem_shared>> -> memref<64x16xf32, #tpu.memory_space<vmem_shared>>
      tpu.wait_dma2 semaphore(%run_scoped3A : memref<!tpu.dma_semaphore, #tpu.memory_space<semaphore_mem>>) src(%arg14 : memref<64x16xf32, #tpu.memory_space<vmem>>) dst(%dma_wait3A_330 : memref<64x16xf32, #tpu.memory_space<vmem_shared>>)
      tpu.yield
    }) : () -> ()
    %mul3A_310 = arith.constant 1024 : i32
    %mul3A_311 = arith.muli %arg1, %mul3A_310 : i32
    %add3A_312 = arith.constant 896 : i32
    %add3A_313 = arith.addi %mul3A_311, %add3A_312 : i32
    "tpu.region"() ({
      %run_scoped3A = tpu.sem_alloc : memref<!tpu.dma_semaphore, #tpu.memory_space<semaphore_mem>>
      %dma_start3A = arith.constant 0 : i32
      %dma_start3A_325 = tpu.memref_slice %arg15[%add3A_313, %dma_start3A] : memref<16384x16xf32, #tpu.memory_space<vmem_shared>> -> memref<64x16xf32, #tpu.memory_space<vmem_shared>>
      %dma_start3A_326 = arith.constant 0 : i32
      %dma_start3A_327 = tpu.memref_slice %arg15[%add3A_313, %dma_start3A_326] : memref<16384x16xf32, #tpu.memory_space<vmem_shared>> -> memref<64x16xf32, #tpu.memory_space<vmem_shared>>
      tpu.enqueue_dma source(%arg14 : memref<64x16xf32, #tpu.memory_space<vmem>>) target(%dma_start3A_327 : memref<64x16xf32, #tpu.memory_space<vmem_shared>>) target_semaphore(%run_scoped3A : memref<!tpu.dma_semaphore, #tpu.memory_space<semaphore_mem>>)
      %dma_wait3A = arith.constant 0 : i32
      %dma_wait3A_328 = tpu.memref_slice %arg15[%add3A_313, %dma_wait3A] : memref<16384x16xf32, #tpu.memory_space<vmem_shared>> -> memref<64x16xf32, #tpu.memory_space<vmem_shared>>
      %dma_wait3A_329 = arith.constant 0 : i32
      %dma_wait3A_330 = tpu.memref_slice %arg15[%add3A_313, %dma_wait3A_329] : memref<16384x16xf32, #tpu.memory_space<vmem_shared>> -> memref<64x16xf32, #tpu.memory_space<vmem_shared>>
      tpu.wait_dma2 semaphore(%run_scoped3A : memref<!tpu.dma_semaphore, #tpu.memory_space<semaphore_mem>>) src(%arg14 : memref<64x16xf32, #tpu.memory_space<vmem>>) dst(%dma_wait3A_330 : memref<64x16xf32, #tpu.memory_space<vmem_shared>>)
      tpu.yield
    }) : () -> ()
    %mul3A_314 = arith.constant 1024 : i32
    %mul3A_315 = arith.muli %arg1, %mul3A_314 : i32
    %add3A_316 = arith.constant 960 : i32
    %add3A_317 = arith.addi %mul3A_315, %add3A_316 : i32
    "tpu.region"() ({
      %run_scoped3A = tpu.sem_alloc : memref<!tpu.dma_semaphore, #tpu.memory_space<semaphore_mem>>
      %dma_start3A = arith.constant 0 : i32
      %dma_start3A_325 = tpu.memref_slice %arg15[%add3A_317, %dma_start3A] : memref<16384x16xf32, #tpu.memory_space<vmem_shared>> -> memref<64x16xf32, #tpu.memory_space<vmem_shared>>
      %dma_start3A_326 = arith.constant 0 : i32
      %dma_start3A_327 = tpu.memref_slice %arg15[%add3A_317, %dma_start3A_326] : memref<16384x16xf32, #tpu.memory_space<vmem_shared>> -> memref<64x16xf32, #tpu.memory_space<vmem_shared>>
      tpu.enqueue_dma source(%arg14 : memref<64x16xf32, #tpu.memory_space<vmem>>) target(%dma_start3A_327 : memref<64x16xf32, #tpu.memory_space<vmem_shared>>) target_semaphore(%run_scoped3A : memref<!tpu.dma_semaphore, #tpu.memory_space<semaphore_mem>>)
      %dma_wait3A = arith.constant 0 : i32
      %dma_wait3A_328 = tpu.memref_slice %arg15[%add3A_317, %dma_wait3A] : memref<16384x16xf32, #tpu.memory_space<vmem_shared>> -> memref<64x16xf32, #tpu.memory_space<vmem_shared>>
      %dma_wait3A_329 = arith.constant 0 : i32
      %dma_wait3A_330 = tpu.memref_slice %arg15[%add3A_317, %dma_wait3A_329] : memref<16384x16xf32, #tpu.memory_space<vmem_shared>> -> memref<64x16xf32, #tpu.memory_space<vmem_shared>>
      tpu.wait_dma2 semaphore(%run_scoped3A : memref<!tpu.dma_semaphore, #tpu.memory_space<semaphore_mem>>) src(%arg14 : memref<64x16xf32, #tpu.memory_space<vmem>>) dst(%dma_wait3A_330 : memref<64x16xf32, #tpu.memory_space<vmem_shared>>)
      tpu.yield
    }) : () -> ()
    %barrier3A = arith.constant 0 : index
    tpu.barrier barrier_id(%barrier3A)
    %eq3A = arith.constant 0 : i32
    %eq3A_318 = arith.cmpi eq, %arg0, %eq3A : i32
    %convert_element_type3A = arith.extui %eq3A_318 : i1 to i32
    %cond3A = arith.constant 0 : i32
    %cond3A_319 = arith.cmpi ne, %convert_element_type3A, %cond3A : i32
    scf.if %cond3A_319 {
      %mul3A_325 = arith.constant 32 : i32
      %mul3A_326 = arith.muli %arg1, %mul3A_325 : i32
      %run_scoped3A = arith.constant 0 : i32
      "tpu.region"() ({
        %run_scoped3A_341 = tpu.sem_alloc : memref<!tpu.dma_semaphore, #tpu.memory_space<semaphore_mem>>
        %dma_start3A = arith.constant 0 : i32
        %dma_start3A_342 = tpu.memref_slice %arg3[%run_scoped3A, %mul3A_326, %dma_start3A] : memref<2x512x128xi32, #tpu.memory_space<hbm>> -> memref<1x32x128xi32, #tpu.memory_space<hbm>>
        %dma_start3A_343 = tpu.memref_squeeze %dma_start3A_342 : memref<1x32x128xi32, #tpu.memory_space<hbm>> -> memref<32x128xi32, #tpu.memory_space<hbm>>
        %dma_start3A_344 = arith.constant 0 : i32
        %dma_start3A_345 = tpu.memref_slice %arg3[%run_scoped3A, %mul3A_326, %dma_start3A_344] : memref<2x512x128xi32, #tpu.memory_space<hbm>> -> memref<1x32x128xi32, #tpu.memory_space<hbm>>
        %dma_start3A_346 = tpu.memref_squeeze %dma_start3A_345 : memref<1x32x128xi32, #tpu.memory_space<hbm>> -> memref<32x128xi32, #tpu.memory_space<hbm>>
        tpu.enqueue_dma source(%dma_start3A_346 : memref<32x128xi32, #tpu.memory_space<hbm>>) target(%arg9 : memref<32x128xi32, #tpu.memory_space<vmem>>) target_semaphore(%run_scoped3A_341 : memref<!tpu.dma_semaphore, #tpu.memory_space<semaphore_mem>>)
        %dma_wait3A = arith.constant 0 : i32
        %dma_wait3A_347 = tpu.memref_slice %arg3[%run_scoped3A, %mul3A_326, %dma_wait3A] : memref<2x512x128xi32, #tpu.memory_space<hbm>> -> memref<1x32x128xi32, #tpu.memory_space<hbm>>
        %dma_wait3A_348 = tpu.memref_squeeze %dma_wait3A_347 : memref<1x32x128xi32, #tpu.memory_space<hbm>> -> memref<32x128xi32, #tpu.memory_space<hbm>>
        %dma_wait3A_349 = arith.constant 0 : i32
        %dma_wait3A_350 = tpu.memref_slice %arg3[%run_scoped3A, %mul3A_326, %dma_wait3A_349] : memref<2x512x128xi32, #tpu.memory_space<hbm>> -> memref<1x32x128xi32, #tpu.memory_space<hbm>>
        %dma_wait3A_351 = tpu.memref_squeeze %dma_wait3A_350 : memref<1x32x128xi32, #tpu.memory_space<hbm>> -> memref<32x128xi32, #tpu.memory_space<hbm>>
        tpu.wait_dma2 semaphore(%run_scoped3A_341 : memref<!tpu.dma_semaphore, #tpu.memory_space<semaphore_mem>>) src(%dma_wait3A_351 : memref<32x128xi32, #tpu.memory_space<hbm>>) dst(%arg9 : memref<32x128xi32, #tpu.memory_space<vmem>>)
        tpu.yield
      }) : () -> ()
      %mul3A_327 = arith.constant 32 : i32
      %mul3A_328 = arith.muli %arg1, %mul3A_327 : i32
      %run_scoped3A_329 = arith.constant 1 : i32
      "tpu.region"() ({
        %run_scoped3A_341 = tpu.sem_alloc : memref<!tpu.dma_semaphore, #tpu.memory_space<semaphore_mem>>
        %dma_start3A = arith.constant 0 : i32
        %dma_start3A_342 = tpu.memref_slice %arg3[%run_scoped3A_329, %mul3A_328, %dma_start3A] : memref<2x512x128xi32, #tpu.memory_space<hbm>> -> memref<1x32x128xi32, #tpu.memory_space<hbm>>
        %dma_start3A_343 = tpu.memref_squeeze %dma_start3A_342 : memref<1x32x128xi32, #tpu.memory_space<hbm>> -> memref<32x128xi32, #tpu.memory_space<hbm>>
        %dma_start3A_344 = arith.constant 0 : i32
        %dma_start3A_345 = tpu.memref_slice %arg3[%run_scoped3A_329, %mul3A_328, %dma_start3A_344] : memref<2x512x128xi32, #tpu.memory_space<hbm>> -> memref<1x32x128xi32, #tpu.memory_space<hbm>>
        %dma_start3A_346 = tpu.memref_squeeze %dma_start3A_345 : memref<1x32x128xi32, #tpu.memory_space<hbm>> -> memref<32x128xi32, #tpu.memory_space<hbm>>
        tpu.enqueue_dma source(%dma_start3A_346 : memref<32x128xi32, #tpu.memory_space<hbm>>) target(%arg10 : memref<32x128xi32, #tpu.memory_space<vmem>>) target_semaphore(%run_scoped3A_341 : memref<!tpu.dma_semaphore, #tpu.memory_space<semaphore_mem>>)
        %dma_wait3A = arith.constant 0 : i32
        %dma_wait3A_347 = tpu.memref_slice %arg3[%run_scoped3A_329, %mul3A_328, %dma_wait3A] : memref<2x512x128xi32, #tpu.memory_space<hbm>> -> memref<1x32x128xi32, #tpu.memory_space<hbm>>
        %dma_wait3A_348 = tpu.memref_squeeze %dma_wait3A_347 : memref<1x32x128xi32, #tpu.memory_space<hbm>> -> memref<32x128xi32, #tpu.memory_space<hbm>>
        %dma_wait3A_349 = arith.constant 0 : i32
        %dma_wait3A_350 = tpu.memref_slice %arg3[%run_scoped3A_329, %mul3A_328, %dma_wait3A_349] : memref<2x512x128xi32, #tpu.memory_space<hbm>> -> memref<1x32x128xi32, #tpu.memory_space<hbm>>
        %dma_wait3A_351 = tpu.memref_squeeze %dma_wait3A_350 : memref<1x32x128xi32, #tpu.memory_space<hbm>> -> memref<32x128xi32, #tpu.memory_space<hbm>>
        tpu.wait_dma2 semaphore(%run_scoped3A_341 : memref<!tpu.dma_semaphore, #tpu.memory_space<semaphore_mem>>) src(%dma_wait3A_351 : memref<32x128xi32, #tpu.memory_space<hbm>>) dst(%arg10 : memref<32x128xi32, #tpu.memory_space<vmem>>)
        tpu.yield
      }) : () -> ()
      %mul3A_330 = arith.constant 32 : i32
      %mul3A_331 = arith.muli %arg1, %mul3A_330 : i32
      "tpu.region"() ({
        %run_scoped3A_341 = tpu.sem_alloc : memref<!tpu.dma_semaphore, #tpu.memory_space<semaphore_mem>>
        %dma_start3A = arith.constant 0 : i32
        %dma_start3A_342 = tpu.memref_slice %arg4[%mul3A_331, %dma_start3A] : memref<512x128xf32, #tpu.memory_space<hbm>> -> memref<32x128xf32, #tpu.memory_space<hbm>>
        %dma_start3A_343 = arith.constant 0 : i32
        %dma_start3A_344 = tpu.memref_slice %arg4[%mul3A_331, %dma_start3A_343] : memref<512x128xf32, #tpu.memory_space<hbm>> -> memref<32x128xf32, #tpu.memory_space<hbm>>
        tpu.enqueue_dma source(%dma_start3A_344 : memref<32x128xf32, #tpu.memory_space<hbm>>) target(%arg11 : memref<32x128xf32, #tpu.memory_space<vmem>>) target_semaphore(%run_scoped3A_341 : memref<!tpu.dma_semaphore, #tpu.memory_space<semaphore_mem>>)
        %dma_wait3A = arith.constant 0 : i32
        %dma_wait3A_345 = tpu.memref_slice %arg4[%mul3A_331, %dma_wait3A] : memref<512x128xf32, #tpu.memory_space<hbm>> -> memref<32x128xf32, #tpu.memory_space<hbm>>
        %dma_wait3A_346 = arith.constant 0 : i32
        %dma_wait3A_347 = tpu.memref_slice %arg4[%mul3A_331, %dma_wait3A_346] : memref<512x128xf32, #tpu.memory_space<hbm>> -> memref<32x128xf32, #tpu.memory_space<hbm>>
        tpu.wait_dma2 semaphore(%run_scoped3A_341 : memref<!tpu.dma_semaphore, #tpu.memory_space<semaphore_mem>>) src(%dma_wait3A_347 : memref<32x128xf32, #tpu.memory_space<hbm>>) dst(%arg11 : memref<32x128xf32, #tpu.memory_space<vmem>>)
        tpu.yield
      }) : () -> ()
      %scan3A = arith.constant 0 : i32
      %scan3A_332 = arith.constant 32 : i32
      %scan3A_333 = arith.addi %scan3A, %scan3A_332 : i32
      %scan3A_334 = arith.constant 1 : i32
      scf.for %scan3A_341 = %scan3A to %scan3A_333 step %scan3A_334  : i32 {
        %mul3A_342 = arith.constant 1 : i32
        %mul3A_343 = arith.muli %scan3A_341, %mul3A_342 : i32
        %add3A_344 = arith.constant 0 : i32
        %add3A_345 = arith.addi %add3A_344, %mul3A_343 : i32
        %dma_start3A = arith.constant 0 : i32
        %dma_start3A_346 = tpu.memref_slice %arg10[%add3A_345, %dma_start3A] : memref<32x128xi32, #tpu.memory_space<vmem>> -> memref<1x128xi32, #tpu.memory_space<vmem>>
        %dma_start3A_347 = tpu.memref_squeeze %dma_start3A_346 : memref<1x128xi32, #tpu.memory_space<vmem>> -> memref<128xi32, #tpu.memory_space<vmem>>
        %dma_start3A_348 = arith.constant 0 : i32
        %dma_start3A_349 = arith.constant 0 : i32
        %dma_start3A_350 = tpu.memref_slice %arg2[%dma_start3A_348, %dma_start3A_349] : memref<16384x16xf32, #tpu.memory_space<hbm>> -> memref<16384x16xf32, #tpu.memory_space<hbm>>
        tpu.enqueue_indirect_dma source(%dma_start3A_350 : memref<16384x16xf32, #tpu.memory_space<hbm>>) target(%arg12 : memref<128x16xf32, #tpu.memory_space<vmem>>) offsets(%dma_start3A_347 : memref<128xi32, #tpu.memory_space<vmem>>) semaphore(%arg16 : memref<!tpu.dma_semaphore, #tpu.memory_space<semaphore_mem>>)
        %dma_wait3A = arith.constant 0 : i32
        %dma_wait3A_351 = tpu.memref_slice %arg10[%add3A_345, %dma_wait3A] : memref<32x128xi32, #tpu.memory_space<vmem>> -> memref<1x128xi32, #tpu.memory_space<vmem>>
        %dma_wait3A_352 = tpu.memref_squeeze %dma_wait3A_351 : memref<1x128xi32, #tpu.memory_space<vmem>> -> memref<128xi32, #tpu.memory_space<vmem>>
        %dma_wait3A_353 = arith.constant 0 : i32
        %dma_wait3A_354 = arith.constant 0 : i32
        %dma_wait3A_355 = tpu.memref_slice %arg2[%dma_wait3A_353, %dma_wait3A_354] : memref<16384x16xf32, #tpu.memory_space<hbm>> -> memref<16384x16xf32, #tpu.memory_space<hbm>>
        tpu.wait_indirect_dma semaphore(%arg16 : memref<!tpu.dma_semaphore, #tpu.memory_space<semaphore_mem>>) src(%dma_wait3A_355 : memref<16384x16xf32, #tpu.memory_space<hbm>>) dst(%arg12 : memref<128x16xf32, #tpu.memory_space<vmem>>)
        %get3A = arith.index_cast %add3A_345 : i32 to index
        %get3A_356 = arith.constant 0 : index
        %get3A_357 = tpu.vector_load %arg11[%get3A, %get3A_356] {strides = array<i32>} : memref<32x128xf32, #tpu.memory_space<vmem>>, vector<16xf32>,
        %get3A_358 = arith.index_cast %add3A_345 : i32 to index
        %get3A_359 = arith.constant 16 : index
        %get3A_360 = tpu.vector_load %arg11[%get3A_358, %get3A_359] {strides = array<i32>} : memref<32x128xf32, #tpu.memory_space<vmem>>, vector<16xf32>,
        %get3A_361 = arith.index_cast %add3A_345 : i32 to index
        %get3A_362 = arith.constant 32 : index
        %get3A_363 = tpu.vector_load %arg11[%get3A_361, %get3A_362] {strides = array<i32>} : memref<32x128xf32, #tpu.memory_space<vmem>>, vector<16xf32>,
        %get3A_364 = arith.index_cast %add3A_345 : i32 to index
        %get3A_365 = arith.constant 48 : index
        %get3A_366 = tpu.vector_load %arg11[%get3A_364, %get3A_365] {strides = array<i32>} : memref<32x128xf32, #tpu.memory_space<vmem>>, vector<16xf32>,
        %get3A_367 = arith.index_cast %add3A_345 : i32 to index
        %get3A_368 = arith.constant 64 : index
        %get3A_369 = tpu.vector_load %arg11[%get3A_367, %get3A_368] {strides = array<i32>} : memref<32x128xf32, #tpu.memory_space<vmem>>, vector<16xf32>,
        %get3A_370 = arith.index_cast %add3A_345 : i32 to index
        %get3A_371 = arith.constant 80 : index
        %get3A_372 = tpu.vector_load %arg11[%get3A_370, %get3A_371] {strides = array<i32>} : memref<32x128xf32, #tpu.memory_space<vmem>>, vector<16xf32>,
        %get3A_373 = arith.index_cast %add3A_345 : i32 to index
        %get3A_374 = arith.constant 96 : index
        %get3A_375 = tpu.vector_load %arg11[%get3A_373, %get3A_374] {strides = array<i32>} : memref<32x128xf32, #tpu.memory_space<vmem>>, vector<16xf32>,
        %get3A_376 = arith.index_cast %add3A_345 : i32 to index
        %get3A_377 = arith.constant 112 : index
        %get3A_378 = tpu.vector_load %arg11[%get3A_376, %get3A_377] {strides = array<i32>} : memref<32x128xf32, #tpu.memory_space<vmem>>, vector<16xf32>,
        %get3A_379 = arith.constant 0 : i32
        %get3A_380 = arith.index_cast %get3A_379 : i32 to index
        %get3A_381 = arith.constant 0 : index
        %get3A_382 = tpu.vector_load %arg12[%get3A_380, %get3A_381] {strides = array<i32>} : memref<128x16xf32, #tpu.memory_space<vmem>>, vector<16xf32>,
        %slice3A = vector.extract_strided_slice %get3A_357 {offsets = [0], sizes = [1], strides = [1]} : vector<16xf32> to vector<1xf32>
        %squeeze3A = vector.extract %slice3A[0] : f32 from vector<1xf32>
        %mul3A_383 = vector.broadcast %squeeze3A : f32 to vector<16xf32>
        %mul3A_384 = arith.mulf %get3A_382, %mul3A_383 : vector<16xf32>
        %swap3A_385 = arith.constant 0 : i32
        %swap3A_386 = arith.index_cast %swap3A_385 : i32 to index
        %swap3A_387 = arith.constant 0 : index
        %swap3A_388 = tpu.vector_load %arg13[%swap3A_386, %swap3A_387] {strides = array<i32>} : memref<128x16xf32, #tpu.memory_space<vmem>>, vector<16xf32>,
        tpu.vector_store %arg13[%swap3A_386, %swap3A_387], %mul3A_384 {strides = array<i32>} : memref<128x16xf32, #tpu.memory_space<vmem>>, vector<16xf32>,
        %get3A_389 = arith.constant 1 : i32
        %get3A_390 = arith.index_cast %get3A_389 : i32 to index
        %get3A_391 = arith.constant 0 : index
        %get3A_392 = tpu.vector_load %arg12[%get3A_390, %get3A_391] {strides = array<i32>} : memref<128x16xf32, #tpu.memory_space<vmem>>, vector<16xf32>,
        %slice3A_393 = vector.extract_strided_slice %get3A_357 {offsets = [1], sizes = [1], strides = [1]} : vector<16xf32> to vector<1xf32>
        %squeeze3A_394 = vector.extract %slice3A_393[0] : f32 from vector<1xf32>
        %mul3A_395 = vector.broadcast %squeeze3A_394 : f32 to vector<16xf32>
        %mul3A_396 = arith.mulf %get3A_392, %mul3A_395 : vector<16xf32>
        %swap3A_397 = arith.constant 1 : i32
        %swap3A_398 = arith.index_cast %swap3A_397 : i32 to index
        %swap3A_399 = arith.constant 0 : index
        %swap3A_400 = tpu.vector_load %arg13[%swap3A_398, %swap3A_399] {strides = array<i32>} : memref<128x16xf32, #tpu.memory_space<vmem>>, vector<16xf32>,
        tpu.vector_store %arg13[%swap3A_398, %swap3A_399], %mul3A_396 {strides = array<i32>} : memref<128x16xf32, #tpu.memory_space<vmem>>, vector<16xf32>,
        %get3A_401 = arith.constant 2 : i32
        %get3A_402 = arith.index_cast %get3A_401 : i32 to index
        %get3A_403 = arith.constant 0 : index
        %get3A_404 = tpu.vector_load %arg12[%get3A_402, %get3A_403] {strides = array<i32>} : memref<128x16xf32, #tpu.memory_space<vmem>>, vector<16xf32>,
        %slice3A_405 = vector.extract_strided_slice %get3A_357 {offsets = [2], sizes = [1], strides = [1]} : vector<16xf32> to vector<1xf32>
        %squeeze3A_406 = vector.extract %slice3A_405[0] : f32 from vector<1xf32>
        %mul3A_407 = vector.broadcast %squeeze3A_406 : f32 to vector<16xf32>
        %mul3A_408 = arith.mulf %get3A_404, %mul3A_407 : vector<16xf32>
        %swap3A_409 = arith.constant 2 : i32
        %swap3A_410 = arith.index_cast %swap3A_409 : i32 to index
        %swap3A_411 = arith.constant 0 : index
        %swap3A_412 = tpu.vector_load %arg13[%swap3A_410, %swap3A_411] {strides = array<i32>} : memref<128x16xf32, #tpu.memory_space<vmem>>, vector<16xf32>,
        tpu.vector_store %arg13[%swap3A_410, %swap3A_411], %mul3A_408 {strides = array<i32>} : memref<128x16xf32, #tpu.memory_space<vmem>>, vector<16xf32>,
        %get3A_413 = arith.constant 3 : i32
        %get3A_414 = arith.index_cast %get3A_413 : i32 to index
        %get3A_415 = arith.constant 0 : index
        %get3A_416 = tpu.vector_load %arg12[%get3A_414, %get3A_415] {strides = array<i32>} : memref<128x16xf32, #tpu.memory_space<vmem>>, vector<16xf32>,
        %slice3A_417 = vector.extract_strided_slice %get3A_357 {offsets = [3], sizes = [1], strides = [1]} : vector<16xf32> to vector<1xf32>
        %squeeze3A_418 = vector.extract %slice3A_417[0] : f32 from vector<1xf32>
        %mul3A_419 = vector.broadcast %squeeze3A_418 : f32 to vector<16xf32>
        %mul3A_420 = arith.mulf %get3A_416, %mul3A_419 : vector<16xf32>
        %swap3A_421 = arith.constant 3 : i32
        %swap3A_422 = arith.index_cast %swap3A_421 : i32 to index
        %swap3A_423 = arith.constant 0 : index
        %swap3A_424 = tpu.vector_load %arg13[%swap3A_422, %swap3A_423] {strides = array<i32>} : memref<128x16xf32, #tpu.memory_space<vmem>>, vector<16xf32>,
        tpu.vector_store %arg13[%swap3A_422, %swap3A_423], %mul3A_420 {strides = array<i32>} : memref<128x16xf32, #tpu.memory_space<vmem>>, vector<16xf32>,
        %get3A_425 = arith.constant 4 : i32
        %get3A_426 = arith.index_cast %get3A_425 : i32 to index
        %get3A_427 = arith.constant 0 : index
        %get3A_428 = tpu.vector_load %arg12[%get3A_426, %get3A_427] {strides = array<i32>} : memref<128x16xf32, #tpu.memory_space<vmem>>, vector<16xf32>,
        %slice3A_429 = vector.extract_strided_slice %get3A_357 {offsets = [4], sizes = [1], strides = [1]} : vector<16xf32> to vector<1xf32>
        %squeeze3A_430 = vector.extract %slice3A_429[0] : f32 from vector<1xf32>
        %mul3A_431 = vector.broadcast %squeeze3A_430 : f32 to vector<16xf32>
        %mul3A_432 = arith.mulf %get3A_428, %mul3A_431 : vector<16xf32>
        %swap3A_433 = arith.constant 4 : i32
        %swap3A_434 = arith.index_cast %swap3A_433 : i32 to index
        %swap3A_435 = arith.constant 0 : index
        %swap3A_436 = tpu.vector_load %arg13[%swap3A_434, %swap3A_435] {strides = array<i32>} : memref<128x16xf32, #tpu.memory_space<vmem>>, vector<16xf32>,
        tpu.vector_store %arg13[%swap3A_434, %swap3A_435], %mul3A_432 {strides = array<i32>} : memref<128x16xf32, #tpu.memory_space<vmem>>, vector<16xf32>,
        %get3A_437 = arith.constant 5 : i32
        %get3A_438 = arith.index_cast %get3A_437 : i32 to index
        %get3A_439 = arith.constant 0 : index
        %get3A_440 = tpu.vector_load %arg12[%get3A_438, %get3A_439] {strides = array<i32>} : memref<128x16xf32, #tpu.memory_space<vmem>>, vector<16xf32>,
        %slice3A_441 = vector.extract_strided_slice %get3A_357 {offsets = [5], sizes = [1], strides = [1]} : vector<16xf32> to vector<1xf32>
        %squeeze3A_442 = vector.extract %slice3A_441[0] : f32 from vector<1xf32>
        %mul3A_443 = vector.broadcast %squeeze3A_442 : f32 to vector<16xf32>
        %mul3A_444 = arith.mulf %get3A_440, %mul3A_443 : vector<16xf32>
        %swap3A_445 = arith.constant 5 : i32
        %swap3A_446 = arith.index_cast %swap3A_445 : i32 to index
        %swap3A_447 = arith.constant 0 : index
        %swap3A_448 = tpu.vector_load %arg13[%swap3A_446, %swap3A_447] {strides = array<i32>} : memref<128x16xf32, #tpu.memory_space<vmem>>, vector<16xf32>,
        tpu.vector_store %arg13[%swap3A_446, %swap3A_447], %mul3A_444 {strides = array<i32>} : memref<128x16xf32, #tpu.memory_space<vmem>>, vector<16xf32>,
        %get3A_449 = arith.constant 6 : i32
        %get3A_450 = arith.index_cast %get3A_449 : i32 to index
        %get3A_451 = arith.constant 0 : index
        %get3A_452 = tpu.vector_load %arg12[%get3A_450, %get3A_451] {strides = array<i32>} : memref<128x16xf32, #tpu.memory_space<vmem>>, vector<16xf32>,
        %slice3A_453 = vector.extract_strided_slice %get3A_357 {offsets = [6], sizes = [1], strides = [1]} : vector<16xf32> to vector<1xf32>
        %squeeze3A_454 = vector.extract %slice3A_453[0] : f32 from vector<1xf32>
        %mul3A_455 = vector.broadcast %squeeze3A_454 : f32 to vector<16xf32>
        %mul3A_456 = arith.mulf %get3A_452, %mul3A_455 : vector<16xf32>
        %swap3A_457 = arith.constant 6 : i32
        %swap3A_458 = arith.index_cast %swap3A_457 : i32 to index
        %swap3A_459 = arith.constant 0 : index
        %swap3A_460 = tpu.vector_load %arg13[%swap3A_458, %swap3A_459] {strides = array<i32>} : memref<128x16xf32, #tpu.memory_space<vmem>>, vector<16xf32>,
        tpu.vector_store %arg13[%swap3A_458, %swap3A_459], %mul3A_456 {strides = array<i32>} : memref<128x16xf32, #tpu.memory_space<vmem>>, vector<16xf32>,
        %get3A_461 = arith.constant 7 : i32
        %get3A_462 = arith.index_cast %get3A_461 : i32 to index
        %get3A_463 = arith.constant 0 : index
        %get3A_464 = tpu.vector_load %arg12[%get3A_462, %get3A_463] {strides = array<i32>} : memref<128x16xf32, #tpu.memory_space<vmem>>, vector<16xf32>,
        %slice3A_465 = vector.extract_strided_slice %get3A_357 {offsets = [7], sizes = [1], strides = [1]} : vector<16xf32> to vector<1xf32>
        %squeeze3A_466 = vector.extract %slice3A_465[0] : f32 from vector<1xf32>
        %mul3A_467 = vector.broadcast %squeeze3A_466 : f32 to vector<16xf32>
        %mul3A_468 = arith.mulf %get3A_464, %mul3A_467 : vector<16xf32>
        %swap3A_469 = arith.constant 7 : i32
        %swap3A_470 = arith.index_cast %swap3A_469 : i32 to index
        %swap3A_471 = arith.constant 0 : index
        %swap3A_472 = tpu.vector_load %arg13[%swap3A_470, %swap3A_471] {strides = array<i32>} : memref<128x16xf32, #tpu.memory_space<vmem>>, vector<16xf32>,
        tpu.vector_store %arg13[%swap3A_470, %swap3A_471], %mul3A_468 {strides = array<i32>} : memref<128x16xf32, #tpu.memory_space<vmem>>, vector<16xf32>,
        %get3A_473 = arith.constant 8 : i32
        %get3A_474 = arith.index_cast %get3A_473 : i32 to index
        %get3A_475 = arith.constant 0 : index
        %get3A_476 = tpu.vector_load %arg12[%get3A_474, %get3A_475] {strides = array<i32>} : memref<128x16xf32, #tpu.memory_space<vmem>>, vector<16xf32>,
        %slice3A_477 = vector.extract_strided_slice %get3A_357 {offsets = [8], sizes = [1], strides = [1]} : vector<16xf32> to vector<1xf32>
        %squeeze3A_478 = vector.extract %slice3A_477[0] : f32 from vector<1xf32>
        %mul3A_479 = vector.broadcast %squeeze3A_478 : f32 to vector<16xf32>
        %mul3A_480 = arith.mulf %get3A_476, %mul3A_479 : vector<16xf32>
        %swap3A_481 = arith.constant 8 : i32
        %swap3A_482 = arith.index_cast %swap3A_481 : i32 to index
        %swap3A_483 = arith.constant 0 : index
        %swap3A_484 = tpu.vector_load %arg13[%swap3A_482, %swap3A_483] {strides = array<i32>} : memref<128x16xf32, #tpu.memory_space<vmem>>, vector<16xf32>,
        tpu.vector_store %arg13[%swap3A_482, %swap3A_483], %mul3A_480 {strides = array<i32>} : memref<128x16xf32, #tpu.memory_space<vmem>>, vector<16xf32>,
        %get3A_485 = arith.constant 9 : i32
        %get3A_486 = arith.index_cast %get3A_485 : i32 to index
        %get3A_487 = arith.constant 0 : index
        %get3A_488 = tpu.vector_load %arg12[%get3A_486, %get3A_487] {strides = array<i32>} : memref<128x16xf32, #tpu.memory_space<vmem>>, vector<16xf32>,
        %slice3A_489 = vector.extract_strided_slice %get3A_357 {offsets = [9], sizes = [1], strides = [1]} : vector<16xf32> to vector<1xf32>
        %squeeze3A_490 = vector.extract %slice3A_489[0] : f32 from vector<1xf32>
        %mul3A_491 = vector.broadcast %squeeze3A_490 : f32 to vector<16xf32>
        %mul3A_492 = arith.mulf %get3A_488, %mul3A_491 : vector<16xf32>
        %swap3A_493 = arith.constant 9 : i32
        %swap3A_494 = arith.index_cast %swap3A_493 : i32 to index
        %swap3A_495 = arith.constant 0 : index
        %swap3A_496 = tpu.vector_load %arg13[%swap3A_494, %swap3A_495] {strides = array<i32>} : memref<128x16xf32, #tpu.memory_space<vmem>>, vector<16xf32>,
        tpu.vector_store %arg13[%swap3A_494, %swap3A_495], %mul3A_492 {strides = array<i32>} : memref<128x16xf32, #tpu.memory_space<vmem>>, vector<16xf32>,
        %get3A_497 = arith.constant 10 : i32
        %get3A_498 = arith.index_cast %get3A_497 : i32 to index
        %get3A_499 = arith.constant 0 : index
        %get3A_500 = tpu.vector_load %arg12[%get3A_498, %get3A_499] {strides = array<i32>} : memref<128x16xf32, #tpu.memory_space<vmem>>, vector<16xf32>,
        %slice3A_501 = vector.extract_strided_slice %get3A_357 {offsets = [10], sizes = [1], strides = [1]} : vector<16xf32> to vector<1xf32>
        %squeeze3A_502 = vector.extract %slice3A_501[0] : f32 from vector<1xf32>
        %mul3A_503 = vector.broadcast %squeeze3A_502 : f32 to vector<16xf32>
        %mul3A_504 = arith.mulf %get3A_500, %mul3A_503 : vector<16xf32>
        %swap3A_505 = arith.constant 10 : i32
        %swap3A_506 = arith.index_cast %swap3A_505 : i32 to index
        %swap3A_507 = arith.constant 0 : index
        %swap3A_508 = tpu.vector_load %arg13[%swap3A_506, %swap3A_507] {strides = array<i32>} : memref<128x16xf32, #tpu.memory_space<vmem>>, vector<16xf32>,
        tpu.vector_store %arg13[%swap3A_506, %swap3A_507], %mul3A_504 {strides = array<i32>} : memref<128x16xf32, #tpu.memory_space<vmem>>, vector<16xf32>,
        %get3A_509 = arith.constant 11 : i32
        %get3A_510 = arith.index_cast %get3A_509 : i32 to index
        %get3A_511 = arith.constant 0 : index
        %get3A_512 = tpu.vector_load %arg12[%get3A_510, %get3A_511] {strides = array<i32>} : memref<128x16xf32, #tpu.memory_space<vmem>>, vector<16xf32>,
        %slice3A_513 = vector.extract_strided_slice %get3A_357 {offsets = [11], sizes = [1], strides = [1]} : vector<16xf32> to vector<1xf32>
        %squeeze3A_514 = vector.extract %slice3A_513[0] : f32 from vector<1xf32>
        %mul3A_515 = vector.broadcast %squeeze3A_514 : f32 to vector<16xf32>
        %mul3A_516 = arith.mulf %get3A_512, %mul3A_515 : vector<16xf32>
        %swap3A_517 = arith.constant 11 : i32
        %swap3A_518 = arith.index_cast %swap3A_517 : i32 to index
        %swap3A_519 = arith.constant 0 : index
        %swap3A_520 = tpu.vector_load %arg13[%swap3A_518, %swap3A_519] {strides = array<i32>} : memref<128x16xf32, #tpu.memory_space<vmem>>, vector<16xf32>,
        tpu.vector_store %arg13[%swap3A_518, %swap3A_519], %mul3A_516 {strides = array<i32>} : memref<128x16xf32, #tpu.memory_space<vmem>>, vector<16xf32>,
        %get3A_521 = arith.constant 12 : i32
        %get3A_522 = arith.index_cast %get3A_521 : i32 to index
        %get3A_523 = arith.constant 0 : index
        %get3A_524 = tpu.vector_load %arg12[%get3A_522, %get3A_523] {strides = array<i32>} : memref<128x16xf32, #tpu.memory_space<vmem>>, vector<16xf32>,
        %slice3A_525 = vector.extract_strided_slice %get3A_357 {offsets = [12], sizes = [1], strides = [1]} : vector<16xf32> to vector<1xf32>
        %squeeze3A_526 = vector.extract %slice3A_525[0] : f32 from vector<1xf32>
        %mul3A_527 = vector.broadcast %squeeze3A_526 : f32 to vector<16xf32>
        %mul3A_528 = arith.mulf %get3A_524, %mul3A_527 : vector<16xf32>
        %swap3A_529 = arith.constant 12 : i32
        %swap3A_530 = arith.index_cast %swap3A_529 : i32 to index
        %swap3A_531 = arith.constant 0 : index
        %swap3A_532 = tpu.vector_load %arg13[%swap3A_530, %swap3A_531] {strides = array<i32>} : memref<128x16xf32, #tpu.memory_space<vmem>>, vector<16xf32>,
        tpu.vector_store %arg13[%swap3A_530, %swap3A_531], %mul3A_528 {strides = array<i32>} : memref<128x16xf32, #tpu.memory_space<vmem>>, vector<16xf32>,
        %get3A_533 = arith.constant 13 : i32
        %get3A_534 = arith.index_cast %get3A_533 : i32 to index
        %get3A_535 = arith.constant 0 : index
        %get3A_536 = tpu.vector_load %arg12[%get3A_534, %get3A_535] {strides = array<i32>} : memref<128x16xf32, #tpu.memory_space<vmem>>, vector<16xf32>,
        %slice3A_537 = vector.extract_strided_slice %get3A_357 {offsets = [13], sizes = [1], strides = [1]} : vector<16xf32> to vector<1xf32>
        %squeeze3A_538 = vector.extract %slice3A_537[0] : f32 from vector<1xf32>
        %mul3A_539 = vector.broadcast %squeeze3A_538 : f32 to vector<16xf32>
        %mul3A_540 = arith.mulf %get3A_536, %mul3A_539 : vector<16xf32>
        %swap3A_541 = arith.constant 13 : i32
        %swap3A_542 = arith.index_cast %swap3A_541 : i32 to index
        %swap3A_543 = arith.constant 0 : index
        %swap3A_544 = tpu.vector_load %arg13[%swap3A_542, %swap3A_543] {strides = array<i32>} : memref<128x16xf32, #tpu.memory_space<vmem>>, vector<16xf32>,
        tpu.vector_store %arg13[%swap3A_542, %swap3A_543], %mul3A_540 {strides = array<i32>} : memref<128x16xf32, #tpu.memory_space<vmem>>, vector<16xf32>,
        %get3A_545 = arith.constant 14 : i32
        %get3A_546 = arith.index_cast %get3A_545 : i32 to index
        %get3A_547 = arith.constant 0 : index
        %get3A_548 = tpu.vector_load %arg12[%get3A_546, %get3A_547] {strides = array<i32>} : memref<128x16xf32, #tpu.memory_space<vmem>>, vector<16xf32>,
        %slice3A_549 = vector.extract_strided_slice %get3A_357 {offsets = [14], sizes = [1], strides = [1]} : vector<16xf32> to vector<1xf32>
        %squeeze3A_550 = vector.extract %slice3A_549[0] : f32 from vector<1xf32>
        %mul3A_551 = vector.broadcast %squeeze3A_550 : f32 to vector<16xf32>
        %mul3A_552 = arith.mulf %get3A_548, %mul3A_551 : vector<16xf32>
        %swap3A_553 = arith.constant 14 : i32
        %swap3A_554 = arith.index_cast %swap3A_553 : i32 to index
        %swap3A_555 = arith.constant 0 : index
        %swap3A_556 = tpu.vector_load %arg13[%swap3A_554, %swap3A_555] {strides = array<i32>} : memref<128x16xf32, #tpu.memory_space<vmem>>, vector<16xf32>,
        tpu.vector_store %arg13[%swap3A_554, %swap3A_555], %mul3A_552 {strides = array<i32>} : memref<128x16xf32, #tpu.memory_space<vmem>>, vector<16xf32>,
        %get3A_557 = arith.constant 15 : i32
        %get3A_558 = arith.index_cast %get3A_557 : i32 to index
        %get3A_559 = arith.constant 0 : index
        %get3A_560 = tpu.vector_load %arg12[%get3A_558, %get3A_559] {strides = array<i32>} : memref<128x16xf32, #tpu.memory_space<vmem>>, vector<16xf32>,
        %slice3A_561 = vector.extract_strided_slice %get3A_357 {offsets = [15], sizes = [1], strides = [1]} : vector<16xf32> to vector<1xf32>
        %squeeze3A_562 = vector.extract %slice3A_561[0] : f32 from vector<1xf32>
        %mul3A_563 = vector.broadcast %squeeze3A_562 : f32 to vector<16xf32>
        %mul3A_564 = arith.mulf %get3A_560, %mul3A_563 : vector<16xf32>
        %swap3A_565 = arith.constant 15 : i32
        %swap3A_566 = arith.index_cast %swap3A_565 : i32 to index
        %swap3A_567 = arith.constant 0 : index
        %swap3A_568 = tpu.vector_load %arg13[%swap3A_566, %swap3A_567] {strides = array<i32>} : memref<128x16xf32, #tpu.memory_space<vmem>>, vector<16xf32>,
        tpu.vector_store %arg13[%swap3A_566, %swap3A_567], %mul3A_564 {strides = array<i32>} : memref<128x16xf32, #tpu.memory_space<vmem>>, vector<16xf32>,
        %get3A_569 = arith.constant 16 : i32
        %get3A_570 = arith.index_cast %get3A_569 : i32 to index
        %get3A_571 = arith.constant 0 : index
        %get3A_572 = tpu.vector_load %arg12[%get3A_570, %get3A_571] {strides = array<i32>} : memref<128x16xf32, #tpu.memory_space<vmem>>, vector<16xf32>,
        %slice3A_573 = vector.extract_strided_slice %get3A_360 {offsets = [0], sizes = [1], strides = [1]} : vector<16xf32> to vector<1xf32>
        %squeeze3A_574 = vector.extract %slice3A_573[0] : f32 from vector<1xf32>
        %mul3A_575 = vector.broadcast %squeeze3A_574 : f32 to vector<16xf32>
        %mul3A_576 = arith.mulf %get3A_572, %mul3A_575 : vector<16xf32>
        %swap3A_577 = arith.constant 16 : i32
        %swap3A_578 = arith.index_cast %swap3A_577 : i32 to index
        %swap3A_579 = arith.constant 0 : index
        %swap3A_580 = tpu.vector_load %arg13[%swap3A_578, %swap3A_579] {strides = array<i32>} : memref<128x16xf32, #tpu.memory_space<vmem>>, vector<16xf32>,
        tpu.vector_store %arg13[%swap3A_578, %swap3A_579], %mul3A_576 {strides = array<i32>} : memref<128x16xf32, #tpu.memory_space<vmem>>, vector<16xf32>,
        %get3A_581 = arith.constant 17 : i32
        %get3A_582 = arith.index_cast %get3A_581 : i32 to index
        %get3A_583 = arith.constant 0 : index
        %get3A_584 = tpu.vector_load %arg12[%get3A_582, %get3A_583] {strides = array<i32>} : memref<128x16xf32, #tpu.memory_space<vmem>>, vector<16xf32>,
        %slice3A_585 = vector.extract_strided_slice %get3A_360 {offsets = [1], sizes = [1], strides = [1]} : vector<16xf32> to vector<1xf32>
        %squeeze3A_586 = vector.extract %slice3A_585[0] : f32 from vector<1xf32>
        %mul3A_587 = vector.broadcast %squeeze3A_586 : f32 to vector<16xf32>
        %mul3A_588 = arith.mulf %get3A_584, %mul3A_587 : vector<16xf32>
        %swap3A_589 = arith.constant 17 : i32
        %swap3A_590 = arith.index_cast %swap3A_589 : i32 to index
        %swap3A_591 = arith.constant 0 : index
        %swap3A_592 = tpu.vector_load %arg13[%swap3A_590, %swap3A_591] {strides = array<i32>} : memref<128x16xf32, #tpu.memory_space<vmem>>, vector<16xf32>,
        tpu.vector_store %arg13[%swap3A_590, %swap3A_591], %mul3A_588 {strides = array<i32>} : memref<128x16xf32, #tpu.memory_space<vmem>>, vector<16xf32>,
        %get3A_593 = arith.constant 18 : i32
        %get3A_594 = arith.index_cast %get3A_593 : i32 to index
        %get3A_595 = arith.constant 0 : index
        %get3A_596 = tpu.vector_load %arg12[%get3A_594, %get3A_595] {strides = array<i32>} : memref<128x16xf32, #tpu.memory_space<vmem>>, vector<16xf32>,
        %slice3A_597 = vector.extract_strided_slice %get3A_360 {offsets = [2], sizes = [1], strides = [1]} : vector<16xf32> to vector<1xf32>
        %squeeze3A_598 = vector.extract %slice3A_597[0] : f32 from vector<1xf32>
        %mul3A_599 = vector.broadcast %squeeze3A_598 : f32 to vector<16xf32>
        %mul3A_600 = arith.mulf %get3A_596, %mul3A_599 : vector<16xf32>
        %swap3A_601 = arith.constant 18 : i32
        %swap3A_602 = arith.index_cast %swap3A_601 : i32 to index
        %swap3A_603 = arith.constant 0 : index
        %swap3A_604 = tpu.vector_load %arg13[%swap3A_602, %swap3A_603] {strides = array<i32>} : memref<128x16xf32, #tpu.memory_space<vmem>>, vector<16xf32>,
        tpu.vector_store %arg13[%swap3A_602, %swap3A_603], %mul3A_600 {strides = array<i32>} : memref<128x16xf32, #tpu.memory_space<vmem>>, vector<16xf32>,
        %get3A_605 = arith.constant 19 : i32
        %get3A_606 = arith.index_cast %get3A_605 : i32 to index
        %get3A_607 = arith.constant 0 : index
        %get3A_608 = tpu.vector_load %arg12[%get3A_606, %get3A_607] {strides = array<i32>} : memref<128x16xf32, #tpu.memory_space<vmem>>, vector<16xf32>,
        %slice3A_609 = vector.extract_strided_slice %get3A_360 {offsets = [3], sizes = [1], strides = [1]} : vector<16xf32> to vector<1xf32>
        %squeeze3A_610 = vector.extract %slice3A_609[0] : f32 from vector<1xf32>
        %mul3A_611 = vector.broadcast %squeeze3A_610 : f32 to vector<16xf32>
        %mul3A_612 = arith.mulf %get3A_608, %mul3A_611 : vector<16xf32>
        %swap3A_613 = arith.constant 19 : i32
        %swap3A_614 = arith.index_cast %swap3A_613 : i32 to index
        %swap3A_615 = arith.constant 0 : index
        %swap3A_616 = tpu.vector_load %arg13[%swap3A_614, %swap3A_615] {strides = array<i32>} : memref<128x16xf32, #tpu.memory_space<vmem>>, vector<16xf32>,
        tpu.vector_store %arg13[%swap3A_614, %swap3A_615], %mul3A_612 {strides = array<i32>} : memref<128x16xf32, #tpu.memory_space<vmem>>, vector<16xf32>,
        %get3A_617 = arith.constant 20 : i32
        %get3A_618 = arith.index_cast %get3A_617 : i32 to index
        %get3A_619 = arith.constant 0 : index
        %get3A_620 = tpu.vector_load %arg12[%get3A_618, %get3A_619] {strides = array<i32>} : memref<128x16xf32, #tpu.memory_space<vmem>>, vector<16xf32>,
        %slice3A_621 = vector.extract_strided_slice %get3A_360 {offsets = [4], sizes = [1], strides = [1]} : vector<16xf32> to vector<1xf32>
        %squeeze3A_622 = vector.extract %slice3A_621[0] : f32 from vector<1xf32>
        %mul3A_623 = vector.broadcast %squeeze3A_622 : f32 to vector<16xf32>
        %mul3A_624 = arith.mulf %get3A_620, %mul3A_623 : vector<16xf32>
        %swap3A_625 = arith.constant 20 : i32
        %swap3A_626 = arith.index_cast %swap3A_625 : i32 to index
        %swap3A_627 = arith.constant 0 : index
        %swap3A_628 = tpu.vector_load %arg13[%swap3A_626, %swap3A_627] {strides = array<i32>} : memref<128x16xf32, #tpu.memory_space<vmem>>, vector<16xf32>,
        tpu.vector_store %arg13[%swap3A_626, %swap3A_627], %mul3A_624 {strides = array<i32>} : memref<128x16xf32, #tpu.memory_space<vmem>>, vector<16xf32>,
        %get3A_629 = arith.constant 21 : i32
        %get3A_630 = arith.index_cast %get3A_629 : i32 to index
        %get3A_631 = arith.constant 0 : index
        %get3A_632 = tpu.vector_load %arg12[%get3A_630, %get3A_631] {strides = array<i32>} : memref<128x16xf32, #tpu.memory_space<vmem>>, vector<16xf32>,
        %slice3A_633 = vector.extract_strided_slice %get3A_360 {offsets = [5], sizes = [1], strides = [1]} : vector<16xf32> to vector<1xf32>
        %squeeze3A_634 = vector.extract %slice3A_633[0] : f32 from vector<1xf32>
        %mul3A_635 = vector.broadcast %squeeze3A_634 : f32 to vector<16xf32>
        %mul3A_636 = arith.mulf %get3A_632, %mul3A_635 : vector<16xf32>
        %swap3A_637 = arith.constant 21 : i32
        %swap3A_638 = arith.index_cast %swap3A_637 : i32 to index
        %swap3A_639 = arith.constant 0 : index
        %swap3A_640 = tpu.vector_load %arg13[%swap3A_638, %swap3A_639] {strides = array<i32>} : memref<128x16xf32, #tpu.memory_space<vmem>>, vector<16xf32>,
        tpu.vector_store %arg13[%swap3A_638, %swap3A_639], %mul3A_636 {strides = array<i32>} : memref<128x16xf32, #tpu.memory_space<vmem>>, vector<16xf32>,
        %get3A_641 = arith.constant 22 : i32
        %get3A_642 = arith.index_cast %get3A_641 : i32 to index
        %get3A_643 = arith.constant 0 : index
        %get3A_644 = tpu.vector_load %arg12[%get3A_642, %get3A_643] {strides = array<i32>} : memref<128x16xf32, #tpu.memory_space<vmem>>, vector<16xf32>,
        %slice3A_645 = vector.extract_strided_slice %get3A_360 {offsets = [6], sizes = [1], strides = [1]} : vector<16xf32> to vector<1xf32>
        %squeeze3A_646 = vector.extract %slice3A_645[0] : f32 from vector<1xf32>
        %mul3A_647 = vector.broadcast %squeeze3A_646 : f32 to vector<16xf32>
        %mul3A_648 = arith.mulf %get3A_644, %mul3A_647 : vector<16xf32>
        %swap3A_649 = arith.constant 22 : i32
        %swap3A_650 = arith.index_cast %swap3A_649 : i32 to index
        %swap3A_651 = arith.constant 0 : index
        %swap3A_652 = tpu.vector_load %arg13[%swap3A_650, %swap3A_651] {strides = array<i32>} : memref<128x16xf32, #tpu.memory_space<vmem>>, vector<16xf32>,
        tpu.vector_store %arg13[%swap3A_650, %swap3A_651], %mul3A_648 {strides = array<i32>} : memref<128x16xf32, #tpu.memory_space<vmem>>, vector<16xf32>,
        %get3A_653 = arith.constant 23 : i32
        %get3A_654 = arith.index_cast %get3A_653 : i32 to index
        %get3A_655 = arith.constant 0 : index
        %get3A_656 = tpu.vector_load %arg12[%get3A_654, %get3A_655] {strides = array<i32>} : memref<128x16xf32, #tpu.memory_space<vmem>>, vector<16xf32>,
        %slice3A_657 = vector.extract_strided_slice %get3A_360 {offsets = [7], sizes = [1], strides = [1]} : vector<16xf32> to vector<1xf32>
        %squeeze3A_658 = vector.extract %slice3A_657[0] : f32 from vector<1xf32>
        %mul3A_659 = vector.broadcast %squeeze3A_658 : f32 to vector<16xf32>
        %mul3A_660 = arith.mulf %get3A_656, %mul3A_659 : vector<16xf32>
        %swap3A_661 = arith.constant 23 : i32
        %swap3A_662 = arith.index_cast %swap3A_661 : i32 to index
        %swap3A_663 = arith.constant 0 : index
        %swap3A_664 = tpu.vector_load %arg13[%swap3A_662, %swap3A_663] {strides = array<i32>} : memref<128x16xf32, #tpu.memory_space<vmem>>, vector<16xf32>,
        tpu.vector_store %arg13[%swap3A_662, %swap3A_663], %mul3A_660 {strides = array<i32>} : memref<128x16xf32, #tpu.memory_space<vmem>>, vector<16xf32>,
        %get3A_665 = arith.constant 24 : i32
        %get3A_666 = arith.index_cast %get3A_665 : i32 to index
        %get3A_667 = arith.constant 0 : index
        %get3A_668 = tpu.vector_load %arg12[%get3A_666, %get3A_667] {strides = array<i32>} : memref<128x16xf32, #tpu.memory_space<vmem>>, vector<16xf32>,
        %slice3A_669 = vector.extract_strided_slice %get3A_360 {offsets = [8], sizes = [1], strides = [1]} : vector<16xf32> to vector<1xf32>
        %squeeze3A_670 = vector.extract %slice3A_669[0] : f32 from vector<1xf32>
        %mul3A_671 = vector.broadcast %squeeze3A_670 : f32 to vector<16xf32>
        %mul3A_672 = arith.mulf %get3A_668, %mul3A_671 : vector<16xf32>
        %swap3A_673 = arith.constant 24 : i32
        %swap3A_674 = arith.index_cast %swap3A_673 : i32 to index
        %swap3A_675 = arith.constant 0 : index
        %swap3A_676 = tpu.vector_load %arg13[%swap3A_674, %swap3A_675] {strides = array<i32>} : memref<128x16xf32, #tpu.memory_space<vmem>>, vector<16xf32>,
        tpu.vector_store %arg13[%swap3A_674, %swap3A_675], %mul3A_672 {strides = array<i32>} : memref<128x16xf32, #tpu.memory_space<vmem>>, vector<16xf32>,
        %get3A_677 = arith.constant 25 : i32
        %get3A_678 = arith.index_cast %get3A_677 : i32 to index
        %get3A_679 = arith.constant 0 : index
        %get3A_680 = tpu.vector_load %arg12[%get3A_678, %get3A_679] {strides = array<i32>} : memref<128x16xf32, #tpu.memory_space<vmem>>, vector<16xf32>,
        %slice3A_681 = vector.extract_strided_slice %get3A_360 {offsets = [9], sizes = [1], strides = [1]} : vector<16xf32> to vector<1xf32>
        %squeeze3A_682 = vector.extract %slice3A_681[0] : f32 from vector<1xf32>
        %mul3A_683 = vector.broadcast %squeeze3A_682 : f32 to vector<16xf32>
        %mul3A_684 = arith.mulf %get3A_680, %mul3A_683 : vector<16xf32>
        %swap3A_685 = arith.constant 25 : i32
        %swap3A_686 = arith.index_cast %swap3A_685 : i32 to index
        %swap3A_687 = arith.constant 0 : index
        %swap3A_688 = tpu.vector_load %arg13[%swap3A_686, %swap3A_687] {strides = array<i32>} : memref<128x16xf32, #tpu.memory_space<vmem>>, vector<16xf32>,
        tpu.vector_store %arg13[%swap3A_686, %swap3A_687], %mul3A_684 {strides = array<i32>} : memref<128x16xf32, #tpu.memory_space<vmem>>, vector<16xf32>,
        %get3A_689 = arith.constant 26 : i32
        %get3A_690 = arith.index_cast %get3A_689 : i32 to index
        %get3A_691 = arith.constant 0 : index
        %get3A_692 = tpu.vector_load %arg12[%get3A_690, %get3A_691] {strides = array<i32>} : memref<128x16xf32, #tpu.memory_space<vmem>>, vector<16xf32>,
        %slice3A_693 = vector.extract_strided_slice %get3A_360 {offsets = [10], sizes = [1], strides = [1]} : vector<16xf32> to vector<1xf32>
        %squeeze3A_694 = vector.extract %slice3A_693[0] : f32 from vector<1xf32>
        %mul3A_695 = vector.broadcast %squeeze3A_694 : f32 to vector<16xf32>
        %mul3A_696 = arith.mulf %get3A_692, %mul3A_695 : vector<16xf32>
        %swap3A_697 = arith.constant 26 : i32
        %swap3A_698 = arith.index_cast %swap3A_697 : i32 to index
        %swap3A_699 = arith.constant 0 : index
        %swap3A_700 = tpu.vector_load %arg13[%swap3A_698, %swap3A_699] {strides = array<i32>} : memref<128x16xf32, #tpu.memory_space<vmem>>, vector<16xf32>,
        tpu.vector_store %arg13[%swap3A_698, %swap3A_699], %mul3A_696 {strides = array<i32>} : memref<128x16xf32, #tpu.memory_space<vmem>>, vector<16xf32>,
        %get3A_701 = arith.constant 27 : i32
        %get3A_702 = arith.index_cast %get3A_701 : i32 to index
        %get3A_703 = arith.constant 0 : index
        %get3A_704 = tpu.vector_load %arg12[%get3A_702, %get3A_703] {strides = array<i32>} : memref<128x16xf32, #tpu.memory_space<vmem>>, vector<16xf32>,
        %slice3A_705 = vector.extract_strided_slice %get3A_360 {offsets = [11], sizes = [1], strides = [1]} : vector<16xf32> to vector<1xf32>
        %squeeze3A_706 = vector.extract %slice3A_705[0] : f32 from vector<1xf32>
        %mul3A_707 = vector.broadcast %squeeze3A_706 : f32 to vector<16xf32>
        %mul3A_708 = arith.mulf %get3A_704, %mul3A_707 : vector<16xf32>
        %swap3A_709 = arith.constant 27 : i32
        %swap3A_710 = arith.index_cast %swap3A_709 : i32 to index
        %swap3A_711 = arith.constant 0 : index
        %swap3A_712 = tpu.vector_load %arg13[%swap3A_710, %swap3A_711] {strides = array<i32>} : memref<128x16xf32, #tpu.memory_space<vmem>>, vector<16xf32>,
        tpu.vector_store %arg13[%swap3A_710, %swap3A_711], %mul3A_708 {strides = array<i32>} : memref<128x16xf32, #tpu.memory_space<vmem>>, vector<16xf32>,
        %get3A_713 = arith.constant 28 : i32
        %get3A_714 = arith.index_cast %get3A_713 : i32 to index
        %get3A_715 = arith.constant 0 : index
        %get3A_716 = tpu.vector_load %arg12[%get3A_714, %get3A_715] {strides = array<i32>} : memref<128x16xf32, #tpu.memory_space<vmem>>, vector<16xf32>,
        %slice3A_717 = vector.extract_strided_slice %get3A_360 {offsets = [12], sizes = [1], strides = [1]} : vector<16xf32> to vector<1xf32>
        %squeeze3A_718 = vector.extract %slice3A_717[0] : f32 from vector<1xf32>
        %mul3A_719 = vector.broadcast %squeeze3A_718 : f32 to vector<16xf32>
        %mul3A_720 = arith.mulf %get3A_716, %mul3A_719 : vector<16xf32>
        %swap3A_721 = arith.constant 28 : i32
        %swap3A_722 = arith.index_cast %swap3A_721 : i32 to index
        %swap3A_723 = arith.constant 0 : index
        %swap3A_724 = tpu.vector_load %arg13[%swap3A_722, %swap3A_723] {strides = array<i32>} : memref<128x16xf32, #tpu.memory_space<vmem>>, vector<16xf32>,
        tpu.vector_store %arg13[%swap3A_722, %swap3A_723], %mul3A_720 {strides = array<i32>} : memref<128x16xf32, #tpu.memory_space<vmem>>, vector<16xf32>,
        %get3A_725 = arith.constant 29 : i32
        %get3A_726 = arith.index_cast %get3A_725 : i32 to index
        %get3A_727 = arith.constant 0 : index
        %get3A_728 = tpu.vector_load %arg12[%get3A_726, %get3A_727] {strides = array<i32>} : memref<128x16xf32, #tpu.memory_space<vmem>>, vector<16xf32>,
        %slice3A_729 = vector.extract_strided_slice %get3A_360 {offsets = [13], sizes = [1], strides = [1]} : vector<16xf32> to vector<1xf32>
        %squeeze3A_730 = vector.extract %slice3A_729[0] : f32 from vector<1xf32>
        %mul3A_731 = vector.broadcast %squeeze3A_730 : f32 to vector<16xf32>
        %mul3A_732 = arith.mulf %get3A_728, %mul3A_731 : vector<16xf32>
        %swap3A_733 = arith.constant 29 : i32
        %swap3A_734 = arith.index_cast %swap3A_733 : i32 to index
        %swap3A_735 = arith.constant 0 : index
        %swap3A_736 = tpu.vector_load %arg13[%swap3A_734, %swap3A_735] {strides = array<i32>} : memref<128x16xf32, #tpu.memory_space<vmem>>, vector<16xf32>,
        tpu.vector_store %arg13[%swap3A_734, %swap3A_735], %mul3A_732 {strides = array<i32>} : memref<128x16xf32, #tpu.memory_space<vmem>>, vector<16xf32>,
        %get3A_737 = arith.constant 30 : i32
        %get3A_738 = arith.index_cast %get3A_737 : i32 to index
        %get3A_739 = arith.constant 0 : index
        %get3A_740 = tpu.vector_load %arg12[%get3A_738, %get3A_739] {strides = array<i32>} : memref<128x16xf32, #tpu.memory_space<vmem>>, vector<16xf32>,
        %slice3A_741 = vector.extract_strided_slice %get3A_360 {offsets = [14], sizes = [1], strides = [1]} : vector<16xf32> to vector<1xf32>
        %squeeze3A_742 = vector.extract %slice3A_741[0] : f32 from vector<1xf32>
        %mul3A_743 = vector.broadcast %squeeze3A_742 : f32 to vector<16xf32>
        %mul3A_744 = arith.mulf %get3A_740, %mul3A_743 : vector<16xf32>
        %swap3A_745 = arith.constant 30 : i32
        %swap3A_746 = arith.index_cast %swap3A_745 : i32 to index
        %swap3A_747 = arith.constant 0 : index
        %swap3A_748 = tpu.vector_load %arg13[%swap3A_746, %swap3A_747] {strides = array<i32>} : memref<128x16xf32, #tpu.memory_space<vmem>>, vector<16xf32>,
        tpu.vector_store %arg13[%swap3A_746, %swap3A_747], %mul3A_744 {strides = array<i32>} : memref<128x16xf32, #tpu.memory_space<vmem>>, vector<16xf32>,
        %get3A_749 = arith.constant 31 : i32
        %get3A_750 = arith.index_cast %get3A_749 : i32 to index
        %get3A_751 = arith.constant 0 : index
        %get3A_752 = tpu.vector_load %arg12[%get3A_750, %get3A_751] {strides = array<i32>} : memref<128x16xf32, #tpu.memory_space<vmem>>, vector<16xf32>,
        %slice3A_753 = vector.extract_strided_slice %get3A_360 {offsets = [15], sizes = [1], strides = [1]} : vector<16xf32> to vector<1xf32>
        %squeeze3A_754 = vector.extract %slice3A_753[0] : f32 from vector<1xf32>
        %mul3A_755 = vector.broadcast %squeeze3A_754 : f32 to vector<16xf32>
        %mul3A_756 = arith.mulf %get3A_752, %mul3A_755 : vector<16xf32>
        %swap3A_757 = arith.constant 31 : i32
        %swap3A_758 = arith.index_cast %swap3A_757 : i32 to index
        %swap3A_759 = arith.constant 0 : index
        %swap3A_760 = tpu.vector_load %arg13[%swap3A_758, %swap3A_759] {strides = array<i32>} : memref<128x16xf32, #tpu.memory_space<vmem>>, vector<16xf32>,
        tpu.vector_store %arg13[%swap3A_758, %swap3A_759], %mul3A_756 {strides = array<i32>} : memref<128x16xf32, #tpu.memory_space<vmem>>, vector<16xf32>,
        %get3A_761 = arith.constant 32 : i32
        %get3A_762 = arith.index_cast %get3A_761 : i32 to index
        %get3A_763 = arith.constant 0 : index
        %get3A_764 = tpu.vector_load %arg12[%get3A_762, %get3A_763] {strides = array<i32>} : memref<128x16xf32, #tpu.memory_space<vmem>>, vector<16xf32>,
        %slice3A_765 = vector.extract_strided_slice %get3A_363 {offsets = [0], sizes = [1], strides = [1]} : vector<16xf32> to vector<1xf32>
        %squeeze3A_766 = vector.extract %slice3A_765[0] : f32 from vector<1xf32>
        %mul3A_767 = vector.broadcast %squeeze3A_766 : f32 to vector<16xf32>
        %mul3A_768 = arith.mulf %get3A_764, %mul3A_767 : vector<16xf32>
        %swap3A_769 = arith.constant 32 : i32
        %swap3A_770 = arith.index_cast %swap3A_769 : i32 to index
        %swap3A_771 = arith.constant 0 : index
        %swap3A_772 = tpu.vector_load %arg13[%swap3A_770, %swap3A_771] {strides = array<i32>} : memref<128x16xf32, #tpu.memory_space<vmem>>, vector<16xf32>,
        tpu.vector_store %arg13[%swap3A_770, %swap3A_771], %mul3A_768 {strides = array<i32>} : memref<128x16xf32, #tpu.memory_space<vmem>>, vector<16xf32>,
        %get3A_773 = arith.constant 33 : i32
        %get3A_774 = arith.index_cast %get3A_773 : i32 to index
        %get3A_775 = arith.constant 0 : index
        %get3A_776 = tpu.vector_load %arg12[%get3A_774, %get3A_775] {strides = array<i32>} : memref<128x16xf32, #tpu.memory_space<vmem>>, vector<16xf32>,
        %slice3A_777 = vector.extract_strided_slice %get3A_363 {offsets = [1], sizes = [1], strides = [1]} : vector<16xf32> to vector<1xf32>
        %squeeze3A_778 = vector.extract %slice3A_777[0] : f32 from vector<1xf32>
        %mul3A_779 = vector.broadcast %squeeze3A_778 : f32 to vector<16xf32>
        %mul3A_780 = arith.mulf %get3A_776, %mul3A_779 : vector<16xf32>
        %swap3A_781 = arith.constant 33 : i32
        %swap3A_782 = arith.index_cast %swap3A_781 : i32 to index
        %swap3A_783 = arith.constant 0 : index
        %swap3A_784 = tpu.vector_load %arg13[%swap3A_782, %swap3A_783] {strides = array<i32>} : memref<128x16xf32, #tpu.memory_space<vmem>>, vector<16xf32>,
        tpu.vector_store %arg13[%swap3A_782, %swap3A_783], %mul3A_780 {strides = array<i32>} : memref<128x16xf32, #tpu.memory_space<vmem>>, vector<16xf32>,
        %get3A_785 = arith.constant 34 : i32
        %get3A_786 = arith.index_cast %get3A_785 : i32 to index
        %get3A_787 = arith.constant 0 : index
        %get3A_788 = tpu.vector_load %arg12[%get3A_786, %get3A_787] {strides = array<i32>} : memref<128x16xf32, #tpu.memory_space<vmem>>, vector<16xf32>,
        %slice3A_789 = vector.extract_strided_slice %get3A_363 {offsets = [2], sizes = [1], strides = [1]} : vector<16xf32> to vector<1xf32>
        %squeeze3A_790 = vector.extract %slice3A_789[0] : f32 from vector<1xf32>
        %mul3A_791 = vector.broadcast %squeeze3A_790 : f32 to vector<16xf32>
        %mul3A_792 = arith.mulf %get3A_788, %mul3A_791 : vector<16xf32>
        %swap3A_793 = arith.constant 34 : i32
        %swap3A_794 = arith.index_cast %swap3A_793 : i32 to index
        %swap3A_795 = arith.constant 0 : index
        %swap3A_796 = tpu.vector_load %arg13[%swap3A_794, %swap3A_795] {strides = array<i32>} : memref<128x16xf32, #tpu.memory_space<vmem>>, vector<16xf32>,
        tpu.vector_store %arg13[%swap3A_794, %swap3A_795], %mul3A_792 {strides = array<i32>} : memref<128x16xf32, #tpu.memory_space<vmem>>, vector<16xf32>,
        %get3A_797 = arith.constant 35 : i32
        %get3A_798 = arith.index_cast %get3A_797 : i32 to index
        %get3A_799 = arith.constant 0 : index
        %get3A_800 = tpu.vector_load %arg12[%get3A_798, %get3A_799] {strides = array<i32>} : memref<128x16xf32, #tpu.memory_space<vmem>>, vector<16xf32>,
        %slice3A_801 = vector.extract_strided_slice %get3A_363 {offsets = [3], sizes = [1], strides = [1]} : vector<16xf32> to vector<1xf32>
        %squeeze3A_802 = vector.extract %slice3A_801[0] : f32 from vector<1xf32>
        %mul3A_803 = vector.broadcast %squeeze3A_802 : f32 to vector<16xf32>
        %mul3A_804 = arith.mulf %get3A_800, %mul3A_803 : vector<16xf32>
        %swap3A_805 = arith.constant 35 : i32
        %swap3A_806 = arith.index_cast %swap3A_805 : i32 to index
        %swap3A_807 = arith.constant 0 : index
        %swap3A_808 = tpu.vector_load %arg13[%swap3A_806, %swap3A_807] {strides = array<i32>} : memref<128x16xf32, #tpu.memory_space<vmem>>, vector<16xf32>,
        tpu.vector_store %arg13[%swap3A_806, %swap3A_807], %mul3A_804 {strides = array<i32>} : memref<128x16xf32, #tpu.memory_space<vmem>>, vector<16xf32>,
        %get3A_809 = arith.constant 36 : i32
        %get3A_810 = arith.index_cast %get3A_809 : i32 to index
        %get3A_811 = arith.constant 0 : index
        %get3A_812 = tpu.vector_load %arg12[%get3A_810, %get3A_811] {strides = array<i32>} : memref<128x16xf32, #tpu.memory_space<vmem>>, vector<16xf32>,
        %slice3A_813 = vector.extract_strided_slice %get3A_363 {offsets = [4], sizes = [1], strides = [1]} : vector<16xf32> to vector<1xf32>
        %squeeze3A_814 = vector.extract %slice3A_813[0] : f32 from vector<1xf32>
        %mul3A_815 = vector.broadcast %squeeze3A_814 : f32 to vector<16xf32>
        %mul3A_816 = arith.mulf %get3A_812, %mul3A_815 : vector<16xf32>
        %swap3A_817 = arith.constant 36 : i32
        %swap3A_818 = arith.index_cast %swap3A_817 : i32 to index
        %swap3A_819 = arith.constant 0 : index
        %swap3A_820 = tpu.vector_load %arg13[%swap3A_818, %swap3A_819] {strides = array<i32>} : memref<128x16xf32, #tpu.memory_space<vmem>>, vector<16xf32>,
        tpu.vector_store %arg13[%swap3A_818, %swap3A_819], %mul3A_816 {strides = array<i32>} : memref<128x16xf32, #tpu.memory_space<vmem>>, vector<16xf32>,
        %get3A_821 = arith.constant 37 : i32
        %get3A_822 = arith.index_cast %get3A_821 : i32 to index
        %get3A_823 = arith.constant 0 : index
        %get3A_824 = tpu.vector_load %arg12[%get3A_822, %get3A_823] {strides = array<i32>} : memref<128x16xf32, #tpu.memory_space<vmem>>, vector<16xf32>,
        %slice3A_825 = vector.extract_strided_slice %get3A_363 {offsets = [5], sizes = [1], strides = [1]} : vector<16xf32> to vector<1xf32>
        %squeeze3A_826 = vector.extract %slice3A_825[0] : f32 from vector<1xf32>
        %mul3A_827 = vector.broadcast %squeeze3A_826 : f32 to vector<16xf32>
        %mul3A_828 = arith.mulf %get3A_824, %mul3A_827 : vector<16xf32>
        %swap3A_829 = arith.constant 37 : i32
        %swap3A_830 = arith.index_cast %swap3A_829 : i32 to index
        %swap3A_831 = arith.constant 0 : index
        %swap3A_832 = tpu.vector_load %arg13[%swap3A_830, %swap3A_831] {strides = array<i32>} : memref<128x16xf32, #tpu.memory_space<vmem>>, vector<16xf32>,
        tpu.vector_store %arg13[%swap3A_830, %swap3A_831], %mul3A_828 {strides = array<i32>} : memref<128x16xf32, #tpu.memory_space<vmem>>, vector<16xf32>,
        %get3A_833 = arith.constant 38 : i32
        %get3A_834 = arith.index_cast %get3A_833 : i32 to index
        %get3A_835 = arith.constant 0 : index
        %get3A_836 = tpu.vector_load %arg12[%get3A_834, %get3A_835] {strides = array<i32>} : memref<128x16xf32, #tpu.memory_space<vmem>>, vector<16xf32>,
        %slice3A_837 = vector.extract_strided_slice %get3A_363 {offsets = [6], sizes = [1], strides = [1]} : vector<16xf32> to vector<1xf32>
        %squeeze3A_838 = vector.extract %slice3A_837[0] : f32 from vector<1xf32>
        %mul3A_839 = vector.broadcast %squeeze3A_838 : f32 to vector<16xf32>
        %mul3A_840 = arith.mulf %get3A_836, %mul3A_839 : vector<16xf32>
        %swap3A_841 = arith.constant 38 : i32
        %swap3A_842 = arith.index_cast %swap3A_841 : i32 to index
        %swap3A_843 = arith.constant 0 : index
        %swap3A_844 = tpu.vector_load %arg13[%swap3A_842, %swap3A_843] {strides = array<i32>} : memref<128x16xf32, #tpu.memory_space<vmem>>, vector<16xf32>,
        tpu.vector_store %arg13[%swap3A_842, %swap3A_843], %mul3A_840 {strides = array<i32>} : memref<128x16xf32, #tpu.memory_space<vmem>>, vector<16xf32>,
        %get3A_845 = arith.constant 39 : i32
        %get3A_846 = arith.index_cast %get3A_845 : i32 to index
        %get3A_847 = arith.constant 0 : index
        %get3A_848 = tpu.vector_load %arg12[%get3A_846, %get3A_847] {strides = array<i32>} : memref<128x16xf32, #tpu.memory_space<vmem>>, vector<16xf32>,
        %slice3A_849 = vector.extract_strided_slice %get3A_363 {offsets = [7], sizes = [1], strides = [1]} : vector<16xf32> to vector<1xf32>
        %squeeze3A_850 = vector.extract %slice3A_849[0] : f32 from vector<1xf32>
        %mul3A_851 = vector.broadcast %squeeze3A_850 : f32 to vector<16xf32>
        %mul3A_852 = arith.mulf %get3A_848, %mul3A_851 : vector<16xf32>
        %swap3A_853 = arith.constant 39 : i32
        %swap3A_854 = arith.index_cast %swap3A_853 : i32 to index
        %swap3A_855 = arith.constant 0 : index
        %swap3A_856 = tpu.vector_load %arg13[%swap3A_854, %swap3A_855] {strides = array<i32>} : memref<128x16xf32, #tpu.memory_space<vmem>>, vector<16xf32>,
        tpu.vector_store %arg13[%swap3A_854, %swap3A_855], %mul3A_852 {strides = array<i32>} : memref<128x16xf32, #tpu.memory_space<vmem>>, vector<16xf32>,
        %get3A_857 = arith.constant 40 : i32
        %get3A_858 = arith.index_cast %get3A_857 : i32 to index
        %get3A_859 = arith.constant 0 : index
        %get3A_860 = tpu.vector_load %arg12[%get3A_858, %get3A_859] {strides = array<i32>} : memref<128x16xf32, #tpu.memory_space<vmem>>, vector<16xf32>,
        %slice3A_861 = vector.extract_strided_slice %get3A_363 {offsets = [8], sizes = [1], strides = [1]} : vector<16xf32> to vector<1xf32>
        %squeeze3A_862 = vector.extract %slice3A_861[0] : f32 from vector<1xf32>
        %mul3A_863 = vector.broadcast %squeeze3A_862 : f32 to vector<16xf32>
        %mul3A_864 = arith.mulf %get3A_860, %mul3A_863 : vector<16xf32>
        %swap3A_865 = arith.constant 40 : i32
        %swap3A_866 = arith.index_cast %swap3A_865 : i32 to index
        %swap3A_867 = arith.constant 0 : index
        %swap3A_868 = tpu.vector_load %arg13[%swap3A_866, %swap3A_867] {strides = array<i32>} : memref<128x16xf32, #tpu.memory_space<vmem>>, vector<16xf32>,
        tpu.vector_store %arg13[%swap3A_866, %swap3A_867], %mul3A_864 {strides = array<i32>} : memref<128x16xf32, #tpu.memory_space<vmem>>, vector<16xf32>,
        %get3A_869 = arith.constant 41 : i32
        %get3A_870 = arith.index_cast %get3A_869 : i32 to index
        %get3A_871 = arith.constant 0 : index
        %get3A_872 = tpu.vector_load %arg12[%get3A_870, %get3A_871] {strides = array<i32>} : memref<128x16xf32, #tpu.memory_space<vmem>>, vector<16xf32>,
        %slice3A_873 = vector.extract_strided_slice %get3A_363 {offsets = [9], sizes = [1], strides = [1]} : vector<16xf32> to vector<1xf32>
        %squeeze3A_874 = vector.extract %slice3A_873[0] : f32 from vector<1xf32>
        %mul3A_875 = vector.broadcast %squeeze3A_874 : f32 to vector<16xf32>
        %mul3A_876 = arith.mulf %get3A_872, %mul3A_875 : vector<16xf32>
        %swap3A_877 = arith.constant 41 : i32
        %swap3A_878 = arith.index_cast %swap3A_877 : i32 to index
        %swap3A_879 = arith.constant 0 : index
        %swap3A_880 = tpu.vector_load %arg13[%swap3A_878, %swap3A_879] {strides = array<i32>} : memref<128x16xf32, #tpu.memory_space<vmem>>, vector<16xf32>,
        tpu.vector_store %arg13[%swap3A_878, %swap3A_879], %mul3A_876 {strides = array<i32>} : memref<128x16xf32, #tpu.memory_space<vmem>>, vector<16xf32>,
        %get3A_881 = arith.constant 42 : i32
        %get3A_882 = arith.index_cast %get3A_881 : i32 to index
        %get3A_883 = arith.constant 0 : index
        %get3A_884 = tpu.vector_load %arg12[%get3A_882, %get3A_883] {strides = array<i32>} : memref<128x16xf32, #tpu.memory_space<vmem>>, vector<16xf32>,
        %slice3A_885 = vector.extract_strided_slice %get3A_363 {offsets = [10], sizes = [1], strides = [1]} : vector<16xf32> to vector<1xf32>
        %squeeze3A_886 = vector.extract %slice3A_885[0] : f32 from vector<1xf32>
        %mul3A_887 = vector.broadcast %squeeze3A_886 : f32 to vector<16xf32>
        %mul3A_888 = arith.mulf %get3A_884, %mul3A_887 : vector<16xf32>
        %swap3A_889 = arith.constant 42 : i32
        %swap3A_890 = arith.index_cast %swap3A_889 : i32 to index
        %swap3A_891 = arith.constant 0 : index
        %swap3A_892 = tpu.vector_load %arg13[%swap3A_890, %swap3A_891] {strides = array<i32>} : memref<128x16xf32, #tpu.memory_space<vmem>>, vector<16xf32>,
        tpu.vector_store %arg13[%swap3A_890, %swap3A_891], %mul3A_888 {strides = array<i32>} : memref<128x16xf32, #tpu.memory_space<vmem>>, vector<16xf32>,
        %get3A_893 = arith.constant 43 : i32
        %get3A_894 = arith.index_cast %get3A_893 : i32 to index
        %get3A_895 = arith.constant 0 : index
        %get3A_896 = tpu.vector_load %arg12[%get3A_894, %get3A_895] {strides = array<i32>} : memref<128x16xf32, #tpu.memory_space<vmem>>, vector<16xf32>,
        %slice3A_897 = vector.extract_strided_slice %get3A_363 {offsets = [11], sizes = [1], strides = [1]} : vector<16xf32> to vector<1xf32>
        %squeeze3A_898 = vector.extract %slice3A_897[0] : f32 from vector<1xf32>
        %mul3A_899 = vector.broadcast %squeeze3A_898 : f32 to vector<16xf32>
        %mul3A_900 = arith.mulf %get3A_896, %mul3A_899 : vector<16xf32>
        %swap3A_901 = arith.constant 43 : i32
        %swap3A_902 = arith.index_cast %swap3A_901 : i32 to index
        %swap3A_903 = arith.constant 0 : index
        %swap3A_904 = tpu.vector_load %arg13[%swap3A_902, %swap3A_903] {strides = array<i32>} : memref<128x16xf32, #tpu.memory_space<vmem>>, vector<16xf32>,
        tpu.vector_store %arg13[%swap3A_902, %swap3A_903], %mul3A_900 {strides = array<i32>} : memref<128x16xf32, #tpu.memory_space<vmem>>, vector<16xf32>,
        %get3A_905 = arith.constant 44 : i32
        %get3A_906 = arith.index_cast %get3A_905 : i32 to index
        %get3A_907 = arith.constant 0 : index
        %get3A_908 = tpu.vector_load %arg12[%get3A_906, %get3A_907] {strides = array<i32>} : memref<128x16xf32, #tpu.memory_space<vmem>>, vector<16xf32>,
        %slice3A_909 = vector.extract_strided_slice %get3A_363 {offsets = [12], sizes = [1], strides = [1]} : vector<16xf32> to vector<1xf32>
        %squeeze3A_910 = vector.extract %slice3A_909[0] : f32 from vector<1xf32>
        %mul3A_911 = vector.broadcast %squeeze3A_910 : f32 to vector<16xf32>
        %mul3A_912 = arith.mulf %get3A_908, %mul3A_911 : vector<16xf32>
        %swap3A_913 = arith.constant 44 : i32
        %swap3A_914 = arith.index_cast %swap3A_913 : i32 to index
        %swap3A_915 = arith.constant 0 : index
        %swap3A_916 = tpu.vector_load %arg13[%swap3A_914, %swap3A_915] {strides = array<i32>} : memref<128x16xf32, #tpu.memory_space<vmem>>, vector<16xf32>,
        tpu.vector_store %arg13[%swap3A_914, %swap3A_915], %mul3A_912 {strides = array<i32>} : memref<128x16xf32, #tpu.memory_space<vmem>>, vector<16xf32>,
        %get3A_917 = arith.constant 45 : i32
        %get3A_918 = arith.index_cast %get3A_917 : i32 to index
        %get3A_919 = arith.constant 0 : index
        %get3A_920 = tpu.vector_load %arg12[%get3A_918, %get3A_919] {strides = array<i32>} : memref<128x16xf32, #tpu.memory_space<vmem>>, vector<16xf32>,
        %slice3A_921 = vector.extract_strided_slice %get3A_363 {offsets = [13], sizes = [1], strides = [1]} : vector<16xf32> to vector<1xf32>
        %squeeze3A_922 = vector.extract %slice3A_921[0] : f32 from vector<1xf32>
        %mul3A_923 = vector.broadcast %squeeze3A_922 : f32 to vector<16xf32>
        %mul3A_924 = arith.mulf %get3A_920, %mul3A_923 : vector<16xf32>
        %swap3A_925 = arith.constant 45 : i32
        %swap3A_926 = arith.index_cast %swap3A_925 : i32 to index
        %swap3A_927 = arith.constant 0 : index
        %swap3A_928 = tpu.vector_load %arg13[%swap3A_926, %swap3A_927] {strides = array<i32>} : memref<128x16xf32, #tpu.memory_space<vmem>>, vector<16xf32>,
        tpu.vector_store %arg13[%swap3A_926, %swap3A_927], %mul3A_924 {strides = array<i32>} : memref<128x16xf32, #tpu.memory_space<vmem>>, vector<16xf32>,
        %get3A_929 = arith.constant 46 : i32
        %get3A_930 = arith.index_cast %get3A_929 : i32 to index
        %get3A_931 = arith.constant 0 : index
        %get3A_932 = tpu.vector_load %arg12[%get3A_930, %get3A_931] {strides = array<i32>} : memref<128x16xf32, #tpu.memory_space<vmem>>, vector<16xf32>,
        %slice3A_933 = vector.extract_strided_slice %get3A_363 {offsets = [14], sizes = [1], strides = [1]} : vector<16xf32> to vector<1xf32>
        %squeeze3A_934 = vector.extract %slice3A_933[0] : f32 from vector<1xf32>
        %mul3A_935 = vector.broadcast %squeeze3A_934 : f32 to vector<16xf32>
        %mul3A_936 = arith.mulf %get3A_932, %mul3A_935 : vector<16xf32>
        %swap3A_937 = arith.constant 46 : i32
        %swap3A_938 = arith.index_cast %swap3A_937 : i32 to index
        %swap3A_939 = arith.constant 0 : index
        %swap3A_940 = tpu.vector_load %arg13[%swap3A_938, %swap3A_939] {strides = array<i32>} : memref<128x16xf32, #tpu.memory_space<vmem>>, vector<16xf32>,
        tpu.vector_store %arg13[%swap3A_938, %swap3A_939], %mul3A_936 {strides = array<i32>} : memref<128x16xf32, #tpu.memory_space<vmem>>, vector<16xf32>,
        %get3A_941 = arith.constant 47 : i32
        %get3A_942 = arith.index_cast %get3A_941 : i32 to index
        %get3A_943 = arith.constant 0 : index
        %get3A_944 = tpu.vector_load %arg12[%get3A_942, %get3A_943] {strides = array<i32>} : memref<128x16xf32, #tpu.memory_space<vmem>>, vector<16xf32>,
        %slice3A_945 = vector.extract_strided_slice %get3A_363 {offsets = [15], sizes = [1], strides = [1]} : vector<16xf32> to vector<1xf32>
        %squeeze3A_946 = vector.extract %slice3A_945[0] : f32 from vector<1xf32>
        %mul3A_947 = vector.broadcast %squeeze3A_946 : f32 to vector<16xf32>
        %mul3A_948 = arith.mulf %get3A_944, %mul3A_947 : vector<16xf32>
        %swap3A_949 = arith.constant 47 : i32
        %swap3A_950 = arith.index_cast %swap3A_949 : i32 to index
        %swap3A_951 = arith.constant 0 : index
        %swap3A_952 = tpu.vector_load %arg13[%swap3A_950, %swap3A_951] {strides = array<i32>} : memref<128x16xf32, #tpu.memory_space<vmem>>, vector<16xf32>,
        tpu.vector_store %arg13[%swap3A_950, %swap3A_951], %mul3A_948 {strides = array<i32>} : memref<128x16xf32, #tpu.memory_space<vmem>>, vector<16xf32>,
        %get3A_953 = arith.constant 48 : i32
        %get3A_954 = arith.index_cast %get3A_953 : i32 to index
        %get3A_955 = arith.constant 0 : index
        %get3A_956 = tpu.vector_load %arg12[%get3A_954, %get3A_955] {strides = array<i32>} : memref<128x16xf32, #tpu.memory_space<vmem>>, vector<16xf32>,
        %slice3A_957 = vector.extract_strided_slice %get3A_366 {offsets = [0], sizes = [1], strides = [1]} : vector<16xf32> to vector<1xf32>
        %squeeze3A_958 = vector.extract %slice3A_957[0] : f32 from vector<1xf32>
        %mul3A_959 = vector.broadcast %squeeze3A_958 : f32 to vector<16xf32>
        %mul3A_960 = arith.mulf %get3A_956, %mul3A_959 : vector<16xf32>
        %swap3A_961 = arith.constant 48 : i32
        %swap3A_962 = arith.index_cast %swap3A_961 : i32 to index
        %swap3A_963 = arith.constant 0 : index
        %swap3A_964 = tpu.vector_load %arg13[%swap3A_962, %swap3A_963] {strides = array<i32>} : memref<128x16xf32, #tpu.memory_space<vmem>>, vector<16xf32>,
        tpu.vector_store %arg13[%swap3A_962, %swap3A_963], %mul3A_960 {strides = array<i32>} : memref<128x16xf32, #tpu.memory_space<vmem>>, vector<16xf32>,
        %get3A_965 = arith.constant 49 : i32
        %get3A_966 = arith.index_cast %get3A_965 : i32 to index
        %get3A_967 = arith.constant 0 : index
        %get3A_968 = tpu.vector_load %arg12[%get3A_966, %get3A_967] {strides = array<i32>} : memref<128x16xf32, #tpu.memory_space<vmem>>, vector<16xf32>,
        %slice3A_969 = vector.extract_strided_slice %get3A_366 {offsets = [1], sizes = [1], strides = [1]} : vector<16xf32> to vector<1xf32>
        %squeeze3A_970 = vector.extract %slice3A_969[0] : f32 from vector<1xf32>
        %mul3A_971 = vector.broadcast %squeeze3A_970 : f32 to vector<16xf32>
        %mul3A_972 = arith.mulf %get3A_968, %mul3A_971 : vector<16xf32>
        %swap3A_973 = arith.constant 49 : i32
        %swap3A_974 = arith.index_cast %swap3A_973 : i32 to index
        %swap3A_975 = arith.constant 0 : index
        %swap3A_976 = tpu.vector_load %arg13[%swap3A_974, %swap3A_975] {strides = array<i32>} : memref<128x16xf32, #tpu.memory_space<vmem>>, vector<16xf32>,
        tpu.vector_store %arg13[%swap3A_974, %swap3A_975], %mul3A_972 {strides = array<i32>} : memref<128x16xf32, #tpu.memory_space<vmem>>, vector<16xf32>,
        %get3A_977 = arith.constant 50 : i32
        %get3A_978 = arith.index_cast %get3A_977 : i32 to index
        %get3A_979 = arith.constant 0 : index
        %get3A_980 = tpu.vector_load %arg12[%get3A_978, %get3A_979] {strides = array<i32>} : memref<128x16xf32, #tpu.memory_space<vmem>>, vector<16xf32>,
        %slice3A_981 = vector.extract_strided_slice %get3A_366 {offsets = [2], sizes = [1], strides = [1]} : vector<16xf32> to vector<1xf32>
        %squeeze3A_982 = vector.extract %slice3A_981[0] : f32 from vector<1xf32>
        %mul3A_983 = vector.broadcast %squeeze3A_982 : f32 to vector<16xf32>
        %mul3A_984 = arith.mulf %get3A_980, %mul3A_983 : vector<16xf32>
        %swap3A_985 = arith.constant 50 : i32
        %swap3A_986 = arith.index_cast %swap3A_985 : i32 to index
        %swap3A_987 = arith.constant 0 : index
        %swap3A_988 = tpu.vector_load %arg13[%swap3A_986, %swap3A_987] {strides = array<i32>} : memref<128x16xf32, #tpu.memory_space<vmem>>, vector<16xf32>,
        tpu.vector_store %arg13[%swap3A_986, %swap3A_987], %mul3A_984 {strides = array<i32>} : memref<128x16xf32, #tpu.memory_space<vmem>>, vector<16xf32>,
        %get3A_989 = arith.constant 51 : i32
        %get3A_990 = arith.index_cast %get3A_989 : i32 to index
        %get3A_991 = arith.constant 0 : index
        %get3A_992 = tpu.vector_load %arg12[%get3A_990, %get3A_991] {strides = array<i32>} : memref<128x16xf32, #tpu.memory_space<vmem>>, vector<16xf32>,
        %slice3A_993 = vector.extract_strided_slice %get3A_366 {offsets = [3], sizes = [1], strides = [1]} : vector<16xf32> to vector<1xf32>
        %squeeze3A_994 = vector.extract %slice3A_993[0] : f32 from vector<1xf32>
        %mul3A_995 = vector.broadcast %squeeze3A_994 : f32 to vector<16xf32>
        %mul3A_996 = arith.mulf %get3A_992, %mul3A_995 : vector<16xf32>
        %swap3A_997 = arith.constant 51 : i32
        %swap3A_998 = arith.index_cast %swap3A_997 : i32 to index
        %swap3A_999 = arith.constant 0 : index
        %swap3A_1000 = tpu.vector_load %arg13[%swap3A_998, %swap3A_999] {strides = array<i32>} : memref<128x16xf32, #tpu.memory_space<vmem>>, vector<16xf32>,
        tpu.vector_store %arg13[%swap3A_998, %swap3A_999], %mul3A_996 {strides = array<i32>} : memref<128x16xf32, #tpu.memory_space<vmem>>, vector<16xf32>,
        %get3A_1001 = arith.constant 52 : i32
        %get3A_1002 = arith.index_cast %get3A_1001 : i32 to index
        %get3A_1003 = arith.constant 0 : index
        %get3A_1004 = tpu.vector_load %arg12[%get3A_1002, %get3A_1003] {strides = array<i32>} : memref<128x16xf32, #tpu.memory_space<vmem>>, vector<16xf32>,
        %slice3A_1005 = vector.extract_strided_slice %get3A_366 {offsets = [4], sizes = [1], strides = [1]} : vector<16xf32> to vector<1xf32>
        %squeeze3A_1006 = vector.extract %slice3A_1005[0] : f32 from vector<1xf32>
        %mul3A_1007 = vector.broadcast %squeeze3A_1006 : f32 to vector<16xf32>
        %mul3A_1008 = arith.mulf %get3A_1004, %mul3A_1007 : vector<16xf32>
        %swap3A_1009 = arith.constant 52 : i32
        %swap3A_1010 = arith.index_cast %swap3A_1009 : i32 to index
        %swap3A_1011 = arith.constant 0 : index
        %swap3A_1012 = tpu.vector_load %arg13[%swap3A_1010, %swap3A_1011] {strides = array<i32>} : memref<128x16xf32, #tpu.memory_space<vmem>>, vector<16xf32>,
        tpu.vector_store %arg13[%swap3A_1010, %swap3A_1011], %mul3A_1008 {strides = array<i32>} : memref<128x16xf32, #tpu.memory_space<vmem>>, vector<16xf32>,
        %get3A_1013 = arith.constant 53 : i32
        %get3A_1014 = arith.index_cast %get3A_1013 : i32 to index
        %get3A_1015 = arith.constant 0 : index
        %get3A_1016 = tpu.vector_load %arg12[%get3A_1014, %get3A_1015] {strides = array<i32>} : memref<128x16xf32, #tpu.memory_space<vmem>>, vector<16xf32>,
        %slice3A_1017 = vector.extract_strided_slice %get3A_366 {offsets = [5], sizes = [1], strides = [1]} : vector<16xf32> to vector<1xf32>
        %squeeze3A_1018 = vector.extract %slice3A_1017[0] : f32 from vector<1xf32>
        %mul3A_1019 = vector.broadcast %squeeze3A_1018 : f32 to vector<16xf32>
        %mul3A_1020 = arith.mulf %get3A_1016, %mul3A_1019 : vector<16xf32>
        %swap3A_1021 = arith.constant 53 : i32
        %swap3A_1022 = arith.index_cast %swap3A_1021 : i32 to index
        %swap3A_1023 = arith.constant 0 : index
        %swap3A_1024 = tpu.vector_load %arg13[%swap3A_1022, %swap3A_1023] {strides = array<i32>} : memref<128x16xf32, #tpu.memory_space<vmem>>, vector<16xf32>,
        tpu.vector_store %arg13[%swap3A_1022, %swap3A_1023], %mul3A_1020 {strides = array<i32>} : memref<128x16xf32, #tpu.memory_space<vmem>>, vector<16xf32>,
        %get3A_1025 = arith.constant 54 : i32
        %get3A_1026 = arith.index_cast %get3A_1025 : i32 to index
        %get3A_1027 = arith.constant 0 : index
        %get3A_1028 = tpu.vector_load %arg12[%get3A_1026, %get3A_1027] {strides = array<i32>} : memref<128x16xf32, #tpu.memory_space<vmem>>, vector<16xf32>,
        %slice3A_1029 = vector.extract_strided_slice %get3A_366 {offsets = [6], sizes = [1], strides = [1]} : vector<16xf32> to vector<1xf32>
        %squeeze3A_1030 = vector.extract %slice3A_1029[0] : f32 from vector<1xf32>
        %mul3A_1031 = vector.broadcast %squeeze3A_1030 : f32 to vector<16xf32>
        %mul3A_1032 = arith.mulf %get3A_1028, %mul3A_1031 : vector<16xf32>
        %swap3A_1033 = arith.constant 54 : i32
        %swap3A_1034 = arith.index_cast %swap3A_1033 : i32 to index
        %swap3A_1035 = arith.constant 0 : index
        %swap3A_1036 = tpu.vector_load %arg13[%swap3A_1034, %swap3A_1035] {strides = array<i32>} : memref<128x16xf32, #tpu.memory_space<vmem>>, vector<16xf32>,
        tpu.vector_store %arg13[%swap3A_1034, %swap3A_1035], %mul3A_1032 {strides = array<i32>} : memref<128x16xf32, #tpu.memory_space<vmem>>, vector<16xf32>,
        %get3A_1037 = arith.constant 55 : i32
        %get3A_1038 = arith.index_cast %get3A_1037 : i32 to index
        %get3A_1039 = arith.constant 0 : index
        %get3A_1040 = tpu.vector_load %arg12[%get3A_1038, %get3A_1039] {strides = array<i32>} : memref<128x16xf32, #tpu.memory_space<vmem>>, vector<16xf32>,
        %slice3A_1041 = vector.extract_strided_slice %get3A_366 {offsets = [7], sizes = [1], strides = [1]} : vector<16xf32> to vector<1xf32>
        %squeeze3A_1042 = vector.extract %slice3A_1041[0] : f32 from vector<1xf32>
        %mul3A_1043 = vector.broadcast %squeeze3A_1042 : f32 to vector<16xf32>
        %mul3A_1044 = arith.mulf %get3A_1040, %mul3A_1043 : vector<16xf32>
        %swap3A_1045 = arith.constant 55 : i32
        %swap3A_1046 = arith.index_cast %swap3A_1045 : i32 to index
        %swap3A_1047 = arith.constant 0 : index
        %swap3A_1048 = tpu.vector_load %arg13[%swap3A_1046, %swap3A_1047] {strides = array<i32>} : memref<128x16xf32, #tpu.memory_space<vmem>>, vector<16xf32>,
        tpu.vector_store %arg13[%swap3A_1046, %swap3A_1047], %mul3A_1044 {strides = array<i32>} : memref<128x16xf32, #tpu.memory_space<vmem>>, vector<16xf32>,
        %get3A_1049 = arith.constant 56 : i32
        %get3A_1050 = arith.index_cast %get3A_1049 : i32 to index
        %get3A_1051 = arith.constant 0 : index
        %get3A_1052 = tpu.vector_load %arg12[%get3A_1050, %get3A_1051] {strides = array<i32>} : memref<128x16xf32, #tpu.memory_space<vmem>>, vector<16xf32>,
        %slice3A_1053 = vector.extract_strided_slice %get3A_366 {offsets = [8], sizes = [1], strides = [1]} : vector<16xf32> to vector<1xf32>
        %squeeze3A_1054 = vector.extract %slice3A_1053[0] : f32 from vector<1xf32>
        %mul3A_1055 = vector.broadcast %squeeze3A_1054 : f32 to vector<16xf32>
        %mul3A_1056 = arith.mulf %get3A_1052, %mul3A_1055 : vector<16xf32>
        %swap3A_1057 = arith.constant 56 : i32
        %swap3A_1058 = arith.index_cast %swap3A_1057 : i32 to index
        %swap3A_1059 = arith.constant 0 : index
        %swap3A_1060 = tpu.vector_load %arg13[%swap3A_1058, %swap3A_1059] {strides = array<i32>} : memref<128x16xf32, #tpu.memory_space<vmem>>, vector<16xf32>,
        tpu.vector_store %arg13[%swap3A_1058, %swap3A_1059], %mul3A_1056 {strides = array<i32>} : memref<128x16xf32, #tpu.memory_space<vmem>>, vector<16xf32>,
        %get3A_1061 = arith.constant 57 : i32
        %get3A_1062 = arith.index_cast %get3A_1061 : i32 to index
        %get3A_1063 = arith.constant 0 : index
        %get3A_1064 = tpu.vector_load %arg12[%get3A_1062, %get3A_1063] {strides = array<i32>} : memref<128x16xf32, #tpu.memory_space<vmem>>, vector<16xf32>,
        %slice3A_1065 = vector.extract_strided_slice %get3A_366 {offsets = [9], sizes = [1], strides = [1]} : vector<16xf32> to vector<1xf32>
        %squeeze3A_1066 = vector.extract %slice3A_1065[0] : f32 from vector<1xf32>
        %mul3A_1067 = vector.broadcast %squeeze3A_1066 : f32 to vector<16xf32>
        %mul3A_1068 = arith.mulf %get3A_1064, %mul3A_1067 : vector<16xf32>
        %swap3A_1069 = arith.constant 57 : i32
        %swap3A_1070 = arith.index_cast %swap3A_1069 : i32 to index
        %swap3A_1071 = arith.constant 0 : index
        %swap3A_1072 = tpu.vector_load %arg13[%swap3A_1070, %swap3A_1071] {strides = array<i32>} : memref<128x16xf32, #tpu.memory_space<vmem>>, vector<16xf32>,
        tpu.vector_store %arg13[%swap3A_1070, %swap3A_1071], %mul3A_1068 {strides = array<i32>} : memref<128x16xf32, #tpu.memory_space<vmem>>, vector<16xf32>,
        %get3A_1073 = arith.constant 58 : i32
        %get3A_1074 = arith.index_cast %get3A_1073 : i32 to index
        %get3A_1075 = arith.constant 0 : index
        %get3A_1076 = tpu.vector_load %arg12[%get3A_1074, %get3A_1075] {strides = array<i32>} : memref<128x16xf32, #tpu.memory_space<vmem>>, vector<16xf32>,
        %slice3A_1077 = vector.extract_strided_slice %get3A_366 {offsets = [10], sizes = [1], strides = [1]} : vector<16xf32> to vector<1xf32>
        %squeeze3A_1078 = vector.extract %slice3A_1077[0] : f32 from vector<1xf32>
        %mul3A_1079 = vector.broadcast %squeeze3A_1078 : f32 to vector<16xf32>
        %mul3A_1080 = arith.mulf %get3A_1076, %mul3A_1079 : vector<16xf32>
        %swap3A_1081 = arith.constant 58 : i32
        %swap3A_1082 = arith.index_cast %swap3A_1081 : i32 to index
        %swap3A_1083 = arith.constant 0 : index
        %swap3A_1084 = tpu.vector_load %arg13[%swap3A_1082, %swap3A_1083] {strides = array<i32>} : memref<128x16xf32, #tpu.memory_space<vmem>>, vector<16xf32>,
        tpu.vector_store %arg13[%swap3A_1082, %swap3A_1083], %mul3A_1080 {strides = array<i32>} : memref<128x16xf32, #tpu.memory_space<vmem>>, vector<16xf32>,
        %get3A_1085 = arith.constant 59 : i32
        %get3A_1086 = arith.index_cast %get3A_1085 : i32 to index
        %get3A_1087 = arith.constant 0 : index
        %get3A_1088 = tpu.vector_load %arg12[%get3A_1086, %get3A_1087] {strides = array<i32>} : memref<128x16xf32, #tpu.memory_space<vmem>>, vector<16xf32>,
        %slice3A_1089 = vector.extract_strided_slice %get3A_366 {offsets = [11], sizes = [1], strides = [1]} : vector<16xf32> to vector<1xf32>
        %squeeze3A_1090 = vector.extract %slice3A_1089[0] : f32 from vector<1xf32>
        %mul3A_1091 = vector.broadcast %squeeze3A_1090 : f32 to vector<16xf32>
        %mul3A_1092 = arith.mulf %get3A_1088, %mul3A_1091 : vector<16xf32>
        %swap3A_1093 = arith.constant 59 : i32
        %swap3A_1094 = arith.index_cast %swap3A_1093 : i32 to index
        %swap3A_1095 = arith.constant 0 : index
        %swap3A_1096 = tpu.vector_load %arg13[%swap3A_1094, %swap3A_1095] {strides = array<i32>} : memref<128x16xf32, #tpu.memory_space<vmem>>, vector<16xf32>,
        tpu.vector_store %arg13[%swap3A_1094, %swap3A_1095], %mul3A_1092 {strides = array<i32>} : memref<128x16xf32, #tpu.memory_space<vmem>>, vector<16xf32>,
        %get3A_1097 = arith.constant 60 : i32
        %get3A_1098 = arith.index_cast %get3A_1097 : i32 to index
        %get3A_1099 = arith.constant 0 : index
        %get3A_1100 = tpu.vector_load %arg12[%get3A_1098, %get3A_1099] {strides = array<i32>} : memref<128x16xf32, #tpu.memory_space<vmem>>, vector<16xf32>,
        %slice3A_1101 = vector.extract_strided_slice %get3A_366 {offsets = [12], sizes = [1], strides = [1]} : vector<16xf32> to vector<1xf32>
        %squeeze3A_1102 = vector.extract %slice3A_1101[0] : f32 from vector<1xf32>
        %mul3A_1103 = vector.broadcast %squeeze3A_1102 : f32 to vector<16xf32>
        %mul3A_1104 = arith.mulf %get3A_1100, %mul3A_1103 : vector<16xf32>
        %swap3A_1105 = arith.constant 60 : i32
        %swap3A_1106 = arith.index_cast %swap3A_1105 : i32 to index
        %swap3A_1107 = arith.constant 0 : index
        %swap3A_1108 = tpu.vector_load %arg13[%swap3A_1106, %swap3A_1107] {strides = array<i32>} : memref<128x16xf32, #tpu.memory_space<vmem>>, vector<16xf32>,
        tpu.vector_store %arg13[%swap3A_1106, %swap3A_1107], %mul3A_1104 {strides = array<i32>} : memref<128x16xf32, #tpu.memory_space<vmem>>, vector<16xf32>,
        %get3A_1109 = arith.constant 61 : i32
        %get3A_1110 = arith.index_cast %get3A_1109 : i32 to index
        %get3A_1111 = arith.constant 0 : index
        %get3A_1112 = tpu.vector_load %arg12[%get3A_1110, %get3A_1111] {strides = array<i32>} : memref<128x16xf32, #tpu.memory_space<vmem>>, vector<16xf32>,
        %slice3A_1113 = vector.extract_strided_slice %get3A_366 {offsets = [13], sizes = [1], strides = [1]} : vector<16xf32> to vector<1xf32>
        %squeeze3A_1114 = vector.extract %slice3A_1113[0] : f32 from vector<1xf32>
        %mul3A_1115 = vector.broadcast %squeeze3A_1114 : f32 to vector<16xf32>
        %mul3A_1116 = arith.mulf %get3A_1112, %mul3A_1115 : vector<16xf32>
        %swap3A_1117 = arith.constant 61 : i32
        %swap3A_1118 = arith.index_cast %swap3A_1117 : i32 to index
        %swap3A_1119 = arith.constant 0 : index
        %swap3A_1120 = tpu.vector_load %arg13[%swap3A_1118, %swap3A_1119] {strides = array<i32>} : memref<128x16xf32, #tpu.memory_space<vmem>>, vector<16xf32>,
        tpu.vector_store %arg13[%swap3A_1118, %swap3A_1119], %mul3A_1116 {strides = array<i32>} : memref<128x16xf32, #tpu.memory_space<vmem>>, vector<16xf32>,
        %get3A_1121 = arith.constant 62 : i32
        %get3A_1122 = arith.index_cast %get3A_1121 : i32 to index
        %get3A_1123 = arith.constant 0 : index
        %get3A_1124 = tpu.vector_load %arg12[%get3A_1122, %get3A_1123] {strides = array<i32>} : memref<128x16xf32, #tpu.memory_space<vmem>>, vector<16xf32>,
        %slice3A_1125 = vector.extract_strided_slice %get3A_366 {offsets = [14], sizes = [1], strides = [1]} : vector<16xf32> to vector<1xf32>
        %squeeze3A_1126 = vector.extract %slice3A_1125[0] : f32 from vector<1xf32>
        %mul3A_1127 = vector.broadcast %squeeze3A_1126 : f32 to vector<16xf32>
        %mul3A_1128 = arith.mulf %get3A_1124, %mul3A_1127 : vector<16xf32>
        %swap3A_1129 = arith.constant 62 : i32
        %swap3A_1130 = arith.index_cast %swap3A_1129 : i32 to index
        %swap3A_1131 = arith.constant 0 : index
        %swap3A_1132 = tpu.vector_load %arg13[%swap3A_1130, %swap3A_1131] {strides = array<i32>} : memref<128x16xf32, #tpu.memory_space<vmem>>, vector<16xf32>,
        tpu.vector_store %arg13[%swap3A_1130, %swap3A_1131], %mul3A_1128 {strides = array<i32>} : memref<128x16xf32, #tpu.memory_space<vmem>>, vector<16xf32>,
        %get3A_1133 = arith.constant 63 : i32
        %get3A_1134 = arith.index_cast %get3A_1133 : i32 to index
        %get3A_1135 = arith.constant 0 : index
        %get3A_1136 = tpu.vector_load %arg12[%get3A_1134, %get3A_1135] {strides = array<i32>} : memref<128x16xf32, #tpu.memory_space<vmem>>, vector<16xf32>,
        %slice3A_1137 = vector.extract_strided_slice %get3A_366 {offsets = [15], sizes = [1], strides = [1]} : vector<16xf32> to vector<1xf32>
        %squeeze3A_1138 = vector.extract %slice3A_1137[0] : f32 from vector<1xf32>
        %mul3A_1139 = vector.broadcast %squeeze3A_1138 : f32 to vector<16xf32>
        %mul3A_1140 = arith.mulf %get3A_1136, %mul3A_1139 : vector<16xf32>
        %swap3A_1141 = arith.constant 63 : i32
        %swap3A_1142 = arith.index_cast %swap3A_1141 : i32 to index
        %swap3A_1143 = arith.constant 0 : index
        %swap3A_1144 = tpu.vector_load %arg13[%swap3A_1142, %swap3A_1143] {strides = array<i32>} : memref<128x16xf32, #tpu.memory_space<vmem>>, vector<16xf32>,
        tpu.vector_store %arg13[%swap3A_1142, %swap3A_1143], %mul3A_1140 {strides = array<i32>} : memref<128x16xf32, #tpu.memory_space<vmem>>, vector<16xf32>,
        %get3A_1145 = arith.constant 64 : i32
        %get3A_1146 = arith.index_cast %get3A_1145 : i32 to index
        %get3A_1147 = arith.constant 0 : index
        %get3A_1148 = tpu.vector_load %arg12[%get3A_1146, %get3A_1147] {strides = array<i32>} : memref<128x16xf32, #tpu.memory_space<vmem>>, vector<16xf32>,
        %slice3A_1149 = vector.extract_strided_slice %get3A_369 {offsets = [0], sizes = [1], strides = [1]} : vector<16xf32> to vector<1xf32>
        %squeeze3A_1150 = vector.extract %slice3A_1149[0] : f32 from vector<1xf32>
        %mul3A_1151 = vector.broadcast %squeeze3A_1150 : f32 to vector<16xf32>
        %mul3A_1152 = arith.mulf %get3A_1148, %mul3A_1151 : vector<16xf32>
        %swap3A_1153 = arith.constant 64 : i32
        %swap3A_1154 = arith.index_cast %swap3A_1153 : i32 to index
        %swap3A_1155 = arith.constant 0 : index
        %swap3A_1156 = tpu.vector_load %arg13[%swap3A_1154, %swap3A_1155] {strides = array<i32>} : memref<128x16xf32, #tpu.memory_space<vmem>>, vector<16xf32>,
        tpu.vector_store %arg13[%swap3A_1154, %swap3A_1155], %mul3A_1152 {strides = array<i32>} : memref<128x16xf32, #tpu.memory_space<vmem>>, vector<16xf32>,
        %get3A_1157 = arith.constant 65 : i32
        %get3A_1158 = arith.index_cast %get3A_1157 : i32 to index
        %get3A_1159 = arith.constant 0 : index
        %get3A_1160 = tpu.vector_load %arg12[%get3A_1158, %get3A_1159] {strides = array<i32>} : memref<128x16xf32, #tpu.memory_space<vmem>>, vector<16xf32>,
        %slice3A_1161 = vector.extract_strided_slice %get3A_369 {offsets = [1], sizes = [1], strides = [1]} : vector<16xf32> to vector<1xf32>
        %squeeze3A_1162 = vector.extract %slice3A_1161[0] : f32 from vector<1xf32>
        %mul3A_1163 = vector.broadcast %squeeze3A_1162 : f32 to vector<16xf32>
        %mul3A_1164 = arith.mulf %get3A_1160, %mul3A_1163 : vector<16xf32>
        %swap3A_1165 = arith.constant 65 : i32
        %swap3A_1166 = arith.index_cast %swap3A_1165 : i32 to index
        %swap3A_1167 = arith.constant 0 : index
        %swap3A_1168 = tpu.vector_load %arg13[%swap3A_1166, %swap3A_1167] {strides = array<i32>} : memref<128x16xf32, #tpu.memory_space<vmem>>, vector<16xf32>,
        tpu.vector_store %arg13[%swap3A_1166, %swap3A_1167], %mul3A_1164 {strides = array<i32>} : memref<128x16xf32, #tpu.memory_space<vmem>>, vector<16xf32>,
        %get3A_1169 = arith.constant 66 : i32
        %get3A_1170 = arith.index_cast %get3A_1169 : i32 to index
        %get3A_1171 = arith.constant 0 : index
        %get3A_1172 = tpu.vector_load %arg12[%get3A_1170, %get3A_1171] {strides = array<i32>} : memref<128x16xf32, #tpu.memory_space<vmem>>, vector<16xf32>,
        %slice3A_1173 = vector.extract_strided_slice %get3A_369 {offsets = [2], sizes = [1], strides = [1]} : vector<16xf32> to vector<1xf32>
        %squeeze3A_1174 = vector.extract %slice3A_1173[0] : f32 from vector<1xf32>
        %mul3A_1175 = vector.broadcast %squeeze3A_1174 : f32 to vector<16xf32>
        %mul3A_1176 = arith.mulf %get3A_1172, %mul3A_1175 : vector<16xf32>
        %swap3A_1177 = arith.constant 66 : i32
        %swap3A_1178 = arith.index_cast %swap3A_1177 : i32 to index
        %swap3A_1179 = arith.constant 0 : index
        %swap3A_1180 = tpu.vector_load %arg13[%swap3A_1178, %swap3A_1179] {strides = array<i32>} : memref<128x16xf32, #tpu.memory_space<vmem>>, vector<16xf32>,
        tpu.vector_store %arg13[%swap3A_1178, %swap3A_1179], %mul3A_1176 {strides = array<i32>} : memref<128x16xf32, #tpu.memory_space<vmem>>, vector<16xf32>,
        %get3A_1181 = arith.constant 67 : i32
        %get3A_1182 = arith.index_cast %get3A_1181 : i32 to index
        %get3A_1183 = arith.constant 0 : index
        %get3A_1184 = tpu.vector_load %arg12[%get3A_1182, %get3A_1183] {strides = array<i32>} : memref<128x16xf32, #tpu.memory_space<vmem>>, vector<16xf32>,
        %slice3A_1185 = vector.extract_strided_slice %get3A_369 {offsets = [3], sizes = [1], strides = [1]} : vector<16xf32> to vector<1xf32>
        %squeeze3A_1186 = vector.extract %slice3A_1185[0] : f32 from vector<1xf32>
        %mul3A_1187 = vector.broadcast %squeeze3A_1186 : f32 to vector<16xf32>
        %mul3A_1188 = arith.mulf %get3A_1184, %mul3A_1187 : vector<16xf32>
        %swap3A_1189 = arith.constant 67 : i32
        %swap3A_1190 = arith.index_cast %swap3A_1189 : i32 to index
        %swap3A_1191 = arith.constant 0 : index
        %swap3A_1192 = tpu.vector_load %arg13[%swap3A_1190, %swap3A_1191] {strides = array<i32>} : memref<128x16xf32, #tpu.memory_space<vmem>>, vector<16xf32>,
        tpu.vector_store %arg13[%swap3A_1190, %swap3A_1191], %mul3A_1188 {strides = array<i32>} : memref<128x16xf32, #tpu.memory_space<vmem>>, vector<16xf32>,
        %get3A_1193 = arith.constant 68 : i32
        %get3A_1194 = arith.index_cast %get3A_1193 : i32 to index
        %get3A_1195 = arith.constant 0 : index
        %get3A_1196 = tpu.vector_load %arg12[%get3A_1194, %get3A_1195] {strides = array<i32>} : memref<128x16xf32, #tpu.memory_space<vmem>>, vector<16xf32>,
        %slice3A_1197 = vector.extract_strided_slice %get3A_369 {offsets = [4], sizes = [1], strides = [1]} : vector<16xf32> to vector<1xf32>
        %squeeze3A_1198 = vector.extract %slice3A_1197[0] : f32 from vector<1xf32>
        %mul3A_1199 = vector.broadcast %squeeze3A_1198 : f32 to vector<16xf32>
        %mul3A_1200 = arith.mulf %get3A_1196, %mul3A_1199 : vector<16xf32>
        %swap3A_1201 = arith.constant 68 : i32
        %swap3A_1202 = arith.index_cast %swap3A_1201 : i32 to index
        %swap3A_1203 = arith.constant 0 : index
        %swap3A_1204 = tpu.vector_load %arg13[%swap3A_1202, %swap3A_1203] {strides = array<i32>} : memref<128x16xf32, #tpu.memory_space<vmem>>, vector<16xf32>,
        tpu.vector_store %arg13[%swap3A_1202, %swap3A_1203], %mul3A_1200 {strides = array<i32>} : memref<128x16xf32, #tpu.memory_space<vmem>>, vector<16xf32>,
        %get3A_1205 = arith.constant 69 : i32
        %get3A_1206 = arith.index_cast %get3A_1205 : i32 to index
        %get3A_1207 = arith.constant 0 : index
        %get3A_1208 = tpu.vector_load %arg12[%get3A_1206, %get3A_1207] {strides = array<i32>} : memref<128x16xf32, #tpu.memory_space<vmem>>, vector<16xf32>,
        %slice3A_1209 = vector.extract_strided_slice %get3A_369 {offsets = [5], sizes = [1], strides = [1]} : vector<16xf32> to vector<1xf32>
        %squeeze3A_1210 = vector.extract %slice3A_1209[0] : f32 from vector<1xf32>
        %mul3A_1211 = vector.broadcast %squeeze3A_1210 : f32 to vector<16xf32>
        %mul3A_1212 = arith.mulf %get3A_1208, %mul3A_1211 : vector<16xf32>
        %swap3A_1213 = arith.constant 69 : i32
        %swap3A_1214 = arith.index_cast %swap3A_1213 : i32 to index
        %swap3A_1215 = arith.constant 0 : index
        %swap3A_1216 = tpu.vector_load %arg13[%swap3A_1214, %swap3A_1215] {strides = array<i32>} : memref<128x16xf32, #tpu.memory_space<vmem>>, vector<16xf32>,
        tpu.vector_store %arg13[%swap3A_1214, %swap3A_1215], %mul3A_1212 {strides = array<i32>} : memref<128x16xf32, #tpu.memory_space<vmem>>, vector<16xf32>,
        %get3A_1217 = arith.constant 70 : i32
        %get3A_1218 = arith.index_cast %get3A_1217 : i32 to index
        %get3A_1219 = arith.constant 0 : index
        %get3A_1220 = tpu.vector_load %arg12[%get3A_1218, %get3A_1219] {strides = array<i32>} : memref<128x16xf32, #tpu.memory_space<vmem>>, vector<16xf32>,
        %slice3A_1221 = vector.extract_strided_slice %get3A_369 {offsets = [6], sizes = [1], strides = [1]} : vector<16xf32> to vector<1xf32>
        %squeeze3A_1222 = vector.extract %slice3A_1221[0] : f32 from vector<1xf32>
        %mul3A_1223 = vector.broadcast %squeeze3A_1222 : f32 to vector<16xf32>
        %mul3A_1224 = arith.mulf %get3A_1220, %mul3A_1223 : vector<16xf32>
        %swap3A_1225 = arith.constant 70 : i32
        %swap3A_1226 = arith.index_cast %swap3A_1225 : i32 to index
        %swap3A_1227 = arith.constant 0 : index
        %swap3A_1228 = tpu.vector_load %arg13[%swap3A_1226, %swap3A_1227] {strides = array<i32>} : memref<128x16xf32, #tpu.memory_space<vmem>>, vector<16xf32>,
        tpu.vector_store %arg13[%swap3A_1226, %swap3A_1227], %mul3A_1224 {strides = array<i32>} : memref<128x16xf32, #tpu.memory_space<vmem>>, vector<16xf32>,
        %get3A_1229 = arith.constant 71 : i32
        %get3A_1230 = arith.index_cast %get3A_1229 : i32 to index
        %get3A_1231 = arith.constant 0 : index
        %get3A_1232 = tpu.vector_load %arg12[%get3A_1230, %get3A_1231] {strides = array<i32>} : memref<128x16xf32, #tpu.memory_space<vmem>>, vector<16xf32>,
        %slice3A_1233 = vector.extract_strided_slice %get3A_369 {offsets = [7], sizes = [1], strides = [1]} : vector<16xf32> to vector<1xf32>
        %squeeze3A_1234 = vector.extract %slice3A_1233[0] : f32 from vector<1xf32>
        %mul3A_1235 = vector.broadcast %squeeze3A_1234 : f32 to vector<16xf32>
        %mul3A_1236 = arith.mulf %get3A_1232, %mul3A_1235 : vector<16xf32>
        %swap3A_1237 = arith.constant 71 : i32
        %swap3A_1238 = arith.index_cast %swap3A_1237 : i32 to index
        %swap3A_1239 = arith.constant 0 : index
        %swap3A_1240 = tpu.vector_load %arg13[%swap3A_1238, %swap3A_1239] {strides = array<i32>} : memref<128x16xf32, #tpu.memory_space<vmem>>, vector<16xf32>,
        tpu.vector_store %arg13[%swap3A_1238, %swap3A_1239], %mul3A_1236 {strides = array<i32>} : memref<128x16xf32, #tpu.memory_space<vmem>>, vector<16xf32>,
        %get3A_1241 = arith.constant 72 : i32
        %get3A_1242 = arith.index_cast %get3A_1241 : i32 to index
        %get3A_1243 = arith.constant 0 : index
        %get3A_1244 = tpu.vector_load %arg12[%get3A_1242, %get3A_1243] {strides = array<i32>} : memref<128x16xf32, #tpu.memory_space<vmem>>, vector<16xf32>,
        %slice3A_1245 = vector.extract_strided_slice %get3A_369 {offsets = [8], sizes = [1], strides = [1]} : vector<16xf32> to vector<1xf32>
        %squeeze3A_1246 = vector.extract %slice3A_1245[0] : f32 from vector<1xf32>
        %mul3A_1247 = vector.broadcast %squeeze3A_1246 : f32 to vector<16xf32>
        %mul3A_1248 = arith.mulf %get3A_1244, %mul3A_1247 : vector<16xf32>
        %swap3A_1249 = arith.constant 72 : i32
        %swap3A_1250 = arith.index_cast %swap3A_1249 : i32 to index
        %swap3A_1251 = arith.constant 0 : index
        %swap3A_1252 = tpu.vector_load %arg13[%swap3A_1250, %swap3A_1251] {strides = array<i32>} : memref<128x16xf32, #tpu.memory_space<vmem>>, vector<16xf32>,
        tpu.vector_store %arg13[%swap3A_1250, %swap3A_1251], %mul3A_1248 {strides = array<i32>} : memref<128x16xf32, #tpu.memory_space<vmem>>, vector<16xf32>,
        %get3A_1253 = arith.constant 73 : i32
        %get3A_1254 = arith.index_cast %get3A_1253 : i32 to index
        %get3A_1255 = arith.constant 0 : index
        %get3A_1256 = tpu.vector_load %arg12[%get3A_1254, %get3A_1255] {strides = array<i32>} : memref<128x16xf32, #tpu.memory_space<vmem>>, vector<16xf32>,
        %slice3A_1257 = vector.extract_strided_slice %get3A_369 {offsets = [9], sizes = [1], strides = [1]} : vector<16xf32> to vector<1xf32>
        %squeeze3A_1258 = vector.extract %slice3A_1257[0] : f32 from vector<1xf32>
        %mul3A_1259 = vector.broadcast %squeeze3A_1258 : f32 to vector<16xf32>
        %mul3A_1260 = arith.mulf %get3A_1256, %mul3A_1259 : vector<16xf32>
        %swap3A_1261 = arith.constant 73 : i32
        %swap3A_1262 = arith.index_cast %swap3A_1261 : i32 to index
        %swap3A_1263 = arith.constant 0 : index
        %swap3A_1264 = tpu.vector_load %arg13[%swap3A_1262, %swap3A_1263] {strides = array<i32>} : memref<128x16xf32, #tpu.memory_space<vmem>>, vector<16xf32>,
        tpu.vector_store %arg13[%swap3A_1262, %swap3A_1263], %mul3A_1260 {strides = array<i32>} : memref<128x16xf32, #tpu.memory_space<vmem>>, vector<16xf32>,
        %get3A_1265 = arith.constant 74 : i32
        %get3A_1266 = arith.index_cast %get3A_1265 : i32 to index
        %get3A_1267 = arith.constant 0 : index
        %get3A_1268 = tpu.vector_load %arg12[%get3A_1266, %get3A_1267] {strides = array<i32>} : memref<128x16xf32, #tpu.memory_space<vmem>>, vector<16xf32>,
        %slice3A_1269 = vector.extract_strided_slice %get3A_369 {offsets = [10], sizes = [1], strides = [1]} : vector<16xf32> to vector<1xf32>
        %squeeze3A_1270 = vector.extract %slice3A_1269[0] : f32 from vector<1xf32>
        %mul3A_1271 = vector.broadcast %squeeze3A_1270 : f32 to vector<16xf32>
        %mul3A_1272 = arith.mulf %get3A_1268, %mul3A_1271 : vector<16xf32>
        %swap3A_1273 = arith.constant 74 : i32
        %swap3A_1274 = arith.index_cast %swap3A_1273 : i32 to index
        %swap3A_1275 = arith.constant 0 : index
        %swap3A_1276 = tpu.vector_load %arg13[%swap3A_1274, %swap3A_1275] {strides = array<i32>} : memref<128x16xf32, #tpu.memory_space<vmem>>, vector<16xf32>,
        tpu.vector_store %arg13[%swap3A_1274, %swap3A_1275], %mul3A_1272 {strides = array<i32>} : memref<128x16xf32, #tpu.memory_space<vmem>>, vector<16xf32>,
        %get3A_1277 = arith.constant 75 : i32
        %get3A_1278 = arith.index_cast %get3A_1277 : i32 to index
        %get3A_1279 = arith.constant 0 : index
        %get3A_1280 = tpu.vector_load %arg12[%get3A_1278, %get3A_1279] {strides = array<i32>} : memref<128x16xf32, #tpu.memory_space<vmem>>, vector<16xf32>,
        %slice3A_1281 = vector.extract_strided_slice %get3A_369 {offsets = [11], sizes = [1], strides = [1]} : vector<16xf32> to vector<1xf32>
        %squeeze3A_1282 = vector.extract %slice3A_1281[0] : f32 from vector<1xf32>
        %mul3A_1283 = vector.broadcast %squeeze3A_1282 : f32 to vector<16xf32>
        %mul3A_1284 = arith.mulf %get3A_1280, %mul3A_1283 : vector<16xf32>
        %swap3A_1285 = arith.constant 75 : i32
        %swap3A_1286 = arith.index_cast %swap3A_1285 : i32 to index
        %swap3A_1287 = arith.constant 0 : index
        %swap3A_1288 = tpu.vector_load %arg13[%swap3A_1286, %swap3A_1287] {strides = array<i32>} : memref<128x16xf32, #tpu.memory_space<vmem>>, vector<16xf32>,
        tpu.vector_store %arg13[%swap3A_1286, %swap3A_1287], %mul3A_1284 {strides = array<i32>} : memref<128x16xf32, #tpu.memory_space<vmem>>, vector<16xf32>,
        %get3A_1289 = arith.constant 76 : i32
        %get3A_1290 = arith.index_cast %get3A_1289 : i32 to index
        %get3A_1291 = arith.constant 0 : index
        %get3A_1292 = tpu.vector_load %arg12[%get3A_1290, %get3A_1291] {strides = array<i32>} : memref<128x16xf32, #tpu.memory_space<vmem>>, vector<16xf32>,
        %slice3A_1293 = vector.extract_strided_slice %get3A_369 {offsets = [12], sizes = [1], strides = [1]} : vector<16xf32> to vector<1xf32>
        %squeeze3A_1294 = vector.extract %slice3A_1293[0] : f32 from vector<1xf32>
        %mul3A_1295 = vector.broadcast %squeeze3A_1294 : f32 to vector<16xf32>
        %mul3A_1296 = arith.mulf %get3A_1292, %mul3A_1295 : vector<16xf32>
        %swap3A_1297 = arith.constant 76 : i32
        %swap3A_1298 = arith.index_cast %swap3A_1297 : i32 to index
        %swap3A_1299 = arith.constant 0 : index
        %swap3A_1300 = tpu.vector_load %arg13[%swap3A_1298, %swap3A_1299] {strides = array<i32>} : memref<128x16xf32, #tpu.memory_space<vmem>>, vector<16xf32>,
        tpu.vector_store %arg13[%swap3A_1298, %swap3A_1299], %mul3A_1296 {strides = array<i32>} : memref<128x16xf32, #tpu.memory_space<vmem>>, vector<16xf32>,
        %get3A_1301 = arith.constant 77 : i32
        %get3A_1302 = arith.index_cast %get3A_1301 : i32 to index
        %get3A_1303 = arith.constant 0 : index
        %get3A_1304 = tpu.vector_load %arg12[%get3A_1302, %get3A_1303] {strides = array<i32>} : memref<128x16xf32, #tpu.memory_space<vmem>>, vector<16xf32>,
        %slice3A_1305 = vector.extract_strided_slice %get3A_369 {offsets = [13], sizes = [1], strides = [1]} : vector<16xf32> to vector<1xf32>
        %squeeze3A_1306 = vector.extract %slice3A_1305[0] : f32 from vector<1xf32>
        %mul3A_1307 = vector.broadcast %squeeze3A_1306 : f32 to vector<16xf32>
        %mul3A_1308 = arith.mulf %get3A_1304, %mul3A_1307 : vector<16xf32>
        %swap3A_1309 = arith.constant 77 : i32
        %swap3A_1310 = arith.index_cast %swap3A_1309 : i32 to index
        %swap3A_1311 = arith.constant 0 : index
        %swap3A_1312 = tpu.vector_load %arg13[%swap3A_1310, %swap3A_1311] {strides = array<i32>} : memref<128x16xf32, #tpu.memory_space<vmem>>, vector<16xf32>,
        tpu.vector_store %arg13[%swap3A_1310, %swap3A_1311], %mul3A_1308 {strides = array<i32>} : memref<128x16xf32, #tpu.memory_space<vmem>>, vector<16xf32>,
        %get3A_1313 = arith.constant 78 : i32
        %get3A_1314 = arith.index_cast %get3A_1313 : i32 to index
        %get3A_1315 = arith.constant 0 : index
        %get3A_1316 = tpu.vector_load %arg12[%get3A_1314, %get3A_1315] {strides = array<i32>} : memref<128x16xf32, #tpu.memory_space<vmem>>, vector<16xf32>,
        %slice3A_1317 = vector.extract_strided_slice %get3A_369 {offsets = [14], sizes = [1], strides = [1]} : vector<16xf32> to vector<1xf32>
        %squeeze3A_1318 = vector.extract %slice3A_1317[0] : f32 from vector<1xf32>
        %mul3A_1319 = vector.broadcast %squeeze3A_1318 : f32 to vector<16xf32>
        %mul3A_1320 = arith.mulf %get3A_1316, %mul3A_1319 : vector<16xf32>
        %swap3A_1321 = arith.constant 78 : i32
        %swap3A_1322 = arith.index_cast %swap3A_1321 : i32 to index
        %swap3A_1323 = arith.constant 0 : index
        %swap3A_1324 = tpu.vector_load %arg13[%swap3A_1322, %swap3A_1323] {strides = array<i32>} : memref<128x16xf32, #tpu.memory_space<vmem>>, vector<16xf32>,
        tpu.vector_store %arg13[%swap3A_1322, %swap3A_1323], %mul3A_1320 {strides = array<i32>} : memref<128x16xf32, #tpu.memory_space<vmem>>, vector<16xf32>,
        %get3A_1325 = arith.constant 79 : i32
        %get3A_1326 = arith.index_cast %get3A_1325 : i32 to index
        %get3A_1327 = arith.constant 0 : index
        %get3A_1328 = tpu.vector_load %arg12[%get3A_1326, %get3A_1327] {strides = array<i32>} : memref<128x16xf32, #tpu.memory_space<vmem>>, vector<16xf32>,
        %slice3A_1329 = vector.extract_strided_slice %get3A_369 {offsets = [15], sizes = [1], strides = [1]} : vector<16xf32> to vector<1xf32>
        %squeeze3A_1330 = vector.extract %slice3A_1329[0] : f32 from vector<1xf32>
        %mul3A_1331 = vector.broadcast %squeeze3A_1330 : f32 to vector<16xf32>
        %mul3A_1332 = arith.mulf %get3A_1328, %mul3A_1331 : vector<16xf32>
        %swap3A_1333 = arith.constant 79 : i32
        %swap3A_1334 = arith.index_cast %swap3A_1333 : i32 to index
        %swap3A_1335 = arith.constant 0 : index
        %swap3A_1336 = tpu.vector_load %arg13[%swap3A_1334, %swap3A_1335] {strides = array<i32>} : memref<128x16xf32, #tpu.memory_space<vmem>>, vector<16xf32>,
        tpu.vector_store %arg13[%swap3A_1334, %swap3A_1335], %mul3A_1332 {strides = array<i32>} : memref<128x16xf32, #tpu.memory_space<vmem>>, vector<16xf32>,
        %get3A_1337 = arith.constant 80 : i32
        %get3A_1338 = arith.index_cast %get3A_1337 : i32 to index
        %get3A_1339 = arith.constant 0 : index
        %get3A_1340 = tpu.vector_load %arg12[%get3A_1338, %get3A_1339] {strides = array<i32>} : memref<128x16xf32, #tpu.memory_space<vmem>>, vector<16xf32>,
        %slice3A_1341 = vector.extract_strided_slice %get3A_372 {offsets = [0], sizes = [1], strides = [1]} : vector<16xf32> to vector<1xf32>
        %squeeze3A_1342 = vector.extract %slice3A_1341[0] : f32 from vector<1xf32>
        %mul3A_1343 = vector.broadcast %squeeze3A_1342 : f32 to vector<16xf32>
        %mul3A_1344 = arith.mulf %get3A_1340, %mul3A_1343 : vector<16xf32>
        %swap3A_1345 = arith.constant 80 : i32
        %swap3A_1346 = arith.index_cast %swap3A_1345 : i32 to index
        %swap3A_1347 = arith.constant 0 : index
        %swap3A_1348 = tpu.vector_load %arg13[%swap3A_1346, %swap3A_1347] {strides = array<i32>} : memref<128x16xf32, #tpu.memory_space<vmem>>, vector<16xf32>,
        tpu.vector_store %arg13[%swap3A_1346, %swap3A_1347], %mul3A_1344 {strides = array<i32>} : memref<128x16xf32, #tpu.memory_space<vmem>>, vector<16xf32>,
        %get3A_1349 = arith.constant 81 : i32
        %get3A_1350 = arith.index_cast %get3A_1349 : i32 to index
        %get3A_1351 = arith.constant 0 : index
        %get3A_1352 = tpu.vector_load %arg12[%get3A_1350, %get3A_1351] {strides = array<i32>} : memref<128x16xf32, #tpu.memory_space<vmem>>, vector<16xf32>,
        %slice3A_1353 = vector.extract_strided_slice %get3A_372 {offsets = [1], sizes = [1], strides = [1]} : vector<16xf32> to vector<1xf32>
        %squeeze3A_1354 = vector.extract %slice3A_1353[0] : f32 from vector<1xf32>
        %mul3A_1355 = vector.broadcast %squeeze3A_1354 : f32 to vector<16xf32>
        %mul3A_1356 = arith.mulf %get3A_1352, %mul3A_1355 : vector<16xf32>
        %swap3A_1357 = arith.constant 81 : i32
        %swap3A_1358 = arith.index_cast %swap3A_1357 : i32 to index
        %swap3A_1359 = arith.constant 0 : index
        %swap3A_1360 = tpu.vector_load %arg13[%swap3A_1358, %swap3A_1359] {strides = array<i32>} : memref<128x16xf32, #tpu.memory_space<vmem>>, vector<16xf32>,
        tpu.vector_store %arg13[%swap3A_1358, %swap3A_1359], %mul3A_1356 {strides = array<i32>} : memref<128x16xf32, #tpu.memory_space<vmem>>, vector<16xf32>,
        %get3A_1361 = arith.constant 82 : i32
        %get3A_1362 = arith.index_cast %get3A_1361 : i32 to index
        %get3A_1363 = arith.constant 0 : index
        %get3A_1364 = tpu.vector_load %arg12[%get3A_1362, %get3A_1363] {strides = array<i32>} : memref<128x16xf32, #tpu.memory_space<vmem>>, vector<16xf32>,
        %slice3A_1365 = vector.extract_strided_slice %get3A_372 {offsets = [2], sizes = [1], strides = [1]} : vector<16xf32> to vector<1xf32>
        %squeeze3A_1366 = vector.extract %slice3A_1365[0] : f32 from vector<1xf32>
        %mul3A_1367 = vector.broadcast %squeeze3A_1366 : f32 to vector<16xf32>
        %mul3A_1368 = arith.mulf %get3A_1364, %mul3A_1367 : vector<16xf32>
        %swap3A_1369 = arith.constant 82 : i32
        %swap3A_1370 = arith.index_cast %swap3A_1369 : i32 to index
        %swap3A_1371 = arith.constant 0 : index
        %swap3A_1372 = tpu.vector_load %arg13[%swap3A_1370, %swap3A_1371] {strides = array<i32>} : memref<128x16xf32, #tpu.memory_space<vmem>>, vector<16xf32>,
        tpu.vector_store %arg13[%swap3A_1370, %swap3A_1371], %mul3A_1368 {strides = array<i32>} : memref<128x16xf32, #tpu.memory_space<vmem>>, vector<16xf32>,
        %get3A_1373 = arith.constant 83 : i32
        %get3A_1374 = arith.index_cast %get3A_1373 : i32 to index
        %get3A_1375 = arith.constant 0 : index
        %get3A_1376 = tpu.vector_load %arg12[%get3A_1374, %get3A_1375] {strides = array<i32>} : memref<128x16xf32, #tpu.memory_space<vmem>>, vector<16xf32>,
        %slice3A_1377 = vector.extract_strided_slice %get3A_372 {offsets = [3], sizes = [1], strides = [1]} : vector<16xf32> to vector<1xf32>
        %squeeze3A_1378 = vector.extract %slice3A_1377[0] : f32 from vector<1xf32>
        %mul3A_1379 = vector.broadcast %squeeze3A_1378 : f32 to vector<16xf32>
        %mul3A_1380 = arith.mulf %get3A_1376, %mul3A_1379 : vector<16xf32>
        %swap3A_1381 = arith.constant 83 : i32
        %swap3A_1382 = arith.index_cast %swap3A_1381 : i32 to index
        %swap3A_1383 = arith.constant 0 : index
        %swap3A_1384 = tpu.vector_load %arg13[%swap3A_1382, %swap3A_1383] {strides = array<i32>} : memref<128x16xf32, #tpu.memory_space<vmem>>, vector<16xf32>,
        tpu.vector_store %arg13[%swap3A_1382, %swap3A_1383], %mul3A_1380 {strides = array<i32>} : memref<128x16xf32, #tpu.memory_space<vmem>>, vector<16xf32>,
        %get3A_1385 = arith.constant 84 : i32
        %get3A_1386 = arith.index_cast %get3A_1385 : i32 to index
        %get3A_1387 = arith.constant 0 : index
        %get3A_1388 = tpu.vector_load %arg12[%get3A_1386, %get3A_1387] {strides = array<i32>} : memref<128x16xf32, #tpu.memory_space<vmem>>, vector<16xf32>,
        %slice3A_1389 = vector.extract_strided_slice %get3A_372 {offsets = [4], sizes = [1], strides = [1]} : vector<16xf32> to vector<1xf32>
        %squeeze3A_1390 = vector.extract %slice3A_1389[0] : f32 from vector<1xf32>
        %mul3A_1391 = vector.broadcast %squeeze3A_1390 : f32 to vector<16xf32>
        %mul3A_1392 = arith.mulf %get3A_1388, %mul3A_1391 : vector<16xf32>
        %swap3A_1393 = arith.constant 84 : i32
        %swap3A_1394 = arith.index_cast %swap3A_1393 : i32 to index
        %swap3A_1395 = arith.constant 0 : index
        %swap3A_1396 = tpu.vector_load %arg13[%swap3A_1394, %swap3A_1395] {strides = array<i32>} : memref<128x16xf32, #tpu.memory_space<vmem>>, vector<16xf32>,
        tpu.vector_store %arg13[%swap3A_1394, %swap3A_1395], %mul3A_1392 {strides = array<i32>} : memref<128x16xf32, #tpu.memory_space<vmem>>, vector<16xf32>,
        %get3A_1397 = arith.constant 85 : i32
        %get3A_1398 = arith.index_cast %get3A_1397 : i32 to index
        %get3A_1399 = arith.constant 0 : index
        %get3A_1400 = tpu.vector_load %arg12[%get3A_1398, %get3A_1399] {strides = array<i32>} : memref<128x16xf32, #tpu.memory_space<vmem>>, vector<16xf32>,
        %slice3A_1401 = vector.extract_strided_slice %get3A_372 {offsets = [5], sizes = [1], strides = [1]} : vector<16xf32> to vector<1xf32>
        %squeeze3A_1402 = vector.extract %slice3A_1401[0] : f32 from vector<1xf32>
        %mul3A_1403 = vector.broadcast %squeeze3A_1402 : f32 to vector<16xf32>
        %mul3A_1404 = arith.mulf %get3A_1400, %mul3A_1403 : vector<16xf32>
        %swap3A_1405 = arith.constant 85 : i32
        %swap3A_1406 = arith.index_cast %swap3A_1405 : i32 to index
        %swap3A_1407 = arith.constant 0 : index
        %swap3A_1408 = tpu.vector_load %arg13[%swap3A_1406, %swap3A_1407] {strides = array<i32>} : memref<128x16xf32, #tpu.memory_space<vmem>>, vector<16xf32>,
        tpu.vector_store %arg13[%swap3A_1406, %swap3A_1407], %mul3A_1404 {strides = array<i32>} : memref<128x16xf32, #tpu.memory_space<vmem>>, vector<16xf32>,
        %get3A_1409 = arith.constant 86 : i32
        %get3A_1410 = arith.index_cast %get3A_1409 : i32 to index
        %get3A_1411 = arith.constant 0 : index
        %get3A_1412 = tpu.vector_load %arg12[%get3A_1410, %get3A_1411] {strides = array<i32>} : memref<128x16xf32, #tpu.memory_space<vmem>>, vector<16xf32>,
        %slice3A_1413 = vector.extract_strided_slice %get3A_372 {offsets = [6], sizes = [1], strides = [1]} : vector<16xf32> to vector<1xf32>
        %squeeze3A_1414 = vector.extract %slice3A_1413[0] : f32 from vector<1xf32>
        %mul3A_1415 = vector.broadcast %squeeze3A_1414 : f32 to vector<16xf32>
        %mul3A_1416 = arith.mulf %get3A_1412, %mul3A_1415 : vector<16xf32>
        %swap3A_1417 = arith.constant 86 : i32
        %swap3A_1418 = arith.index_cast %swap3A_1417 : i32 to index
        %swap3A_1419 = arith.constant 0 : index
        %swap3A_1420 = tpu.vector_load %arg13[%swap3A_1418, %swap3A_1419] {strides = array<i32>} : memref<128x16xf32, #tpu.memory_space<vmem>>, vector<16xf32>,
        tpu.vector_store %arg13[%swap3A_1418, %swap3A_1419], %mul3A_1416 {strides = array<i32>} : memref<128x16xf32, #tpu.memory_space<vmem>>, vector<16xf32>,
        %get3A_1421 = arith.constant 87 : i32
        %get3A_1422 = arith.index_cast %get3A_1421 : i32 to index
        %get3A_1423 = arith.constant 0 : index
        %get3A_1424 = tpu.vector_load %arg12[%get3A_1422, %get3A_1423] {strides = array<i32>} : memref<128x16xf32, #tpu.memory_space<vmem>>, vector<16xf32>,
        %slice3A_1425 = vector.extract_strided_slice %get3A_372 {offsets = [7], sizes = [1], strides = [1]} : vector<16xf32> to vector<1xf32>
        %squeeze3A_1426 = vector.extract %slice3A_1425[0] : f32 from vector<1xf32>
        %mul3A_1427 = vector.broadcast %squeeze3A_1426 : f32 to vector<16xf32>
        %mul3A_1428 = arith.mulf %get3A_1424, %mul3A_1427 : vector<16xf32>
        %swap3A_1429 = arith.constant 87 : i32
        %swap3A_1430 = arith.index_cast %swap3A_1429 : i32 to index
        %swap3A_1431 = arith.constant 0 : index
        %swap3A_1432 = tpu.vector_load %arg13[%swap3A_1430, %swap3A_1431] {strides = array<i32>} : memref<128x16xf32, #tpu.memory_space<vmem>>, vector<16xf32>,
        tpu.vector_store %arg13[%swap3A_1430, %swap3A_1431], %mul3A_1428 {strides = array<i32>} : memref<128x16xf32, #tpu.memory_space<vmem>>, vector<16xf32>,
        %get3A_1433 = arith.constant 88 : i32
        %get3A_1434 = arith.index_cast %get3A_1433 : i32 to index
        %get3A_1435 = arith.constant 0 : index
        %get3A_1436 = tpu.vector_load %arg12[%get3A_1434, %get3A_1435] {strides = array<i32>} : memref<128x16xf32, #tpu.memory_space<vmem>>, vector<16xf32>,
        %slice3A_1437 = vector.extract_strided_slice %get3A_372 {offsets = [8], sizes = [1], strides = [1]} : vector<16xf32> to vector<1xf32>
        %squeeze3A_1438 = vector.extract %slice3A_1437[0] : f32 from vector<1xf32>
        %mul3A_1439 = vector.broadcast %squeeze3A_1438 : f32 to vector<16xf32>
        %mul3A_1440 = arith.mulf %get3A_1436, %mul3A_1439 : vector<16xf32>
        %swap3A_1441 = arith.constant 88 : i32
        %swap3A_1442 = arith.index_cast %swap3A_1441 : i32 to index
        %swap3A_1443 = arith.constant 0 : index
        %swap3A_1444 = tpu.vector_load %arg13[%swap3A_1442, %swap3A_1443] {strides = array<i32>} : memref<128x16xf32, #tpu.memory_space<vmem>>, vector<16xf32>,
        tpu.vector_store %arg13[%swap3A_1442, %swap3A_1443], %mul3A_1440 {strides = array<i32>} : memref<128x16xf32, #tpu.memory_space<vmem>>, vector<16xf32>,
        %get3A_1445 = arith.constant 89 : i32
        %get3A_1446 = arith.index_cast %get3A_1445 : i32 to index
        %get3A_1447 = arith.constant 0 : index
        %get3A_1448 = tpu.vector_load %arg12[%get3A_1446, %get3A_1447] {strides = array<i32>} : memref<128x16xf32, #tpu.memory_space<vmem>>, vector<16xf32>,
        %slice3A_1449 = vector.extract_strided_slice %get3A_372 {offsets = [9], sizes = [1], strides = [1]} : vector<16xf32> to vector<1xf32>
        %squeeze3A_1450 = vector.extract %slice3A_1449[0] : f32 from vector<1xf32>
        %mul3A_1451 = vector.broadcast %squeeze3A_1450 : f32 to vector<16xf32>
        %mul3A_1452 = arith.mulf %get3A_1448, %mul3A_1451 : vector<16xf32>
        %swap3A_1453 = arith.constant 89 : i32
        %swap3A_1454 = arith.index_cast %swap3A_1453 : i32 to index
        %swap3A_1455 = arith.constant 0 : index
        %swap3A_1456 = tpu.vector_load %arg13[%swap3A_1454, %swap3A_1455] {strides = array<i32>} : memref<128x16xf32, #tpu.memory_space<vmem>>, vector<16xf32>,
        tpu.vector_store %arg13[%swap3A_1454, %swap3A_1455], %mul3A_1452 {strides = array<i32>} : memref<128x16xf32, #tpu.memory_space<vmem>>, vector<16xf32>,
        %get3A_1457 = arith.constant 90 : i32
        %get3A_1458 = arith.index_cast %get3A_1457 : i32 to index
        %get3A_1459 = arith.constant 0 : index
        %get3A_1460 = tpu.vector_load %arg12[%get3A_1458, %get3A_1459] {strides = array<i32>} : memref<128x16xf32, #tpu.memory_space<vmem>>, vector<16xf32>,
        %slice3A_1461 = vector.extract_strided_slice %get3A_372 {offsets = [10], sizes = [1], strides = [1]} : vector<16xf32> to vector<1xf32>
        %squeeze3A_1462 = vector.extract %slice3A_1461[0] : f32 from vector<1xf32>
        %mul3A_1463 = vector.broadcast %squeeze3A_1462 : f32 to vector<16xf32>
        %mul3A_1464 = arith.mulf %get3A_1460, %mul3A_1463 : vector<16xf32>
        %swap3A_1465 = arith.constant 90 : i32
        %swap3A_1466 = arith.index_cast %swap3A_1465 : i32 to index
        %swap3A_1467 = arith.constant 0 : index
        %swap3A_1468 = tpu.vector_load %arg13[%swap3A_1466, %swap3A_1467] {strides = array<i32>} : memref<128x16xf32, #tpu.memory_space<vmem>>, vector<16xf32>,
        tpu.vector_store %arg13[%swap3A_1466, %swap3A_1467], %mul3A_1464 {strides = array<i32>} : memref<128x16xf32, #tpu.memory_space<vmem>>, vector<16xf32>,
        %get3A_1469 = arith.constant 91 : i32
        %get3A_1470 = arith.index_cast %get3A_1469 : i32 to index
        %get3A_1471 = arith.constant 0 : index
        %get3A_1472 = tpu.vector_load %arg12[%get3A_1470, %get3A_1471] {strides = array<i32>} : memref<128x16xf32, #tpu.memory_space<vmem>>, vector<16xf32>,
        %slice3A_1473 = vector.extract_strided_slice %get3A_372 {offsets = [11], sizes = [1], strides = [1]} : vector<16xf32> to vector<1xf32>
        %squeeze3A_1474 = vector.extract %slice3A_1473[0] : f32 from vector<1xf32>
        %mul3A_1475 = vector.broadcast %squeeze3A_1474 : f32 to vector<16xf32>
        %mul3A_1476 = arith.mulf %get3A_1472, %mul3A_1475 : vector<16xf32>
        %swap3A_1477 = arith.constant 91 : i32
        %swap3A_1478 = arith.index_cast %swap3A_1477 : i32 to index
        %swap3A_1479 = arith.constant 0 : index
        %swap3A_1480 = tpu.vector_load %arg13[%swap3A_1478, %swap3A_1479] {strides = array<i32>} : memref<128x16xf32, #tpu.memory_space<vmem>>, vector<16xf32>,
        tpu.vector_store %arg13[%swap3A_1478, %swap3A_1479], %mul3A_1476 {strides = array<i32>} : memref<128x16xf32, #tpu.memory_space<vmem>>, vector<16xf32>,
        %get3A_1481 = arith.constant 92 : i32
        %get3A_1482 = arith.index_cast %get3A_1481 : i32 to index
        %get3A_1483 = arith.constant 0 : index
        %get3A_1484 = tpu.vector_load %arg12[%get3A_1482, %get3A_1483] {strides = array<i32>} : memref<128x16xf32, #tpu.memory_space<vmem>>, vector<16xf32>,
        %slice3A_1485 = vector.extract_strided_slice %get3A_372 {offsets = [12], sizes = [1], strides = [1]} : vector<16xf32> to vector<1xf32>
        %squeeze3A_1486 = vector.extract %slice3A_1485[0] : f32 from vector<1xf32>
        %mul3A_1487 = vector.broadcast %squeeze3A_1486 : f32 to vector<16xf32>
        %mul3A_1488 = arith.mulf %get3A_1484, %mul3A_1487 : vector<16xf32>
        %swap3A_1489 = arith.constant 92 : i32
        %swap3A_1490 = arith.index_cast %swap3A_1489 : i32 to index
        %swap3A_1491 = arith.constant 0 : index
        %swap3A_1492 = tpu.vector_load %arg13[%swap3A_1490, %swap3A_1491] {strides = array<i32>} : memref<128x16xf32, #tpu.memory_space<vmem>>, vector<16xf32>,
        tpu.vector_store %arg13[%swap3A_1490, %swap3A_1491], %mul3A_1488 {strides = array<i32>} : memref<128x16xf32, #tpu.memory_space<vmem>>, vector<16xf32>,
        %get3A_1493 = arith.constant 93 : i32
        %get3A_1494 = arith.index_cast %get3A_1493 : i32 to index
        %get3A_1495 = arith.constant 0 : index
        %get3A_1496 = tpu.vector_load %arg12[%get3A_1494, %get3A_1495] {strides = array<i32>} : memref<128x16xf32, #tpu.memory_space<vmem>>, vector<16xf32>,
        %slice3A_1497 = vector.extract_strided_slice %get3A_372 {offsets = [13], sizes = [1], strides = [1]} : vector<16xf32> to vector<1xf32>
        %squeeze3A_1498 = vector.extract %slice3A_1497[0] : f32 from vector<1xf32>
        %mul3A_1499 = vector.broadcast %squeeze3A_1498 : f32 to vector<16xf32>
        %mul3A_1500 = arith.mulf %get3A_1496, %mul3A_1499 : vector<16xf32>
        %swap3A_1501 = arith.constant 93 : i32
        %swap3A_1502 = arith.index_cast %swap3A_1501 : i32 to index
        %swap3A_1503 = arith.constant 0 : index
        %swap3A_1504 = tpu.vector_load %arg13[%swap3A_1502, %swap3A_1503] {strides = array<i32>} : memref<128x16xf32, #tpu.memory_space<vmem>>, vector<16xf32>,
        tpu.vector_store %arg13[%swap3A_1502, %swap3A_1503], %mul3A_1500 {strides = array<i32>} : memref<128x16xf32, #tpu.memory_space<vmem>>, vector<16xf32>,
        %get3A_1505 = arith.constant 94 : i32
        %get3A_1506 = arith.index_cast %get3A_1505 : i32 to index
        %get3A_1507 = arith.constant 0 : index
        %get3A_1508 = tpu.vector_load %arg12[%get3A_1506, %get3A_1507] {strides = array<i32>} : memref<128x16xf32, #tpu.memory_space<vmem>>, vector<16xf32>,
        %slice3A_1509 = vector.extract_strided_slice %get3A_372 {offsets = [14], sizes = [1], strides = [1]} : vector<16xf32> to vector<1xf32>
        %squeeze3A_1510 = vector.extract %slice3A_1509[0] : f32 from vector<1xf32>
        %mul3A_1511 = vector.broadcast %squeeze3A_1510 : f32 to vector<16xf32>
        %mul3A_1512 = arith.mulf %get3A_1508, %mul3A_1511 : vector<16xf32>
        %swap3A_1513 = arith.constant 94 : i32
        %swap3A_1514 = arith.index_cast %swap3A_1513 : i32 to index
        %swap3A_1515 = arith.constant 0 : index
        %swap3A_1516 = tpu.vector_load %arg13[%swap3A_1514, %swap3A_1515] {strides = array<i32>} : memref<128x16xf32, #tpu.memory_space<vmem>>, vector<16xf32>,
        tpu.vector_store %arg13[%swap3A_1514, %swap3A_1515], %mul3A_1512 {strides = array<i32>} : memref<128x16xf32, #tpu.memory_space<vmem>>, vector<16xf32>,
        %get3A_1517 = arith.constant 95 : i32
        %get3A_1518 = arith.index_cast %get3A_1517 : i32 to index
        %get3A_1519 = arith.constant 0 : index
        %get3A_1520 = tpu.vector_load %arg12[%get3A_1518, %get3A_1519] {strides = array<i32>} : memref<128x16xf32, #tpu.memory_space<vmem>>, vector<16xf32>,
        %slice3A_1521 = vector.extract_strided_slice %get3A_372 {offsets = [15], sizes = [1], strides = [1]} : vector<16xf32> to vector<1xf32>
        %squeeze3A_1522 = vector.extract %slice3A_1521[0] : f32 from vector<1xf32>
        %mul3A_1523 = vector.broadcast %squeeze3A_1522 : f32 to vector<16xf32>
        %mul3A_1524 = arith.mulf %get3A_1520, %mul3A_1523 : vector<16xf32>
        %swap3A_1525 = arith.constant 95 : i32
        %swap3A_1526 = arith.index_cast %swap3A_1525 : i32 to index
        %swap3A_1527 = arith.constant 0 : index
        %swap3A_1528 = tpu.vector_load %arg13[%swap3A_1526, %swap3A_1527] {strides = array<i32>} : memref<128x16xf32, #tpu.memory_space<vmem>>, vector<16xf32>,
        tpu.vector_store %arg13[%swap3A_1526, %swap3A_1527], %mul3A_1524 {strides = array<i32>} : memref<128x16xf32, #tpu.memory_space<vmem>>, vector<16xf32>,
        %get3A_1529 = arith.constant 96 : i32
        %get3A_1530 = arith.index_cast %get3A_1529 : i32 to index
        %get3A_1531 = arith.constant 0 : index
        %get3A_1532 = tpu.vector_load %arg12[%get3A_1530, %get3A_1531] {strides = array<i32>} : memref<128x16xf32, #tpu.memory_space<vmem>>, vector<16xf32>,
        %slice3A_1533 = vector.extract_strided_slice %get3A_375 {offsets = [0], sizes = [1], strides = [1]} : vector<16xf32> to vector<1xf32>
        %squeeze3A_1534 = vector.extract %slice3A_1533[0] : f32 from vector<1xf32>
        %mul3A_1535 = vector.broadcast %squeeze3A_1534 : f32 to vector<16xf32>
        %mul3A_1536 = arith.mulf %get3A_1532, %mul3A_1535 : vector<16xf32>
        %swap3A_1537 = arith.constant 96 : i32
        %swap3A_1538 = arith.index_cast %swap3A_1537 : i32 to index
        %swap3A_1539 = arith.constant 0 : index
        %swap3A_1540 = tpu.vector_load %arg13[%swap3A_1538, %swap3A_1539] {strides = array<i32>} : memref<128x16xf32, #tpu.memory_space<vmem>>, vector<16xf32>,
        tpu.vector_store %arg13[%swap3A_1538, %swap3A_1539], %mul3A_1536 {strides = array<i32>} : memref<128x16xf32, #tpu.memory_space<vmem>>, vector<16xf32>,
        %get3A_1541 = arith.constant 97 : i32
        %get3A_1542 = arith.index_cast %get3A_1541 : i32 to index
        %get3A_1543 = arith.constant 0 : index
        %get3A_1544 = tpu.vector_load %arg12[%get3A_1542, %get3A_1543] {strides = array<i32>} : memref<128x16xf32, #tpu.memory_space<vmem>>, vector<16xf32>,
        %slice3A_1545 = vector.extract_strided_slice %get3A_375 {offsets = [1], sizes = [1], strides = [1]} : vector<16xf32> to vector<1xf32>
        %squeeze3A_1546 = vector.extract %slice3A_1545[0] : f32 from vector<1xf32>
        %mul3A_1547 = vector.broadcast %squeeze3A_1546 : f32 to vector<16xf32>
        %mul3A_1548 = arith.mulf %get3A_1544, %mul3A_1547 : vector<16xf32>
        %swap3A_1549 = arith.constant 97 : i32
        %swap3A_1550 = arith.index_cast %swap3A_1549 : i32 to index
        %swap3A_1551 = arith.constant 0 : index
        %swap3A_1552 = tpu.vector_load %arg13[%swap3A_1550, %swap3A_1551] {strides = array<i32>} : memref<128x16xf32, #tpu.memory_space<vmem>>, vector<16xf32>,
        tpu.vector_store %arg13[%swap3A_1550, %swap3A_1551], %mul3A_1548 {strides = array<i32>} : memref<128x16xf32, #tpu.memory_space<vmem>>, vector<16xf32>,
        %get3A_1553 = arith.constant 98 : i32
        %get3A_1554 = arith.index_cast %get3A_1553 : i32 to index
        %get3A_1555 = arith.constant 0 : index
        %get3A_1556 = tpu.vector_load %arg12[%get3A_1554, %get3A_1555] {strides = array<i32>} : memref<128x16xf32, #tpu.memory_space<vmem>>, vector<16xf32>,
        %slice3A_1557 = vector.extract_strided_slice %get3A_375 {offsets = [2], sizes = [1], strides = [1]} : vector<16xf32> to vector<1xf32>
        %squeeze3A_1558 = vector.extract %slice3A_1557[0] : f32 from vector<1xf32>
        %mul3A_1559 = vector.broadcast %squeeze3A_1558 : f32 to vector<16xf32>
        %mul3A_1560 = arith.mulf %get3A_1556, %mul3A_1559 : vector<16xf32>
        %swap3A_1561 = arith.constant 98 : i32
        %swap3A_1562 = arith.index_cast %swap3A_1561 : i32 to index
        %swap3A_1563 = arith.constant 0 : index
        %swap3A_1564 = tpu.vector_load %arg13[%swap3A_1562, %swap3A_1563] {strides = array<i32>} : memref<128x16xf32, #tpu.memory_space<vmem>>, vector<16xf32>,
        tpu.vector_store %arg13[%swap3A_1562, %swap3A_1563], %mul3A_1560 {strides = array<i32>} : memref<128x16xf32, #tpu.memory_space<vmem>>, vector<16xf32>,
        %get3A_1565 = arith.constant 99 : i32
        %get3A_1566 = arith.index_cast %get3A_1565 : i32 to index
        %get3A_1567 = arith.constant 0 : index
        %get3A_1568 = tpu.vector_load %arg12[%get3A_1566, %get3A_1567] {strides = array<i32>} : memref<128x16xf32, #tpu.memory_space<vmem>>, vector<16xf32>,
        %slice3A_1569 = vector.extract_strided_slice %get3A_375 {offsets = [3], sizes = [1], strides = [1]} : vector<16xf32> to vector<1xf32>
        %squeeze3A_1570 = vector.extract %slice3A_1569[0] : f32 from vector<1xf32>
        %mul3A_1571 = vector.broadcast %squeeze3A_1570 : f32 to vector<16xf32>
        %mul3A_1572 = arith.mulf %get3A_1568, %mul3A_1571 : vector<16xf32>
        %swap3A_1573 = arith.constant 99 : i32
        %swap3A_1574 = arith.index_cast %swap3A_1573 : i32 to index
        %swap3A_1575 = arith.constant 0 : index
        %swap3A_1576 = tpu.vector_load %arg13[%swap3A_1574, %swap3A_1575] {strides = array<i32>} : memref<128x16xf32, #tpu.memory_space<vmem>>, vector<16xf32>,
        tpu.vector_store %arg13[%swap3A_1574, %swap3A_1575], %mul3A_1572 {strides = array<i32>} : memref<128x16xf32, #tpu.memory_space<vmem>>, vector<16xf32>,
        %get3A_1577 = arith.constant 100 : i32
        %get3A_1578 = arith.index_cast %get3A_1577 : i32 to index
        %get3A_1579 = arith.constant 0 : index
        %get3A_1580 = tpu.vector_load %arg12[%get3A_1578, %get3A_1579] {strides = array<i32>} : memref<128x16xf32, #tpu.memory_space<vmem>>, vector<16xf32>,
        %slice3A_1581 = vector.extract_strided_slice %get3A_375 {offsets = [4], sizes = [1], strides = [1]} : vector<16xf32> to vector<1xf32>
        %squeeze3A_1582 = vector.extract %slice3A_1581[0] : f32 from vector<1xf32>
        %mul3A_1583 = vector.broadcast %squeeze3A_1582 : f32 to vector<16xf32>
        %mul3A_1584 = arith.mulf %get3A_1580, %mul3A_1583 : vector<16xf32>
        %swap3A_1585 = arith.constant 100 : i32
        %swap3A_1586 = arith.index_cast %swap3A_1585 : i32 to index
        %swap3A_1587 = arith.constant 0 : index
        %swap3A_1588 = tpu.vector_load %arg13[%swap3A_1586, %swap3A_1587] {strides = array<i32>} : memref<128x16xf32, #tpu.memory_space<vmem>>, vector<16xf32>,
        tpu.vector_store %arg13[%swap3A_1586, %swap3A_1587], %mul3A_1584 {strides = array<i32>} : memref<128x16xf32, #tpu.memory_space<vmem>>, vector<16xf32>,
        %get3A_1589 = arith.constant 101 : i32
        %get3A_1590 = arith.index_cast %get3A_1589 : i32 to index
        %get3A_1591 = arith.constant 0 : index
        %get3A_1592 = tpu.vector_load %arg12[%get3A_1590, %get3A_1591] {strides = array<i32>} : memref<128x16xf32, #tpu.memory_space<vmem>>, vector<16xf32>,
        %slice3A_1593 = vector.extract_strided_slice %get3A_375 {offsets = [5], sizes = [1], strides = [1]} : vector<16xf32> to vector<1xf32>
        %squeeze3A_1594 = vector.extract %slice3A_1593[0] : f32 from vector<1xf32>
        %mul3A_1595 = vector.broadcast %squeeze3A_1594 : f32 to vector<16xf32>
        %mul3A_1596 = arith.mulf %get3A_1592, %mul3A_1595 : vector<16xf32>
        %swap3A_1597 = arith.constant 101 : i32
        %swap3A_1598 = arith.index_cast %swap3A_1597 : i32 to index
        %swap3A_1599 = arith.constant 0 : index
        %swap3A_1600 = tpu.vector_load %arg13[%swap3A_1598, %swap3A_1599] {strides = array<i32>} : memref<128x16xf32, #tpu.memory_space<vmem>>, vector<16xf32>,
        tpu.vector_store %arg13[%swap3A_1598, %swap3A_1599], %mul3A_1596 {strides = array<i32>} : memref<128x16xf32, #tpu.memory_space<vmem>>, vector<16xf32>,
        %get3A_1601 = arith.constant 102 : i32
        %get3A_1602 = arith.index_cast %get3A_1601 : i32 to index
        %get3A_1603 = arith.constant 0 : index
        %get3A_1604 = tpu.vector_load %arg12[%get3A_1602, %get3A_1603] {strides = array<i32>} : memref<128x16xf32, #tpu.memory_space<vmem>>, vector<16xf32>,
        %slice3A_1605 = vector.extract_strided_slice %get3A_375 {offsets = [6], sizes = [1], strides = [1]} : vector<16xf32> to vector<1xf32>
        %squeeze3A_1606 = vector.extract %slice3A_1605[0] : f32 from vector<1xf32>
        %mul3A_1607 = vector.broadcast %squeeze3A_1606 : f32 to vector<16xf32>
        %mul3A_1608 = arith.mulf %get3A_1604, %mul3A_1607 : vector<16xf32>
        %swap3A_1609 = arith.constant 102 : i32
        %swap3A_1610 = arith.index_cast %swap3A_1609 : i32 to index
        %swap3A_1611 = arith.constant 0 : index
        %swap3A_1612 = tpu.vector_load %arg13[%swap3A_1610, %swap3A_1611] {strides = array<i32>} : memref<128x16xf32, #tpu.memory_space<vmem>>, vector<16xf32>,
        tpu.vector_store %arg13[%swap3A_1610, %swap3A_1611], %mul3A_1608 {strides = array<i32>} : memref<128x16xf32, #tpu.memory_space<vmem>>, vector<16xf32>,
        %get3A_1613 = arith.constant 103 : i32
        %get3A_1614 = arith.index_cast %get3A_1613 : i32 to index
        %get3A_1615 = arith.constant 0 : index
        %get3A_1616 = tpu.vector_load %arg12[%get3A_1614, %get3A_1615] {strides = array<i32>} : memref<128x16xf32, #tpu.memory_space<vmem>>, vector<16xf32>,
        %slice3A_1617 = vector.extract_strided_slice %get3A_375 {offsets = [7], sizes = [1], strides = [1]} : vector<16xf32> to vector<1xf32>
        %squeeze3A_1618 = vector.extract %slice3A_1617[0] : f32 from vector<1xf32>
        %mul3A_1619 = vector.broadcast %squeeze3A_1618 : f32 to vector<16xf32>
        %mul3A_1620 = arith.mulf %get3A_1616, %mul3A_1619 : vector<16xf32>
        %swap3A_1621 = arith.constant 103 : i32
        %swap3A_1622 = arith.index_cast %swap3A_1621 : i32 to index
        %swap3A_1623 = arith.constant 0 : index
        %swap3A_1624 = tpu.vector_load %arg13[%swap3A_1622, %swap3A_1623] {strides = array<i32>} : memref<128x16xf32, #tpu.memory_space<vmem>>, vector<16xf32>,
        tpu.vector_store %arg13[%swap3A_1622, %swap3A_1623], %mul3A_1620 {strides = array<i32>} : memref<128x16xf32, #tpu.memory_space<vmem>>, vector<16xf32>,
        %get3A_1625 = arith.constant 104 : i32
        %get3A_1626 = arith.index_cast %get3A_1625 : i32 to index
        %get3A_1627 = arith.constant 0 : index
        %get3A_1628 = tpu.vector_load %arg12[%get3A_1626, %get3A_1627] {strides = array<i32>} : memref<128x16xf32, #tpu.memory_space<vmem>>, vector<16xf32>,
        %slice3A_1629 = vector.extract_strided_slice %get3A_375 {offsets = [8], sizes = [1], strides = [1]} : vector<16xf32> to vector<1xf32>
        %squeeze3A_1630 = vector.extract %slice3A_1629[0] : f32 from vector<1xf32>
        %mul3A_1631 = vector.broadcast %squeeze3A_1630 : f32 to vector<16xf32>
        %mul3A_1632 = arith.mulf %get3A_1628, %mul3A_1631 : vector<16xf32>
        %swap3A_1633 = arith.constant 104 : i32
        %swap3A_1634 = arith.index_cast %swap3A_1633 : i32 to index
        %swap3A_1635 = arith.constant 0 : index
        %swap3A_1636 = tpu.vector_load %arg13[%swap3A_1634, %swap3A_1635] {strides = array<i32>} : memref<128x16xf32, #tpu.memory_space<vmem>>, vector<16xf32>,
        tpu.vector_store %arg13[%swap3A_1634, %swap3A_1635], %mul3A_1632 {strides = array<i32>} : memref<128x16xf32, #tpu.memory_space<vmem>>, vector<16xf32>,
        %get3A_1637 = arith.constant 105 : i32
        %get3A_1638 = arith.index_cast %get3A_1637 : i32 to index
        %get3A_1639 = arith.constant 0 : index
        %get3A_1640 = tpu.vector_load %arg12[%get3A_1638, %get3A_1639] {strides = array<i32>} : memref<128x16xf32, #tpu.memory_space<vmem>>, vector<16xf32>,
        %slice3A_1641 = vector.extract_strided_slice %get3A_375 {offsets = [9], sizes = [1], strides = [1]} : vector<16xf32> to vector<1xf32>
        %squeeze3A_1642 = vector.extract %slice3A_1641[0] : f32 from vector<1xf32>
        %mul3A_1643 = vector.broadcast %squeeze3A_1642 : f32 to vector<16xf32>
        %mul3A_1644 = arith.mulf %get3A_1640, %mul3A_1643 : vector<16xf32>
        %swap3A_1645 = arith.constant 105 : i32
        %swap3A_1646 = arith.index_cast %swap3A_1645 : i32 to index
        %swap3A_1647 = arith.constant 0 : index
        %swap3A_1648 = tpu.vector_load %arg13[%swap3A_1646, %swap3A_1647] {strides = array<i32>} : memref<128x16xf32, #tpu.memory_space<vmem>>, vector<16xf32>,
        tpu.vector_store %arg13[%swap3A_1646, %swap3A_1647], %mul3A_1644 {strides = array<i32>} : memref<128x16xf32, #tpu.memory_space<vmem>>, vector<16xf32>,
        %get3A_1649 = arith.constant 106 : i32
        %get3A_1650 = arith.index_cast %get3A_1649 : i32 to index
        %get3A_1651 = arith.constant 0 : index
        %get3A_1652 = tpu.vector_load %arg12[%get3A_1650, %get3A_1651] {strides = array<i32>} : memref<128x16xf32, #tpu.memory_space<vmem>>, vector<16xf32>,
        %slice3A_1653 = vector.extract_strided_slice %get3A_375 {offsets = [10], sizes = [1], strides = [1]} : vector<16xf32> to vector<1xf32>
        %squeeze3A_1654 = vector.extract %slice3A_1653[0] : f32 from vector<1xf32>
        %mul3A_1655 = vector.broadcast %squeeze3A_1654 : f32 to vector<16xf32>
        %mul3A_1656 = arith.mulf %get3A_1652, %mul3A_1655 : vector<16xf32>
        %swap3A_1657 = arith.constant 106 : i32
        %swap3A_1658 = arith.index_cast %swap3A_1657 : i32 to index
        %swap3A_1659 = arith.constant 0 : index
        %swap3A_1660 = tpu.vector_load %arg13[%swap3A_1658, %swap3A_1659] {strides = array<i32>} : memref<128x16xf32, #tpu.memory_space<vmem>>, vector<16xf32>,
        tpu.vector_store %arg13[%swap3A_1658, %swap3A_1659], %mul3A_1656 {strides = array<i32>} : memref<128x16xf32, #tpu.memory_space<vmem>>, vector<16xf32>,
        %get3A_1661 = arith.constant 107 : i32
        %get3A_1662 = arith.index_cast %get3A_1661 : i32 to index
        %get3A_1663 = arith.constant 0 : index
        %get3A_1664 = tpu.vector_load %arg12[%get3A_1662, %get3A_1663] {strides = array<i32>} : memref<128x16xf32, #tpu.memory_space<vmem>>, vector<16xf32>,
        %slice3A_1665 = vector.extract_strided_slice %get3A_375 {offsets = [11], sizes = [1], strides = [1]} : vector<16xf32> to vector<1xf32>
        %squeeze3A_1666 = vector.extract %slice3A_1665[0] : f32 from vector<1xf32>
        %mul3A_1667 = vector.broadcast %squeeze3A_1666 : f32 to vector<16xf32>
        %mul3A_1668 = arith.mulf %get3A_1664, %mul3A_1667 : vector<16xf32>
        %swap3A_1669 = arith.constant 107 : i32
        %swap3A_1670 = arith.index_cast %swap3A_1669 : i32 to index
        %swap3A_1671 = arith.constant 0 : index
        %swap3A_1672 = tpu.vector_load %arg13[%swap3A_1670, %swap3A_1671] {strides = array<i32>} : memref<128x16xf32, #tpu.memory_space<vmem>>, vector<16xf32>,
        tpu.vector_store %arg13[%swap3A_1670, %swap3A_1671], %mul3A_1668 {strides = array<i32>} : memref<128x16xf32, #tpu.memory_space<vmem>>, vector<16xf32>,
        %get3A_1673 = arith.constant 108 : i32
        %get3A_1674 = arith.index_cast %get3A_1673 : i32 to index
        %get3A_1675 = arith.constant 0 : index
        %get3A_1676 = tpu.vector_load %arg12[%get3A_1674, %get3A_1675] {strides = array<i32>} : memref<128x16xf32, #tpu.memory_space<vmem>>, vector<16xf32>,
        %slice3A_1677 = vector.extract_strided_slice %get3A_375 {offsets = [12], sizes = [1], strides = [1]} : vector<16xf32> to vector<1xf32>
        %squeeze3A_1678 = vector.extract %slice3A_1677[0] : f32 from vector<1xf32>
        %mul3A_1679 = vector.broadcast %squeeze3A_1678 : f32 to vector<16xf32>
        %mul3A_1680 = arith.mulf %get3A_1676, %mul3A_1679 : vector<16xf32>
        %swap3A_1681 = arith.constant 108 : i32
        %swap3A_1682 = arith.index_cast %swap3A_1681 : i32 to index
        %swap3A_1683 = arith.constant 0 : index
        %swap3A_1684 = tpu.vector_load %arg13[%swap3A_1682, %swap3A_1683] {strides = array<i32>} : memref<128x16xf32, #tpu.memory_space<vmem>>, vector<16xf32>,
        tpu.vector_store %arg13[%swap3A_1682, %swap3A_1683], %mul3A_1680 {strides = array<i32>} : memref<128x16xf32, #tpu.memory_space<vmem>>, vector<16xf32>,
        %get3A_1685 = arith.constant 109 : i32
        %get3A_1686 = arith.index_cast %get3A_1685 : i32 to index
        %get3A_1687 = arith.constant 0 : index
        %get3A_1688 = tpu.vector_load %arg12[%get3A_1686, %get3A_1687] {strides = array<i32>} : memref<128x16xf32, #tpu.memory_space<vmem>>, vector<16xf32>,
        %slice3A_1689 = vector.extract_strided_slice %get3A_375 {offsets = [13], sizes = [1], strides = [1]} : vector<16xf32> to vector<1xf32>
        %squeeze3A_1690 = vector.extract %slice3A_1689[0] : f32 from vector<1xf32>
        %mul3A_1691 = vector.broadcast %squeeze3A_1690 : f32 to vector<16xf32>
        %mul3A_1692 = arith.mulf %get3A_1688, %mul3A_1691 : vector<16xf32>
        %swap3A_1693 = arith.constant 109 : i32
        %swap3A_1694 = arith.index_cast %swap3A_1693 : i32 to index
        %swap3A_1695 = arith.constant 0 : index
        %swap3A_1696 = tpu.vector_load %arg13[%swap3A_1694, %swap3A_1695] {strides = array<i32>} : memref<128x16xf32, #tpu.memory_space<vmem>>, vector<16xf32>,
        tpu.vector_store %arg13[%swap3A_1694, %swap3A_1695], %mul3A_1692 {strides = array<i32>} : memref<128x16xf32, #tpu.memory_space<vmem>>, vector<16xf32>,
        %get3A_1697 = arith.constant 110 : i32
        %get3A_1698 = arith.index_cast %get3A_1697 : i32 to index
        %get3A_1699 = arith.constant 0 : index
        %get3A_1700 = tpu.vector_load %arg12[%get3A_1698, %get3A_1699] {strides = array<i32>} : memref<128x16xf32, #tpu.memory_space<vmem>>, vector<16xf32>,
        %slice3A_1701 = vector.extract_strided_slice %get3A_375 {offsets = [14], sizes = [1], strides = [1]} : vector<16xf32> to vector<1xf32>
        %squeeze3A_1702 = vector.extract %slice3A_1701[0] : f32 from vector<1xf32>
        %mul3A_1703 = vector.broadcast %squeeze3A_1702 : f32 to vector<16xf32>
        %mul3A_1704 = arith.mulf %get3A_1700, %mul3A_1703 : vector<16xf32>
        %swap3A_1705 = arith.constant 110 : i32
        %swap3A_1706 = arith.index_cast %swap3A_1705 : i32 to index
        %swap3A_1707 = arith.constant 0 : index
        %swap3A_1708 = tpu.vector_load %arg13[%swap3A_1706, %swap3A_1707] {strides = array<i32>} : memref<128x16xf32, #tpu.memory_space<vmem>>, vector<16xf32>,
        tpu.vector_store %arg13[%swap3A_1706, %swap3A_1707], %mul3A_1704 {strides = array<i32>} : memref<128x16xf32, #tpu.memory_space<vmem>>, vector<16xf32>,
        %get3A_1709 = arith.constant 111 : i32
        %get3A_1710 = arith.index_cast %get3A_1709 : i32 to index
        %get3A_1711 = arith.constant 0 : index
        %get3A_1712 = tpu.vector_load %arg12[%get3A_1710, %get3A_1711] {strides = array<i32>} : memref<128x16xf32, #tpu.memory_space<vmem>>, vector<16xf32>,
        %slice3A_1713 = vector.extract_strided_slice %get3A_375 {offsets = [15], sizes = [1], strides = [1]} : vector<16xf32> to vector<1xf32>
        %squeeze3A_1714 = vector.extract %slice3A_1713[0] : f32 from vector<1xf32>
        %mul3A_1715 = vector.broadcast %squeeze3A_1714 : f32 to vector<16xf32>
        %mul3A_1716 = arith.mulf %get3A_1712, %mul3A_1715 : vector<16xf32>
        %swap3A_1717 = arith.constant 111 : i32
        %swap3A_1718 = arith.index_cast %swap3A_1717 : i32 to index
        %swap3A_1719 = arith.constant 0 : index
        %swap3A_1720 = tpu.vector_load %arg13[%swap3A_1718, %swap3A_1719] {strides = array<i32>} : memref<128x16xf32, #tpu.memory_space<vmem>>, vector<16xf32>,
        tpu.vector_store %arg13[%swap3A_1718, %swap3A_1719], %mul3A_1716 {strides = array<i32>} : memref<128x16xf32, #tpu.memory_space<vmem>>, vector<16xf32>,
        %get3A_1721 = arith.constant 112 : i32
        %get3A_1722 = arith.index_cast %get3A_1721 : i32 to index
        %get3A_1723 = arith.constant 0 : index
        %get3A_1724 = tpu.vector_load %arg12[%get3A_1722, %get3A_1723] {strides = array<i32>} : memref<128x16xf32, #tpu.memory_space<vmem>>, vector<16xf32>,
        %slice3A_1725 = vector.extract_strided_slice %get3A_378 {offsets = [0], sizes = [1], strides = [1]} : vector<16xf32> to vector<1xf32>
        %squeeze3A_1726 = vector.extract %slice3A_1725[0] : f32 from vector<1xf32>
        %mul3A_1727 = vector.broadcast %squeeze3A_1726 : f32 to vector<16xf32>
        %mul3A_1728 = arith.mulf %get3A_1724, %mul3A_1727 : vector<16xf32>
        %swap3A_1729 = arith.constant 112 : i32
        %swap3A_1730 = arith.index_cast %swap3A_1729 : i32 to index
        %swap3A_1731 = arith.constant 0 : index
        %swap3A_1732 = tpu.vector_load %arg13[%swap3A_1730, %swap3A_1731] {strides = array<i32>} : memref<128x16xf32, #tpu.memory_space<vmem>>, vector<16xf32>,
        tpu.vector_store %arg13[%swap3A_1730, %swap3A_1731], %mul3A_1728 {strides = array<i32>} : memref<128x16xf32, #tpu.memory_space<vmem>>, vector<16xf32>,
        %get3A_1733 = arith.constant 113 : i32
        %get3A_1734 = arith.index_cast %get3A_1733 : i32 to index
        %get3A_1735 = arith.constant 0 : index
        %get3A_1736 = tpu.vector_load %arg12[%get3A_1734, %get3A_1735] {strides = array<i32>} : memref<128x16xf32, #tpu.memory_space<vmem>>, vector<16xf32>,
        %slice3A_1737 = vector.extract_strided_slice %get3A_378 {offsets = [1], sizes = [1], strides = [1]} : vector<16xf32> to vector<1xf32>
        %squeeze3A_1738 = vector.extract %slice3A_1737[0] : f32 from vector<1xf32>
        %mul3A_1739 = vector.broadcast %squeeze3A_1738 : f32 to vector<16xf32>
        %mul3A_1740 = arith.mulf %get3A_1736, %mul3A_1739 : vector<16xf32>
        %swap3A_1741 = arith.constant 113 : i32
        %swap3A_1742 = arith.index_cast %swap3A_1741 : i32 to index
        %swap3A_1743 = arith.constant 0 : index
        %swap3A_1744 = tpu.vector_load %arg13[%swap3A_1742, %swap3A_1743] {strides = array<i32>} : memref<128x16xf32, #tpu.memory_space<vmem>>, vector<16xf32>,
        tpu.vector_store %arg13[%swap3A_1742, %swap3A_1743], %mul3A_1740 {strides = array<i32>} : memref<128x16xf32, #tpu.memory_space<vmem>>, vector<16xf32>,
        %get3A_1745 = arith.constant 114 : i32
        %get3A_1746 = arith.index_cast %get3A_1745 : i32 to index
        %get3A_1747 = arith.constant 0 : index
        %get3A_1748 = tpu.vector_load %arg12[%get3A_1746, %get3A_1747] {strides = array<i32>} : memref<128x16xf32, #tpu.memory_space<vmem>>, vector<16xf32>,
        %slice3A_1749 = vector.extract_strided_slice %get3A_378 {offsets = [2], sizes = [1], strides = [1]} : vector<16xf32> to vector<1xf32>
        %squeeze3A_1750 = vector.extract %slice3A_1749[0] : f32 from vector<1xf32>
        %mul3A_1751 = vector.broadcast %squeeze3A_1750 : f32 to vector<16xf32>
        %mul3A_1752 = arith.mulf %get3A_1748, %mul3A_1751 : vector<16xf32>
        %swap3A_1753 = arith.constant 114 : i32
        %swap3A_1754 = arith.index_cast %swap3A_1753 : i32 to index
        %swap3A_1755 = arith.constant 0 : index
        %swap3A_1756 = tpu.vector_load %arg13[%swap3A_1754, %swap3A_1755] {strides = array<i32>} : memref<128x16xf32, #tpu.memory_space<vmem>>, vector<16xf32>,
        tpu.vector_store %arg13[%swap3A_1754, %swap3A_1755], %mul3A_1752 {strides = array<i32>} : memref<128x16xf32, #tpu.memory_space<vmem>>, vector<16xf32>,
        %get3A_1757 = arith.constant 115 : i32
        %get3A_1758 = arith.index_cast %get3A_1757 : i32 to index
        %get3A_1759 = arith.constant 0 : index
        %get3A_1760 = tpu.vector_load %arg12[%get3A_1758, %get3A_1759] {strides = array<i32>} : memref<128x16xf32, #tpu.memory_space<vmem>>, vector<16xf32>,
        %slice3A_1761 = vector.extract_strided_slice %get3A_378 {offsets = [3], sizes = [1], strides = [1]} : vector<16xf32> to vector<1xf32>
        %squeeze3A_1762 = vector.extract %slice3A_1761[0] : f32 from vector<1xf32>
        %mul3A_1763 = vector.broadcast %squeeze3A_1762 : f32 to vector<16xf32>
        %mul3A_1764 = arith.mulf %get3A_1760, %mul3A_1763 : vector<16xf32>
        %swap3A_1765 = arith.constant 115 : i32
        %swap3A_1766 = arith.index_cast %swap3A_1765 : i32 to index
        %swap3A_1767 = arith.constant 0 : index
        %swap3A_1768 = tpu.vector_load %arg13[%swap3A_1766, %swap3A_1767] {strides = array<i32>} : memref<128x16xf32, #tpu.memory_space<vmem>>, vector<16xf32>,
        tpu.vector_store %arg13[%swap3A_1766, %swap3A_1767], %mul3A_1764 {strides = array<i32>} : memref<128x16xf32, #tpu.memory_space<vmem>>, vector<16xf32>,
        %get3A_1769 = arith.constant 116 : i32
        %get3A_1770 = arith.index_cast %get3A_1769 : i32 to index
        %get3A_1771 = arith.constant 0 : index
        %get3A_1772 = tpu.vector_load %arg12[%get3A_1770, %get3A_1771] {strides = array<i32>} : memref<128x16xf32, #tpu.memory_space<vmem>>, vector<16xf32>,
        %slice3A_1773 = vector.extract_strided_slice %get3A_378 {offsets = [4], sizes = [1], strides = [1]} : vector<16xf32> to vector<1xf32>
        %squeeze3A_1774 = vector.extract %slice3A_1773[0] : f32 from vector<1xf32>
        %mul3A_1775 = vector.broadcast %squeeze3A_1774 : f32 to vector<16xf32>
        %mul3A_1776 = arith.mulf %get3A_1772, %mul3A_1775 : vector<16xf32>
        %swap3A_1777 = arith.constant 116 : i32
        %swap3A_1778 = arith.index_cast %swap3A_1777 : i32 to index
        %swap3A_1779 = arith.constant 0 : index
        %swap3A_1780 = tpu.vector_load %arg13[%swap3A_1778, %swap3A_1779] {strides = array<i32>} : memref<128x16xf32, #tpu.memory_space<vmem>>, vector<16xf32>,
        tpu.vector_store %arg13[%swap3A_1778, %swap3A_1779], %mul3A_1776 {strides = array<i32>} : memref<128x16xf32, #tpu.memory_space<vmem>>, vector<16xf32>,
        %get3A_1781 = arith.constant 117 : i32
        %get3A_1782 = arith.index_cast %get3A_1781 : i32 to index
        %get3A_1783 = arith.constant 0 : index
        %get3A_1784 = tpu.vector_load %arg12[%get3A_1782, %get3A_1783] {strides = array<i32>} : memref<128x16xf32, #tpu.memory_space<vmem>>, vector<16xf32>,
        %slice3A_1785 = vector.extract_strided_slice %get3A_378 {offsets = [5], sizes = [1], strides = [1]} : vector<16xf32> to vector<1xf32>
        %squeeze3A_1786 = vector.extract %slice3A_1785[0] : f32 from vector<1xf32>
        %mul3A_1787 = vector.broadcast %squeeze3A_1786 : f32 to vector<16xf32>
        %mul3A_1788 = arith.mulf %get3A_1784, %mul3A_1787 : vector<16xf32>
        %swap3A_1789 = arith.constant 117 : i32
        %swap3A_1790 = arith.index_cast %swap3A_1789 : i32 to index
        %swap3A_1791 = arith.constant 0 : index
        %swap3A_1792 = tpu.vector_load %arg13[%swap3A_1790, %swap3A_1791] {strides = array<i32>} : memref<128x16xf32, #tpu.memory_space<vmem>>, vector<16xf32>,
        tpu.vector_store %arg13[%swap3A_1790, %swap3A_1791], %mul3A_1788 {strides = array<i32>} : memref<128x16xf32, #tpu.memory_space<vmem>>, vector<16xf32>,
        %get3A_1793 = arith.constant 118 : i32
        %get3A_1794 = arith.index_cast %get3A_1793 : i32 to index
        %get3A_1795 = arith.constant 0 : index
        %get3A_1796 = tpu.vector_load %arg12[%get3A_1794, %get3A_1795] {strides = array<i32>} : memref<128x16xf32, #tpu.memory_space<vmem>>, vector<16xf32>,
        %slice3A_1797 = vector.extract_strided_slice %get3A_378 {offsets = [6], sizes = [1], strides = [1]} : vector<16xf32> to vector<1xf32>
        %squeeze3A_1798 = vector.extract %slice3A_1797[0] : f32 from vector<1xf32>
        %mul3A_1799 = vector.broadcast %squeeze3A_1798 : f32 to vector<16xf32>
        %mul3A_1800 = arith.mulf %get3A_1796, %mul3A_1799 : vector<16xf32>
        %swap3A_1801 = arith.constant 118 : i32
        %swap3A_1802 = arith.index_cast %swap3A_1801 : i32 to index
        %swap3A_1803 = arith.constant 0 : index
        %swap3A_1804 = tpu.vector_load %arg13[%swap3A_1802, %swap3A_1803] {strides = array<i32>} : memref<128x16xf32, #tpu.memory_space<vmem>>, vector<16xf32>,
        tpu.vector_store %arg13[%swap3A_1802, %swap3A_1803], %mul3A_1800 {strides = array<i32>} : memref<128x16xf32, #tpu.memory_space<vmem>>, vector<16xf32>,
        %get3A_1805 = arith.constant 119 : i32
        %get3A_1806 = arith.index_cast %get3A_1805 : i32 to index
        %get3A_1807 = arith.constant 0 : index
        %get3A_1808 = tpu.vector_load %arg12[%get3A_1806, %get3A_1807] {strides = array<i32>} : memref<128x16xf32, #tpu.memory_space<vmem>>, vector<16xf32>,
        %slice3A_1809 = vector.extract_strided_slice %get3A_378 {offsets = [7], sizes = [1], strides = [1]} : vector<16xf32> to vector<1xf32>
        %squeeze3A_1810 = vector.extract %slice3A_1809[0] : f32 from vector<1xf32>
        %mul3A_1811 = vector.broadcast %squeeze3A_1810 : f32 to vector<16xf32>
        %mul3A_1812 = arith.mulf %get3A_1808, %mul3A_1811 : vector<16xf32>
        %swap3A_1813 = arith.constant 119 : i32
        %swap3A_1814 = arith.index_cast %swap3A_1813 : i32 to index
        %swap3A_1815 = arith.constant 0 : index
        %swap3A_1816 = tpu.vector_load %arg13[%swap3A_1814, %swap3A_1815] {strides = array<i32>} : memref<128x16xf32, #tpu.memory_space<vmem>>, vector<16xf32>,
        tpu.vector_store %arg13[%swap3A_1814, %swap3A_1815], %mul3A_1812 {strides = array<i32>} : memref<128x16xf32, #tpu.memory_space<vmem>>, vector<16xf32>,
        %get3A_1817 = arith.constant 120 : i32
        %get3A_1818 = arith.index_cast %get3A_1817 : i32 to index
        %get3A_1819 = arith.constant 0 : index
        %get3A_1820 = tpu.vector_load %arg12[%get3A_1818, %get3A_1819] {strides = array<i32>} : memref<128x16xf32, #tpu.memory_space<vmem>>, vector<16xf32>,
        %slice3A_1821 = vector.extract_strided_slice %get3A_378 {offsets = [8], sizes = [1], strides = [1]} : vector<16xf32> to vector<1xf32>
        %squeeze3A_1822 = vector.extract %slice3A_1821[0] : f32 from vector<1xf32>
        %mul3A_1823 = vector.broadcast %squeeze3A_1822 : f32 to vector<16xf32>
        %mul3A_1824 = arith.mulf %get3A_1820, %mul3A_1823 : vector<16xf32>
        %swap3A_1825 = arith.constant 120 : i32
        %swap3A_1826 = arith.index_cast %swap3A_1825 : i32 to index
        %swap3A_1827 = arith.constant 0 : index
        %swap3A_1828 = tpu.vector_load %arg13[%swap3A_1826, %swap3A_1827] {strides = array<i32>} : memref<128x16xf32, #tpu.memory_space<vmem>>, vector<16xf32>,
        tpu.vector_store %arg13[%swap3A_1826, %swap3A_1827], %mul3A_1824 {strides = array<i32>} : memref<128x16xf32, #tpu.memory_space<vmem>>, vector<16xf32>,
        %get3A_1829 = arith.constant 121 : i32
        %get3A_1830 = arith.index_cast %get3A_1829 : i32 to index
        %get3A_1831 = arith.constant 0 : index
        %get3A_1832 = tpu.vector_load %arg12[%get3A_1830, %get3A_1831] {strides = array<i32>} : memref<128x16xf32, #tpu.memory_space<vmem>>, vector<16xf32>,
        %slice3A_1833 = vector.extract_strided_slice %get3A_378 {offsets = [9], sizes = [1], strides = [1]} : vector<16xf32> to vector<1xf32>
        %squeeze3A_1834 = vector.extract %slice3A_1833[0] : f32 from vector<1xf32>
        %mul3A_1835 = vector.broadcast %squeeze3A_1834 : f32 to vector<16xf32>
        %mul3A_1836 = arith.mulf %get3A_1832, %mul3A_1835 : vector<16xf32>
        %swap3A_1837 = arith.constant 121 : i32
        %swap3A_1838 = arith.index_cast %swap3A_1837 : i32 to index
        %swap3A_1839 = arith.constant 0 : index
        %swap3A_1840 = tpu.vector_load %arg13[%swap3A_1838, %swap3A_1839] {strides = array<i32>} : memref<128x16xf32, #tpu.memory_space<vmem>>, vector<16xf32>,
        tpu.vector_store %arg13[%swap3A_1838, %swap3A_1839], %mul3A_1836 {strides = array<i32>} : memref<128x16xf32, #tpu.memory_space<vmem>>, vector<16xf32>,
        %get3A_1841 = arith.constant 122 : i32
        %get3A_1842 = arith.index_cast %get3A_1841 : i32 to index
        %get3A_1843 = arith.constant 0 : index
        %get3A_1844 = tpu.vector_load %arg12[%get3A_1842, %get3A_1843] {strides = array<i32>} : memref<128x16xf32, #tpu.memory_space<vmem>>, vector<16xf32>,
        %slice3A_1845 = vector.extract_strided_slice %get3A_378 {offsets = [10], sizes = [1], strides = [1]} : vector<16xf32> to vector<1xf32>
        %squeeze3A_1846 = vector.extract %slice3A_1845[0] : f32 from vector<1xf32>
        %mul3A_1847 = vector.broadcast %squeeze3A_1846 : f32 to vector<16xf32>
        %mul3A_1848 = arith.mulf %get3A_1844, %mul3A_1847 : vector<16xf32>
        %swap3A_1849 = arith.constant 122 : i32
        %swap3A_1850 = arith.index_cast %swap3A_1849 : i32 to index
        %swap3A_1851 = arith.constant 0 : index
        %swap3A_1852 = tpu.vector_load %arg13[%swap3A_1850, %swap3A_1851] {strides = array<i32>} : memref<128x16xf32, #tpu.memory_space<vmem>>, vector<16xf32>,
        tpu.vector_store %arg13[%swap3A_1850, %swap3A_1851], %mul3A_1848 {strides = array<i32>} : memref<128x16xf32, #tpu.memory_space<vmem>>, vector<16xf32>,
        %get3A_1853 = arith.constant 123 : i32
        %get3A_1854 = arith.index_cast %get3A_1853 : i32 to index
        %get3A_1855 = arith.constant 0 : index
        %get3A_1856 = tpu.vector_load %arg12[%get3A_1854, %get3A_1855] {strides = array<i32>} : memref<128x16xf32, #tpu.memory_space<vmem>>, vector<16xf32>,
        %slice3A_1857 = vector.extract_strided_slice %get3A_378 {offsets = [11], sizes = [1], strides = [1]} : vector<16xf32> to vector<1xf32>
        %squeeze3A_1858 = vector.extract %slice3A_1857[0] : f32 from vector<1xf32>
        %mul3A_1859 = vector.broadcast %squeeze3A_1858 : f32 to vector<16xf32>
        %mul3A_1860 = arith.mulf %get3A_1856, %mul3A_1859 : vector<16xf32>
        %swap3A_1861 = arith.constant 123 : i32
        %swap3A_1862 = arith.index_cast %swap3A_1861 : i32 to index
        %swap3A_1863 = arith.constant 0 : index
        %swap3A_1864 = tpu.vector_load %arg13[%swap3A_1862, %swap3A_1863] {strides = array<i32>} : memref<128x16xf32, #tpu.memory_space<vmem>>, vector<16xf32>,
        tpu.vector_store %arg13[%swap3A_1862, %swap3A_1863], %mul3A_1860 {strides = array<i32>} : memref<128x16xf32, #tpu.memory_space<vmem>>, vector<16xf32>,
        %get3A_1865 = arith.constant 124 : i32
        %get3A_1866 = arith.index_cast %get3A_1865 : i32 to index
        %get3A_1867 = arith.constant 0 : index
        %get3A_1868 = tpu.vector_load %arg12[%get3A_1866, %get3A_1867] {strides = array<i32>} : memref<128x16xf32, #tpu.memory_space<vmem>>, vector<16xf32>,
        %slice3A_1869 = vector.extract_strided_slice %get3A_378 {offsets = [12], sizes = [1], strides = [1]} : vector<16xf32> to vector<1xf32>
        %squeeze3A_1870 = vector.extract %slice3A_1869[0] : f32 from vector<1xf32>
        %mul3A_1871 = vector.broadcast %squeeze3A_1870 : f32 to vector<16xf32>
        %mul3A_1872 = arith.mulf %get3A_1868, %mul3A_1871 : vector<16xf32>
        %swap3A_1873 = arith.constant 124 : i32
        %swap3A_1874 = arith.index_cast %swap3A_1873 : i32 to index
        %swap3A_1875 = arith.constant 0 : index
        %swap3A_1876 = tpu.vector_load %arg13[%swap3A_1874, %swap3A_1875] {strides = array<i32>} : memref<128x16xf32, #tpu.memory_space<vmem>>, vector<16xf32>,
        tpu.vector_store %arg13[%swap3A_1874, %swap3A_1875], %mul3A_1872 {strides = array<i32>} : memref<128x16xf32, #tpu.memory_space<vmem>>, vector<16xf32>,
        %get3A_1877 = arith.constant 125 : i32
        %get3A_1878 = arith.index_cast %get3A_1877 : i32 to index
        %get3A_1879 = arith.constant 0 : index
        %get3A_1880 = tpu.vector_load %arg12[%get3A_1878, %get3A_1879] {strides = array<i32>} : memref<128x16xf32, #tpu.memory_space<vmem>>, vector<16xf32>,
        %slice3A_1881 = vector.extract_strided_slice %get3A_378 {offsets = [13], sizes = [1], strides = [1]} : vector<16xf32> to vector<1xf32>
        %squeeze3A_1882 = vector.extract %slice3A_1881[0] : f32 from vector<1xf32>
        %mul3A_1883 = vector.broadcast %squeeze3A_1882 : f32 to vector<16xf32>
        %mul3A_1884 = arith.mulf %get3A_1880, %mul3A_1883 : vector<16xf32>
        %swap3A_1885 = arith.constant 125 : i32
        %swap3A_1886 = arith.index_cast %swap3A_1885 : i32 to index
        %swap3A_1887 = arith.constant 0 : index
        %swap3A_1888 = tpu.vector_load %arg13[%swap3A_1886, %swap3A_1887] {strides = array<i32>} : memref<128x16xf32, #tpu.memory_space<vmem>>, vector<16xf32>,
        tpu.vector_store %arg13[%swap3A_1886, %swap3A_1887], %mul3A_1884 {strides = array<i32>} : memref<128x16xf32, #tpu.memory_space<vmem>>, vector<16xf32>,
        %get3A_1889 = arith.constant 126 : i32
        %get3A_1890 = arith.index_cast %get3A_1889 : i32 to index
        %get3A_1891 = arith.constant 0 : index
        %get3A_1892 = tpu.vector_load %arg12[%get3A_1890, %get3A_1891] {strides = array<i32>} : memref<128x16xf32, #tpu.memory_space<vmem>>, vector<16xf32>,
        %slice3A_1893 = vector.extract_strided_slice %get3A_378 {offsets = [14], sizes = [1], strides = [1]} : vector<16xf32> to vector<1xf32>
        %squeeze3A_1894 = vector.extract %slice3A_1893[0] : f32 from vector<1xf32>
        %mul3A_1895 = vector.broadcast %squeeze3A_1894 : f32 to vector<16xf32>
        %mul3A_1896 = arith.mulf %get3A_1892, %mul3A_1895 : vector<16xf32>
        %swap3A_1897 = arith.constant 126 : i32
        %swap3A_1898 = arith.index_cast %swap3A_1897 : i32 to index
        %swap3A_1899 = arith.constant 0 : index
        %swap3A_1900 = tpu.vector_load %arg13[%swap3A_1898, %swap3A_1899] {strides = array<i32>} : memref<128x16xf32, #tpu.memory_space<vmem>>, vector<16xf32>,
        tpu.vector_store %arg13[%swap3A_1898, %swap3A_1899], %mul3A_1896 {strides = array<i32>} : memref<128x16xf32, #tpu.memory_space<vmem>>, vector<16xf32>,
        %get3A_1901 = arith.constant 127 : i32
        %get3A_1902 = arith.index_cast %get3A_1901 : i32 to index
        %get3A_1903 = arith.constant 0 : index
        %get3A_1904 = tpu.vector_load %arg12[%get3A_1902, %get3A_1903] {strides = array<i32>} : memref<128x16xf32, #tpu.memory_space<vmem>>, vector<16xf32>,
        %slice3A_1905 = vector.extract_strided_slice %get3A_378 {offsets = [15], sizes = [1], strides = [1]} : vector<16xf32> to vector<1xf32>
        %squeeze3A_1906 = vector.extract %slice3A_1905[0] : f32 from vector<1xf32>
        %mul3A_1907 = vector.broadcast %squeeze3A_1906 : f32 to vector<16xf32>
        %mul3A_1908 = arith.mulf %get3A_1904, %mul3A_1907 : vector<16xf32>
        %swap3A_1909 = arith.constant 127 : i32
        %swap3A_1910 = arith.index_cast %swap3A_1909 : i32 to index
        %swap3A_1911 = arith.constant 0 : index
        %swap3A_1912 = tpu.vector_load %arg13[%swap3A_1910, %swap3A_1911] {strides = array<i32>} : memref<128x16xf32, #tpu.memory_space<vmem>>, vector<16xf32>,
        tpu.vector_store %arg13[%swap3A_1910, %swap3A_1911], %mul3A_1908 {strides = array<i32>} : memref<128x16xf32, #tpu.memory_space<vmem>>, vector<16xf32>,
        "tpu.region"() ({
          %run_scoped3A_1913 = tpu.sem_alloc : memref<!tpu.dma_semaphore, #tpu.memory_space<semaphore_mem>>
          %dma_start3A_1914 = arith.constant 0 : i32
          %dma_start3A_1915 = tpu.memref_slice %arg9[%add3A_345, %dma_start3A_1914] : memref<32x128xi32, #tpu.memory_space<vmem>> -> memref<1x128xi32, #tpu.memory_space<vmem>>
          %dma_start3A_1916 = tpu.memref_squeeze %dma_start3A_1915 : memref<1x128xi32, #tpu.memory_space<vmem>> -> memref<128xi32, #tpu.memory_space<vmem>>
          %dma_start3A_1917 = arith.constant 0 : i32
          %dma_start3A_1918 = arith.constant 0 : i32
          %dma_start3A_1919 = tpu.memref_slice %arg15[%dma_start3A_1917, %dma_start3A_1918] : memref<16384x16xf32, #tpu.memory_space<vmem_shared>> -> memref<16384x16xf32, #tpu.memory_space<vmem_shared>>
          tpu.enqueue_indirect_dma source(%arg13 : memref<128x16xf32, #tpu.memory_space<vmem>>) target(%dma_start3A_1919 : memref<16384x16xf32, #tpu.memory_space<vmem_shared>>) offsets(%dma_start3A_1916 : memref<128xi32, #tpu.memory_space<vmem>>) semaphore(%run_scoped3A_1913 : memref<!tpu.dma_semaphore, #tpu.memory_space<semaphore_mem>>) {add = true}
          %dma_wait3A_1920 = arith.constant 0 : i32
          %dma_wait3A_1921 = tpu.memref_slice %arg9[%add3A_345, %dma_wait3A_1920] : memref<32x128xi32, #tpu.memory_space<vmem>> -> memref<1x128xi32, #tpu.memory_space<vmem>>
          %dma_wait3A_1922 = tpu.memref_squeeze %dma_wait3A_1921 : memref<1x128xi32, #tpu.memory_space<vmem>> -> memref<128xi32, #tpu.memory_space<vmem>>
          %dma_wait3A_1923 = arith.constant 0 : i32
          %dma_wait3A_1924 = arith.constant 0 : i32
          %dma_wait3A_1925 = tpu.memref_slice %arg15[%dma_wait3A_1923, %dma_wait3A_1924] : memref<16384x16xf32, #tpu.memory_space<vmem_shared>> -> memref<16384x16xf32, #tpu.memory_space<vmem_shared>>
          tpu.wait_indirect_dma semaphore(%run_scoped3A_1913 : memref<!tpu.dma_semaphore, #tpu.memory_space<semaphore_mem>>) src(%arg13 : memref<128x16xf32, #tpu.memory_space<vmem>>) dst(%dma_wait3A_1925 : memref<16384x16xf32, #tpu.memory_space<vmem_shared>>)
          tpu.yield
        }) : () -> ()
      }
      %scan3A_335 = arith.constant 32 : i32
      %barrier3A_336 = arith.constant 0 : index
      tpu.barrier barrier_id(%barrier3A_336)
      %mul3A_337 = arith.constant 1024 : i32
      %mul3A_338 = arith.muli %arg1, %mul3A_337 : i32
      %mul3A_339 = arith.constant 1024 : i32
      %mul3A_340 = arith.muli %arg1, %mul3A_339 : i32
      "tpu.region"() ({
        %run_scoped3A_341 = tpu.sem_alloc : memref<!tpu.dma_semaphore, #tpu.memory_space<semaphore_mem>>
        %dma_start3A = arith.constant 0 : i32
        %dma_start3A_342 = tpu.memref_slice %arg7[%mul3A_340, %dma_start3A] : memref<16384x16xf32, #tpu.memory_space<hbm>> -> memref<1024x16xf32, #tpu.memory_space<hbm>>
        %dma_start3A_343 = arith.constant 0 : i32
        %dma_start3A_344 = tpu.memref_slice %arg15[%mul3A_338, %dma_start3A_343] : memref<16384x16xf32, #tpu.memory_space<vmem_shared>> -> memref<1024x16xf32, #tpu.memory_space<vmem_shared>>
        tpu.enqueue_dma source(%dma_start3A_344 : memref<1024x16xf32, #tpu.memory_space<vmem_shared>>) target(%dma_start3A_342 : memref<1024x16xf32, #tpu.memory_space<hbm>>) target_semaphore(%run_scoped3A_341 : memref<!tpu.dma_semaphore, #tpu.memory_space<semaphore_mem>>)
        %dma_wait3A = arith.constant 0 : i32
        %dma_wait3A_345 = tpu.memref_slice %arg7[%mul3A_340, %dma_wait3A] : memref<16384x16xf32, #tpu.memory_space<hbm>> -> memref<1024x16xf32, #tpu.memory_space<hbm>>
        %dma_wait3A_346 = arith.constant 0 : i32
        %dma_wait3A_347 = tpu.memref_slice %arg15[%mul3A_338, %dma_wait3A_346] : memref<16384x16xf32, #tpu.memory_space<vmem_shared>> -> memref<1024x16xf32, #tpu.memory_space<vmem_shared>>
        tpu.wait_dma2 semaphore(%run_scoped3A_341 : memref<!tpu.dma_semaphore, #tpu.memory_space<semaphore_mem>>) src(%dma_wait3A_347 : memref<1024x16xf32, #tpu.memory_space<vmem_shared>>) dst(%dma_wait3A_345 : memref<1024x16xf32, #tpu.memory_space<hbm>>)
        tpu.yield
      }) : () -> ()
    } else {
    }
    %eq3A_320 = arith.constant 1 : i32
    %eq3A_321 = arith.cmpi eq, %arg0, %eq3A_320 : i32
    %convert_element_type3A_322 = arith.extui %eq3A_321 : i1 to i32
    %cond3A_323 = arith.constant 0 : i32
    %cond3A_324 = arith.cmpi ne, %convert_element_type3A_322, %cond3A_323 : i32
    scf.if %cond3A_324 {
      %mul3A_325 = arith.constant 32 : i32
      %mul3A_326 = arith.muli %arg1, %mul3A_325 : i32
      %run_scoped3A = arith.constant 0 : i32
      "tpu.region"() ({
        %run_scoped3A_341 = tpu.sem_alloc : memref<!tpu.dma_semaphore, #tpu.memory_space<semaphore_mem>>
        %dma_start3A = arith.constant 0 : i32
        %dma_start3A_342 = tpu.memref_slice %arg5[%run_scoped3A, %mul3A_326, %dma_start3A] : memref<2x512x128xi32, #tpu.memory_space<hbm>> -> memref<1x32x128xi32, #tpu.memory_space<hbm>>
        %dma_start3A_343 = tpu.memref_squeeze %dma_start3A_342 : memref<1x32x128xi32, #tpu.memory_space<hbm>> -> memref<32x128xi32, #tpu.memory_space<hbm>>
        %dma_start3A_344 = arith.constant 0 : i32
        %dma_start3A_345 = tpu.memref_slice %arg5[%run_scoped3A, %mul3A_326, %dma_start3A_344] : memref<2x512x128xi32, #tpu.memory_space<hbm>> -> memref<1x32x128xi32, #tpu.memory_space<hbm>>
        %dma_start3A_346 = tpu.memref_squeeze %dma_start3A_345 : memref<1x32x128xi32, #tpu.memory_space<hbm>> -> memref<32x128xi32, #tpu.memory_space<hbm>>
        tpu.enqueue_dma source(%dma_start3A_346 : memref<32x128xi32, #tpu.memory_space<hbm>>) target(%arg9 : memref<32x128xi32, #tpu.memory_space<vmem>>) target_semaphore(%run_scoped3A_341 : memref<!tpu.dma_semaphore, #tpu.memory_space<semaphore_mem>>)
        %dma_wait3A = arith.constant 0 : i32
        %dma_wait3A_347 = tpu.memref_slice %arg5[%run_scoped3A, %mul3A_326, %dma_wait3A] : memref<2x512x128xi32, #tpu.memory_space<hbm>> -> memref<1x32x128xi32, #tpu.memory_space<hbm>>
        %dma_wait3A_348 = tpu.memref_squeeze %dma_wait3A_347 : memref<1x32x128xi32, #tpu.memory_space<hbm>> -> memref<32x128xi32, #tpu.memory_space<hbm>>
        %dma_wait3A_349 = arith.constant 0 : i32
        %dma_wait3A_350 = tpu.memref_slice %arg5[%run_scoped3A, %mul3A_326, %dma_wait3A_349] : memref<2x512x128xi32, #tpu.memory_space<hbm>> -> memref<1x32x128xi32, #tpu.memory_space<hbm>>
        %dma_wait3A_351 = tpu.memref_squeeze %dma_wait3A_350 : memref<1x32x128xi32, #tpu.memory_space<hbm>> -> memref<32x128xi32, #tpu.memory_space<hbm>>
        tpu.wait_dma2 semaphore(%run_scoped3A_341 : memref<!tpu.dma_semaphore, #tpu.memory_space<semaphore_mem>>) src(%dma_wait3A_351 : memref<32x128xi32, #tpu.memory_space<hbm>>) dst(%arg9 : memref<32x128xi32, #tpu.memory_space<vmem>>)
        tpu.yield
      }) : () -> ()
      %mul3A_327 = arith.constant 32 : i32
      %mul3A_328 = arith.muli %arg1, %mul3A_327 : i32
      %run_scoped3A_329 = arith.constant 1 : i32
      "tpu.region"() ({
        %run_scoped3A_341 = tpu.sem_alloc : memref<!tpu.dma_semaphore, #tpu.memory_space<semaphore_mem>>
        %dma_start3A = arith.constant 0 : i32
        %dma_start3A_342 = tpu.memref_slice %arg5[%run_scoped3A_329, %mul3A_328, %dma_start3A] : memref<2x512x128xi32, #tpu.memory_space<hbm>> -> memref<1x32x128xi32, #tpu.memory_space<hbm>>
        %dma_start3A_343 = tpu.memref_squeeze %dma_start3A_342 : memref<1x32x128xi32, #tpu.memory_space<hbm>> -> memref<32x128xi32, #tpu.memory_space<hbm>>
        %dma_start3A_344 = arith.constant 0 : i32
        %dma_start3A_345 = tpu.memref_slice %arg5[%run_scoped3A_329, %mul3A_328, %dma_start3A_344] : memref<2x512x128xi32, #tpu.memory_space<hbm>> -> memref<1x32x128xi32, #tpu.memory_space<hbm>>
        %dma_start3A_346 = tpu.memref_squeeze %dma_start3A_345 : memref<1x32x128xi32, #tpu.memory_space<hbm>> -> memref<32x128xi32, #tpu.memory_space<hbm>>
        tpu.enqueue_dma source(%dma_start3A_346 : memref<32x128xi32, #tpu.memory_space<hbm>>) target(%arg10 : memref<32x128xi32, #tpu.memory_space<vmem>>) target_semaphore(%run_scoped3A_341 : memref<!tpu.dma_semaphore, #tpu.memory_space<semaphore_mem>>)
        %dma_wait3A = arith.constant 0 : i32
        %dma_wait3A_347 = tpu.memref_slice %arg5[%run_scoped3A_329, %mul3A_328, %dma_wait3A] : memref<2x512x128xi32, #tpu.memory_space<hbm>> -> memref<1x32x128xi32, #tpu.memory_space<hbm>>
        %dma_wait3A_348 = tpu.memref_squeeze %dma_wait3A_347 : memref<1x32x128xi32, #tpu.memory_space<hbm>> -> memref<32x128xi32, #tpu.memory_space<hbm>>
        %dma_wait3A_349 = arith.constant 0 : i32
        %dma_wait3A_350 = tpu.memref_slice %arg5[%run_scoped3A_329, %mul3A_328, %dma_wait3A_349] : memref<2x512x128xi32, #tpu.memory_space<hbm>> -> memref<1x32x128xi32, #tpu.memory_space<hbm>>
        %dma_wait3A_351 = tpu.memref_squeeze %dma_wait3A_350 : memref<1x32x128xi32, #tpu.memory_space<hbm>> -> memref<32x128xi32, #tpu.memory_space<hbm>>
        tpu.wait_dma2 semaphore(%run_scoped3A_341 : memref<!tpu.dma_semaphore, #tpu.memory_space<semaphore_mem>>) src(%dma_wait3A_351 : memref<32x128xi32, #tpu.memory_space<hbm>>) dst(%arg10 : memref<32x128xi32, #tpu.memory_space<vmem>>)
        tpu.yield
      }) : () -> ()
      %mul3A_330 = arith.constant 32 : i32
      %mul3A_331 = arith.muli %arg1, %mul3A_330 : i32
      "tpu.region"() ({
        %run_scoped3A_341 = tpu.sem_alloc : memref<!tpu.dma_semaphore, #tpu.memory_space<semaphore_mem>>
        %dma_start3A = arith.constant 0 : i32
        %dma_start3A_342 = tpu.memref_slice %arg6[%mul3A_331, %dma_start3A] : memref<512x128xf32, #tpu.memory_space<hbm>> -> memref<32x128xf32, #tpu.memory_space<hbm>>
        %dma_start3A_343 = arith.constant 0 : i32
        %dma_start3A_344 = tpu.memref_slice %arg6[%mul3A_331, %dma_start3A_343] : memref<512x128xf32, #tpu.memory_space<hbm>> -> memref<32x128xf32, #tpu.memory_space<hbm>>
        tpu.enqueue_dma source(%dma_start3A_344 : memref<32x128xf32, #tpu.memory_space<hbm>>) target(%arg11 : memref<32x128xf32, #tpu.memory_space<vmem>>) target_semaphore(%run_scoped3A_341 : memref<!tpu.dma_semaphore, #tpu.memory_space<semaphore_mem>>)
        %dma_wait3A = arith.constant 0 : i32
        %dma_wait3A_345 = tpu.memref_slice %arg6[%mul3A_331, %dma_wait3A] : memref<512x128xf32, #tpu.memory_space<hbm>> -> memref<32x128xf32, #tpu.memory_space<hbm>>
        %dma_wait3A_346 = arith.constant 0 : i32
        %dma_wait3A_347 = tpu.memref_slice %arg6[%mul3A_331, %dma_wait3A_346] : memref<512x128xf32, #tpu.memory_space<hbm>> -> memref<32x128xf32, #tpu.memory_space<hbm>>
        tpu.wait_dma2 semaphore(%run_scoped3A_341 : memref<!tpu.dma_semaphore, #tpu.memory_space<semaphore_mem>>) src(%dma_wait3A_347 : memref<32x128xf32, #tpu.memory_space<hbm>>) dst(%arg11 : memref<32x128xf32, #tpu.memory_space<vmem>>)
        tpu.yield
      }) : () -> ()
      %scan3A = arith.constant 0 : i32
      %scan3A_332 = arith.constant 32 : i32
      %scan3A_333 = arith.addi %scan3A, %scan3A_332 : i32
      %scan3A_334 = arith.constant 1 : i32
      scf.for %scan3A_341 = %scan3A to %scan3A_333 step %scan3A_334  : i32 {
        %mul3A_342 = arith.constant 1 : i32
        %mul3A_343 = arith.muli %scan3A_341, %mul3A_342 : i32
        %add3A_344 = arith.constant 0 : i32
        %add3A_345 = arith.addi %add3A_344, %mul3A_343 : i32
        %dma_start3A = arith.constant 0 : i32
        %dma_start3A_346 = tpu.memref_slice %arg10[%add3A_345, %dma_start3A] : memref<32x128xi32, #tpu.memory_space<vmem>> -> memref<1x128xi32, #tpu.memory_space<vmem>>
        %dma_start3A_347 = tpu.memref_squeeze %dma_start3A_346 : memref<1x128xi32, #tpu.memory_space<vmem>> -> memref<128xi32, #tpu.memory_space<vmem>>
        %dma_start3A_348 = arith.constant 0 : i32
        %dma_start3A_349 = arith.constant 0 : i32
        %dma_start3A_350 = tpu.memref_slice %arg2[%dma_start3A_348, %dma_start3A_349] : memref<16384x16xf32, #tpu.memory_space<hbm>> -> memref<16384x16xf32, #tpu.memory_space<hbm>>
        tpu.enqueue_indirect_dma source(%dma_start3A_350 : memref<16384x16xf32, #tpu.memory_space<hbm>>) target(%arg12 : memref<128x16xf32, #tpu.memory_space<vmem>>) offsets(%dma_start3A_347 : memref<128xi32, #tpu.memory_space<vmem>>) semaphore(%arg16 : memref<!tpu.dma_semaphore, #tpu.memory_space<semaphore_mem>>)
        %dma_wait3A = arith.constant 0 : i32
        %dma_wait3A_351 = tpu.memref_slice %arg10[%add3A_345, %dma_wait3A] : memref<32x128xi32, #tpu.memory_space<vmem>> -> memref<1x128xi32, #tpu.memory_space<vmem>>
        %dma_wait3A_352 = tpu.memref_squeeze %dma_wait3A_351 : memref<1x128xi32, #tpu.memory_space<vmem>> -> memref<128xi32, #tpu.memory_space<vmem>>
        %dma_wait3A_353 = arith.constant 0 : i32
        %dma_wait3A_354 = arith.constant 0 : i32
        %dma_wait3A_355 = tpu.memref_slice %arg2[%dma_wait3A_353, %dma_wait3A_354] : memref<16384x16xf32, #tpu.memory_space<hbm>> -> memref<16384x16xf32, #tpu.memory_space<hbm>>
        tpu.wait_indirect_dma semaphore(%arg16 : memref<!tpu.dma_semaphore, #tpu.memory_space<semaphore_mem>>) src(%dma_wait3A_355 : memref<16384x16xf32, #tpu.memory_space<hbm>>) dst(%arg12 : memref<128x16xf32, #tpu.memory_space<vmem>>)
        %get3A = arith.index_cast %add3A_345 : i32 to index
        %get3A_356 = arith.constant 0 : index
        %get3A_357 = tpu.vector_load %arg11[%get3A, %get3A_356] {strides = array<i32>} : memref<32x128xf32, #tpu.memory_space<vmem>>, vector<16xf32>,
        %get3A_358 = arith.index_cast %add3A_345 : i32 to index
        %get3A_359 = arith.constant 16 : index
        %get3A_360 = tpu.vector_load %arg11[%get3A_358, %get3A_359] {strides = array<i32>} : memref<32x128xf32, #tpu.memory_space<vmem>>, vector<16xf32>,
        %get3A_361 = arith.index_cast %add3A_345 : i32 to index
        %get3A_362 = arith.constant 32 : index
        %get3A_363 = tpu.vector_load %arg11[%get3A_361, %get3A_362] {strides = array<i32>} : memref<32x128xf32, #tpu.memory_space<vmem>>, vector<16xf32>,
        %get3A_364 = arith.index_cast %add3A_345 : i32 to index
        %get3A_365 = arith.constant 48 : index
        %get3A_366 = tpu.vector_load %arg11[%get3A_364, %get3A_365] {strides = array<i32>} : memref<32x128xf32, #tpu.memory_space<vmem>>, vector<16xf32>,
        %get3A_367 = arith.index_cast %add3A_345 : i32 to index
        %get3A_368 = arith.constant 64 : index
        %get3A_369 = tpu.vector_load %arg11[%get3A_367, %get3A_368] {strides = array<i32>} : memref<32x128xf32, #tpu.memory_space<vmem>>, vector<16xf32>,
        %get3A_370 = arith.index_cast %add3A_345 : i32 to index
        %get3A_371 = arith.constant 80 : index
        %get3A_372 = tpu.vector_load %arg11[%get3A_370, %get3A_371] {strides = array<i32>} : memref<32x128xf32, #tpu.memory_space<vmem>>, vector<16xf32>,
        %get3A_373 = arith.index_cast %add3A_345 : i32 to index
        %get3A_374 = arith.constant 96 : index
        %get3A_375 = tpu.vector_load %arg11[%get3A_373, %get3A_374] {strides = array<i32>} : memref<32x128xf32, #tpu.memory_space<vmem>>, vector<16xf32>,
        %get3A_376 = arith.index_cast %add3A_345 : i32 to index
        %get3A_377 = arith.constant 112 : index
        %get3A_378 = tpu.vector_load %arg11[%get3A_376, %get3A_377] {strides = array<i32>} : memref<32x128xf32, #tpu.memory_space<vmem>>, vector<16xf32>,
        %get3A_379 = arith.constant 0 : i32
        %get3A_380 = arith.index_cast %get3A_379 : i32 to index
        %get3A_381 = arith.constant 0 : index
        %get3A_382 = tpu.vector_load %arg12[%get3A_380, %get3A_381] {strides = array<i32>} : memref<128x16xf32, #tpu.memory_space<vmem>>, vector<16xf32>,
        %slice3A = vector.extract_strided_slice %get3A_357 {offsets = [0], sizes = [1], strides = [1]} : vector<16xf32> to vector<1xf32>
        %squeeze3A = vector.extract %slice3A[0] : f32 from vector<1xf32>
        %mul3A_383 = vector.broadcast %squeeze3A : f32 to vector<16xf32>
        %mul3A_384 = arith.mulf %get3A_382, %mul3A_383 : vector<16xf32>
        %swap3A_385 = arith.constant 0 : i32
        %swap3A_386 = arith.index_cast %swap3A_385 : i32 to index
        %swap3A_387 = arith.constant 0 : index
        %swap3A_388 = tpu.vector_load %arg13[%swap3A_386, %swap3A_387] {strides = array<i32>} : memref<128x16xf32, #tpu.memory_space<vmem>>, vector<16xf32>,
        tpu.vector_store %arg13[%swap3A_386, %swap3A_387], %mul3A_384 {strides = array<i32>} : memref<128x16xf32, #tpu.memory_space<vmem>>, vector<16xf32>,
        %get3A_389 = arith.constant 1 : i32
        %get3A_390 = arith.index_cast %get3A_389 : i32 to index
        %get3A_391 = arith.constant 0 : index
        %get3A_392 = tpu.vector_load %arg12[%get3A_390, %get3A_391] {strides = array<i32>} : memref<128x16xf32, #tpu.memory_space<vmem>>, vector<16xf32>,
        %slice3A_393 = vector.extract_strided_slice %get3A_357 {offsets = [1], sizes = [1], strides = [1]} : vector<16xf32> to vector<1xf32>
        %squeeze3A_394 = vector.extract %slice3A_393[0] : f32 from vector<1xf32>
        %mul3A_395 = vector.broadcast %squeeze3A_394 : f32 to vector<16xf32>
        %mul3A_396 = arith.mulf %get3A_392, %mul3A_395 : vector<16xf32>
        %swap3A_397 = arith.constant 1 : i32
        %swap3A_398 = arith.index_cast %swap3A_397 : i32 to index
        %swap3A_399 = arith.constant 0 : index
        %swap3A_400 = tpu.vector_load %arg13[%swap3A_398, %swap3A_399] {strides = array<i32>} : memref<128x16xf32, #tpu.memory_space<vmem>>, vector<16xf32>,
        tpu.vector_store %arg13[%swap3A_398, %swap3A_399], %mul3A_396 {strides = array<i32>} : memref<128x16xf32, #tpu.memory_space<vmem>>, vector<16xf32>,
        %get3A_401 = arith.constant 2 : i32
        %get3A_402 = arith.index_cast %get3A_401 : i32 to index
        %get3A_403 = arith.constant 0 : index
        %get3A_404 = tpu.vector_load %arg12[%get3A_402, %get3A_403] {strides = array<i32>} : memref<128x16xf32, #tpu.memory_space<vmem>>, vector<16xf32>,
        %slice3A_405 = vector.extract_strided_slice %get3A_357 {offsets = [2], sizes = [1], strides = [1]} : vector<16xf32> to vector<1xf32>
        %squeeze3A_406 = vector.extract %slice3A_405[0] : f32 from vector<1xf32>
        %mul3A_407 = vector.broadcast %squeeze3A_406 : f32 to vector<16xf32>
        %mul3A_408 = arith.mulf %get3A_404, %mul3A_407 : vector<16xf32>
        %swap3A_409 = arith.constant 2 : i32
        %swap3A_410 = arith.index_cast %swap3A_409 : i32 to index
        %swap3A_411 = arith.constant 0 : index
        %swap3A_412 = tpu.vector_load %arg13[%swap3A_410, %swap3A_411] {strides = array<i32>} : memref<128x16xf32, #tpu.memory_space<vmem>>, vector<16xf32>,
        tpu.vector_store %arg13[%swap3A_410, %swap3A_411], %mul3A_408 {strides = array<i32>} : memref<128x16xf32, #tpu.memory_space<vmem>>, vector<16xf32>,
        %get3A_413 = arith.constant 3 : i32
        %get3A_414 = arith.index_cast %get3A_413 : i32 to index
        %get3A_415 = arith.constant 0 : index
        %get3A_416 = tpu.vector_load %arg12[%get3A_414, %get3A_415] {strides = array<i32>} : memref<128x16xf32, #tpu.memory_space<vmem>>, vector<16xf32>,
        %slice3A_417 = vector.extract_strided_slice %get3A_357 {offsets = [3], sizes = [1], strides = [1]} : vector<16xf32> to vector<1xf32>
        %squeeze3A_418 = vector.extract %slice3A_417[0] : f32 from vector<1xf32>
        %mul3A_419 = vector.broadcast %squeeze3A_418 : f32 to vector<16xf32>
        %mul3A_420 = arith.mulf %get3A_416, %mul3A_419 : vector<16xf32>
        %swap3A_421 = arith.constant 3 : i32
        %swap3A_422 = arith.index_cast %swap3A_421 : i32 to index
        %swap3A_423 = arith.constant 0 : index
        %swap3A_424 = tpu.vector_load %arg13[%swap3A_422, %swap3A_423] {strides = array<i32>} : memref<128x16xf32, #tpu.memory_space<vmem>>, vector<16xf32>,
        tpu.vector_store %arg13[%swap3A_422, %swap3A_423], %mul3A_420 {strides = array<i32>} : memref<128x16xf32, #tpu.memory_space<vmem>>, vector<16xf32>,
        %get3A_425 = arith.constant 4 : i32
        %get3A_426 = arith.index_cast %get3A_425 : i32 to index
        %get3A_427 = arith.constant 0 : index
        %get3A_428 = tpu.vector_load %arg12[%get3A_426, %get3A_427] {strides = array<i32>} : memref<128x16xf32, #tpu.memory_space<vmem>>, vector<16xf32>,
        %slice3A_429 = vector.extract_strided_slice %get3A_357 {offsets = [4], sizes = [1], strides = [1]} : vector<16xf32> to vector<1xf32>
        %squeeze3A_430 = vector.extract %slice3A_429[0] : f32 from vector<1xf32>
        %mul3A_431 = vector.broadcast %squeeze3A_430 : f32 to vector<16xf32>
        %mul3A_432 = arith.mulf %get3A_428, %mul3A_431 : vector<16xf32>
        %swap3A_433 = arith.constant 4 : i32
        %swap3A_434 = arith.index_cast %swap3A_433 : i32 to index
        %swap3A_435 = arith.constant 0 : index
        %swap3A_436 = tpu.vector_load %arg13[%swap3A_434, %swap3A_435] {strides = array<i32>} : memref<128x16xf32, #tpu.memory_space<vmem>>, vector<16xf32>,
        tpu.vector_store %arg13[%swap3A_434, %swap3A_435], %mul3A_432 {strides = array<i32>} : memref<128x16xf32, #tpu.memory_space<vmem>>, vector<16xf32>,
        %get3A_437 = arith.constant 5 : i32
        %get3A_438 = arith.index_cast %get3A_437 : i32 to index
        %get3A_439 = arith.constant 0 : index
        %get3A_440 = tpu.vector_load %arg12[%get3A_438, %get3A_439] {strides = array<i32>} : memref<128x16xf32, #tpu.memory_space<vmem>>, vector<16xf32>,
        %slice3A_441 = vector.extract_strided_slice %get3A_357 {offsets = [5], sizes = [1], strides = [1]} : vector<16xf32> to vector<1xf32>
        %squeeze3A_442 = vector.extract %slice3A_441[0] : f32 from vector<1xf32>
        %mul3A_443 = vector.broadcast %squeeze3A_442 : f32 to vector<16xf32>
        %mul3A_444 = arith.mulf %get3A_440, %mul3A_443 : vector<16xf32>
        %swap3A_445 = arith.constant 5 : i32
        %swap3A_446 = arith.index_cast %swap3A_445 : i32 to index
        %swap3A_447 = arith.constant 0 : index
        %swap3A_448 = tpu.vector_load %arg13[%swap3A_446, %swap3A_447] {strides = array<i32>} : memref<128x16xf32, #tpu.memory_space<vmem>>, vector<16xf32>,
        tpu.vector_store %arg13[%swap3A_446, %swap3A_447], %mul3A_444 {strides = array<i32>} : memref<128x16xf32, #tpu.memory_space<vmem>>, vector<16xf32>,
        %get3A_449 = arith.constant 6 : i32
        %get3A_450 = arith.index_cast %get3A_449 : i32 to index
        %get3A_451 = arith.constant 0 : index
        %get3A_452 = tpu.vector_load %arg12[%get3A_450, %get3A_451] {strides = array<i32>} : memref<128x16xf32, #tpu.memory_space<vmem>>, vector<16xf32>,
        %slice3A_453 = vector.extract_strided_slice %get3A_357 {offsets = [6], sizes = [1], strides = [1]} : vector<16xf32> to vector<1xf32>
        %squeeze3A_454 = vector.extract %slice3A_453[0] : f32 from vector<1xf32>
        %mul3A_455 = vector.broadcast %squeeze3A_454 : f32 to vector<16xf32>
        %mul3A_456 = arith.mulf %get3A_452, %mul3A_455 : vector<16xf32>
        %swap3A_457 = arith.constant 6 : i32
        %swap3A_458 = arith.index_cast %swap3A_457 : i32 to index
        %swap3A_459 = arith.constant 0 : index
        %swap3A_460 = tpu.vector_load %arg13[%swap3A_458, %swap3A_459] {strides = array<i32>} : memref<128x16xf32, #tpu.memory_space<vmem>>, vector<16xf32>,
        tpu.vector_store %arg13[%swap3A_458, %swap3A_459], %mul3A_456 {strides = array<i32>} : memref<128x16xf32, #tpu.memory_space<vmem>>, vector<16xf32>,
        %get3A_461 = arith.constant 7 : i32
        %get3A_462 = arith.index_cast %get3A_461 : i32 to index
        %get3A_463 = arith.constant 0 : index
        %get3A_464 = tpu.vector_load %arg12[%get3A_462, %get3A_463] {strides = array<i32>} : memref<128x16xf32, #tpu.memory_space<vmem>>, vector<16xf32>,
        %slice3A_465 = vector.extract_strided_slice %get3A_357 {offsets = [7], sizes = [1], strides = [1]} : vector<16xf32> to vector<1xf32>
        %squeeze3A_466 = vector.extract %slice3A_465[0] : f32 from vector<1xf32>
        %mul3A_467 = vector.broadcast %squeeze3A_466 : f32 to vector<16xf32>
        %mul3A_468 = arith.mulf %get3A_464, %mul3A_467 : vector<16xf32>
        %swap3A_469 = arith.constant 7 : i32
        %swap3A_470 = arith.index_cast %swap3A_469 : i32 to index
        %swap3A_471 = arith.constant 0 : index
        %swap3A_472 = tpu.vector_load %arg13[%swap3A_470, %swap3A_471] {strides = array<i32>} : memref<128x16xf32, #tpu.memory_space<vmem>>, vector<16xf32>,
        tpu.vector_store %arg13[%swap3A_470, %swap3A_471], %mul3A_468 {strides = array<i32>} : memref<128x16xf32, #tpu.memory_space<vmem>>, vector<16xf32>,
        %get3A_473 = arith.constant 8 : i32
        %get3A_474 = arith.index_cast %get3A_473 : i32 to index
        %get3A_475 = arith.constant 0 : index
        %get3A_476 = tpu.vector_load %arg12[%get3A_474, %get3A_475] {strides = array<i32>} : memref<128x16xf32, #tpu.memory_space<vmem>>, vector<16xf32>,
        %slice3A_477 = vector.extract_strided_slice %get3A_357 {offsets = [8], sizes = [1], strides = [1]} : vector<16xf32> to vector<1xf32>
        %squeeze3A_478 = vector.extract %slice3A_477[0] : f32 from vector<1xf32>
        %mul3A_479 = vector.broadcast %squeeze3A_478 : f32 to vector<16xf32>
        %mul3A_480 = arith.mulf %get3A_476, %mul3A_479 : vector<16xf32>
        %swap3A_481 = arith.constant 8 : i32
        %swap3A_482 = arith.index_cast %swap3A_481 : i32 to index
        %swap3A_483 = arith.constant 0 : index
        %swap3A_484 = tpu.vector_load %arg13[%swap3A_482, %swap3A_483] {strides = array<i32>} : memref<128x16xf32, #tpu.memory_space<vmem>>, vector<16xf32>,
        tpu.vector_store %arg13[%swap3A_482, %swap3A_483], %mul3A_480 {strides = array<i32>} : memref<128x16xf32, #tpu.memory_space<vmem>>, vector<16xf32>,
        %get3A_485 = arith.constant 9 : i32
        %get3A_486 = arith.index_cast %get3A_485 : i32 to index
        %get3A_487 = arith.constant 0 : index
        %get3A_488 = tpu.vector_load %arg12[%get3A_486, %get3A_487] {strides = array<i32>} : memref<128x16xf32, #tpu.memory_space<vmem>>, vector<16xf32>,
        %slice3A_489 = vector.extract_strided_slice %get3A_357 {offsets = [9], sizes = [1], strides = [1]} : vector<16xf32> to vector<1xf32>
        %squeeze3A_490 = vector.extract %slice3A_489[0] : f32 from vector<1xf32>
        %mul3A_491 = vector.broadcast %squeeze3A_490 : f32 to vector<16xf32>
        %mul3A_492 = arith.mulf %get3A_488, %mul3A_491 : vector<16xf32>
        %swap3A_493 = arith.constant 9 : i32
        %swap3A_494 = arith.index_cast %swap3A_493 : i32 to index
        %swap3A_495 = arith.constant 0 : index
        %swap3A_496 = tpu.vector_load %arg13[%swap3A_494, %swap3A_495] {strides = array<i32>} : memref<128x16xf32, #tpu.memory_space<vmem>>, vector<16xf32>,
        tpu.vector_store %arg13[%swap3A_494, %swap3A_495], %mul3A_492 {strides = array<i32>} : memref<128x16xf32, #tpu.memory_space<vmem>>, vector<16xf32>,
        %get3A_497 = arith.constant 10 : i32
        %get3A_498 = arith.index_cast %get3A_497 : i32 to index
        %get3A_499 = arith.constant 0 : index
        %get3A_500 = tpu.vector_load %arg12[%get3A_498, %get3A_499] {strides = array<i32>} : memref<128x16xf32, #tpu.memory_space<vmem>>, vector<16xf32>,
        %slice3A_501 = vector.extract_strided_slice %get3A_357 {offsets = [10], sizes = [1], strides = [1]} : vector<16xf32> to vector<1xf32>
        %squeeze3A_502 = vector.extract %slice3A_501[0] : f32 from vector<1xf32>
        %mul3A_503 = vector.broadcast %squeeze3A_502 : f32 to vector<16xf32>
        %mul3A_504 = arith.mulf %get3A_500, %mul3A_503 : vector<16xf32>
        %swap3A_505 = arith.constant 10 : i32
        %swap3A_506 = arith.index_cast %swap3A_505 : i32 to index
        %swap3A_507 = arith.constant 0 : index
        %swap3A_508 = tpu.vector_load %arg13[%swap3A_506, %swap3A_507] {strides = array<i32>} : memref<128x16xf32, #tpu.memory_space<vmem>>, vector<16xf32>,
        tpu.vector_store %arg13[%swap3A_506, %swap3A_507], %mul3A_504 {strides = array<i32>} : memref<128x16xf32, #tpu.memory_space<vmem>>, vector<16xf32>,
        %get3A_509 = arith.constant 11 : i32
        %get3A_510 = arith.index_cast %get3A_509 : i32 to index
        %get3A_511 = arith.constant 0 : index
        %get3A_512 = tpu.vector_load %arg12[%get3A_510, %get3A_511] {strides = array<i32>} : memref<128x16xf32, #tpu.memory_space<vmem>>, vector<16xf32>,
        %slice3A_513 = vector.extract_strided_slice %get3A_357 {offsets = [11], sizes = [1], strides = [1]} : vector<16xf32> to vector<1xf32>
        %squeeze3A_514 = vector.extract %slice3A_513[0] : f32 from vector<1xf32>
        %mul3A_515 = vector.broadcast %squeeze3A_514 : f32 to vector<16xf32>
        %mul3A_516 = arith.mulf %get3A_512, %mul3A_515 : vector<16xf32>
        %swap3A_517 = arith.constant 11 : i32
        %swap3A_518 = arith.index_cast %swap3A_517 : i32 to index
        %swap3A_519 = arith.constant 0 : index
        %swap3A_520 = tpu.vector_load %arg13[%swap3A_518, %swap3A_519] {strides = array<i32>} : memref<128x16xf32, #tpu.memory_space<vmem>>, vector<16xf32>,
        tpu.vector_store %arg13[%swap3A_518, %swap3A_519], %mul3A_516 {strides = array<i32>} : memref<128x16xf32, #tpu.memory_space<vmem>>, vector<16xf32>,
        %get3A_521 = arith.constant 12 : i32
        %get3A_522 = arith.index_cast %get3A_521 : i32 to index
        %get3A_523 = arith.constant 0 : index
        %get3A_524 = tpu.vector_load %arg12[%get3A_522, %get3A_523] {strides = array<i32>} : memref<128x16xf32, #tpu.memory_space<vmem>>, vector<16xf32>,
        %slice3A_525 = vector.extract_strided_slice %get3A_357 {offsets = [12], sizes = [1], strides = [1]} : vector<16xf32> to vector<1xf32>
        %squeeze3A_526 = vector.extract %slice3A_525[0] : f32 from vector<1xf32>
        %mul3A_527 = vector.broadcast %squeeze3A_526 : f32 to vector<16xf32>
        %mul3A_528 = arith.mulf %get3A_524, %mul3A_527 : vector<16xf32>
        %swap3A_529 = arith.constant 12 : i32
        %swap3A_530 = arith.index_cast %swap3A_529 : i32 to index
        %swap3A_531 = arith.constant 0 : index
        %swap3A_532 = tpu.vector_load %arg13[%swap3A_530, %swap3A_531] {strides = array<i32>} : memref<128x16xf32, #tpu.memory_space<vmem>>, vector<16xf32>,
        tpu.vector_store %arg13[%swap3A_530, %swap3A_531], %mul3A_528 {strides = array<i32>} : memref<128x16xf32, #tpu.memory_space<vmem>>, vector<16xf32>,
        %get3A_533 = arith.constant 13 : i32
        %get3A_534 = arith.index_cast %get3A_533 : i32 to index
        %get3A_535 = arith.constant 0 : index
        %get3A_536 = tpu.vector_load %arg12[%get3A_534, %get3A_535] {strides = array<i32>} : memref<128x16xf32, #tpu.memory_space<vmem>>, vector<16xf32>,
        %slice3A_537 = vector.extract_strided_slice %get3A_357 {offsets = [13], sizes = [1], strides = [1]} : vector<16xf32> to vector<1xf32>
        %squeeze3A_538 = vector.extract %slice3A_537[0] : f32 from vector<1xf32>
        %mul3A_539 = vector.broadcast %squeeze3A_538 : f32 to vector<16xf32>
        %mul3A_540 = arith.mulf %get3A_536, %mul3A_539 : vector<16xf32>
        %swap3A_541 = arith.constant 13 : i32
        %swap3A_542 = arith.index_cast %swap3A_541 : i32 to index
        %swap3A_543 = arith.constant 0 : index
        %swap3A_544 = tpu.vector_load %arg13[%swap3A_542, %swap3A_543] {strides = array<i32>} : memref<128x16xf32, #tpu.memory_space<vmem>>, vector<16xf32>,
        tpu.vector_store %arg13[%swap3A_542, %swap3A_543], %mul3A_540 {strides = array<i32>} : memref<128x16xf32, #tpu.memory_space<vmem>>, vector<16xf32>,
        %get3A_545 = arith.constant 14 : i32
        %get3A_546 = arith.index_cast %get3A_545 : i32 to index
        %get3A_547 = arith.constant 0 : index
        %get3A_548 = tpu.vector_load %arg12[%get3A_546, %get3A_547] {strides = array<i32>} : memref<128x16xf32, #tpu.memory_space<vmem>>, vector<16xf32>,
        %slice3A_549 = vector.extract_strided_slice %get3A_357 {offsets = [14], sizes = [1], strides = [1]} : vector<16xf32> to vector<1xf32>
        %squeeze3A_550 = vector.extract %slice3A_549[0] : f32 from vector<1xf32>
        %mul3A_551 = vector.broadcast %squeeze3A_550 : f32 to vector<16xf32>
        %mul3A_552 = arith.mulf %get3A_548, %mul3A_551 : vector<16xf32>
        %swap3A_553 = arith.constant 14 : i32
        %swap3A_554 = arith.index_cast %swap3A_553 : i32 to index
        %swap3A_555 = arith.constant 0 : index
        %swap3A_556 = tpu.vector_load %arg13[%swap3A_554, %swap3A_555] {strides = array<i32>} : memref<128x16xf32, #tpu.memory_space<vmem>>, vector<16xf32>,
        tpu.vector_store %arg13[%swap3A_554, %swap3A_555], %mul3A_552 {strides = array<i32>} : memref<128x16xf32, #tpu.memory_space<vmem>>, vector<16xf32>,
        %get3A_557 = arith.constant 15 : i32
        %get3A_558 = arith.index_cast %get3A_557 : i32 to index
        %get3A_559 = arith.constant 0 : index
        %get3A_560 = tpu.vector_load %arg12[%get3A_558, %get3A_559] {strides = array<i32>} : memref<128x16xf32, #tpu.memory_space<vmem>>, vector<16xf32>,
        %slice3A_561 = vector.extract_strided_slice %get3A_357 {offsets = [15], sizes = [1], strides = [1]} : vector<16xf32> to vector<1xf32>
        %squeeze3A_562 = vector.extract %slice3A_561[0] : f32 from vector<1xf32>
        %mul3A_563 = vector.broadcast %squeeze3A_562 : f32 to vector<16xf32>
        %mul3A_564 = arith.mulf %get3A_560, %mul3A_563 : vector<16xf32>
        %swap3A_565 = arith.constant 15 : i32
        %swap3A_566 = arith.index_cast %swap3A_565 : i32 to index
        %swap3A_567 = arith.constant 0 : index
        %swap3A_568 = tpu.vector_load %arg13[%swap3A_566, %swap3A_567] {strides = array<i32>} : memref<128x16xf32, #tpu.memory_space<vmem>>, vector<16xf32>,
        tpu.vector_store %arg13[%swap3A_566, %swap3A_567], %mul3A_564 {strides = array<i32>} : memref<128x16xf32, #tpu.memory_space<vmem>>, vector<16xf32>,
        %get3A_569 = arith.constant 16 : i32
        %get3A_570 = arith.index_cast %get3A_569 : i32 to index
        %get3A_571 = arith.constant 0 : index
        %get3A_572 = tpu.vector_load %arg12[%get3A_570, %get3A_571] {strides = array<i32>} : memref<128x16xf32, #tpu.memory_space<vmem>>, vector<16xf32>,
        %slice3A_573 = vector.extract_strided_slice %get3A_360 {offsets = [0], sizes = [1], strides = [1]} : vector<16xf32> to vector<1xf32>
        %squeeze3A_574 = vector.extract %slice3A_573[0] : f32 from vector<1xf32>
        %mul3A_575 = vector.broadcast %squeeze3A_574 : f32 to vector<16xf32>
        %mul3A_576 = arith.mulf %get3A_572, %mul3A_575 : vector<16xf32>
        %swap3A_577 = arith.constant 16 : i32
        %swap3A_578 = arith.index_cast %swap3A_577 : i32 to index
        %swap3A_579 = arith.constant 0 : index
        %swap3A_580 = tpu.vector_load %arg13[%swap3A_578, %swap3A_579] {strides = array<i32>} : memref<128x16xf32, #tpu.memory_space<vmem>>, vector<16xf32>,
        tpu.vector_store %arg13[%swap3A_578, %swap3A_579], %mul3A_576 {strides = array<i32>} : memref<128x16xf32, #tpu.memory_space<vmem>>, vector<16xf32>,
        %get3A_581 = arith.constant 17 : i32
        %get3A_582 = arith.index_cast %get3A_581 : i32 to index
        %get3A_583 = arith.constant 0 : index
        %get3A_584 = tpu.vector_load %arg12[%get3A_582, %get3A_583] {strides = array<i32>} : memref<128x16xf32, #tpu.memory_space<vmem>>, vector<16xf32>,
        %slice3A_585 = vector.extract_strided_slice %get3A_360 {offsets = [1], sizes = [1], strides = [1]} : vector<16xf32> to vector<1xf32>
        %squeeze3A_586 = vector.extract %slice3A_585[0] : f32 from vector<1xf32>
        %mul3A_587 = vector.broadcast %squeeze3A_586 : f32 to vector<16xf32>
        %mul3A_588 = arith.mulf %get3A_584, %mul3A_587 : vector<16xf32>
        %swap3A_589 = arith.constant 17 : i32
        %swap3A_590 = arith.index_cast %swap3A_589 : i32 to index
        %swap3A_591 = arith.constant 0 : index
        %swap3A_592 = tpu.vector_load %arg13[%swap3A_590, %swap3A_591] {strides = array<i32>} : memref<128x16xf32, #tpu.memory_space<vmem>>, vector<16xf32>,
        tpu.vector_store %arg13[%swap3A_590, %swap3A_591], %mul3A_588 {strides = array<i32>} : memref<128x16xf32, #tpu.memory_space<vmem>>, vector<16xf32>,
        %get3A_593 = arith.constant 18 : i32
        %get3A_594 = arith.index_cast %get3A_593 : i32 to index
        %get3A_595 = arith.constant 0 : index
        %get3A_596 = tpu.vector_load %arg12[%get3A_594, %get3A_595] {strides = array<i32>} : memref<128x16xf32, #tpu.memory_space<vmem>>, vector<16xf32>,
        %slice3A_597 = vector.extract_strided_slice %get3A_360 {offsets = [2], sizes = [1], strides = [1]} : vector<16xf32> to vector<1xf32>
        %squeeze3A_598 = vector.extract %slice3A_597[0] : f32 from vector<1xf32>
        %mul3A_599 = vector.broadcast %squeeze3A_598 : f32 to vector<16xf32>
        %mul3A_600 = arith.mulf %get3A_596, %mul3A_599 : vector<16xf32>
        %swap3A_601 = arith.constant 18 : i32
        %swap3A_602 = arith.index_cast %swap3A_601 : i32 to index
        %swap3A_603 = arith.constant 0 : index
        %swap3A_604 = tpu.vector_load %arg13[%swap3A_602, %swap3A_603] {strides = array<i32>} : memref<128x16xf32, #tpu.memory_space<vmem>>, vector<16xf32>,
        tpu.vector_store %arg13[%swap3A_602, %swap3A_603], %mul3A_600 {strides = array<i32>} : memref<128x16xf32, #tpu.memory_space<vmem>>, vector<16xf32>,
        %get3A_605 = arith.constant 19 : i32
        %get3A_606 = arith.index_cast %get3A_605 : i32 to index
        %get3A_607 = arith.constant 0 : index
        %get3A_608 = tpu.vector_load %arg12[%get3A_606, %get3A_607] {strides = array<i32>} : memref<128x16xf32, #tpu.memory_space<vmem>>, vector<16xf32>,
        %slice3A_609 = vector.extract_strided_slice %get3A_360 {offsets = [3], sizes = [1], strides = [1]} : vector<16xf32> to vector<1xf32>
        %squeeze3A_610 = vector.extract %slice3A_609[0] : f32 from vector<1xf32>
        %mul3A_611 = vector.broadcast %squeeze3A_610 : f32 to vector<16xf32>
        %mul3A_612 = arith.mulf %get3A_608, %mul3A_611 : vector<16xf32>
        %swap3A_613 = arith.constant 19 : i32
        %swap3A_614 = arith.index_cast %swap3A_613 : i32 to index
        %swap3A_615 = arith.constant 0 : index
        %swap3A_616 = tpu.vector_load %arg13[%swap3A_614, %swap3A_615] {strides = array<i32>} : memref<128x16xf32, #tpu.memory_space<vmem>>, vector<16xf32>,
        tpu.vector_store %arg13[%swap3A_614, %swap3A_615], %mul3A_612 {strides = array<i32>} : memref<128x16xf32, #tpu.memory_space<vmem>>, vector<16xf32>,
        %get3A_617 = arith.constant 20 : i32
        %get3A_618 = arith.index_cast %get3A_617 : i32 to index
        %get3A_619 = arith.constant 0 : index
        %get3A_620 = tpu.vector_load %arg12[%get3A_618, %get3A_619] {strides = array<i32>} : memref<128x16xf32, #tpu.memory_space<vmem>>, vector<16xf32>,
        %slice3A_621 = vector.extract_strided_slice %get3A_360 {offsets = [4], sizes = [1], strides = [1]} : vector<16xf32> to vector<1xf32>
        %squeeze3A_622 = vector.extract %slice3A_621[0] : f32 from vector<1xf32>
        %mul3A_623 = vector.broadcast %squeeze3A_622 : f32 to vector<16xf32>
        %mul3A_624 = arith.mulf %get3A_620, %mul3A_623 : vector<16xf32>
        %swap3A_625 = arith.constant 20 : i32
        %swap3A_626 = arith.index_cast %swap3A_625 : i32 to index
        %swap3A_627 = arith.constant 0 : index
        %swap3A_628 = tpu.vector_load %arg13[%swap3A_626, %swap3A_627] {strides = array<i32>} : memref<128x16xf32, #tpu.memory_space<vmem>>, vector<16xf32>,
        tpu.vector_store %arg13[%swap3A_626, %swap3A_627], %mul3A_624 {strides = array<i32>} : memref<128x16xf32, #tpu.memory_space<vmem>>, vector<16xf32>,
        %get3A_629 = arith.constant 21 : i32
        %get3A_630 = arith.index_cast %get3A_629 : i32 to index
        %get3A_631 = arith.constant 0 : index
        %get3A_632 = tpu.vector_load %arg12[%get3A_630, %get3A_631] {strides = array<i32>} : memref<128x16xf32, #tpu.memory_space<vmem>>, vector<16xf32>,
        %slice3A_633 = vector.extract_strided_slice %get3A_360 {offsets = [5], sizes = [1], strides = [1]} : vector<16xf32> to vector<1xf32>
        %squeeze3A_634 = vector.extract %slice3A_633[0] : f32 from vector<1xf32>
        %mul3A_635 = vector.broadcast %squeeze3A_634 : f32 to vector<16xf32>
        %mul3A_636 = arith.mulf %get3A_632, %mul3A_635 : vector<16xf32>
        %swap3A_637 = arith.constant 21 : i32
        %swap3A_638 = arith.index_cast %swap3A_637 : i32 to index
        %swap3A_639 = arith.constant 0 : index
        %swap3A_640 = tpu.vector_load %arg13[%swap3A_638, %swap3A_639] {strides = array<i32>} : memref<128x16xf32, #tpu.memory_space<vmem>>, vector<16xf32>,
        tpu.vector_store %arg13[%swap3A_638, %swap3A_639], %mul3A_636 {strides = array<i32>} : memref<128x16xf32, #tpu.memory_space<vmem>>, vector<16xf32>,
        %get3A_641 = arith.constant 22 : i32
        %get3A_642 = arith.index_cast %get3A_641 : i32 to index
        %get3A_643 = arith.constant 0 : index
        %get3A_644 = tpu.vector_load %arg12[%get3A_642, %get3A_643] {strides = array<i32>} : memref<128x16xf32, #tpu.memory_space<vmem>>, vector<16xf32>,
        %slice3A_645 = vector.extract_strided_slice %get3A_360 {offsets = [6], sizes = [1], strides = [1]} : vector<16xf32> to vector<1xf32>
        %squeeze3A_646 = vector.extract %slice3A_645[0] : f32 from vector<1xf32>
        %mul3A_647 = vector.broadcast %squeeze3A_646 : f32 to vector<16xf32>
        %mul3A_648 = arith.mulf %get3A_644, %mul3A_647 : vector<16xf32>
        %swap3A_649 = arith.constant 22 : i32
        %swap3A_650 = arith.index_cast %swap3A_649 : i32 to index
        %swap3A_651 = arith.constant 0 : index
        %swap3A_652 = tpu.vector_load %arg13[%swap3A_650, %swap3A_651] {strides = array<i32>} : memref<128x16xf32, #tpu.memory_space<vmem>>, vector<16xf32>,
        tpu.vector_store %arg13[%swap3A_650, %swap3A_651], %mul3A_648 {strides = array<i32>} : memref<128x16xf32, #tpu.memory_space<vmem>>, vector<16xf32>,
        %get3A_653 = arith.constant 23 : i32
        %get3A_654 = arith.index_cast %get3A_653 : i32 to index
        %get3A_655 = arith.constant 0 : index
        %get3A_656 = tpu.vector_load %arg12[%get3A_654, %get3A_655] {strides = array<i32>} : memref<128x16xf32, #tpu.memory_space<vmem>>, vector<16xf32>,
        %slice3A_657 = vector.extract_strided_slice %get3A_360 {offsets = [7], sizes = [1], strides = [1]} : vector<16xf32> to vector<1xf32>
        %squeeze3A_658 = vector.extract %slice3A_657[0] : f32 from vector<1xf32>
        %mul3A_659 = vector.broadcast %squeeze3A_658 : f32 to vector<16xf32>
        %mul3A_660 = arith.mulf %get3A_656, %mul3A_659 : vector<16xf32>
        %swap3A_661 = arith.constant 23 : i32
        %swap3A_662 = arith.index_cast %swap3A_661 : i32 to index
        %swap3A_663 = arith.constant 0 : index
        %swap3A_664 = tpu.vector_load %arg13[%swap3A_662, %swap3A_663] {strides = array<i32>} : memref<128x16xf32, #tpu.memory_space<vmem>>, vector<16xf32>,
        tpu.vector_store %arg13[%swap3A_662, %swap3A_663], %mul3A_660 {strides = array<i32>} : memref<128x16xf32, #tpu.memory_space<vmem>>, vector<16xf32>,
        %get3A_665 = arith.constant 24 : i32
        %get3A_666 = arith.index_cast %get3A_665 : i32 to index
        %get3A_667 = arith.constant 0 : index
        %get3A_668 = tpu.vector_load %arg12[%get3A_666, %get3A_667] {strides = array<i32>} : memref<128x16xf32, #tpu.memory_space<vmem>>, vector<16xf32>,
        %slice3A_669 = vector.extract_strided_slice %get3A_360 {offsets = [8], sizes = [1], strides = [1]} : vector<16xf32> to vector<1xf32>
        %squeeze3A_670 = vector.extract %slice3A_669[0] : f32 from vector<1xf32>
        %mul3A_671 = vector.broadcast %squeeze3A_670 : f32 to vector<16xf32>
        %mul3A_672 = arith.mulf %get3A_668, %mul3A_671 : vector<16xf32>
        %swap3A_673 = arith.constant 24 : i32
        %swap3A_674 = arith.index_cast %swap3A_673 : i32 to index
        %swap3A_675 = arith.constant 0 : index
        %swap3A_676 = tpu.vector_load %arg13[%swap3A_674, %swap3A_675] {strides = array<i32>} : memref<128x16xf32, #tpu.memory_space<vmem>>, vector<16xf32>,
        tpu.vector_store %arg13[%swap3A_674, %swap3A_675], %mul3A_672 {strides = array<i32>} : memref<128x16xf32, #tpu.memory_space<vmem>>, vector<16xf32>,
        %get3A_677 = arith.constant 25 : i32
        %get3A_678 = arith.index_cast %get3A_677 : i32 to index
        %get3A_679 = arith.constant 0 : index
        %get3A_680 = tpu.vector_load %arg12[%get3A_678, %get3A_679] {strides = array<i32>} : memref<128x16xf32, #tpu.memory_space<vmem>>, vector<16xf32>,
        %slice3A_681 = vector.extract_strided_slice %get3A_360 {offsets = [9], sizes = [1], strides = [1]} : vector<16xf32> to vector<1xf32>
        %squeeze3A_682 = vector.extract %slice3A_681[0] : f32 from vector<1xf32>
        %mul3A_683 = vector.broadcast %squeeze3A_682 : f32 to vector<16xf32>
        %mul3A_684 = arith.mulf %get3A_680, %mul3A_683 : vector<16xf32>
        %swap3A_685 = arith.constant 25 : i32
        %swap3A_686 = arith.index_cast %swap3A_685 : i32 to index
        %swap3A_687 = arith.constant 0 : index
        %swap3A_688 = tpu.vector_load %arg13[%swap3A_686, %swap3A_687] {strides = array<i32>} : memref<128x16xf32, #tpu.memory_space<vmem>>, vector<16xf32>,
        tpu.vector_store %arg13[%swap3A_686, %swap3A_687], %mul3A_684 {strides = array<i32>} : memref<128x16xf32, #tpu.memory_space<vmem>>, vector<16xf32>,
        %get3A_689 = arith.constant 26 : i32
        %get3A_690 = arith.index_cast %get3A_689 : i32 to index
        %get3A_691 = arith.constant 0 : index
        %get3A_692 = tpu.vector_load %arg12[%get3A_690, %get3A_691] {strides = array<i32>} : memref<128x16xf32, #tpu.memory_space<vmem>>, vector<16xf32>,
        %slice3A_693 = vector.extract_strided_slice %get3A_360 {offsets = [10], sizes = [1], strides = [1]} : vector<16xf32> to vector<1xf32>
        %squeeze3A_694 = vector.extract %slice3A_693[0] : f32 from vector<1xf32>
        %mul3A_695 = vector.broadcast %squeeze3A_694 : f32 to vector<16xf32>
        %mul3A_696 = arith.mulf %get3A_692, %mul3A_695 : vector<16xf32>
        %swap3A_697 = arith.constant 26 : i32
        %swap3A_698 = arith.index_cast %swap3A_697 : i32 to index
        %swap3A_699 = arith.constant 0 : index
        %swap3A_700 = tpu.vector_load %arg13[%swap3A_698, %swap3A_699] {strides = array<i32>} : memref<128x16xf32, #tpu.memory_space<vmem>>, vector<16xf32>,
        tpu.vector_store %arg13[%swap3A_698, %swap3A_699], %mul3A_696 {strides = array<i32>} : memref<128x16xf32, #tpu.memory_space<vmem>>, vector<16xf32>,
        %get3A_701 = arith.constant 27 : i32
        %get3A_702 = arith.index_cast %get3A_701 : i32 to index
        %get3A_703 = arith.constant 0 : index
        %get3A_704 = tpu.vector_load %arg12[%get3A_702, %get3A_703] {strides = array<i32>} : memref<128x16xf32, #tpu.memory_space<vmem>>, vector<16xf32>,
        %slice3A_705 = vector.extract_strided_slice %get3A_360 {offsets = [11], sizes = [1], strides = [1]} : vector<16xf32> to vector<1xf32>
        %squeeze3A_706 = vector.extract %slice3A_705[0] : f32 from vector<1xf32>
        %mul3A_707 = vector.broadcast %squeeze3A_706 : f32 to vector<16xf32>
        %mul3A_708 = arith.mulf %get3A_704, %mul3A_707 : vector<16xf32>
        %swap3A_709 = arith.constant 27 : i32
        %swap3A_710 = arith.index_cast %swap3A_709 : i32 to index
        %swap3A_711 = arith.constant 0 : index
        %swap3A_712 = tpu.vector_load %arg13[%swap3A_710, %swap3A_711] {strides = array<i32>} : memref<128x16xf32, #tpu.memory_space<vmem>>, vector<16xf32>,
        tpu.vector_store %arg13[%swap3A_710, %swap3A_711], %mul3A_708 {strides = array<i32>} : memref<128x16xf32, #tpu.memory_space<vmem>>, vector<16xf32>,
        %get3A_713 = arith.constant 28 : i32
        %get3A_714 = arith.index_cast %get3A_713 : i32 to index
        %get3A_715 = arith.constant 0 : index
        %get3A_716 = tpu.vector_load %arg12[%get3A_714, %get3A_715] {strides = array<i32>} : memref<128x16xf32, #tpu.memory_space<vmem>>, vector<16xf32>,
        %slice3A_717 = vector.extract_strided_slice %get3A_360 {offsets = [12], sizes = [1], strides = [1]} : vector<16xf32> to vector<1xf32>
        %squeeze3A_718 = vector.extract %slice3A_717[0] : f32 from vector<1xf32>
        %mul3A_719 = vector.broadcast %squeeze3A_718 : f32 to vector<16xf32>
        %mul3A_720 = arith.mulf %get3A_716, %mul3A_719 : vector<16xf32>
        %swap3A_721 = arith.constant 28 : i32
        %swap3A_722 = arith.index_cast %swap3A_721 : i32 to index
        %swap3A_723 = arith.constant 0 : index
        %swap3A_724 = tpu.vector_load %arg13[%swap3A_722, %swap3A_723] {strides = array<i32>} : memref<128x16xf32, #tpu.memory_space<vmem>>, vector<16xf32>,
        tpu.vector_store %arg13[%swap3A_722, %swap3A_723], %mul3A_720 {strides = array<i32>} : memref<128x16xf32, #tpu.memory_space<vmem>>, vector<16xf32>,
        %get3A_725 = arith.constant 29 : i32
        %get3A_726 = arith.index_cast %get3A_725 : i32 to index
        %get3A_727 = arith.constant 0 : index
        %get3A_728 = tpu.vector_load %arg12[%get3A_726, %get3A_727] {strides = array<i32>} : memref<128x16xf32, #tpu.memory_space<vmem>>, vector<16xf32>,
        %slice3A_729 = vector.extract_strided_slice %get3A_360 {offsets = [13], sizes = [1], strides = [1]} : vector<16xf32> to vector<1xf32>
        %squeeze3A_730 = vector.extract %slice3A_729[0] : f32 from vector<1xf32>
        %mul3A_731 = vector.broadcast %squeeze3A_730 : f32 to vector<16xf32>
        %mul3A_732 = arith.mulf %get3A_728, %mul3A_731 : vector<16xf32>
        %swap3A_733 = arith.constant 29 : i32
        %swap3A_734 = arith.index_cast %swap3A_733 : i32 to index
        %swap3A_735 = arith.constant 0 : index
        %swap3A_736 = tpu.vector_load %arg13[%swap3A_734, %swap3A_735] {strides = array<i32>} : memref<128x16xf32, #tpu.memory_space<vmem>>, vector<16xf32>,
        tpu.vector_store %arg13[%swap3A_734, %swap3A_735], %mul3A_732 {strides = array<i32>} : memref<128x16xf32, #tpu.memory_space<vmem>>, vector<16xf32>,
        %get3A_737 = arith.constant 30 : i32
        %get3A_738 = arith.index_cast %get3A_737 : i32 to index
        %get3A_739 = arith.constant 0 : index
        %get3A_740 = tpu.vector_load %arg12[%get3A_738, %get3A_739] {strides = array<i32>} : memref<128x16xf32, #tpu.memory_space<vmem>>, vector<16xf32>,
        %slice3A_741 = vector.extract_strided_slice %get3A_360 {offsets = [14], sizes = [1], strides = [1]} : vector<16xf32> to vector<1xf32>
        %squeeze3A_742 = vector.extract %slice3A_741[0] : f32 from vector<1xf32>
        %mul3A_743 = vector.broadcast %squeeze3A_742 : f32 to vector<16xf32>
        %mul3A_744 = arith.mulf %get3A_740, %mul3A_743 : vector<16xf32>
        %swap3A_745 = arith.constant 30 : i32
        %swap3A_746 = arith.index_cast %swap3A_745 : i32 to index
        %swap3A_747 = arith.constant 0 : index
        %swap3A_748 = tpu.vector_load %arg13[%swap3A_746, %swap3A_747] {strides = array<i32>} : memref<128x16xf32, #tpu.memory_space<vmem>>, vector<16xf32>,
        tpu.vector_store %arg13[%swap3A_746, %swap3A_747], %mul3A_744 {strides = array<i32>} : memref<128x16xf32, #tpu.memory_space<vmem>>, vector<16xf32>,
        %get3A_749 = arith.constant 31 : i32
        %get3A_750 = arith.index_cast %get3A_749 : i32 to index
        %get3A_751 = arith.constant 0 : index
        %get3A_752 = tpu.vector_load %arg12[%get3A_750, %get3A_751] {strides = array<i32>} : memref<128x16xf32, #tpu.memory_space<vmem>>, vector<16xf32>,
        %slice3A_753 = vector.extract_strided_slice %get3A_360 {offsets = [15], sizes = [1], strides = [1]} : vector<16xf32> to vector<1xf32>
        %squeeze3A_754 = vector.extract %slice3A_753[0] : f32 from vector<1xf32>
        %mul3A_755 = vector.broadcast %squeeze3A_754 : f32 to vector<16xf32>
        %mul3A_756 = arith.mulf %get3A_752, %mul3A_755 : vector<16xf32>
        %swap3A_757 = arith.constant 31 : i32
        %swap3A_758 = arith.index_cast %swap3A_757 : i32 to index
        %swap3A_759 = arith.constant 0 : index
        %swap3A_760 = tpu.vector_load %arg13[%swap3A_758, %swap3A_759] {strides = array<i32>} : memref<128x16xf32, #tpu.memory_space<vmem>>, vector<16xf32>,
        tpu.vector_store %arg13[%swap3A_758, %swap3A_759], %mul3A_756 {strides = array<i32>} : memref<128x16xf32, #tpu.memory_space<vmem>>, vector<16xf32>,
        %get3A_761 = arith.constant 32 : i32
        %get3A_762 = arith.index_cast %get3A_761 : i32 to index
        %get3A_763 = arith.constant 0 : index
        %get3A_764 = tpu.vector_load %arg12[%get3A_762, %get3A_763] {strides = array<i32>} : memref<128x16xf32, #tpu.memory_space<vmem>>, vector<16xf32>,
        %slice3A_765 = vector.extract_strided_slice %get3A_363 {offsets = [0], sizes = [1], strides = [1]} : vector<16xf32> to vector<1xf32>
        %squeeze3A_766 = vector.extract %slice3A_765[0] : f32 from vector<1xf32>
        %mul3A_767 = vector.broadcast %squeeze3A_766 : f32 to vector<16xf32>
        %mul3A_768 = arith.mulf %get3A_764, %mul3A_767 : vector<16xf32>
        %swap3A_769 = arith.constant 32 : i32
        %swap3A_770 = arith.index_cast %swap3A_769 : i32 to index
        %swap3A_771 = arith.constant 0 : index
        %swap3A_772 = tpu.vector_load %arg13[%swap3A_770, %swap3A_771] {strides = array<i32>} : memref<128x16xf32, #tpu.memory_space<vmem>>, vector<16xf32>,
        tpu.vector_store %arg13[%swap3A_770, %swap3A_771], %mul3A_768 {strides = array<i32>} : memref<128x16xf32, #tpu.memory_space<vmem>>, vector<16xf32>,
        %get3A_773 = arith.constant 33 : i32
        %get3A_774 = arith.index_cast %get3A_773 : i32 to index
        %get3A_775 = arith.constant 0 : index
        %get3A_776 = tpu.vector_load %arg12[%get3A_774, %get3A_775] {strides = array<i32>} : memref<128x16xf32, #tpu.memory_space<vmem>>, vector<16xf32>,
        %slice3A_777 = vector.extract_strided_slice %get3A_363 {offsets = [1], sizes = [1], strides = [1]} : vector<16xf32> to vector<1xf32>
        %squeeze3A_778 = vector.extract %slice3A_777[0] : f32 from vector<1xf32>
        %mul3A_779 = vector.broadcast %squeeze3A_778 : f32 to vector<16xf32>
        %mul3A_780 = arith.mulf %get3A_776, %mul3A_779 : vector<16xf32>
        %swap3A_781 = arith.constant 33 : i32
        %swap3A_782 = arith.index_cast %swap3A_781 : i32 to index
        %swap3A_783 = arith.constant 0 : index
        %swap3A_784 = tpu.vector_load %arg13[%swap3A_782, %swap3A_783] {strides = array<i32>} : memref<128x16xf32, #tpu.memory_space<vmem>>, vector<16xf32>,
        tpu.vector_store %arg13[%swap3A_782, %swap3A_783], %mul3A_780 {strides = array<i32>} : memref<128x16xf32, #tpu.memory_space<vmem>>, vector<16xf32>,
        %get3A_785 = arith.constant 34 : i32
        %get3A_786 = arith.index_cast %get3A_785 : i32 to index
        %get3A_787 = arith.constant 0 : index
        %get3A_788 = tpu.vector_load %arg12[%get3A_786, %get3A_787] {strides = array<i32>} : memref<128x16xf32, #tpu.memory_space<vmem>>, vector<16xf32>,
        %slice3A_789 = vector.extract_strided_slice %get3A_363 {offsets = [2], sizes = [1], strides = [1]} : vector<16xf32> to vector<1xf32>
        %squeeze3A_790 = vector.extract %slice3A_789[0] : f32 from vector<1xf32>
        %mul3A_791 = vector.broadcast %squeeze3A_790 : f32 to vector<16xf32>
        %mul3A_792 = arith.mulf %get3A_788, %mul3A_791 : vector<16xf32>
        %swap3A_793 = arith.constant 34 : i32
        %swap3A_794 = arith.index_cast %swap3A_793 : i32 to index
        %swap3A_795 = arith.constant 0 : index
        %swap3A_796 = tpu.vector_load %arg13[%swap3A_794, %swap3A_795] {strides = array<i32>} : memref<128x16xf32, #tpu.memory_space<vmem>>, vector<16xf32>,
        tpu.vector_store %arg13[%swap3A_794, %swap3A_795], %mul3A_792 {strides = array<i32>} : memref<128x16xf32, #tpu.memory_space<vmem>>, vector<16xf32>,
        %get3A_797 = arith.constant 35 : i32
        %get3A_798 = arith.index_cast %get3A_797 : i32 to index
        %get3A_799 = arith.constant 0 : index
        %get3A_800 = tpu.vector_load %arg12[%get3A_798, %get3A_799] {strides = array<i32>} : memref<128x16xf32, #tpu.memory_space<vmem>>, vector<16xf32>,
        %slice3A_801 = vector.extract_strided_slice %get3A_363 {offsets = [3], sizes = [1], strides = [1]} : vector<16xf32> to vector<1xf32>
        %squeeze3A_802 = vector.extract %slice3A_801[0] : f32 from vector<1xf32>
        %mul3A_803 = vector.broadcast %squeeze3A_802 : f32 to vector<16xf32>
        %mul3A_804 = arith.mulf %get3A_800, %mul3A_803 : vector<16xf32>
        %swap3A_805 = arith.constant 35 : i32
        %swap3A_806 = arith.index_cast %swap3A_805 : i32 to index
        %swap3A_807 = arith.constant 0 : index
        %swap3A_808 = tpu.vector_load %arg13[%swap3A_806, %swap3A_807] {strides = array<i32>} : memref<128x16xf32, #tpu.memory_space<vmem>>, vector<16xf32>,
        tpu.vector_store %arg13[%swap3A_806, %swap3A_807], %mul3A_804 {strides = array<i32>} : memref<128x16xf32, #tpu.memory_space<vmem>>, vector<16xf32>,
        %get3A_809 = arith.constant 36 : i32
        %get3A_810 = arith.index_cast %get3A_809 : i32 to index
        %get3A_811 = arith.constant 0 : index
        %get3A_812 = tpu.vector_load %arg12[%get3A_810, %get3A_811] {strides = array<i32>} : memref<128x16xf32, #tpu.memory_space<vmem>>, vector<16xf32>,
        %slice3A_813 = vector.extract_strided_slice %get3A_363 {offsets = [4], sizes = [1], strides = [1]} : vector<16xf32> to vector<1xf32>
        %squeeze3A_814 = vector.extract %slice3A_813[0] : f32 from vector<1xf32>
        %mul3A_815 = vector.broadcast %squeeze3A_814 : f32 to vector<16xf32>
        %mul3A_816 = arith.mulf %get3A_812, %mul3A_815 : vector<16xf32>
        %swap3A_817 = arith.constant 36 : i32
        %swap3A_818 = arith.index_cast %swap3A_817 : i32 to index
        %swap3A_819 = arith.constant 0 : index
        %swap3A_820 = tpu.vector_load %arg13[%swap3A_818, %swap3A_819] {strides = array<i32>} : memref<128x16xf32, #tpu.memory_space<vmem>>, vector<16xf32>,
        tpu.vector_store %arg13[%swap3A_818, %swap3A_819], %mul3A_816 {strides = array<i32>} : memref<128x16xf32, #tpu.memory_space<vmem>>, vector<16xf32>,
        %get3A_821 = arith.constant 37 : i32
        %get3A_822 = arith.index_cast %get3A_821 : i32 to index
        %get3A_823 = arith.constant 0 : index
        %get3A_824 = tpu.vector_load %arg12[%get3A_822, %get3A_823] {strides = array<i32>} : memref<128x16xf32, #tpu.memory_space<vmem>>, vector<16xf32>,
        %slice3A_825 = vector.extract_strided_slice %get3A_363 {offsets = [5], sizes = [1], strides = [1]} : vector<16xf32> to vector<1xf32>
        %squeeze3A_826 = vector.extract %slice3A_825[0] : f32 from vector<1xf32>
        %mul3A_827 = vector.broadcast %squeeze3A_826 : f32 to vector<16xf32>
        %mul3A_828 = arith.mulf %get3A_824, %mul3A_827 : vector<16xf32>
        %swap3A_829 = arith.constant 37 : i32
        %swap3A_830 = arith.index_cast %swap3A_829 : i32 to index
        %swap3A_831 = arith.constant 0 : index
        %swap3A_832 = tpu.vector_load %arg13[%swap3A_830, %swap3A_831] {strides = array<i32>} : memref<128x16xf32, #tpu.memory_space<vmem>>, vector<16xf32>,
        tpu.vector_store %arg13[%swap3A_830, %swap3A_831], %mul3A_828 {strides = array<i32>} : memref<128x16xf32, #tpu.memory_space<vmem>>, vector<16xf32>,
        %get3A_833 = arith.constant 38 : i32
        %get3A_834 = arith.index_cast %get3A_833 : i32 to index
        %get3A_835 = arith.constant 0 : index
        %get3A_836 = tpu.vector_load %arg12[%get3A_834, %get3A_835] {strides = array<i32>} : memref<128x16xf32, #tpu.memory_space<vmem>>, vector<16xf32>,
        %slice3A_837 = vector.extract_strided_slice %get3A_363 {offsets = [6], sizes = [1], strides = [1]} : vector<16xf32> to vector<1xf32>
        %squeeze3A_838 = vector.extract %slice3A_837[0] : f32 from vector<1xf32>
        %mul3A_839 = vector.broadcast %squeeze3A_838 : f32 to vector<16xf32>
        %mul3A_840 = arith.mulf %get3A_836, %mul3A_839 : vector<16xf32>
        %swap3A_841 = arith.constant 38 : i32
        %swap3A_842 = arith.index_cast %swap3A_841 : i32 to index
        %swap3A_843 = arith.constant 0 : index
        %swap3A_844 = tpu.vector_load %arg13[%swap3A_842, %swap3A_843] {strides = array<i32>} : memref<128x16xf32, #tpu.memory_space<vmem>>, vector<16xf32>,
        tpu.vector_store %arg13[%swap3A_842, %swap3A_843], %mul3A_840 {strides = array<i32>} : memref<128x16xf32, #tpu.memory_space<vmem>>, vector<16xf32>,
        %get3A_845 = arith.constant 39 : i32
        %get3A_846 = arith.index_cast %get3A_845 : i32 to index
        %get3A_847 = arith.constant 0 : index
        %get3A_848 = tpu.vector_load %arg12[%get3A_846, %get3A_847] {strides = array<i32>} : memref<128x16xf32, #tpu.memory_space<vmem>>, vector<16xf32>,
        %slice3A_849 = vector.extract_strided_slice %get3A_363 {offsets = [7], sizes = [1], strides = [1]} : vector<16xf32> to vector<1xf32>
        %squeeze3A_850 = vector.extract %slice3A_849[0] : f32 from vector<1xf32>
        %mul3A_851 = vector.broadcast %squeeze3A_850 : f32 to vector<16xf32>
        %mul3A_852 = arith.mulf %get3A_848, %mul3A_851 : vector<16xf32>
        %swap3A_853 = arith.constant 39 : i32
        %swap3A_854 = arith.index_cast %swap3A_853 : i32 to index
        %swap3A_855 = arith.constant 0 : index
        %swap3A_856 = tpu.vector_load %arg13[%swap3A_854, %swap3A_855] {strides = array<i32>} : memref<128x16xf32, #tpu.memory_space<vmem>>, vector<16xf32>,
        tpu.vector_store %arg13[%swap3A_854, %swap3A_855], %mul3A_852 {strides = array<i32>} : memref<128x16xf32, #tpu.memory_space<vmem>>, vector<16xf32>,
        %get3A_857 = arith.constant 40 : i32
        %get3A_858 = arith.index_cast %get3A_857 : i32 to index
        %get3A_859 = arith.constant 0 : index
        %get3A_860 = tpu.vector_load %arg12[%get3A_858, %get3A_859] {strides = array<i32>} : memref<128x16xf32, #tpu.memory_space<vmem>>, vector<16xf32>,
        %slice3A_861 = vector.extract_strided_slice %get3A_363 {offsets = [8], sizes = [1], strides = [1]} : vector<16xf32> to vector<1xf32>
        %squeeze3A_862 = vector.extract %slice3A_861[0] : f32 from vector<1xf32>
        %mul3A_863 = vector.broadcast %squeeze3A_862 : f32 to vector<16xf32>
        %mul3A_864 = arith.mulf %get3A_860, %mul3A_863 : vector<16xf32>
        %swap3A_865 = arith.constant 40 : i32
        %swap3A_866 = arith.index_cast %swap3A_865 : i32 to index
        %swap3A_867 = arith.constant 0 : index
        %swap3A_868 = tpu.vector_load %arg13[%swap3A_866, %swap3A_867] {strides = array<i32>} : memref<128x16xf32, #tpu.memory_space<vmem>>, vector<16xf32>,
        tpu.vector_store %arg13[%swap3A_866, %swap3A_867], %mul3A_864 {strides = array<i32>} : memref<128x16xf32, #tpu.memory_space<vmem>>, vector<16xf32>,
        %get3A_869 = arith.constant 41 : i32
        %get3A_870 = arith.index_cast %get3A_869 : i32 to index
        %get3A_871 = arith.constant 0 : index
        %get3A_872 = tpu.vector_load %arg12[%get3A_870, %get3A_871] {strides = array<i32>} : memref<128x16xf32, #tpu.memory_space<vmem>>, vector<16xf32>,
        %slice3A_873 = vector.extract_strided_slice %get3A_363 {offsets = [9], sizes = [1], strides = [1]} : vector<16xf32> to vector<1xf32>
        %squeeze3A_874 = vector.extract %slice3A_873[0] : f32 from vector<1xf32>
        %mul3A_875 = vector.broadcast %squeeze3A_874 : f32 to vector<16xf32>
        %mul3A_876 = arith.mulf %get3A_872, %mul3A_875 : vector<16xf32>
        %swap3A_877 = arith.constant 41 : i32
        %swap3A_878 = arith.index_cast %swap3A_877 : i32 to index
        %swap3A_879 = arith.constant 0 : index
        %swap3A_880 = tpu.vector_load %arg13[%swap3A_878, %swap3A_879] {strides = array<i32>} : memref<128x16xf32, #tpu.memory_space<vmem>>, vector<16xf32>,
        tpu.vector_store %arg13[%swap3A_878, %swap3A_879], %mul3A_876 {strides = array<i32>} : memref<128x16xf32, #tpu.memory_space<vmem>>, vector<16xf32>,
        %get3A_881 = arith.constant 42 : i32
        %get3A_882 = arith.index_cast %get3A_881 : i32 to index
        %get3A_883 = arith.constant 0 : index
        %get3A_884 = tpu.vector_load %arg12[%get3A_882, %get3A_883] {strides = array<i32>} : memref<128x16xf32, #tpu.memory_space<vmem>>, vector<16xf32>,
        %slice3A_885 = vector.extract_strided_slice %get3A_363 {offsets = [10], sizes = [1], strides = [1]} : vector<16xf32> to vector<1xf32>
        %squeeze3A_886 = vector.extract %slice3A_885[0] : f32 from vector<1xf32>
        %mul3A_887 = vector.broadcast %squeeze3A_886 : f32 to vector<16xf32>
        %mul3A_888 = arith.mulf %get3A_884, %mul3A_887 : vector<16xf32>
        %swap3A_889 = arith.constant 42 : i32
        %swap3A_890 = arith.index_cast %swap3A_889 : i32 to index
        %swap3A_891 = arith.constant 0 : index
        %swap3A_892 = tpu.vector_load %arg13[%swap3A_890, %swap3A_891] {strides = array<i32>} : memref<128x16xf32, #tpu.memory_space<vmem>>, vector<16xf32>,
        tpu.vector_store %arg13[%swap3A_890, %swap3A_891], %mul3A_888 {strides = array<i32>} : memref<128x16xf32, #tpu.memory_space<vmem>>, vector<16xf32>,
        %get3A_893 = arith.constant 43 : i32
        %get3A_894 = arith.index_cast %get3A_893 : i32 to index
        %get3A_895 = arith.constant 0 : index
        %get3A_896 = tpu.vector_load %arg12[%get3A_894, %get3A_895] {strides = array<i32>} : memref<128x16xf32, #tpu.memory_space<vmem>>, vector<16xf32>,
        %slice3A_897 = vector.extract_strided_slice %get3A_363 {offsets = [11], sizes = [1], strides = [1]} : vector<16xf32> to vector<1xf32>
        %squeeze3A_898 = vector.extract %slice3A_897[0] : f32 from vector<1xf32>
        %mul3A_899 = vector.broadcast %squeeze3A_898 : f32 to vector<16xf32>
        %mul3A_900 = arith.mulf %get3A_896, %mul3A_899 : vector<16xf32>
        %swap3A_901 = arith.constant 43 : i32
        %swap3A_902 = arith.index_cast %swap3A_901 : i32 to index
        %swap3A_903 = arith.constant 0 : index
        %swap3A_904 = tpu.vector_load %arg13[%swap3A_902, %swap3A_903] {strides = array<i32>} : memref<128x16xf32, #tpu.memory_space<vmem>>, vector<16xf32>,
        tpu.vector_store %arg13[%swap3A_902, %swap3A_903], %mul3A_900 {strides = array<i32>} : memref<128x16xf32, #tpu.memory_space<vmem>>, vector<16xf32>,
        %get3A_905 = arith.constant 44 : i32
        %get3A_906 = arith.index_cast %get3A_905 : i32 to index
        %get3A_907 = arith.constant 0 : index
        %get3A_908 = tpu.vector_load %arg12[%get3A_906, %get3A_907] {strides = array<i32>} : memref<128x16xf32, #tpu.memory_space<vmem>>, vector<16xf32>,
        %slice3A_909 = vector.extract_strided_slice %get3A_363 {offsets = [12], sizes = [1], strides = [1]} : vector<16xf32> to vector<1xf32>
        %squeeze3A_910 = vector.extract %slice3A_909[0] : f32 from vector<1xf32>
        %mul3A_911 = vector.broadcast %squeeze3A_910 : f32 to vector<16xf32>
        %mul3A_912 = arith.mulf %get3A_908, %mul3A_911 : vector<16xf32>
        %swap3A_913 = arith.constant 44 : i32
        %swap3A_914 = arith.index_cast %swap3A_913 : i32 to index
        %swap3A_915 = arith.constant 0 : index
        %swap3A_916 = tpu.vector_load %arg13[%swap3A_914, %swap3A_915] {strides = array<i32>} : memref<128x16xf32, #tpu.memory_space<vmem>>, vector<16xf32>,
        tpu.vector_store %arg13[%swap3A_914, %swap3A_915], %mul3A_912 {strides = array<i32>} : memref<128x16xf32, #tpu.memory_space<vmem>>, vector<16xf32>,
        %get3A_917 = arith.constant 45 : i32
        %get3A_918 = arith.index_cast %get3A_917 : i32 to index
        %get3A_919 = arith.constant 0 : index
        %get3A_920 = tpu.vector_load %arg12[%get3A_918, %get3A_919] {strides = array<i32>} : memref<128x16xf32, #tpu.memory_space<vmem>>, vector<16xf32>,
        %slice3A_921 = vector.extract_strided_slice %get3A_363 {offsets = [13], sizes = [1], strides = [1]} : vector<16xf32> to vector<1xf32>
        %squeeze3A_922 = vector.extract %slice3A_921[0] : f32 from vector<1xf32>
        %mul3A_923 = vector.broadcast %squeeze3A_922 : f32 to vector<16xf32>
        %mul3A_924 = arith.mulf %get3A_920, %mul3A_923 : vector<16xf32>
        %swap3A_925 = arith.constant 45 : i32
        %swap3A_926 = arith.index_cast %swap3A_925 : i32 to index
        %swap3A_927 = arith.constant 0 : index
        %swap3A_928 = tpu.vector_load %arg13[%swap3A_926, %swap3A_927] {strides = array<i32>} : memref<128x16xf32, #tpu.memory_space<vmem>>, vector<16xf32>,
        tpu.vector_store %arg13[%swap3A_926, %swap3A_927], %mul3A_924 {strides = array<i32>} : memref<128x16xf32, #tpu.memory_space<vmem>>, vector<16xf32>,
        %get3A_929 = arith.constant 46 : i32
        %get3A_930 = arith.index_cast %get3A_929 : i32 to index
        %get3A_931 = arith.constant 0 : index
        %get3A_932 = tpu.vector_load %arg12[%get3A_930, %get3A_931] {strides = array<i32>} : memref<128x16xf32, #tpu.memory_space<vmem>>, vector<16xf32>,
        %slice3A_933 = vector.extract_strided_slice %get3A_363 {offsets = [14], sizes = [1], strides = [1]} : vector<16xf32> to vector<1xf32>
        %squeeze3A_934 = vector.extract %slice3A_933[0] : f32 from vector<1xf32>
        %mul3A_935 = vector.broadcast %squeeze3A_934 : f32 to vector<16xf32>
        %mul3A_936 = arith.mulf %get3A_932, %mul3A_935 : vector<16xf32>
        %swap3A_937 = arith.constant 46 : i32
        %swap3A_938 = arith.index_cast %swap3A_937 : i32 to index
        %swap3A_939 = arith.constant 0 : index
        %swap3A_940 = tpu.vector_load %arg13[%swap3A_938, %swap3A_939] {strides = array<i32>} : memref<128x16xf32, #tpu.memory_space<vmem>>, vector<16xf32>,
        tpu.vector_store %arg13[%swap3A_938, %swap3A_939], %mul3A_936 {strides = array<i32>} : memref<128x16xf32, #tpu.memory_space<vmem>>, vector<16xf32>,
        %get3A_941 = arith.constant 47 : i32
        %get3A_942 = arith.index_cast %get3A_941 : i32 to index
        %get3A_943 = arith.constant 0 : index
        %get3A_944 = tpu.vector_load %arg12[%get3A_942, %get3A_943] {strides = array<i32>} : memref<128x16xf32, #tpu.memory_space<vmem>>, vector<16xf32>,
        %slice3A_945 = vector.extract_strided_slice %get3A_363 {offsets = [15], sizes = [1], strides = [1]} : vector<16xf32> to vector<1xf32>
        %squeeze3A_946 = vector.extract %slice3A_945[0] : f32 from vector<1xf32>
        %mul3A_947 = vector.broadcast %squeeze3A_946 : f32 to vector<16xf32>
        %mul3A_948 = arith.mulf %get3A_944, %mul3A_947 : vector<16xf32>
        %swap3A_949 = arith.constant 47 : i32
        %swap3A_950 = arith.index_cast %swap3A_949 : i32 to index
        %swap3A_951 = arith.constant 0 : index
        %swap3A_952 = tpu.vector_load %arg13[%swap3A_950, %swap3A_951] {strides = array<i32>} : memref<128x16xf32, #tpu.memory_space<vmem>>, vector<16xf32>,
        tpu.vector_store %arg13[%swap3A_950, %swap3A_951], %mul3A_948 {strides = array<i32>} : memref<128x16xf32, #tpu.memory_space<vmem>>, vector<16xf32>,
        %get3A_953 = arith.constant 48 : i32
        %get3A_954 = arith.index_cast %get3A_953 : i32 to index
        %get3A_955 = arith.constant 0 : index
        %get3A_956 = tpu.vector_load %arg12[%get3A_954, %get3A_955] {strides = array<i32>} : memref<128x16xf32, #tpu.memory_space<vmem>>, vector<16xf32>,
        %slice3A_957 = vector.extract_strided_slice %get3A_366 {offsets = [0], sizes = [1], strides = [1]} : vector<16xf32> to vector<1xf32>
        %squeeze3A_958 = vector.extract %slice3A_957[0] : f32 from vector<1xf32>
        %mul3A_959 = vector.broadcast %squeeze3A_958 : f32 to vector<16xf32>
        %mul3A_960 = arith.mulf %get3A_956, %mul3A_959 : vector<16xf32>
        %swap3A_961 = arith.constant 48 : i32
        %swap3A_962 = arith.index_cast %swap3A_961 : i32 to index
        %swap3A_963 = arith.constant 0 : index
        %swap3A_964 = tpu.vector_load %arg13[%swap3A_962, %swap3A_963] {strides = array<i32>} : memref<128x16xf32, #tpu.memory_space<vmem>>, vector<16xf32>,
        tpu.vector_store %arg13[%swap3A_962, %swap3A_963], %mul3A_960 {strides = array<i32>} : memref<128x16xf32, #tpu.memory_space<vmem>>, vector<16xf32>,
        %get3A_965 = arith.constant 49 : i32
        %get3A_966 = arith.index_cast %get3A_965 : i32 to index
        %get3A_967 = arith.constant 0 : index
        %get3A_968 = tpu.vector_load %arg12[%get3A_966, %get3A_967] {strides = array<i32>} : memref<128x16xf32, #tpu.memory_space<vmem>>, vector<16xf32>,
        %slice3A_969 = vector.extract_strided_slice %get3A_366 {offsets = [1], sizes = [1], strides = [1]} : vector<16xf32> to vector<1xf32>
        %squeeze3A_970 = vector.extract %slice3A_969[0] : f32 from vector<1xf32>
        %mul3A_971 = vector.broadcast %squeeze3A_970 : f32 to vector<16xf32>
        %mul3A_972 = arith.mulf %get3A_968, %mul3A_971 : vector<16xf32>
        %swap3A_973 = arith.constant 49 : i32
        %swap3A_974 = arith.index_cast %swap3A_973 : i32 to index
        %swap3A_975 = arith.constant 0 : index
        %swap3A_976 = tpu.vector_load %arg13[%swap3A_974, %swap3A_975] {strides = array<i32>} : memref<128x16xf32, #tpu.memory_space<vmem>>, vector<16xf32>,
        tpu.vector_store %arg13[%swap3A_974, %swap3A_975], %mul3A_972 {strides = array<i32>} : memref<128x16xf32, #tpu.memory_space<vmem>>, vector<16xf32>,
        %get3A_977 = arith.constant 50 : i32
        %get3A_978 = arith.index_cast %get3A_977 : i32 to index
        %get3A_979 = arith.constant 0 : index
        %get3A_980 = tpu.vector_load %arg12[%get3A_978, %get3A_979] {strides = array<i32>} : memref<128x16xf32, #tpu.memory_space<vmem>>, vector<16xf32>,
        %slice3A_981 = vector.extract_strided_slice %get3A_366 {offsets = [2], sizes = [1], strides = [1]} : vector<16xf32> to vector<1xf32>
        %squeeze3A_982 = vector.extract %slice3A_981[0] : f32 from vector<1xf32>
        %mul3A_983 = vector.broadcast %squeeze3A_982 : f32 to vector<16xf32>
        %mul3A_984 = arith.mulf %get3A_980, %mul3A_983 : vector<16xf32>
        %swap3A_985 = arith.constant 50 : i32
        %swap3A_986 = arith.index_cast %swap3A_985 : i32 to index
        %swap3A_987 = arith.constant 0 : index
        %swap3A_988 = tpu.vector_load %arg13[%swap3A_986, %swap3A_987] {strides = array<i32>} : memref<128x16xf32, #tpu.memory_space<vmem>>, vector<16xf32>,
        tpu.vector_store %arg13[%swap3A_986, %swap3A_987], %mul3A_984 {strides = array<i32>} : memref<128x16xf32, #tpu.memory_space<vmem>>, vector<16xf32>,
        %get3A_989 = arith.constant 51 : i32
        %get3A_990 = arith.index_cast %get3A_989 : i32 to index
        %get3A_991 = arith.constant 0 : index
        %get3A_992 = tpu.vector_load %arg12[%get3A_990, %get3A_991] {strides = array<i32>} : memref<128x16xf32, #tpu.memory_space<vmem>>, vector<16xf32>,
        %slice3A_993 = vector.extract_strided_slice %get3A_366 {offsets = [3], sizes = [1], strides = [1]} : vector<16xf32> to vector<1xf32>
        %squeeze3A_994 = vector.extract %slice3A_993[0] : f32 from vector<1xf32>
        %mul3A_995 = vector.broadcast %squeeze3A_994 : f32 to vector<16xf32>
        %mul3A_996 = arith.mulf %get3A_992, %mul3A_995 : vector<16xf32>
        %swap3A_997 = arith.constant 51 : i32
        %swap3A_998 = arith.index_cast %swap3A_997 : i32 to index
        %swap3A_999 = arith.constant 0 : index
        %swap3A_1000 = tpu.vector_load %arg13[%swap3A_998, %swap3A_999] {strides = array<i32>} : memref<128x16xf32, #tpu.memory_space<vmem>>, vector<16xf32>,
        tpu.vector_store %arg13[%swap3A_998, %swap3A_999], %mul3A_996 {strides = array<i32>} : memref<128x16xf32, #tpu.memory_space<vmem>>, vector<16xf32>,
        %get3A_1001 = arith.constant 52 : i32
        %get3A_1002 = arith.index_cast %get3A_1001 : i32 to index
        %get3A_1003 = arith.constant 0 : index
        %get3A_1004 = tpu.vector_load %arg12[%get3A_1002, %get3A_1003] {strides = array<i32>} : memref<128x16xf32, #tpu.memory_space<vmem>>, vector<16xf32>,
        %slice3A_1005 = vector.extract_strided_slice %get3A_366 {offsets = [4], sizes = [1], strides = [1]} : vector<16xf32> to vector<1xf32>
        %squeeze3A_1006 = vector.extract %slice3A_1005[0] : f32 from vector<1xf32>
        %mul3A_1007 = vector.broadcast %squeeze3A_1006 : f32 to vector<16xf32>
        %mul3A_1008 = arith.mulf %get3A_1004, %mul3A_1007 : vector<16xf32>
        %swap3A_1009 = arith.constant 52 : i32
        %swap3A_1010 = arith.index_cast %swap3A_1009 : i32 to index
        %swap3A_1011 = arith.constant 0 : index
        %swap3A_1012 = tpu.vector_load %arg13[%swap3A_1010, %swap3A_1011] {strides = array<i32>} : memref<128x16xf32, #tpu.memory_space<vmem>>, vector<16xf32>,
        tpu.vector_store %arg13[%swap3A_1010, %swap3A_1011], %mul3A_1008 {strides = array<i32>} : memref<128x16xf32, #tpu.memory_space<vmem>>, vector<16xf32>,
        %get3A_1013 = arith.constant 53 : i32
        %get3A_1014 = arith.index_cast %get3A_1013 : i32 to index
        %get3A_1015 = arith.constant 0 : index
        %get3A_1016 = tpu.vector_load %arg12[%get3A_1014, %get3A_1015] {strides = array<i32>} : memref<128x16xf32, #tpu.memory_space<vmem>>, vector<16xf32>,
        %slice3A_1017 = vector.extract_strided_slice %get3A_366 {offsets = [5], sizes = [1], strides = [1]} : vector<16xf32> to vector<1xf32>
        %squeeze3A_1018 = vector.extract %slice3A_1017[0] : f32 from vector<1xf32>
        %mul3A_1019 = vector.broadcast %squeeze3A_1018 : f32 to vector<16xf32>
        %mul3A_1020 = arith.mulf %get3A_1016, %mul3A_1019 : vector<16xf32>
        %swap3A_1021 = arith.constant 53 : i32
        %swap3A_1022 = arith.index_cast %swap3A_1021 : i32 to index
        %swap3A_1023 = arith.constant 0 : index
        %swap3A_1024 = tpu.vector_load %arg13[%swap3A_1022, %swap3A_1023] {strides = array<i32>} : memref<128x16xf32, #tpu.memory_space<vmem>>, vector<16xf32>,
        tpu.vector_store %arg13[%swap3A_1022, %swap3A_1023], %mul3A_1020 {strides = array<i32>} : memref<128x16xf32, #tpu.memory_space<vmem>>, vector<16xf32>,
        %get3A_1025 = arith.constant 54 : i32
        %get3A_1026 = arith.index_cast %get3A_1025 : i32 to index
        %get3A_1027 = arith.constant 0 : index
        %get3A_1028 = tpu.vector_load %arg12[%get3A_1026, %get3A_1027] {strides = array<i32>} : memref<128x16xf32, #tpu.memory_space<vmem>>, vector<16xf32>,
        %slice3A_1029 = vector.extract_strided_slice %get3A_366 {offsets = [6], sizes = [1], strides = [1]} : vector<16xf32> to vector<1xf32>
        %squeeze3A_1030 = vector.extract %slice3A_1029[0] : f32 from vector<1xf32>
        %mul3A_1031 = vector.broadcast %squeeze3A_1030 : f32 to vector<16xf32>
        %mul3A_1032 = arith.mulf %get3A_1028, %mul3A_1031 : vector<16xf32>
        %swap3A_1033 = arith.constant 54 : i32
        %swap3A_1034 = arith.index_cast %swap3A_1033 : i32 to index
        %swap3A_1035 = arith.constant 0 : index
        %swap3A_1036 = tpu.vector_load %arg13[%swap3A_1034, %swap3A_1035] {strides = array<i32>} : memref<128x16xf32, #tpu.memory_space<vmem>>, vector<16xf32>,
        tpu.vector_store %arg13[%swap3A_1034, %swap3A_1035], %mul3A_1032 {strides = array<i32>} : memref<128x16xf32, #tpu.memory_space<vmem>>, vector<16xf32>,
        %get3A_1037 = arith.constant 55 : i32
        %get3A_1038 = arith.index_cast %get3A_1037 : i32 to index
        %get3A_1039 = arith.constant 0 : index
        %get3A_1040 = tpu.vector_load %arg12[%get3A_1038, %get3A_1039] {strides = array<i32>} : memref<128x16xf32, #tpu.memory_space<vmem>>, vector<16xf32>,
        %slice3A_1041 = vector.extract_strided_slice %get3A_366 {offsets = [7], sizes = [1], strides = [1]} : vector<16xf32> to vector<1xf32>
        %squeeze3A_1042 = vector.extract %slice3A_1041[0] : f32 from vector<1xf32>
        %mul3A_1043 = vector.broadcast %squeeze3A_1042 : f32 to vector<16xf32>
        %mul3A_1044 = arith.mulf %get3A_1040, %mul3A_1043 : vector<16xf32>
        %swap3A_1045 = arith.constant 55 : i32
        %swap3A_1046 = arith.index_cast %swap3A_1045 : i32 to index
        %swap3A_1047 = arith.constant 0 : index
        %swap3A_1048 = tpu.vector_load %arg13[%swap3A_1046, %swap3A_1047] {strides = array<i32>} : memref<128x16xf32, #tpu.memory_space<vmem>>, vector<16xf32>,
        tpu.vector_store %arg13[%swap3A_1046, %swap3A_1047], %mul3A_1044 {strides = array<i32>} : memref<128x16xf32, #tpu.memory_space<vmem>>, vector<16xf32>,
        %get3A_1049 = arith.constant 56 : i32
        %get3A_1050 = arith.index_cast %get3A_1049 : i32 to index
        %get3A_1051 = arith.constant 0 : index
        %get3A_1052 = tpu.vector_load %arg12[%get3A_1050, %get3A_1051] {strides = array<i32>} : memref<128x16xf32, #tpu.memory_space<vmem>>, vector<16xf32>,
        %slice3A_1053 = vector.extract_strided_slice %get3A_366 {offsets = [8], sizes = [1], strides = [1]} : vector<16xf32> to vector<1xf32>
        %squeeze3A_1054 = vector.extract %slice3A_1053[0] : f32 from vector<1xf32>
        %mul3A_1055 = vector.broadcast %squeeze3A_1054 : f32 to vector<16xf32>
        %mul3A_1056 = arith.mulf %get3A_1052, %mul3A_1055 : vector<16xf32>
        %swap3A_1057 = arith.constant 56 : i32
        %swap3A_1058 = arith.index_cast %swap3A_1057 : i32 to index
        %swap3A_1059 = arith.constant 0 : index
        %swap3A_1060 = tpu.vector_load %arg13[%swap3A_1058, %swap3A_1059] {strides = array<i32>} : memref<128x16xf32, #tpu.memory_space<vmem>>, vector<16xf32>,
        tpu.vector_store %arg13[%swap3A_1058, %swap3A_1059], %mul3A_1056 {strides = array<i32>} : memref<128x16xf32, #tpu.memory_space<vmem>>, vector<16xf32>,
        %get3A_1061 = arith.constant 57 : i32
        %get3A_1062 = arith.index_cast %get3A_1061 : i32 to index
        %get3A_1063 = arith.constant 0 : index
        %get3A_1064 = tpu.vector_load %arg12[%get3A_1062, %get3A_1063] {strides = array<i32>} : memref<128x16xf32, #tpu.memory_space<vmem>>, vector<16xf32>,
        %slice3A_1065 = vector.extract_strided_slice %get3A_366 {offsets = [9], sizes = [1], strides = [1]} : vector<16xf32> to vector<1xf32>
        %squeeze3A_1066 = vector.extract %slice3A_1065[0] : f32 from vector<1xf32>
        %mul3A_1067 = vector.broadcast %squeeze3A_1066 : f32 to vector<16xf32>
        %mul3A_1068 = arith.mulf %get3A_1064, %mul3A_1067 : vector<16xf32>
        %swap3A_1069 = arith.constant 57 : i32
        %swap3A_1070 = arith.index_cast %swap3A_1069 : i32 to index
        %swap3A_1071 = arith.constant 0 : index
        %swap3A_1072 = tpu.vector_load %arg13[%swap3A_1070, %swap3A_1071] {strides = array<i32>} : memref<128x16xf32, #tpu.memory_space<vmem>>, vector<16xf32>,
        tpu.vector_store %arg13[%swap3A_1070, %swap3A_1071], %mul3A_1068 {strides = array<i32>} : memref<128x16xf32, #tpu.memory_space<vmem>>, vector<16xf32>,
        %get3A_1073 = arith.constant 58 : i32
        %get3A_1074 = arith.index_cast %get3A_1073 : i32 to index
        %get3A_1075 = arith.constant 0 : index
        %get3A_1076 = tpu.vector_load %arg12[%get3A_1074, %get3A_1075] {strides = array<i32>} : memref<128x16xf32, #tpu.memory_space<vmem>>, vector<16xf32>,
        %slice3A_1077 = vector.extract_strided_slice %get3A_366 {offsets = [10], sizes = [1], strides = [1]} : vector<16xf32> to vector<1xf32>
        %squeeze3A_1078 = vector.extract %slice3A_1077[0] : f32 from vector<1xf32>
        %mul3A_1079 = vector.broadcast %squeeze3A_1078 : f32 to vector<16xf32>
        %mul3A_1080 = arith.mulf %get3A_1076, %mul3A_1079 : vector<16xf32>
        %swap3A_1081 = arith.constant 58 : i32
        %swap3A_1082 = arith.index_cast %swap3A_1081 : i32 to index
        %swap3A_1083 = arith.constant 0 : index
        %swap3A_1084 = tpu.vector_load %arg13[%swap3A_1082, %swap3A_1083] {strides = array<i32>} : memref<128x16xf32, #tpu.memory_space<vmem>>, vector<16xf32>,
        tpu.vector_store %arg13[%swap3A_1082, %swap3A_1083], %mul3A_1080 {strides = array<i32>} : memref<128x16xf32, #tpu.memory_space<vmem>>, vector<16xf32>,
        %get3A_1085 = arith.constant 59 : i32
        %get3A_1086 = arith.index_cast %get3A_1085 : i32 to index
        %get3A_1087 = arith.constant 0 : index
        %get3A_1088 = tpu.vector_load %arg12[%get3A_1086, %get3A_1087] {strides = array<i32>} : memref<128x16xf32, #tpu.memory_space<vmem>>, vector<16xf32>,
        %slice3A_1089 = vector.extract_strided_slice %get3A_366 {offsets = [11], sizes = [1], strides = [1]} : vector<16xf32> to vector<1xf32>
        %squeeze3A_1090 = vector.extract %slice3A_1089[0] : f32 from vector<1xf32>
        %mul3A_1091 = vector.broadcast %squeeze3A_1090 : f32 to vector<16xf32>
        %mul3A_1092 = arith.mulf %get3A_1088, %mul3A_1091 : vector<16xf32>
        %swap3A_1093 = arith.constant 59 : i32
        %swap3A_1094 = arith.index_cast %swap3A_1093 : i32 to index
        %swap3A_1095 = arith.constant 0 : index
        %swap3A_1096 = tpu.vector_load %arg13[%swap3A_1094, %swap3A_1095] {strides = array<i32>} : memref<128x16xf32, #tpu.memory_space<vmem>>, vector<16xf32>,
        tpu.vector_store %arg13[%swap3A_1094, %swap3A_1095], %mul3A_1092 {strides = array<i32>} : memref<128x16xf32, #tpu.memory_space<vmem>>, vector<16xf32>,
        %get3A_1097 = arith.constant 60 : i32
        %get3A_1098 = arith.index_cast %get3A_1097 : i32 to index
        %get3A_1099 = arith.constant 0 : index
        %get3A_1100 = tpu.vector_load %arg12[%get3A_1098, %get3A_1099] {strides = array<i32>} : memref<128x16xf32, #tpu.memory_space<vmem>>, vector<16xf32>,
        %slice3A_1101 = vector.extract_strided_slice %get3A_366 {offsets = [12], sizes = [1], strides = [1]} : vector<16xf32> to vector<1xf32>
        %squeeze3A_1102 = vector.extract %slice3A_1101[0] : f32 from vector<1xf32>
        %mul3A_1103 = vector.broadcast %squeeze3A_1102 : f32 to vector<16xf32>
        %mul3A_1104 = arith.mulf %get3A_1100, %mul3A_1103 : vector<16xf32>
        %swap3A_1105 = arith.constant 60 : i32
        %swap3A_1106 = arith.index_cast %swap3A_1105 : i32 to index
        %swap3A_1107 = arith.constant 0 : index
        %swap3A_1108 = tpu.vector_load %arg13[%swap3A_1106, %swap3A_1107] {strides = array<i32>} : memref<128x16xf32, #tpu.memory_space<vmem>>, vector<16xf32>,
        tpu.vector_store %arg13[%swap3A_1106, %swap3A_1107], %mul3A_1104 {strides = array<i32>} : memref<128x16xf32, #tpu.memory_space<vmem>>, vector<16xf32>,
        %get3A_1109 = arith.constant 61 : i32
        %get3A_1110 = arith.index_cast %get3A_1109 : i32 to index
        %get3A_1111 = arith.constant 0 : index
        %get3A_1112 = tpu.vector_load %arg12[%get3A_1110, %get3A_1111] {strides = array<i32>} : memref<128x16xf32, #tpu.memory_space<vmem>>, vector<16xf32>,
        %slice3A_1113 = vector.extract_strided_slice %get3A_366 {offsets = [13], sizes = [1], strides = [1]} : vector<16xf32> to vector<1xf32>
        %squeeze3A_1114 = vector.extract %slice3A_1113[0] : f32 from vector<1xf32>
        %mul3A_1115 = vector.broadcast %squeeze3A_1114 : f32 to vector<16xf32>
        %mul3A_1116 = arith.mulf %get3A_1112, %mul3A_1115 : vector<16xf32>
        %swap3A_1117 = arith.constant 61 : i32
        %swap3A_1118 = arith.index_cast %swap3A_1117 : i32 to index
        %swap3A_1119 = arith.constant 0 : index
        %swap3A_1120 = tpu.vector_load %arg13[%swap3A_1118, %swap3A_1119] {strides = array<i32>} : memref<128x16xf32, #tpu.memory_space<vmem>>, vector<16xf32>,
        tpu.vector_store %arg13[%swap3A_1118, %swap3A_1119], %mul3A_1116 {strides = array<i32>} : memref<128x16xf32, #tpu.memory_space<vmem>>, vector<16xf32>,
        %get3A_1121 = arith.constant 62 : i32
        %get3A_1122 = arith.index_cast %get3A_1121 : i32 to index
        %get3A_1123 = arith.constant 0 : index
        %get3A_1124 = tpu.vector_load %arg12[%get3A_1122, %get3A_1123] {strides = array<i32>} : memref<128x16xf32, #tpu.memory_space<vmem>>, vector<16xf32>,
        %slice3A_1125 = vector.extract_strided_slice %get3A_366 {offsets = [14], sizes = [1], strides = [1]} : vector<16xf32> to vector<1xf32>
        %squeeze3A_1126 = vector.extract %slice3A_1125[0] : f32 from vector<1xf32>
        %mul3A_1127 = vector.broadcast %squeeze3A_1126 : f32 to vector<16xf32>
        %mul3A_1128 = arith.mulf %get3A_1124, %mul3A_1127 : vector<16xf32>
        %swap3A_1129 = arith.constant 62 : i32
        %swap3A_1130 = arith.index_cast %swap3A_1129 : i32 to index
        %swap3A_1131 = arith.constant 0 : index
        %swap3A_1132 = tpu.vector_load %arg13[%swap3A_1130, %swap3A_1131] {strides = array<i32>} : memref<128x16xf32, #tpu.memory_space<vmem>>, vector<16xf32>,
        tpu.vector_store %arg13[%swap3A_1130, %swap3A_1131], %mul3A_1128 {strides = array<i32>} : memref<128x16xf32, #tpu.memory_space<vmem>>, vector<16xf32>,
        %get3A_1133 = arith.constant 63 : i32
        %get3A_1134 = arith.index_cast %get3A_1133 : i32 to index
        %get3A_1135 = arith.constant 0 : index
        %get3A_1136 = tpu.vector_load %arg12[%get3A_1134, %get3A_1135] {strides = array<i32>} : memref<128x16xf32, #tpu.memory_space<vmem>>, vector<16xf32>,
        %slice3A_1137 = vector.extract_strided_slice %get3A_366 {offsets = [15], sizes = [1], strides = [1]} : vector<16xf32> to vector<1xf32>
        %squeeze3A_1138 = vector.extract %slice3A_1137[0] : f32 from vector<1xf32>
        %mul3A_1139 = vector.broadcast %squeeze3A_1138 : f32 to vector<16xf32>
        %mul3A_1140 = arith.mulf %get3A_1136, %mul3A_1139 : vector<16xf32>
        %swap3A_1141 = arith.constant 63 : i32
        %swap3A_1142 = arith.index_cast %swap3A_1141 : i32 to index
        %swap3A_1143 = arith.constant 0 : index
        %swap3A_1144 = tpu.vector_load %arg13[%swap3A_1142, %swap3A_1143] {strides = array<i32>} : memref<128x16xf32, #tpu.memory_space<vmem>>, vector<16xf32>,
        tpu.vector_store %arg13[%swap3A_1142, %swap3A_1143], %mul3A_1140 {strides = array<i32>} : memref<128x16xf32, #tpu.memory_space<vmem>>, vector<16xf32>,
        %get3A_1145 = arith.constant 64 : i32
        %get3A_1146 = arith.index_cast %get3A_1145 : i32 to index
        %get3A_1147 = arith.constant 0 : index
        %get3A_1148 = tpu.vector_load %arg12[%get3A_1146, %get3A_1147] {strides = array<i32>} : memref<128x16xf32, #tpu.memory_space<vmem>>, vector<16xf32>,
        %slice3A_1149 = vector.extract_strided_slice %get3A_369 {offsets = [0], sizes = [1], strides = [1]} : vector<16xf32> to vector<1xf32>
        %squeeze3A_1150 = vector.extract %slice3A_1149[0] : f32 from vector<1xf32>
        %mul3A_1151 = vector.broadcast %squeeze3A_1150 : f32 to vector<16xf32>
        %mul3A_1152 = arith.mulf %get3A_1148, %mul3A_1151 : vector<16xf32>
        %swap3A_1153 = arith.constant 64 : i32
        %swap3A_1154 = arith.index_cast %swap3A_1153 : i32 to index
        %swap3A_1155 = arith.constant 0 : index
        %swap3A_1156 = tpu.vector_load %arg13[%swap3A_1154, %swap3A_1155] {strides = array<i32>} : memref<128x16xf32, #tpu.memory_space<vmem>>, vector<16xf32>,
        tpu.vector_store %arg13[%swap3A_1154, %swap3A_1155], %mul3A_1152 {strides = array<i32>} : memref<128x16xf32, #tpu.memory_space<vmem>>, vector<16xf32>,
        %get3A_1157 = arith.constant 65 : i32
        %get3A_1158 = arith.index_cast %get3A_1157 : i32 to index
        %get3A_1159 = arith.constant 0 : index
        %get3A_1160 = tpu.vector_load %arg12[%get3A_1158, %get3A_1159] {strides = array<i32>} : memref<128x16xf32, #tpu.memory_space<vmem>>, vector<16xf32>,
        %slice3A_1161 = vector.extract_strided_slice %get3A_369 {offsets = [1], sizes = [1], strides = [1]} : vector<16xf32> to vector<1xf32>
        %squeeze3A_1162 = vector.extract %slice3A_1161[0] : f32 from vector<1xf32>
        %mul3A_1163 = vector.broadcast %squeeze3A_1162 : f32 to vector<16xf32>
        %mul3A_1164 = arith.mulf %get3A_1160, %mul3A_1163 : vector<16xf32>
        %swap3A_1165 = arith.constant 65 : i32
        %swap3A_1166 = arith.index_cast %swap3A_1165 : i32 to index
        %swap3A_1167 = arith.constant 0 : index
        %swap3A_1168 = tpu.vector_load %arg13[%swap3A_1166, %swap3A_1167] {strides = array<i32>} : memref<128x16xf32, #tpu.memory_space<vmem>>, vector<16xf32>,
        tpu.vector_store %arg13[%swap3A_1166, %swap3A_1167], %mul3A_1164 {strides = array<i32>} : memref<128x16xf32, #tpu.memory_space<vmem>>, vector<16xf32>,
        %get3A_1169 = arith.constant 66 : i32
        %get3A_1170 = arith.index_cast %get3A_1169 : i32 to index
        %get3A_1171 = arith.constant 0 : index
        %get3A_1172 = tpu.vector_load %arg12[%get3A_1170, %get3A_1171] {strides = array<i32>} : memref<128x16xf32, #tpu.memory_space<vmem>>, vector<16xf32>,
        %slice3A_1173 = vector.extract_strided_slice %get3A_369 {offsets = [2], sizes = [1], strides = [1]} : vector<16xf32> to vector<1xf32>
        %squeeze3A_1174 = vector.extract %slice3A_1173[0] : f32 from vector<1xf32>
        %mul3A_1175 = vector.broadcast %squeeze3A_1174 : f32 to vector<16xf32>
        %mul3A_1176 = arith.mulf %get3A_1172, %mul3A_1175 : vector<16xf32>
        %swap3A_1177 = arith.constant 66 : i32
        %swap3A_1178 = arith.index_cast %swap3A_1177 : i32 to index
        %swap3A_1179 = arith.constant 0 : index
        %swap3A_1180 = tpu.vector_load %arg13[%swap3A_1178, %swap3A_1179] {strides = array<i32>} : memref<128x16xf32, #tpu.memory_space<vmem>>, vector<16xf32>,
        tpu.vector_store %arg13[%swap3A_1178, %swap3A_1179], %mul3A_1176 {strides = array<i32>} : memref<128x16xf32, #tpu.memory_space<vmem>>, vector<16xf32>,
        %get3A_1181 = arith.constant 67 : i32
        %get3A_1182 = arith.index_cast %get3A_1181 : i32 to index
        %get3A_1183 = arith.constant 0 : index
        %get3A_1184 = tpu.vector_load %arg12[%get3A_1182, %get3A_1183] {strides = array<i32>} : memref<128x16xf32, #tpu.memory_space<vmem>>, vector<16xf32>,
        %slice3A_1185 = vector.extract_strided_slice %get3A_369 {offsets = [3], sizes = [1], strides = [1]} : vector<16xf32> to vector<1xf32>
        %squeeze3A_1186 = vector.extract %slice3A_1185[0] : f32 from vector<1xf32>
        %mul3A_1187 = vector.broadcast %squeeze3A_1186 : f32 to vector<16xf32>
        %mul3A_1188 = arith.mulf %get3A_1184, %mul3A_1187 : vector<16xf32>
        %swap3A_1189 = arith.constant 67 : i32
        %swap3A_1190 = arith.index_cast %swap3A_1189 : i32 to index
        %swap3A_1191 = arith.constant 0 : index
        %swap3A_1192 = tpu.vector_load %arg13[%swap3A_1190, %swap3A_1191] {strides = array<i32>} : memref<128x16xf32, #tpu.memory_space<vmem>>, vector<16xf32>,
        tpu.vector_store %arg13[%swap3A_1190, %swap3A_1191], %mul3A_1188 {strides = array<i32>} : memref<128x16xf32, #tpu.memory_space<vmem>>, vector<16xf32>,
        %get3A_1193 = arith.constant 68 : i32
        %get3A_1194 = arith.index_cast %get3A_1193 : i32 to index
        %get3A_1195 = arith.constant 0 : index
        %get3A_1196 = tpu.vector_load %arg12[%get3A_1194, %get3A_1195] {strides = array<i32>} : memref<128x16xf32, #tpu.memory_space<vmem>>, vector<16xf32>,
        %slice3A_1197 = vector.extract_strided_slice %get3A_369 {offsets = [4], sizes = [1], strides = [1]} : vector<16xf32> to vector<1xf32>
        %squeeze3A_1198 = vector.extract %slice3A_1197[0] : f32 from vector<1xf32>
        %mul3A_1199 = vector.broadcast %squeeze3A_1198 : f32 to vector<16xf32>
        %mul3A_1200 = arith.mulf %get3A_1196, %mul3A_1199 : vector<16xf32>
        %swap3A_1201 = arith.constant 68 : i32
        %swap3A_1202 = arith.index_cast %swap3A_1201 : i32 to index
        %swap3A_1203 = arith.constant 0 : index
        %swap3A_1204 = tpu.vector_load %arg13[%swap3A_1202, %swap3A_1203] {strides = array<i32>} : memref<128x16xf32, #tpu.memory_space<vmem>>, vector<16xf32>,
        tpu.vector_store %arg13[%swap3A_1202, %swap3A_1203], %mul3A_1200 {strides = array<i32>} : memref<128x16xf32, #tpu.memory_space<vmem>>, vector<16xf32>,
        %get3A_1205 = arith.constant 69 : i32
        %get3A_1206 = arith.index_cast %get3A_1205 : i32 to index
        %get3A_1207 = arith.constant 0 : index
        %get3A_1208 = tpu.vector_load %arg12[%get3A_1206, %get3A_1207] {strides = array<i32>} : memref<128x16xf32, #tpu.memory_space<vmem>>, vector<16xf32>,
        %slice3A_1209 = vector.extract_strided_slice %get3A_369 {offsets = [5], sizes = [1], strides = [1]} : vector<16xf32> to vector<1xf32>
        %squeeze3A_1210 = vector.extract %slice3A_1209[0] : f32 from vector<1xf32>
        %mul3A_1211 = vector.broadcast %squeeze3A_1210 : f32 to vector<16xf32>
        %mul3A_1212 = arith.mulf %get3A_1208, %mul3A_1211 : vector<16xf32>
        %swap3A_1213 = arith.constant 69 : i32
        %swap3A_1214 = arith.index_cast %swap3A_1213 : i32 to index
        %swap3A_1215 = arith.constant 0 : index
        %swap3A_1216 = tpu.vector_load %arg13[%swap3A_1214, %swap3A_1215] {strides = array<i32>} : memref<128x16xf32, #tpu.memory_space<vmem>>, vector<16xf32>,
        tpu.vector_store %arg13[%swap3A_1214, %swap3A_1215], %mul3A_1212 {strides = array<i32>} : memref<128x16xf32, #tpu.memory_space<vmem>>, vector<16xf32>,
        %get3A_1217 = arith.constant 70 : i32
        %get3A_1218 = arith.index_cast %get3A_1217 : i32 to index
        %get3A_1219 = arith.constant 0 : index
        %get3A_1220 = tpu.vector_load %arg12[%get3A_1218, %get3A_1219] {strides = array<i32>} : memref<128x16xf32, #tpu.memory_space<vmem>>, vector<16xf32>,
        %slice3A_1221 = vector.extract_strided_slice %get3A_369 {offsets = [6], sizes = [1], strides = [1]} : vector<16xf32> to vector<1xf32>
        %squeeze3A_1222 = vector.extract %slice3A_1221[0] : f32 from vector<1xf32>
        %mul3A_1223 = vector.broadcast %squeeze3A_1222 : f32 to vector<16xf32>
        %mul3A_1224 = arith.mulf %get3A_1220, %mul3A_1223 : vector<16xf32>
        %swap3A_1225 = arith.constant 70 : i32
        %swap3A_1226 = arith.index_cast %swap3A_1225 : i32 to index
        %swap3A_1227 = arith.constant 0 : index
        %swap3A_1228 = tpu.vector_load %arg13[%swap3A_1226, %swap3A_1227] {strides = array<i32>} : memref<128x16xf32, #tpu.memory_space<vmem>>, vector<16xf32>,
        tpu.vector_store %arg13[%swap3A_1226, %swap3A_1227], %mul3A_1224 {strides = array<i32>} : memref<128x16xf32, #tpu.memory_space<vmem>>, vector<16xf32>,
        %get3A_1229 = arith.constant 71 : i32
        %get3A_1230 = arith.index_cast %get3A_1229 : i32 to index
        %get3A_1231 = arith.constant 0 : index
        %get3A_1232 = tpu.vector_load %arg12[%get3A_1230, %get3A_1231] {strides = array<i32>} : memref<128x16xf32, #tpu.memory_space<vmem>>, vector<16xf32>,
        %slice3A_1233 = vector.extract_strided_slice %get3A_369 {offsets = [7], sizes = [1], strides = [1]} : vector<16xf32> to vector<1xf32>
        %squeeze3A_1234 = vector.extract %slice3A_1233[0] : f32 from vector<1xf32>
        %mul3A_1235 = vector.broadcast %squeeze3A_1234 : f32 to vector<16xf32>
        %mul3A_1236 = arith.mulf %get3A_1232, %mul3A_1235 : vector<16xf32>
        %swap3A_1237 = arith.constant 71 : i32
        %swap3A_1238 = arith.index_cast %swap3A_1237 : i32 to index
        %swap3A_1239 = arith.constant 0 : index
        %swap3A_1240 = tpu.vector_load %arg13[%swap3A_1238, %swap3A_1239] {strides = array<i32>} : memref<128x16xf32, #tpu.memory_space<vmem>>, vector<16xf32>,
        tpu.vector_store %arg13[%swap3A_1238, %swap3A_1239], %mul3A_1236 {strides = array<i32>} : memref<128x16xf32, #tpu.memory_space<vmem>>, vector<16xf32>,
        %get3A_1241 = arith.constant 72 : i32
        %get3A_1242 = arith.index_cast %get3A_1241 : i32 to index
        %get3A_1243 = arith.constant 0 : index
        %get3A_1244 = tpu.vector_load %arg12[%get3A_1242, %get3A_1243] {strides = array<i32>} : memref<128x16xf32, #tpu.memory_space<vmem>>, vector<16xf32>,
        %slice3A_1245 = vector.extract_strided_slice %get3A_369 {offsets = [8], sizes = [1], strides = [1]} : vector<16xf32> to vector<1xf32>
        %squeeze3A_1246 = vector.extract %slice3A_1245[0] : f32 from vector<1xf32>
        %mul3A_1247 = vector.broadcast %squeeze3A_1246 : f32 to vector<16xf32>
        %mul3A_1248 = arith.mulf %get3A_1244, %mul3A_1247 : vector<16xf32>
        %swap3A_1249 = arith.constant 72 : i32
        %swap3A_1250 = arith.index_cast %swap3A_1249 : i32 to index
        %swap3A_1251 = arith.constant 0 : index
        %swap3A_1252 = tpu.vector_load %arg13[%swap3A_1250, %swap3A_1251] {strides = array<i32>} : memref<128x16xf32, #tpu.memory_space<vmem>>, vector<16xf32>,
        tpu.vector_store %arg13[%swap3A_1250, %swap3A_1251], %mul3A_1248 {strides = array<i32>} : memref<128x16xf32, #tpu.memory_space<vmem>>, vector<16xf32>,
        %get3A_1253 = arith.constant 73 : i32
        %get3A_1254 = arith.index_cast %get3A_1253 : i32 to index
        %get3A_1255 = arith.constant 0 : index
        %get3A_1256 = tpu.vector_load %arg12[%get3A_1254, %get3A_1255] {strides = array<i32>} : memref<128x16xf32, #tpu.memory_space<vmem>>, vector<16xf32>,
        %slice3A_1257 = vector.extract_strided_slice %get3A_369 {offsets = [9], sizes = [1], strides = [1]} : vector<16xf32> to vector<1xf32>
        %squeeze3A_1258 = vector.extract %slice3A_1257[0] : f32 from vector<1xf32>
        %mul3A_1259 = vector.broadcast %squeeze3A_1258 : f32 to vector<16xf32>
        %mul3A_1260 = arith.mulf %get3A_1256, %mul3A_1259 : vector<16xf32>
        %swap3A_1261 = arith.constant 73 : i32
        %swap3A_1262 = arith.index_cast %swap3A_1261 : i32 to index
        %swap3A_1263 = arith.constant 0 : index
        %swap3A_1264 = tpu.vector_load %arg13[%swap3A_1262, %swap3A_1263] {strides = array<i32>} : memref<128x16xf32, #tpu.memory_space<vmem>>, vector<16xf32>,
        tpu.vector_store %arg13[%swap3A_1262, %swap3A_1263], %mul3A_1260 {strides = array<i32>} : memref<128x16xf32, #tpu.memory_space<vmem>>, vector<16xf32>,
        %get3A_1265 = arith.constant 74 : i32
        %get3A_1266 = arith.index_cast %get3A_1265 : i32 to index
        %get3A_1267 = arith.constant 0 : index
        %get3A_1268 = tpu.vector_load %arg12[%get3A_1266, %get3A_1267] {strides = array<i32>} : memref<128x16xf32, #tpu.memory_space<vmem>>, vector<16xf32>,
        %slice3A_1269 = vector.extract_strided_slice %get3A_369 {offsets = [10], sizes = [1], strides = [1]} : vector<16xf32> to vector<1xf32>
        %squeeze3A_1270 = vector.extract %slice3A_1269[0] : f32 from vector<1xf32>
        %mul3A_1271 = vector.broadcast %squeeze3A_1270 : f32 to vector<16xf32>
        %mul3A_1272 = arith.mulf %get3A_1268, %mul3A_1271 : vector<16xf32>
        %swap3A_1273 = arith.constant 74 : i32
        %swap3A_1274 = arith.index_cast %swap3A_1273 : i32 to index
        %swap3A_1275 = arith.constant 0 : index
        %swap3A_1276 = tpu.vector_load %arg13[%swap3A_1274, %swap3A_1275] {strides = array<i32>} : memref<128x16xf32, #tpu.memory_space<vmem>>, vector<16xf32>,
        tpu.vector_store %arg13[%swap3A_1274, %swap3A_1275], %mul3A_1272 {strides = array<i32>} : memref<128x16xf32, #tpu.memory_space<vmem>>, vector<16xf32>,
        %get3A_1277 = arith.constant 75 : i32
        %get3A_1278 = arith.index_cast %get3A_1277 : i32 to index
        %get3A_1279 = arith.constant 0 : index
        %get3A_1280 = tpu.vector_load %arg12[%get3A_1278, %get3A_1279] {strides = array<i32>} : memref<128x16xf32, #tpu.memory_space<vmem>>, vector<16xf32>,
        %slice3A_1281 = vector.extract_strided_slice %get3A_369 {offsets = [11], sizes = [1], strides = [1]} : vector<16xf32> to vector<1xf32>
        %squeeze3A_1282 = vector.extract %slice3A_1281[0] : f32 from vector<1xf32>
        %mul3A_1283 = vector.broadcast %squeeze3A_1282 : f32 to vector<16xf32>
        %mul3A_1284 = arith.mulf %get3A_1280, %mul3A_1283 : vector<16xf32>
        %swap3A_1285 = arith.constant 75 : i32
        %swap3A_1286 = arith.index_cast %swap3A_1285 : i32 to index
        %swap3A_1287 = arith.constant 0 : index
        %swap3A_1288 = tpu.vector_load %arg13[%swap3A_1286, %swap3A_1287] {strides = array<i32>} : memref<128x16xf32, #tpu.memory_space<vmem>>, vector<16xf32>,
        tpu.vector_store %arg13[%swap3A_1286, %swap3A_1287], %mul3A_1284 {strides = array<i32>} : memref<128x16xf32, #tpu.memory_space<vmem>>, vector<16xf32>,
        %get3A_1289 = arith.constant 76 : i32
        %get3A_1290 = arith.index_cast %get3A_1289 : i32 to index
        %get3A_1291 = arith.constant 0 : index
        %get3A_1292 = tpu.vector_load %arg12[%get3A_1290, %get3A_1291] {strides = array<i32>} : memref<128x16xf32, #tpu.memory_space<vmem>>, vector<16xf32>,
        %slice3A_1293 = vector.extract_strided_slice %get3A_369 {offsets = [12], sizes = [1], strides = [1]} : vector<16xf32> to vector<1xf32>
        %squeeze3A_1294 = vector.extract %slice3A_1293[0] : f32 from vector<1xf32>
        %mul3A_1295 = vector.broadcast %squeeze3A_1294 : f32 to vector<16xf32>
        %mul3A_1296 = arith.mulf %get3A_1292, %mul3A_1295 : vector<16xf32>
        %swap3A_1297 = arith.constant 76 : i32
        %swap3A_1298 = arith.index_cast %swap3A_1297 : i32 to index
        %swap3A_1299 = arith.constant 0 : index
        %swap3A_1300 = tpu.vector_load %arg13[%swap3A_1298, %swap3A_1299] {strides = array<i32>} : memref<128x16xf32, #tpu.memory_space<vmem>>, vector<16xf32>,
        tpu.vector_store %arg13[%swap3A_1298, %swap3A_1299], %mul3A_1296 {strides = array<i32>} : memref<128x16xf32, #tpu.memory_space<vmem>>, vector<16xf32>,
        %get3A_1301 = arith.constant 77 : i32
        %get3A_1302 = arith.index_cast %get3A_1301 : i32 to index
        %get3A_1303 = arith.constant 0 : index
        %get3A_1304 = tpu.vector_load %arg12[%get3A_1302, %get3A_1303] {strides = array<i32>} : memref<128x16xf32, #tpu.memory_space<vmem>>, vector<16xf32>,
        %slice3A_1305 = vector.extract_strided_slice %get3A_369 {offsets = [13], sizes = [1], strides = [1]} : vector<16xf32> to vector<1xf32>
        %squeeze3A_1306 = vector.extract %slice3A_1305[0] : f32 from vector<1xf32>
        %mul3A_1307 = vector.broadcast %squeeze3A_1306 : f32 to vector<16xf32>
        %mul3A_1308 = arith.mulf %get3A_1304, %mul3A_1307 : vector<16xf32>
        %swap3A_1309 = arith.constant 77 : i32
        %swap3A_1310 = arith.index_cast %swap3A_1309 : i32 to index
        %swap3A_1311 = arith.constant 0 : index
        %swap3A_1312 = tpu.vector_load %arg13[%swap3A_1310, %swap3A_1311] {strides = array<i32>} : memref<128x16xf32, #tpu.memory_space<vmem>>, vector<16xf32>,
        tpu.vector_store %arg13[%swap3A_1310, %swap3A_1311], %mul3A_1308 {strides = array<i32>} : memref<128x16xf32, #tpu.memory_space<vmem>>, vector<16xf32>,
        %get3A_1313 = arith.constant 78 : i32
        %get3A_1314 = arith.index_cast %get3A_1313 : i32 to index
        %get3A_1315 = arith.constant 0 : index
        %get3A_1316 = tpu.vector_load %arg12[%get3A_1314, %get3A_1315] {strides = array<i32>} : memref<128x16xf32, #tpu.memory_space<vmem>>, vector<16xf32>,
        %slice3A_1317 = vector.extract_strided_slice %get3A_369 {offsets = [14], sizes = [1], strides = [1]} : vector<16xf32> to vector<1xf32>
        %squeeze3A_1318 = vector.extract %slice3A_1317[0] : f32 from vector<1xf32>
        %mul3A_1319 = vector.broadcast %squeeze3A_1318 : f32 to vector<16xf32>
        %mul3A_1320 = arith.mulf %get3A_1316, %mul3A_1319 : vector<16xf32>
        %swap3A_1321 = arith.constant 78 : i32
        %swap3A_1322 = arith.index_cast %swap3A_1321 : i32 to index
        %swap3A_1323 = arith.constant 0 : index
        %swap3A_1324 = tpu.vector_load %arg13[%swap3A_1322, %swap3A_1323] {strides = array<i32>} : memref<128x16xf32, #tpu.memory_space<vmem>>, vector<16xf32>,
        tpu.vector_store %arg13[%swap3A_1322, %swap3A_1323], %mul3A_1320 {strides = array<i32>} : memref<128x16xf32, #tpu.memory_space<vmem>>, vector<16xf32>,
        %get3A_1325 = arith.constant 79 : i32
        %get3A_1326 = arith.index_cast %get3A_1325 : i32 to index
        %get3A_1327 = arith.constant 0 : index
        %get3A_1328 = tpu.vector_load %arg12[%get3A_1326, %get3A_1327] {strides = array<i32>} : memref<128x16xf32, #tpu.memory_space<vmem>>, vector<16xf32>,
        %slice3A_1329 = vector.extract_strided_slice %get3A_369 {offsets = [15], sizes = [1], strides = [1]} : vector<16xf32> to vector<1xf32>
        %squeeze3A_1330 = vector.extract %slice3A_1329[0] : f32 from vector<1xf32>
        %mul3A_1331 = vector.broadcast %squeeze3A_1330 : f32 to vector<16xf32>
        %mul3A_1332 = arith.mulf %get3A_1328, %mul3A_1331 : vector<16xf32>
        %swap3A_1333 = arith.constant 79 : i32
        %swap3A_1334 = arith.index_cast %swap3A_1333 : i32 to index
        %swap3A_1335 = arith.constant 0 : index
        %swap3A_1336 = tpu.vector_load %arg13[%swap3A_1334, %swap3A_1335] {strides = array<i32>} : memref<128x16xf32, #tpu.memory_space<vmem>>, vector<16xf32>,
        tpu.vector_store %arg13[%swap3A_1334, %swap3A_1335], %mul3A_1332 {strides = array<i32>} : memref<128x16xf32, #tpu.memory_space<vmem>>, vector<16xf32>,
        %get3A_1337 = arith.constant 80 : i32
        %get3A_1338 = arith.index_cast %get3A_1337 : i32 to index
        %get3A_1339 = arith.constant 0 : index
        %get3A_1340 = tpu.vector_load %arg12[%get3A_1338, %get3A_1339] {strides = array<i32>} : memref<128x16xf32, #tpu.memory_space<vmem>>, vector<16xf32>,
        %slice3A_1341 = vector.extract_strided_slice %get3A_372 {offsets = [0], sizes = [1], strides = [1]} : vector<16xf32> to vector<1xf32>
        %squeeze3A_1342 = vector.extract %slice3A_1341[0] : f32 from vector<1xf32>
        %mul3A_1343 = vector.broadcast %squeeze3A_1342 : f32 to vector<16xf32>
        %mul3A_1344 = arith.mulf %get3A_1340, %mul3A_1343 : vector<16xf32>
        %swap3A_1345 = arith.constant 80 : i32
        %swap3A_1346 = arith.index_cast %swap3A_1345 : i32 to index
        %swap3A_1347 = arith.constant 0 : index
        %swap3A_1348 = tpu.vector_load %arg13[%swap3A_1346, %swap3A_1347] {strides = array<i32>} : memref<128x16xf32, #tpu.memory_space<vmem>>, vector<16xf32>,
        tpu.vector_store %arg13[%swap3A_1346, %swap3A_1347], %mul3A_1344 {strides = array<i32>} : memref<128x16xf32, #tpu.memory_space<vmem>>, vector<16xf32>,
        %get3A_1349 = arith.constant 81 : i32
        %get3A_1350 = arith.index_cast %get3A_1349 : i32 to index
        %get3A_1351 = arith.constant 0 : index
        %get3A_1352 = tpu.vector_load %arg12[%get3A_1350, %get3A_1351] {strides = array<i32>} : memref<128x16xf32, #tpu.memory_space<vmem>>, vector<16xf32>,
        %slice3A_1353 = vector.extract_strided_slice %get3A_372 {offsets = [1], sizes = [1], strides = [1]} : vector<16xf32> to vector<1xf32>
        %squeeze3A_1354 = vector.extract %slice3A_1353[0] : f32 from vector<1xf32>
        %mul3A_1355 = vector.broadcast %squeeze3A_1354 : f32 to vector<16xf32>
        %mul3A_1356 = arith.mulf %get3A_1352, %mul3A_1355 : vector<16xf32>
        %swap3A_1357 = arith.constant 81 : i32
        %swap3A_1358 = arith.index_cast %swap3A_1357 : i32 to index
        %swap3A_1359 = arith.constant 0 : index
        %swap3A_1360 = tpu.vector_load %arg13[%swap3A_1358, %swap3A_1359] {strides = array<i32>} : memref<128x16xf32, #tpu.memory_space<vmem>>, vector<16xf32>,
        tpu.vector_store %arg13[%swap3A_1358, %swap3A_1359], %mul3A_1356 {strides = array<i32>} : memref<128x16xf32, #tpu.memory_space<vmem>>, vector<16xf32>,
        %get3A_1361 = arith.constant 82 : i32
        %get3A_1362 = arith.index_cast %get3A_1361 : i32 to index
        %get3A_1363 = arith.constant 0 : index
        %get3A_1364 = tpu.vector_load %arg12[%get3A_1362, %get3A_1363] {strides = array<i32>} : memref<128x16xf32, #tpu.memory_space<vmem>>, vector<16xf32>,
        %slice3A_1365 = vector.extract_strided_slice %get3A_372 {offsets = [2], sizes = [1], strides = [1]} : vector<16xf32> to vector<1xf32>
        %squeeze3A_1366 = vector.extract %slice3A_1365[0] : f32 from vector<1xf32>
        %mul3A_1367 = vector.broadcast %squeeze3A_1366 : f32 to vector<16xf32>
        %mul3A_1368 = arith.mulf %get3A_1364, %mul3A_1367 : vector<16xf32>
        %swap3A_1369 = arith.constant 82 : i32
        %swap3A_1370 = arith.index_cast %swap3A_1369 : i32 to index
        %swap3A_1371 = arith.constant 0 : index
        %swap3A_1372 = tpu.vector_load %arg13[%swap3A_1370, %swap3A_1371] {strides = array<i32>} : memref<128x16xf32, #tpu.memory_space<vmem>>, vector<16xf32>,
        tpu.vector_store %arg13[%swap3A_1370, %swap3A_1371], %mul3A_1368 {strides = array<i32>} : memref<128x16xf32, #tpu.memory_space<vmem>>, vector<16xf32>,
        %get3A_1373 = arith.constant 83 : i32
        %get3A_1374 = arith.index_cast %get3A_1373 : i32 to index
        %get3A_1375 = arith.constant 0 : index
        %get3A_1376 = tpu.vector_load %arg12[%get3A_1374, %get3A_1375] {strides = array<i32>} : memref<128x16xf32, #tpu.memory_space<vmem>>, vector<16xf32>,
        %slice3A_1377 = vector.extract_strided_slice %get3A_372 {offsets = [3], sizes = [1], strides = [1]} : vector<16xf32> to vector<1xf32>
        %squeeze3A_1378 = vector.extract %slice3A_1377[0] : f32 from vector<1xf32>
        %mul3A_1379 = vector.broadcast %squeeze3A_1378 : f32 to vector<16xf32>
        %mul3A_1380 = arith.mulf %get3A_1376, %mul3A_1379 : vector<16xf32>
        %swap3A_1381 = arith.constant 83 : i32
        %swap3A_1382 = arith.index_cast %swap3A_1381 : i32 to index
        %swap3A_1383 = arith.constant 0 : index
        %swap3A_1384 = tpu.vector_load %arg13[%swap3A_1382, %swap3A_1383] {strides = array<i32>} : memref<128x16xf32, #tpu.memory_space<vmem>>, vector<16xf32>,
        tpu.vector_store %arg13[%swap3A_1382, %swap3A_1383], %mul3A_1380 {strides = array<i32>} : memref<128x16xf32, #tpu.memory_space<vmem>>, vector<16xf32>,
        %get3A_1385 = arith.constant 84 : i32
        %get3A_1386 = arith.index_cast %get3A_1385 : i32 to index
        %get3A_1387 = arith.constant 0 : index
        %get3A_1388 = tpu.vector_load %arg12[%get3A_1386, %get3A_1387] {strides = array<i32>} : memref<128x16xf32, #tpu.memory_space<vmem>>, vector<16xf32>,
        %slice3A_1389 = vector.extract_strided_slice %get3A_372 {offsets = [4], sizes = [1], strides = [1]} : vector<16xf32> to vector<1xf32>
        %squeeze3A_1390 = vector.extract %slice3A_1389[0] : f32 from vector<1xf32>
        %mul3A_1391 = vector.broadcast %squeeze3A_1390 : f32 to vector<16xf32>
        %mul3A_1392 = arith.mulf %get3A_1388, %mul3A_1391 : vector<16xf32>
        %swap3A_1393 = arith.constant 84 : i32
        %swap3A_1394 = arith.index_cast %swap3A_1393 : i32 to index
        %swap3A_1395 = arith.constant 0 : index
        %swap3A_1396 = tpu.vector_load %arg13[%swap3A_1394, %swap3A_1395] {strides = array<i32>} : memref<128x16xf32, #tpu.memory_space<vmem>>, vector<16xf32>,
        tpu.vector_store %arg13[%swap3A_1394, %swap3A_1395], %mul3A_1392 {strides = array<i32>} : memref<128x16xf32, #tpu.memory_space<vmem>>, vector<16xf32>,
        %get3A_1397 = arith.constant 85 : i32
        %get3A_1398 = arith.index_cast %get3A_1397 : i32 to index
        %get3A_1399 = arith.constant 0 : index
        %get3A_1400 = tpu.vector_load %arg12[%get3A_1398, %get3A_1399] {strides = array<i32>} : memref<128x16xf32, #tpu.memory_space<vmem>>, vector<16xf32>,
        %slice3A_1401 = vector.extract_strided_slice %get3A_372 {offsets = [5], sizes = [1], strides = [1]} : vector<16xf32> to vector<1xf32>
        %squeeze3A_1402 = vector.extract %slice3A_1401[0] : f32 from vector<1xf32>
        %mul3A_1403 = vector.broadcast %squeeze3A_1402 : f32 to vector<16xf32>
        %mul3A_1404 = arith.mulf %get3A_1400, %mul3A_1403 : vector<16xf32>
        %swap3A_1405 = arith.constant 85 : i32
        %swap3A_1406 = arith.index_cast %swap3A_1405 : i32 to index
        %swap3A_1407 = arith.constant 0 : index
        %swap3A_1408 = tpu.vector_load %arg13[%swap3A_1406, %swap3A_1407] {strides = array<i32>} : memref<128x16xf32, #tpu.memory_space<vmem>>, vector<16xf32>,
        tpu.vector_store %arg13[%swap3A_1406, %swap3A_1407], %mul3A_1404 {strides = array<i32>} : memref<128x16xf32, #tpu.memory_space<vmem>>, vector<16xf32>,
        %get3A_1409 = arith.constant 86 : i32
        %get3A_1410 = arith.index_cast %get3A_1409 : i32 to index
        %get3A_1411 = arith.constant 0 : index
        %get3A_1412 = tpu.vector_load %arg12[%get3A_1410, %get3A_1411] {strides = array<i32>} : memref<128x16xf32, #tpu.memory_space<vmem>>, vector<16xf32>,
        %slice3A_1413 = vector.extract_strided_slice %get3A_372 {offsets = [6], sizes = [1], strides = [1]} : vector<16xf32> to vector<1xf32>
        %squeeze3A_1414 = vector.extract %slice3A_1413[0] : f32 from vector<1xf32>
        %mul3A_1415 = vector.broadcast %squeeze3A_1414 : f32 to vector<16xf32>
        %mul3A_1416 = arith.mulf %get3A_1412, %mul3A_1415 : vector<16xf32>
        %swap3A_1417 = arith.constant 86 : i32
        %swap3A_1418 = arith.index_cast %swap3A_1417 : i32 to index
        %swap3A_1419 = arith.constant 0 : index
        %swap3A_1420 = tpu.vector_load %arg13[%swap3A_1418, %swap3A_1419] {strides = array<i32>} : memref<128x16xf32, #tpu.memory_space<vmem>>, vector<16xf32>,
        tpu.vector_store %arg13[%swap3A_1418, %swap3A_1419], %mul3A_1416 {strides = array<i32>} : memref<128x16xf32, #tpu.memory_space<vmem>>, vector<16xf32>,
        %get3A_1421 = arith.constant 87 : i32
        %get3A_1422 = arith.index_cast %get3A_1421 : i32 to index
        %get3A_1423 = arith.constant 0 : index
        %get3A_1424 = tpu.vector_load %arg12[%get3A_1422, %get3A_1423] {strides = array<i32>} : memref<128x16xf32, #tpu.memory_space<vmem>>, vector<16xf32>,
        %slice3A_1425 = vector.extract_strided_slice %get3A_372 {offsets = [7], sizes = [1], strides = [1]} : vector<16xf32> to vector<1xf32>
        %squeeze3A_1426 = vector.extract %slice3A_1425[0] : f32 from vector<1xf32>
        %mul3A_1427 = vector.broadcast %squeeze3A_1426 : f32 to vector<16xf32>
        %mul3A_1428 = arith.mulf %get3A_1424, %mul3A_1427 : vector<16xf32>
        %swap3A_1429 = arith.constant 87 : i32
        %swap3A_1430 = arith.index_cast %swap3A_1429 : i32 to index
        %swap3A_1431 = arith.constant 0 : index
        %swap3A_1432 = tpu.vector_load %arg13[%swap3A_1430, %swap3A_1431] {strides = array<i32>} : memref<128x16xf32, #tpu.memory_space<vmem>>, vector<16xf32>,
        tpu.vector_store %arg13[%swap3A_1430, %swap3A_1431], %mul3A_1428 {strides = array<i32>} : memref<128x16xf32, #tpu.memory_space<vmem>>, vector<16xf32>,
        %get3A_1433 = arith.constant 88 : i32
        %get3A_1434 = arith.index_cast %get3A_1433 : i32 to index
        %get3A_1435 = arith.constant 0 : index
        %get3A_1436 = tpu.vector_load %arg12[%get3A_1434, %get3A_1435] {strides = array<i32>} : memref<128x16xf32, #tpu.memory_space<vmem>>, vector<16xf32>,
        %slice3A_1437 = vector.extract_strided_slice %get3A_372 {offsets = [8], sizes = [1], strides = [1]} : vector<16xf32> to vector<1xf32>
        %squeeze3A_1438 = vector.extract %slice3A_1437[0] : f32 from vector<1xf32>
        %mul3A_1439 = vector.broadcast %squeeze3A_1438 : f32 to vector<16xf32>
        %mul3A_1440 = arith.mulf %get3A_1436, %mul3A_1439 : vector<16xf32>
        %swap3A_1441 = arith.constant 88 : i32
        %swap3A_1442 = arith.index_cast %swap3A_1441 : i32 to index
        %swap3A_1443 = arith.constant 0 : index
        %swap3A_1444 = tpu.vector_load %arg13[%swap3A_1442, %swap3A_1443] {strides = array<i32>} : memref<128x16xf32, #tpu.memory_space<vmem>>, vector<16xf32>,
        tpu.vector_store %arg13[%swap3A_1442, %swap3A_1443], %mul3A_1440 {strides = array<i32>} : memref<128x16xf32, #tpu.memory_space<vmem>>, vector<16xf32>,
        %get3A_1445 = arith.constant 89 : i32
        %get3A_1446 = arith.index_cast %get3A_1445 : i32 to index
        %get3A_1447 = arith.constant 0 : index
        %get3A_1448 = tpu.vector_load %arg12[%get3A_1446, %get3A_1447] {strides = array<i32>} : memref<128x16xf32, #tpu.memory_space<vmem>>, vector<16xf32>,
        %slice3A_1449 = vector.extract_strided_slice %get3A_372 {offsets = [9], sizes = [1], strides = [1]} : vector<16xf32> to vector<1xf32>
        %squeeze3A_1450 = vector.extract %slice3A_1449[0] : f32 from vector<1xf32>
        %mul3A_1451 = vector.broadcast %squeeze3A_1450 : f32 to vector<16xf32>
        %mul3A_1452 = arith.mulf %get3A_1448, %mul3A_1451 : vector<16xf32>
        %swap3A_1453 = arith.constant 89 : i32
        %swap3A_1454 = arith.index_cast %swap3A_1453 : i32 to index
        %swap3A_1455 = arith.constant 0 : index
        %swap3A_1456 = tpu.vector_load %arg13[%swap3A_1454, %swap3A_1455] {strides = array<i32>} : memref<128x16xf32, #tpu.memory_space<vmem>>, vector<16xf32>,
        tpu.vector_store %arg13[%swap3A_1454, %swap3A_1455], %mul3A_1452 {strides = array<i32>} : memref<128x16xf32, #tpu.memory_space<vmem>>, vector<16xf32>,
        %get3A_1457 = arith.constant 90 : i32
        %get3A_1458 = arith.index_cast %get3A_1457 : i32 to index
        %get3A_1459 = arith.constant 0 : index
        %get3A_1460 = tpu.vector_load %arg12[%get3A_1458, %get3A_1459] {strides = array<i32>} : memref<128x16xf32, #tpu.memory_space<vmem>>, vector<16xf32>,
        %slice3A_1461 = vector.extract_strided_slice %get3A_372 {offsets = [10], sizes = [1], strides = [1]} : vector<16xf32> to vector<1xf32>
        %squeeze3A_1462 = vector.extract %slice3A_1461[0] : f32 from vector<1xf32>
        %mul3A_1463 = vector.broadcast %squeeze3A_1462 : f32 to vector<16xf32>
        %mul3A_1464 = arith.mulf %get3A_1460, %mul3A_1463 : vector<16xf32>
        %swap3A_1465 = arith.constant 90 : i32
        %swap3A_1466 = arith.index_cast %swap3A_1465 : i32 to index
        %swap3A_1467 = arith.constant 0 : index
        %swap3A_1468 = tpu.vector_load %arg13[%swap3A_1466, %swap3A_1467] {strides = array<i32>} : memref<128x16xf32, #tpu.memory_space<vmem>>, vector<16xf32>,
        tpu.vector_store %arg13[%swap3A_1466, %swap3A_1467], %mul3A_1464 {strides = array<i32>} : memref<128x16xf32, #tpu.memory_space<vmem>>, vector<16xf32>,
        %get3A_1469 = arith.constant 91 : i32
        %get3A_1470 = arith.index_cast %get3A_1469 : i32 to index
        %get3A_1471 = arith.constant 0 : index
        %get3A_1472 = tpu.vector_load %arg12[%get3A_1470, %get3A_1471] {strides = array<i32>} : memref<128x16xf32, #tpu.memory_space<vmem>>, vector<16xf32>,
        %slice3A_1473 = vector.extract_strided_slice %get3A_372 {offsets = [11], sizes = [1], strides = [1]} : vector<16xf32> to vector<1xf32>
        %squeeze3A_1474 = vector.extract %slice3A_1473[0] : f32 from vector<1xf32>
        %mul3A_1475 = vector.broadcast %squeeze3A_1474 : f32 to vector<16xf32>
        %mul3A_1476 = arith.mulf %get3A_1472, %mul3A_1475 : vector<16xf32>
        %swap3A_1477 = arith.constant 91 : i32
        %swap3A_1478 = arith.index_cast %swap3A_1477 : i32 to index
        %swap3A_1479 = arith.constant 0 : index
        %swap3A_1480 = tpu.vector_load %arg13[%swap3A_1478, %swap3A_1479] {strides = array<i32>} : memref<128x16xf32, #tpu.memory_space<vmem>>, vector<16xf32>,
        tpu.vector_store %arg13[%swap3A_1478, %swap3A_1479], %mul3A_1476 {strides = array<i32>} : memref<128x16xf32, #tpu.memory_space<vmem>>, vector<16xf32>,
        %get3A_1481 = arith.constant 92 : i32
        %get3A_1482 = arith.index_cast %get3A_1481 : i32 to index
        %get3A_1483 = arith.constant 0 : index
        %get3A_1484 = tpu.vector_load %arg12[%get3A_1482, %get3A_1483] {strides = array<i32>} : memref<128x16xf32, #tpu.memory_space<vmem>>, vector<16xf32>,
        %slice3A_1485 = vector.extract_strided_slice %get3A_372 {offsets = [12], sizes = [1], strides = [1]} : vector<16xf32> to vector<1xf32>
        %squeeze3A_1486 = vector.extract %slice3A_1485[0] : f32 from vector<1xf32>
        %mul3A_1487 = vector.broadcast %squeeze3A_1486 : f32 to vector<16xf32>
        %mul3A_1488 = arith.mulf %get3A_1484, %mul3A_1487 : vector<16xf32>
        %swap3A_1489 = arith.constant 92 : i32
        %swap3A_1490 = arith.index_cast %swap3A_1489 : i32 to index
        %swap3A_1491 = arith.constant 0 : index
        %swap3A_1492 = tpu.vector_load %arg13[%swap3A_1490, %swap3A_1491] {strides = array<i32>} : memref<128x16xf32, #tpu.memory_space<vmem>>, vector<16xf32>,
        tpu.vector_store %arg13[%swap3A_1490, %swap3A_1491], %mul3A_1488 {strides = array<i32>} : memref<128x16xf32, #tpu.memory_space<vmem>>, vector<16xf32>,
        %get3A_1493 = arith.constant 93 : i32
        %get3A_1494 = arith.index_cast %get3A_1493 : i32 to index
        %get3A_1495 = arith.constant 0 : index
        %get3A_1496 = tpu.vector_load %arg12[%get3A_1494, %get3A_1495] {strides = array<i32>} : memref<128x16xf32, #tpu.memory_space<vmem>>, vector<16xf32>,
        %slice3A_1497 = vector.extract_strided_slice %get3A_372 {offsets = [13], sizes = [1], strides = [1]} : vector<16xf32> to vector<1xf32>
        %squeeze3A_1498 = vector.extract %slice3A_1497[0] : f32 from vector<1xf32>
        %mul3A_1499 = vector.broadcast %squeeze3A_1498 : f32 to vector<16xf32>
        %mul3A_1500 = arith.mulf %get3A_1496, %mul3A_1499 : vector<16xf32>
        %swap3A_1501 = arith.constant 93 : i32
        %swap3A_1502 = arith.index_cast %swap3A_1501 : i32 to index
        %swap3A_1503 = arith.constant 0 : index
        %swap3A_1504 = tpu.vector_load %arg13[%swap3A_1502, %swap3A_1503] {strides = array<i32>} : memref<128x16xf32, #tpu.memory_space<vmem>>, vector<16xf32>,
        tpu.vector_store %arg13[%swap3A_1502, %swap3A_1503], %mul3A_1500 {strides = array<i32>} : memref<128x16xf32, #tpu.memory_space<vmem>>, vector<16xf32>,
        %get3A_1505 = arith.constant 94 : i32
        %get3A_1506 = arith.index_cast %get3A_1505 : i32 to index
        %get3A_1507 = arith.constant 0 : index
        %get3A_1508 = tpu.vector_load %arg12[%get3A_1506, %get3A_1507] {strides = array<i32>} : memref<128x16xf32, #tpu.memory_space<vmem>>, vector<16xf32>,
        %slice3A_1509 = vector.extract_strided_slice %get3A_372 {offsets = [14], sizes = [1], strides = [1]} : vector<16xf32> to vector<1xf32>
        %squeeze3A_1510 = vector.extract %slice3A_1509[0] : f32 from vector<1xf32>
        %mul3A_1511 = vector.broadcast %squeeze3A_1510 : f32 to vector<16xf32>
        %mul3A_1512 = arith.mulf %get3A_1508, %mul3A_1511 : vector<16xf32>
        %swap3A_1513 = arith.constant 94 : i32
        %swap3A_1514 = arith.index_cast %swap3A_1513 : i32 to index
        %swap3A_1515 = arith.constant 0 : index
        %swap3A_1516 = tpu.vector_load %arg13[%swap3A_1514, %swap3A_1515] {strides = array<i32>} : memref<128x16xf32, #tpu.memory_space<vmem>>, vector<16xf32>,
        tpu.vector_store %arg13[%swap3A_1514, %swap3A_1515], %mul3A_1512 {strides = array<i32>} : memref<128x16xf32, #tpu.memory_space<vmem>>, vector<16xf32>,
        %get3A_1517 = arith.constant 95 : i32
        %get3A_1518 = arith.index_cast %get3A_1517 : i32 to index
        %get3A_1519 = arith.constant 0 : index
        %get3A_1520 = tpu.vector_load %arg12[%get3A_1518, %get3A_1519] {strides = array<i32>} : memref<128x16xf32, #tpu.memory_space<vmem>>, vector<16xf32>,
        %slice3A_1521 = vector.extract_strided_slice %get3A_372 {offsets = [15], sizes = [1], strides = [1]} : vector<16xf32> to vector<1xf32>
        %squeeze3A_1522 = vector.extract %slice3A_1521[0] : f32 from vector<1xf32>
        %mul3A_1523 = vector.broadcast %squeeze3A_1522 : f32 to vector<16xf32>
        %mul3A_1524 = arith.mulf %get3A_1520, %mul3A_1523 : vector<16xf32>
        %swap3A_1525 = arith.constant 95 : i32
        %swap3A_1526 = arith.index_cast %swap3A_1525 : i32 to index
        %swap3A_1527 = arith.constant 0 : index
        %swap3A_1528 = tpu.vector_load %arg13[%swap3A_1526, %swap3A_1527] {strides = array<i32>} : memref<128x16xf32, #tpu.memory_space<vmem>>, vector<16xf32>,
        tpu.vector_store %arg13[%swap3A_1526, %swap3A_1527], %mul3A_1524 {strides = array<i32>} : memref<128x16xf32, #tpu.memory_space<vmem>>, vector<16xf32>,
        %get3A_1529 = arith.constant 96 : i32
        %get3A_1530 = arith.index_cast %get3A_1529 : i32 to index
        %get3A_1531 = arith.constant 0 : index
        %get3A_1532 = tpu.vector_load %arg12[%get3A_1530, %get3A_1531] {strides = array<i32>} : memref<128x16xf32, #tpu.memory_space<vmem>>, vector<16xf32>,
        %slice3A_1533 = vector.extract_strided_slice %get3A_375 {offsets = [0], sizes = [1], strides = [1]} : vector<16xf32> to vector<1xf32>
        %squeeze3A_1534 = vector.extract %slice3A_1533[0] : f32 from vector<1xf32>
        %mul3A_1535 = vector.broadcast %squeeze3A_1534 : f32 to vector<16xf32>
        %mul3A_1536 = arith.mulf %get3A_1532, %mul3A_1535 : vector<16xf32>
        %swap3A_1537 = arith.constant 96 : i32
        %swap3A_1538 = arith.index_cast %swap3A_1537 : i32 to index
        %swap3A_1539 = arith.constant 0 : index
        %swap3A_1540 = tpu.vector_load %arg13[%swap3A_1538, %swap3A_1539] {strides = array<i32>} : memref<128x16xf32, #tpu.memory_space<vmem>>, vector<16xf32>,
        tpu.vector_store %arg13[%swap3A_1538, %swap3A_1539], %mul3A_1536 {strides = array<i32>} : memref<128x16xf32, #tpu.memory_space<vmem>>, vector<16xf32>,
        %get3A_1541 = arith.constant 97 : i32
        %get3A_1542 = arith.index_cast %get3A_1541 : i32 to index
        %get3A_1543 = arith.constant 0 : index
        %get3A_1544 = tpu.vector_load %arg12[%get3A_1542, %get3A_1543] {strides = array<i32>} : memref<128x16xf32, #tpu.memory_space<vmem>>, vector<16xf32>,
        %slice3A_1545 = vector.extract_strided_slice %get3A_375 {offsets = [1], sizes = [1], strides = [1]} : vector<16xf32> to vector<1xf32>
        %squeeze3A_1546 = vector.extract %slice3A_1545[0] : f32 from vector<1xf32>
        %mul3A_1547 = vector.broadcast %squeeze3A_1546 : f32 to vector<16xf32>
        %mul3A_1548 = arith.mulf %get3A_1544, %mul3A_1547 : vector<16xf32>
        %swap3A_1549 = arith.constant 97 : i32
        %swap3A_1550 = arith.index_cast %swap3A_1549 : i32 to index
        %swap3A_1551 = arith.constant 0 : index
        %swap3A_1552 = tpu.vector_load %arg13[%swap3A_1550, %swap3A_1551] {strides = array<i32>} : memref<128x16xf32, #tpu.memory_space<vmem>>, vector<16xf32>,
        tpu.vector_store %arg13[%swap3A_1550, %swap3A_1551], %mul3A_1548 {strides = array<i32>} : memref<128x16xf32, #tpu.memory_space<vmem>>, vector<16xf32>,
        %get3A_1553 = arith.constant 98 : i32
        %get3A_1554 = arith.index_cast %get3A_1553 : i32 to index
        %get3A_1555 = arith.constant 0 : index
        %get3A_1556 = tpu.vector_load %arg12[%get3A_1554, %get3A_1555] {strides = array<i32>} : memref<128x16xf32, #tpu.memory_space<vmem>>, vector<16xf32>,
        %slice3A_1557 = vector.extract_strided_slice %get3A_375 {offsets = [2], sizes = [1], strides = [1]} : vector<16xf32> to vector<1xf32>
        %squeeze3A_1558 = vector.extract %slice3A_1557[0] : f32 from vector<1xf32>
        %mul3A_1559 = vector.broadcast %squeeze3A_1558 : f32 to vector<16xf32>
        %mul3A_1560 = arith.mulf %get3A_1556, %mul3A_1559 : vector<16xf32>
        %swap3A_1561 = arith.constant 98 : i32
        %swap3A_1562 = arith.index_cast %swap3A_1561 : i32 to index
        %swap3A_1563 = arith.constant 0 : index
        %swap3A_1564 = tpu.vector_load %arg13[%swap3A_1562, %swap3A_1563] {strides = array<i32>} : memref<128x16xf32, #tpu.memory_space<vmem>>, vector<16xf32>,
        tpu.vector_store %arg13[%swap3A_1562, %swap3A_1563], %mul3A_1560 {strides = array<i32>} : memref<128x16xf32, #tpu.memory_space<vmem>>, vector<16xf32>,
        %get3A_1565 = arith.constant 99 : i32
        %get3A_1566 = arith.index_cast %get3A_1565 : i32 to index
        %get3A_1567 = arith.constant 0 : index
        %get3A_1568 = tpu.vector_load %arg12[%get3A_1566, %get3A_1567] {strides = array<i32>} : memref<128x16xf32, #tpu.memory_space<vmem>>, vector<16xf32>,
        %slice3A_1569 = vector.extract_strided_slice %get3A_375 {offsets = [3], sizes = [1], strides = [1]} : vector<16xf32> to vector<1xf32>
        %squeeze3A_1570 = vector.extract %slice3A_1569[0] : f32 from vector<1xf32>
        %mul3A_1571 = vector.broadcast %squeeze3A_1570 : f32 to vector<16xf32>
        %mul3A_1572 = arith.mulf %get3A_1568, %mul3A_1571 : vector<16xf32>
        %swap3A_1573 = arith.constant 99 : i32
        %swap3A_1574 = arith.index_cast %swap3A_1573 : i32 to index
        %swap3A_1575 = arith.constant 0 : index
        %swap3A_1576 = tpu.vector_load %arg13[%swap3A_1574, %swap3A_1575] {strides = array<i32>} : memref<128x16xf32, #tpu.memory_space<vmem>>, vector<16xf32>,
        tpu.vector_store %arg13[%swap3A_1574, %swap3A_1575], %mul3A_1572 {strides = array<i32>} : memref<128x16xf32, #tpu.memory_space<vmem>>, vector<16xf32>,
        %get3A_1577 = arith.constant 100 : i32
        %get3A_1578 = arith.index_cast %get3A_1577 : i32 to index
        %get3A_1579 = arith.constant 0 : index
        %get3A_1580 = tpu.vector_load %arg12[%get3A_1578, %get3A_1579] {strides = array<i32>} : memref<128x16xf32, #tpu.memory_space<vmem>>, vector<16xf32>,
        %slice3A_1581 = vector.extract_strided_slice %get3A_375 {offsets = [4], sizes = [1], strides = [1]} : vector<16xf32> to vector<1xf32>
        %squeeze3A_1582 = vector.extract %slice3A_1581[0] : f32 from vector<1xf32>
        %mul3A_1583 = vector.broadcast %squeeze3A_1582 : f32 to vector<16xf32>
        %mul3A_1584 = arith.mulf %get3A_1580, %mul3A_1583 : vector<16xf32>
        %swap3A_1585 = arith.constant 100 : i32
        %swap3A_1586 = arith.index_cast %swap3A_1585 : i32 to index
        %swap3A_1587 = arith.constant 0 : index
        %swap3A_1588 = tpu.vector_load %arg13[%swap3A_1586, %swap3A_1587] {strides = array<i32>} : memref<128x16xf32, #tpu.memory_space<vmem>>, vector<16xf32>,
        tpu.vector_store %arg13[%swap3A_1586, %swap3A_1587], %mul3A_1584 {strides = array<i32>} : memref<128x16xf32, #tpu.memory_space<vmem>>, vector<16xf32>,
        %get3A_1589 = arith.constant 101 : i32
        %get3A_1590 = arith.index_cast %get3A_1589 : i32 to index
        %get3A_1591 = arith.constant 0 : index
        %get3A_1592 = tpu.vector_load %arg12[%get3A_1590, %get3A_1591] {strides = array<i32>} : memref<128x16xf32, #tpu.memory_space<vmem>>, vector<16xf32>,
        %slice3A_1593 = vector.extract_strided_slice %get3A_375 {offsets = [5], sizes = [1], strides = [1]} : vector<16xf32> to vector<1xf32>
        %squeeze3A_1594 = vector.extract %slice3A_1593[0] : f32 from vector<1xf32>
        %mul3A_1595 = vector.broadcast %squeeze3A_1594 : f32 to vector<16xf32>
        %mul3A_1596 = arith.mulf %get3A_1592, %mul3A_1595 : vector<16xf32>
        %swap3A_1597 = arith.constant 101 : i32
        %swap3A_1598 = arith.index_cast %swap3A_1597 : i32 to index
        %swap3A_1599 = arith.constant 0 : index
        %swap3A_1600 = tpu.vector_load %arg13[%swap3A_1598, %swap3A_1599] {strides = array<i32>} : memref<128x16xf32, #tpu.memory_space<vmem>>, vector<16xf32>,
        tpu.vector_store %arg13[%swap3A_1598, %swap3A_1599], %mul3A_1596 {strides = array<i32>} : memref<128x16xf32, #tpu.memory_space<vmem>>, vector<16xf32>,
        %get3A_1601 = arith.constant 102 : i32
        %get3A_1602 = arith.index_cast %get3A_1601 : i32 to index
        %get3A_1603 = arith.constant 0 : index
        %get3A_1604 = tpu.vector_load %arg12[%get3A_1602, %get3A_1603] {strides = array<i32>} : memref<128x16xf32, #tpu.memory_space<vmem>>, vector<16xf32>,
        %slice3A_1605 = vector.extract_strided_slice %get3A_375 {offsets = [6], sizes = [1], strides = [1]} : vector<16xf32> to vector<1xf32>
        %squeeze3A_1606 = vector.extract %slice3A_1605[0] : f32 from vector<1xf32>
        %mul3A_1607 = vector.broadcast %squeeze3A_1606 : f32 to vector<16xf32>
        %mul3A_1608 = arith.mulf %get3A_1604, %mul3A_1607 : vector<16xf32>
        %swap3A_1609 = arith.constant 102 : i32
        %swap3A_1610 = arith.index_cast %swap3A_1609 : i32 to index
        %swap3A_1611 = arith.constant 0 : index
        %swap3A_1612 = tpu.vector_load %arg13[%swap3A_1610, %swap3A_1611] {strides = array<i32>} : memref<128x16xf32, #tpu.memory_space<vmem>>, vector<16xf32>,
        tpu.vector_store %arg13[%swap3A_1610, %swap3A_1611], %mul3A_1608 {strides = array<i32>} : memref<128x16xf32, #tpu.memory_space<vmem>>, vector<16xf32>,
        %get3A_1613 = arith.constant 103 : i32
        %get3A_1614 = arith.index_cast %get3A_1613 : i32 to index
        %get3A_1615 = arith.constant 0 : index
        %get3A_1616 = tpu.vector_load %arg12[%get3A_1614, %get3A_1615] {strides = array<i32>} : memref<128x16xf32, #tpu.memory_space<vmem>>, vector<16xf32>,
        %slice3A_1617 = vector.extract_strided_slice %get3A_375 {offsets = [7], sizes = [1], strides = [1]} : vector<16xf32> to vector<1xf32>
        %squeeze3A_1618 = vector.extract %slice3A_1617[0] : f32 from vector<1xf32>
        %mul3A_1619 = vector.broadcast %squeeze3A_1618 : f32 to vector<16xf32>
        %mul3A_1620 = arith.mulf %get3A_1616, %mul3A_1619 : vector<16xf32>
        %swap3A_1621 = arith.constant 103 : i32
        %swap3A_1622 = arith.index_cast %swap3A_1621 : i32 to index
        %swap3A_1623 = arith.constant 0 : index
        %swap3A_1624 = tpu.vector_load %arg13[%swap3A_1622, %swap3A_1623] {strides = array<i32>} : memref<128x16xf32, #tpu.memory_space<vmem>>, vector<16xf32>,
        tpu.vector_store %arg13[%swap3A_1622, %swap3A_1623], %mul3A_1620 {strides = array<i32>} : memref<128x16xf32, #tpu.memory_space<vmem>>, vector<16xf32>,
        %get3A_1625 = arith.constant 104 : i32
        %get3A_1626 = arith.index_cast %get3A_1625 : i32 to index
        %get3A_1627 = arith.constant 0 : index
        %get3A_1628 = tpu.vector_load %arg12[%get3A_1626, %get3A_1627] {strides = array<i32>} : memref<128x16xf32, #tpu.memory_space<vmem>>, vector<16xf32>,
        %slice3A_1629 = vector.extract_strided_slice %get3A_375 {offsets = [8], sizes = [1], strides = [1]} : vector<16xf32> to vector<1xf32>
        %squeeze3A_1630 = vector.extract %slice3A_1629[0] : f32 from vector<1xf32>
        %mul3A_1631 = vector.broadcast %squeeze3A_1630 : f32 to vector<16xf32>
        %mul3A_1632 = arith.mulf %get3A_1628, %mul3A_1631 : vector<16xf32>
        %swap3A_1633 = arith.constant 104 : i32
        %swap3A_1634 = arith.index_cast %swap3A_1633 : i32 to index
        %swap3A_1635 = arith.constant 0 : index
        %swap3A_1636 = tpu.vector_load %arg13[%swap3A_1634, %swap3A_1635] {strides = array<i32>} : memref<128x16xf32, #tpu.memory_space<vmem>>, vector<16xf32>,
        tpu.vector_store %arg13[%swap3A_1634, %swap3A_1635], %mul3A_1632 {strides = array<i32>} : memref<128x16xf32, #tpu.memory_space<vmem>>, vector<16xf32>,
        %get3A_1637 = arith.constant 105 : i32
        %get3A_1638 = arith.index_cast %get3A_1637 : i32 to index
        %get3A_1639 = arith.constant 0 : index
        %get3A_1640 = tpu.vector_load %arg12[%get3A_1638, %get3A_1639] {strides = array<i32>} : memref<128x16xf32, #tpu.memory_space<vmem>>, vector<16xf32>,
        %slice3A_1641 = vector.extract_strided_slice %get3A_375 {offsets = [9], sizes = [1], strides = [1]} : vector<16xf32> to vector<1xf32>
        %squeeze3A_1642 = vector.extract %slice3A_1641[0] : f32 from vector<1xf32>
        %mul3A_1643 = vector.broadcast %squeeze3A_1642 : f32 to vector<16xf32>
        %mul3A_1644 = arith.mulf %get3A_1640, %mul3A_1643 : vector<16xf32>
        %swap3A_1645 = arith.constant 105 : i32
        %swap3A_1646 = arith.index_cast %swap3A_1645 : i32 to index
        %swap3A_1647 = arith.constant 0 : index
        %swap3A_1648 = tpu.vector_load %arg13[%swap3A_1646, %swap3A_1647] {strides = array<i32>} : memref<128x16xf32, #tpu.memory_space<vmem>>, vector<16xf32>,
        tpu.vector_store %arg13[%swap3A_1646, %swap3A_1647], %mul3A_1644 {strides = array<i32>} : memref<128x16xf32, #tpu.memory_space<vmem>>, vector<16xf32>,
        %get3A_1649 = arith.constant 106 : i32
        %get3A_1650 = arith.index_cast %get3A_1649 : i32 to index
        %get3A_1651 = arith.constant 0 : index
        %get3A_1652 = tpu.vector_load %arg12[%get3A_1650, %get3A_1651] {strides = array<i32>} : memref<128x16xf32, #tpu.memory_space<vmem>>, vector<16xf32>,
        %slice3A_1653 = vector.extract_strided_slice %get3A_375 {offsets = [10], sizes = [1], strides = [1]} : vector<16xf32> to vector<1xf32>
        %squeeze3A_1654 = vector.extract %slice3A_1653[0] : f32 from vector<1xf32>
        %mul3A_1655 = vector.broadcast %squeeze3A_1654 : f32 to vector<16xf32>
        %mul3A_1656 = arith.mulf %get3A_1652, %mul3A_1655 : vector<16xf32>
        %swap3A_1657 = arith.constant 106 : i32
        %swap3A_1658 = arith.index_cast %swap3A_1657 : i32 to index
        %swap3A_1659 = arith.constant 0 : index
        %swap3A_1660 = tpu.vector_load %arg13[%swap3A_1658, %swap3A_1659] {strides = array<i32>} : memref<128x16xf32, #tpu.memory_space<vmem>>, vector<16xf32>,
        tpu.vector_store %arg13[%swap3A_1658, %swap3A_1659], %mul3A_1656 {strides = array<i32>} : memref<128x16xf32, #tpu.memory_space<vmem>>, vector<16xf32>,
        %get3A_1661 = arith.constant 107 : i32
        %get3A_1662 = arith.index_cast %get3A_1661 : i32 to index
        %get3A_1663 = arith.constant 0 : index
        %get3A_1664 = tpu.vector_load %arg12[%get3A_1662, %get3A_1663] {strides = array<i32>} : memref<128x16xf32, #tpu.memory_space<vmem>>, vector<16xf32>,
        %slice3A_1665 = vector.extract_strided_slice %get3A_375 {offsets = [11], sizes = [1], strides = [1]} : vector<16xf32> to vector<1xf32>
        %squeeze3A_1666 = vector.extract %slice3A_1665[0] : f32 from vector<1xf32>
        %mul3A_1667 = vector.broadcast %squeeze3A_1666 : f32 to vector<16xf32>
        %mul3A_1668 = arith.mulf %get3A_1664, %mul3A_1667 : vector<16xf32>
        %swap3A_1669 = arith.constant 107 : i32
        %swap3A_1670 = arith.index_cast %swap3A_1669 : i32 to index
        %swap3A_1671 = arith.constant 0 : index
        %swap3A_1672 = tpu.vector_load %arg13[%swap3A_1670, %swap3A_1671] {strides = array<i32>} : memref<128x16xf32, #tpu.memory_space<vmem>>, vector<16xf32>,
        tpu.vector_store %arg13[%swap3A_1670, %swap3A_1671], %mul3A_1668 {strides = array<i32>} : memref<128x16xf32, #tpu.memory_space<vmem>>, vector<16xf32>,
        %get3A_1673 = arith.constant 108 : i32
        %get3A_1674 = arith.index_cast %get3A_1673 : i32 to index
        %get3A_1675 = arith.constant 0 : index
        %get3A_1676 = tpu.vector_load %arg12[%get3A_1674, %get3A_1675] {strides = array<i32>} : memref<128x16xf32, #tpu.memory_space<vmem>>, vector<16xf32>,
        %slice3A_1677 = vector.extract_strided_slice %get3A_375 {offsets = [12], sizes = [1], strides = [1]} : vector<16xf32> to vector<1xf32>
        %squeeze3A_1678 = vector.extract %slice3A_1677[0] : f32 from vector<1xf32>
        %mul3A_1679 = vector.broadcast %squeeze3A_1678 : f32 to vector<16xf32>
        %mul3A_1680 = arith.mulf %get3A_1676, %mul3A_1679 : vector<16xf32>
        %swap3A_1681 = arith.constant 108 : i32
        %swap3A_1682 = arith.index_cast %swap3A_1681 : i32 to index
        %swap3A_1683 = arith.constant 0 : index
        %swap3A_1684 = tpu.vector_load %arg13[%swap3A_1682, %swap3A_1683] {strides = array<i32>} : memref<128x16xf32, #tpu.memory_space<vmem>>, vector<16xf32>,
        tpu.vector_store %arg13[%swap3A_1682, %swap3A_1683], %mul3A_1680 {strides = array<i32>} : memref<128x16xf32, #tpu.memory_space<vmem>>, vector<16xf32>,
        %get3A_1685 = arith.constant 109 : i32
        %get3A_1686 = arith.index_cast %get3A_1685 : i32 to index
        %get3A_1687 = arith.constant 0 : index
        %get3A_1688 = tpu.vector_load %arg12[%get3A_1686, %get3A_1687] {strides = array<i32>} : memref<128x16xf32, #tpu.memory_space<vmem>>, vector<16xf32>,
        %slice3A_1689 = vector.extract_strided_slice %get3A_375 {offsets = [13], sizes = [1], strides = [1]} : vector<16xf32> to vector<1xf32>
        %squeeze3A_1690 = vector.extract %slice3A_1689[0] : f32 from vector<1xf32>
        %mul3A_1691 = vector.broadcast %squeeze3A_1690 : f32 to vector<16xf32>
        %mul3A_1692 = arith.mulf %get3A_1688, %mul3A_1691 : vector<16xf32>
        %swap3A_1693 = arith.constant 109 : i32
        %swap3A_1694 = arith.index_cast %swap3A_1693 : i32 to index
        %swap3A_1695 = arith.constant 0 : index
        %swap3A_1696 = tpu.vector_load %arg13[%swap3A_1694, %swap3A_1695] {strides = array<i32>} : memref<128x16xf32, #tpu.memory_space<vmem>>, vector<16xf32>,
        tpu.vector_store %arg13[%swap3A_1694, %swap3A_1695], %mul3A_1692 {strides = array<i32>} : memref<128x16xf32, #tpu.memory_space<vmem>>, vector<16xf32>,
        %get3A_1697 = arith.constant 110 : i32
        %get3A_1698 = arith.index_cast %get3A_1697 : i32 to index
        %get3A_1699 = arith.constant 0 : index
        %get3A_1700 = tpu.vector_load %arg12[%get3A_1698, %get3A_1699] {strides = array<i32>} : memref<128x16xf32, #tpu.memory_space<vmem>>, vector<16xf32>,
        %slice3A_1701 = vector.extract_strided_slice %get3A_375 {offsets = [14], sizes = [1], strides = [1]} : vector<16xf32> to vector<1xf32>
        %squeeze3A_1702 = vector.extract %slice3A_1701[0] : f32 from vector<1xf32>
        %mul3A_1703 = vector.broadcast %squeeze3A_1702 : f32 to vector<16xf32>
        %mul3A_1704 = arith.mulf %get3A_1700, %mul3A_1703 : vector<16xf32>
        %swap3A_1705 = arith.constant 110 : i32
        %swap3A_1706 = arith.index_cast %swap3A_1705 : i32 to index
        %swap3A_1707 = arith.constant 0 : index
        %swap3A_1708 = tpu.vector_load %arg13[%swap3A_1706, %swap3A_1707] {strides = array<i32>} : memref<128x16xf32, #tpu.memory_space<vmem>>, vector<16xf32>,
        tpu.vector_store %arg13[%swap3A_1706, %swap3A_1707], %mul3A_1704 {strides = array<i32>} : memref<128x16xf32, #tpu.memory_space<vmem>>, vector<16xf32>,
        %get3A_1709 = arith.constant 111 : i32
        %get3A_1710 = arith.index_cast %get3A_1709 : i32 to index
        %get3A_1711 = arith.constant 0 : index
        %get3A_1712 = tpu.vector_load %arg12[%get3A_1710, %get3A_1711] {strides = array<i32>} : memref<128x16xf32, #tpu.memory_space<vmem>>, vector<16xf32>,
        %slice3A_1713 = vector.extract_strided_slice %get3A_375 {offsets = [15], sizes = [1], strides = [1]} : vector<16xf32> to vector<1xf32>
        %squeeze3A_1714 = vector.extract %slice3A_1713[0] : f32 from vector<1xf32>
        %mul3A_1715 = vector.broadcast %squeeze3A_1714 : f32 to vector<16xf32>
        %mul3A_1716 = arith.mulf %get3A_1712, %mul3A_1715 : vector<16xf32>
        %swap3A_1717 = arith.constant 111 : i32
        %swap3A_1718 = arith.index_cast %swap3A_1717 : i32 to index
        %swap3A_1719 = arith.constant 0 : index
        %swap3A_1720 = tpu.vector_load %arg13[%swap3A_1718, %swap3A_1719] {strides = array<i32>} : memref<128x16xf32, #tpu.memory_space<vmem>>, vector<16xf32>,
        tpu.vector_store %arg13[%swap3A_1718, %swap3A_1719], %mul3A_1716 {strides = array<i32>} : memref<128x16xf32, #tpu.memory_space<vmem>>, vector<16xf32>,
        %get3A_1721 = arith.constant 112 : i32
        %get3A_1722 = arith.index_cast %get3A_1721 : i32 to index
        %get3A_1723 = arith.constant 0 : index
        %get3A_1724 = tpu.vector_load %arg12[%get3A_1722, %get3A_1723] {strides = array<i32>} : memref<128x16xf32, #tpu.memory_space<vmem>>, vector<16xf32>,
        %slice3A_1725 = vector.extract_strided_slice %get3A_378 {offsets = [0], sizes = [1], strides = [1]} : vector<16xf32> to vector<1xf32>
        %squeeze3A_1726 = vector.extract %slice3A_1725[0] : f32 from vector<1xf32>
        %mul3A_1727 = vector.broadcast %squeeze3A_1726 : f32 to vector<16xf32>
        %mul3A_1728 = arith.mulf %get3A_1724, %mul3A_1727 : vector<16xf32>
        %swap3A_1729 = arith.constant 112 : i32
        %swap3A_1730 = arith.index_cast %swap3A_1729 : i32 to index
        %swap3A_1731 = arith.constant 0 : index
        %swap3A_1732 = tpu.vector_load %arg13[%swap3A_1730, %swap3A_1731] {strides = array<i32>} : memref<128x16xf32, #tpu.memory_space<vmem>>, vector<16xf32>,
        tpu.vector_store %arg13[%swap3A_1730, %swap3A_1731], %mul3A_1728 {strides = array<i32>} : memref<128x16xf32, #tpu.memory_space<vmem>>, vector<16xf32>,
        %get3A_1733 = arith.constant 113 : i32
        %get3A_1734 = arith.index_cast %get3A_1733 : i32 to index
        %get3A_1735 = arith.constant 0 : index
        %get3A_1736 = tpu.vector_load %arg12[%get3A_1734, %get3A_1735] {strides = array<i32>} : memref<128x16xf32, #tpu.memory_space<vmem>>, vector<16xf32>,
        %slice3A_1737 = vector.extract_strided_slice %get3A_378 {offsets = [1], sizes = [1], strides = [1]} : vector<16xf32> to vector<1xf32>
        %squeeze3A_1738 = vector.extract %slice3A_1737[0] : f32 from vector<1xf32>
        %mul3A_1739 = vector.broadcast %squeeze3A_1738 : f32 to vector<16xf32>
        %mul3A_1740 = arith.mulf %get3A_1736, %mul3A_1739 : vector<16xf32>
        %swap3A_1741 = arith.constant 113 : i32
        %swap3A_1742 = arith.index_cast %swap3A_1741 : i32 to index
        %swap3A_1743 = arith.constant 0 : index
        %swap3A_1744 = tpu.vector_load %arg13[%swap3A_1742, %swap3A_1743] {strides = array<i32>} : memref<128x16xf32, #tpu.memory_space<vmem>>, vector<16xf32>,
        tpu.vector_store %arg13[%swap3A_1742, %swap3A_1743], %mul3A_1740 {strides = array<i32>} : memref<128x16xf32, #tpu.memory_space<vmem>>, vector<16xf32>,
        %get3A_1745 = arith.constant 114 : i32
        %get3A_1746 = arith.index_cast %get3A_1745 : i32 to index
        %get3A_1747 = arith.constant 0 : index
        %get3A_1748 = tpu.vector_load %arg12[%get3A_1746, %get3A_1747] {strides = array<i32>} : memref<128x16xf32, #tpu.memory_space<vmem>>, vector<16xf32>,
        %slice3A_1749 = vector.extract_strided_slice %get3A_378 {offsets = [2], sizes = [1], strides = [1]} : vector<16xf32> to vector<1xf32>
        %squeeze3A_1750 = vector.extract %slice3A_1749[0] : f32 from vector<1xf32>
        %mul3A_1751 = vector.broadcast %squeeze3A_1750 : f32 to vector<16xf32>
        %mul3A_1752 = arith.mulf %get3A_1748, %mul3A_1751 : vector<16xf32>
        %swap3A_1753 = arith.constant 114 : i32
        %swap3A_1754 = arith.index_cast %swap3A_1753 : i32 to index
        %swap3A_1755 = arith.constant 0 : index
        %swap3A_1756 = tpu.vector_load %arg13[%swap3A_1754, %swap3A_1755] {strides = array<i32>} : memref<128x16xf32, #tpu.memory_space<vmem>>, vector<16xf32>,
        tpu.vector_store %arg13[%swap3A_1754, %swap3A_1755], %mul3A_1752 {strides = array<i32>} : memref<128x16xf32, #tpu.memory_space<vmem>>, vector<16xf32>,
        %get3A_1757 = arith.constant 115 : i32
        %get3A_1758 = arith.index_cast %get3A_1757 : i32 to index
        %get3A_1759 = arith.constant 0 : index
        %get3A_1760 = tpu.vector_load %arg12[%get3A_1758, %get3A_1759] {strides = array<i32>} : memref<128x16xf32, #tpu.memory_space<vmem>>, vector<16xf32>,
        %slice3A_1761 = vector.extract_strided_slice %get3A_378 {offsets = [3], sizes = [1], strides = [1]} : vector<16xf32> to vector<1xf32>
        %squeeze3A_1762 = vector.extract %slice3A_1761[0] : f32 from vector<1xf32>
        %mul3A_1763 = vector.broadcast %squeeze3A_1762 : f32 to vector<16xf32>
        %mul3A_1764 = arith.mulf %get3A_1760, %mul3A_1763 : vector<16xf32>
        %swap3A_1765 = arith.constant 115 : i32
        %swap3A_1766 = arith.index_cast %swap3A_1765 : i32 to index
        %swap3A_1767 = arith.constant 0 : index
        %swap3A_1768 = tpu.vector_load %arg13[%swap3A_1766, %swap3A_1767] {strides = array<i32>} : memref<128x16xf32, #tpu.memory_space<vmem>>, vector<16xf32>,
        tpu.vector_store %arg13[%swap3A_1766, %swap3A_1767], %mul3A_1764 {strides = array<i32>} : memref<128x16xf32, #tpu.memory_space<vmem>>, vector<16xf32>,
        %get3A_1769 = arith.constant 116 : i32
        %get3A_1770 = arith.index_cast %get3A_1769 : i32 to index
        %get3A_1771 = arith.constant 0 : index
        %get3A_1772 = tpu.vector_load %arg12[%get3A_1770, %get3A_1771] {strides = array<i32>} : memref<128x16xf32, #tpu.memory_space<vmem>>, vector<16xf32>,
        %slice3A_1773 = vector.extract_strided_slice %get3A_378 {offsets = [4], sizes = [1], strides = [1]} : vector<16xf32> to vector<1xf32>
        %squeeze3A_1774 = vector.extract %slice3A_1773[0] : f32 from vector<1xf32>
        %mul3A_1775 = vector.broadcast %squeeze3A_1774 : f32 to vector<16xf32>
        %mul3A_1776 = arith.mulf %get3A_1772, %mul3A_1775 : vector<16xf32>
        %swap3A_1777 = arith.constant 116 : i32
        %swap3A_1778 = arith.index_cast %swap3A_1777 : i32 to index
        %swap3A_1779 = arith.constant 0 : index
        %swap3A_1780 = tpu.vector_load %arg13[%swap3A_1778, %swap3A_1779] {strides = array<i32>} : memref<128x16xf32, #tpu.memory_space<vmem>>, vector<16xf32>,
        tpu.vector_store %arg13[%swap3A_1778, %swap3A_1779], %mul3A_1776 {strides = array<i32>} : memref<128x16xf32, #tpu.memory_space<vmem>>, vector<16xf32>,
        %get3A_1781 = arith.constant 117 : i32
        %get3A_1782 = arith.index_cast %get3A_1781 : i32 to index
        %get3A_1783 = arith.constant 0 : index
        %get3A_1784 = tpu.vector_load %arg12[%get3A_1782, %get3A_1783] {strides = array<i32>} : memref<128x16xf32, #tpu.memory_space<vmem>>, vector<16xf32>,
        %slice3A_1785 = vector.extract_strided_slice %get3A_378 {offsets = [5], sizes = [1], strides = [1]} : vector<16xf32> to vector<1xf32>
        %squeeze3A_1786 = vector.extract %slice3A_1785[0] : f32 from vector<1xf32>
        %mul3A_1787 = vector.broadcast %squeeze3A_1786 : f32 to vector<16xf32>
        %mul3A_1788 = arith.mulf %get3A_1784, %mul3A_1787 : vector<16xf32>
        %swap3A_1789 = arith.constant 117 : i32
        %swap3A_1790 = arith.index_cast %swap3A_1789 : i32 to index
        %swap3A_1791 = arith.constant 0 : index
        %swap3A_1792 = tpu.vector_load %arg13[%swap3A_1790, %swap3A_1791] {strides = array<i32>} : memref<128x16xf32, #tpu.memory_space<vmem>>, vector<16xf32>,
        tpu.vector_store %arg13[%swap3A_1790, %swap3A_1791], %mul3A_1788 {strides = array<i32>} : memref<128x16xf32, #tpu.memory_space<vmem>>, vector<16xf32>,
        %get3A_1793 = arith.constant 118 : i32
        %get3A_1794 = arith.index_cast %get3A_1793 : i32 to index
        %get3A_1795 = arith.constant 0 : index
        %get3A_1796 = tpu.vector_load %arg12[%get3A_1794, %get3A_1795] {strides = array<i32>} : memref<128x16xf32, #tpu.memory_space<vmem>>, vector<16xf32>,
        %slice3A_1797 = vector.extract_strided_slice %get3A_378 {offsets = [6], sizes = [1], strides = [1]} : vector<16xf32> to vector<1xf32>
        %squeeze3A_1798 = vector.extract %slice3A_1797[0] : f32 from vector<1xf32>
        %mul3A_1799 = vector.broadcast %squeeze3A_1798 : f32 to vector<16xf32>
        %mul3A_1800 = arith.mulf %get3A_1796, %mul3A_1799 : vector<16xf32>
        %swap3A_1801 = arith.constant 118 : i32
        %swap3A_1802 = arith.index_cast %swap3A_1801 : i32 to index
        %swap3A_1803 = arith.constant 0 : index
        %swap3A_1804 = tpu.vector_load %arg13[%swap3A_1802, %swap3A_1803] {strides = array<i32>} : memref<128x16xf32, #tpu.memory_space<vmem>>, vector<16xf32>,
        tpu.vector_store %arg13[%swap3A_1802, %swap3A_1803], %mul3A_1800 {strides = array<i32>} : memref<128x16xf32, #tpu.memory_space<vmem>>, vector<16xf32>,
        %get3A_1805 = arith.constant 119 : i32
        %get3A_1806 = arith.index_cast %get3A_1805 : i32 to index
        %get3A_1807 = arith.constant 0 : index
        %get3A_1808 = tpu.vector_load %arg12[%get3A_1806, %get3A_1807] {strides = array<i32>} : memref<128x16xf32, #tpu.memory_space<vmem>>, vector<16xf32>,
        %slice3A_1809 = vector.extract_strided_slice %get3A_378 {offsets = [7], sizes = [1], strides = [1]} : vector<16xf32> to vector<1xf32>
        %squeeze3A_1810 = vector.extract %slice3A_1809[0] : f32 from vector<1xf32>
        %mul3A_1811 = vector.broadcast %squeeze3A_1810 : f32 to vector<16xf32>
        %mul3A_1812 = arith.mulf %get3A_1808, %mul3A_1811 : vector<16xf32>
        %swap3A_1813 = arith.constant 119 : i32
        %swap3A_1814 = arith.index_cast %swap3A_1813 : i32 to index
        %swap3A_1815 = arith.constant 0 : index
        %swap3A_1816 = tpu.vector_load %arg13[%swap3A_1814, %swap3A_1815] {strides = array<i32>} : memref<128x16xf32, #tpu.memory_space<vmem>>, vector<16xf32>,
        tpu.vector_store %arg13[%swap3A_1814, %swap3A_1815], %mul3A_1812 {strides = array<i32>} : memref<128x16xf32, #tpu.memory_space<vmem>>, vector<16xf32>,
        %get3A_1817 = arith.constant 120 : i32
        %get3A_1818 = arith.index_cast %get3A_1817 : i32 to index
        %get3A_1819 = arith.constant 0 : index
        %get3A_1820 = tpu.vector_load %arg12[%get3A_1818, %get3A_1819] {strides = array<i32>} : memref<128x16xf32, #tpu.memory_space<vmem>>, vector<16xf32>,
        %slice3A_1821 = vector.extract_strided_slice %get3A_378 {offsets = [8], sizes = [1], strides = [1]} : vector<16xf32> to vector<1xf32>
        %squeeze3A_1822 = vector.extract %slice3A_1821[0] : f32 from vector<1xf32>
        %mul3A_1823 = vector.broadcast %squeeze3A_1822 : f32 to vector<16xf32>
        %mul3A_1824 = arith.mulf %get3A_1820, %mul3A_1823 : vector<16xf32>
        %swap3A_1825 = arith.constant 120 : i32
        %swap3A_1826 = arith.index_cast %swap3A_1825 : i32 to index
        %swap3A_1827 = arith.constant 0 : index
        %swap3A_1828 = tpu.vector_load %arg13[%swap3A_1826, %swap3A_1827] {strides = array<i32>} : memref<128x16xf32, #tpu.memory_space<vmem>>, vector<16xf32>,
        tpu.vector_store %arg13[%swap3A_1826, %swap3A_1827], %mul3A_1824 {strides = array<i32>} : memref<128x16xf32, #tpu.memory_space<vmem>>, vector<16xf32>,
        %get3A_1829 = arith.constant 121 : i32
        %get3A_1830 = arith.index_cast %get3A_1829 : i32 to index
        %get3A_1831 = arith.constant 0 : index
        %get3A_1832 = tpu.vector_load %arg12[%get3A_1830, %get3A_1831] {strides = array<i32>} : memref<128x16xf32, #tpu.memory_space<vmem>>, vector<16xf32>,
        %slice3A_1833 = vector.extract_strided_slice %get3A_378 {offsets = [9], sizes = [1], strides = [1]} : vector<16xf32> to vector<1xf32>
        %squeeze3A_1834 = vector.extract %slice3A_1833[0] : f32 from vector<1xf32>
        %mul3A_1835 = vector.broadcast %squeeze3A_1834 : f32 to vector<16xf32>
        %mul3A_1836 = arith.mulf %get3A_1832, %mul3A_1835 : vector<16xf32>
        %swap3A_1837 = arith.constant 121 : i32
        %swap3A_1838 = arith.index_cast %swap3A_1837 : i32 to index
        %swap3A_1839 = arith.constant 0 : index
        %swap3A_1840 = tpu.vector_load %arg13[%swap3A_1838, %swap3A_1839] {strides = array<i32>} : memref<128x16xf32, #tpu.memory_space<vmem>>, vector<16xf32>,
        tpu.vector_store %arg13[%swap3A_1838, %swap3A_1839], %mul3A_1836 {strides = array<i32>} : memref<128x16xf32, #tpu.memory_space<vmem>>, vector<16xf32>,
        %get3A_1841 = arith.constant 122 : i32
        %get3A_1842 = arith.index_cast %get3A_1841 : i32 to index
        %get3A_1843 = arith.constant 0 : index
        %get3A_1844 = tpu.vector_load %arg12[%get3A_1842, %get3A_1843] {strides = array<i32>} : memref<128x16xf32, #tpu.memory_space<vmem>>, vector<16xf32>,
        %slice3A_1845 = vector.extract_strided_slice %get3A_378 {offsets = [10], sizes = [1], strides = [1]} : vector<16xf32> to vector<1xf32>
        %squeeze3A_1846 = vector.extract %slice3A_1845[0] : f32 from vector<1xf32>
        %mul3A_1847 = vector.broadcast %squeeze3A_1846 : f32 to vector<16xf32>
        %mul3A_1848 = arith.mulf %get3A_1844, %mul3A_1847 : vector<16xf32>
        %swap3A_1849 = arith.constant 122 : i32
        %swap3A_1850 = arith.index_cast %swap3A_1849 : i32 to index
        %swap3A_1851 = arith.constant 0 : index
        %swap3A_1852 = tpu.vector_load %arg13[%swap3A_1850, %swap3A_1851] {strides = array<i32>} : memref<128x16xf32, #tpu.memory_space<vmem>>, vector<16xf32>,
        tpu.vector_store %arg13[%swap3A_1850, %swap3A_1851], %mul3A_1848 {strides = array<i32>} : memref<128x16xf32, #tpu.memory_space<vmem>>, vector<16xf32>,
        %get3A_1853 = arith.constant 123 : i32
        %get3A_1854 = arith.index_cast %get3A_1853 : i32 to index
        %get3A_1855 = arith.constant 0 : index
        %get3A_1856 = tpu.vector_load %arg12[%get3A_1854, %get3A_1855] {strides = array<i32>} : memref<128x16xf32, #tpu.memory_space<vmem>>, vector<16xf32>,
        %slice3A_1857 = vector.extract_strided_slice %get3A_378 {offsets = [11], sizes = [1], strides = [1]} : vector<16xf32> to vector<1xf32>
        %squeeze3A_1858 = vector.extract %slice3A_1857[0] : f32 from vector<1xf32>
        %mul3A_1859 = vector.broadcast %squeeze3A_1858 : f32 to vector<16xf32>
        %mul3A_1860 = arith.mulf %get3A_1856, %mul3A_1859 : vector<16xf32>
        %swap3A_1861 = arith.constant 123 : i32
        %swap3A_1862 = arith.index_cast %swap3A_1861 : i32 to index
        %swap3A_1863 = arith.constant 0 : index
        %swap3A_1864 = tpu.vector_load %arg13[%swap3A_1862, %swap3A_1863] {strides = array<i32>} : memref<128x16xf32, #tpu.memory_space<vmem>>, vector<16xf32>,
        tpu.vector_store %arg13[%swap3A_1862, %swap3A_1863], %mul3A_1860 {strides = array<i32>} : memref<128x16xf32, #tpu.memory_space<vmem>>, vector<16xf32>,
        %get3A_1865 = arith.constant 124 : i32
        %get3A_1866 = arith.index_cast %get3A_1865 : i32 to index
        %get3A_1867 = arith.constant 0 : index
        %get3A_1868 = tpu.vector_load %arg12[%get3A_1866, %get3A_1867] {strides = array<i32>} : memref<128x16xf32, #tpu.memory_space<vmem>>, vector<16xf32>,
        %slice3A_1869 = vector.extract_strided_slice %get3A_378 {offsets = [12], sizes = [1], strides = [1]} : vector<16xf32> to vector<1xf32>
        %squeeze3A_1870 = vector.extract %slice3A_1869[0] : f32 from vector<1xf32>
        %mul3A_1871 = vector.broadcast %squeeze3A_1870 : f32 to vector<16xf32>
        %mul3A_1872 = arith.mulf %get3A_1868, %mul3A_1871 : vector<16xf32>
        %swap3A_1873 = arith.constant 124 : i32
        %swap3A_1874 = arith.index_cast %swap3A_1873 : i32 to index
        %swap3A_1875 = arith.constant 0 : index
        %swap3A_1876 = tpu.vector_load %arg13[%swap3A_1874, %swap3A_1875] {strides = array<i32>} : memref<128x16xf32, #tpu.memory_space<vmem>>, vector<16xf32>,
        tpu.vector_store %arg13[%swap3A_1874, %swap3A_1875], %mul3A_1872 {strides = array<i32>} : memref<128x16xf32, #tpu.memory_space<vmem>>, vector<16xf32>,
        %get3A_1877 = arith.constant 125 : i32
        %get3A_1878 = arith.index_cast %get3A_1877 : i32 to index
        %get3A_1879 = arith.constant 0 : index
        %get3A_1880 = tpu.vector_load %arg12[%get3A_1878, %get3A_1879] {strides = array<i32>} : memref<128x16xf32, #tpu.memory_space<vmem>>, vector<16xf32>,
        %slice3A_1881 = vector.extract_strided_slice %get3A_378 {offsets = [13], sizes = [1], strides = [1]} : vector<16xf32> to vector<1xf32>
        %squeeze3A_1882 = vector.extract %slice3A_1881[0] : f32 from vector<1xf32>
        %mul3A_1883 = vector.broadcast %squeeze3A_1882 : f32 to vector<16xf32>
        %mul3A_1884 = arith.mulf %get3A_1880, %mul3A_1883 : vector<16xf32>
        %swap3A_1885 = arith.constant 125 : i32
        %swap3A_1886 = arith.index_cast %swap3A_1885 : i32 to index
        %swap3A_1887 = arith.constant 0 : index
        %swap3A_1888 = tpu.vector_load %arg13[%swap3A_1886, %swap3A_1887] {strides = array<i32>} : memref<128x16xf32, #tpu.memory_space<vmem>>, vector<16xf32>,
        tpu.vector_store %arg13[%swap3A_1886, %swap3A_1887], %mul3A_1884 {strides = array<i32>} : memref<128x16xf32, #tpu.memory_space<vmem>>, vector<16xf32>,
        %get3A_1889 = arith.constant 126 : i32
        %get3A_1890 = arith.index_cast %get3A_1889 : i32 to index
        %get3A_1891 = arith.constant 0 : index
        %get3A_1892 = tpu.vector_load %arg12[%get3A_1890, %get3A_1891] {strides = array<i32>} : memref<128x16xf32, #tpu.memory_space<vmem>>, vector<16xf32>,
        %slice3A_1893 = vector.extract_strided_slice %get3A_378 {offsets = [14], sizes = [1], strides = [1]} : vector<16xf32> to vector<1xf32>
        %squeeze3A_1894 = vector.extract %slice3A_1893[0] : f32 from vector<1xf32>
        %mul3A_1895 = vector.broadcast %squeeze3A_1894 : f32 to vector<16xf32>
        %mul3A_1896 = arith.mulf %get3A_1892, %mul3A_1895 : vector<16xf32>
        %swap3A_1897 = arith.constant 126 : i32
        %swap3A_1898 = arith.index_cast %swap3A_1897 : i32 to index
        %swap3A_1899 = arith.constant 0 : index
        %swap3A_1900 = tpu.vector_load %arg13[%swap3A_1898, %swap3A_1899] {strides = array<i32>} : memref<128x16xf32, #tpu.memory_space<vmem>>, vector<16xf32>,
        tpu.vector_store %arg13[%swap3A_1898, %swap3A_1899], %mul3A_1896 {strides = array<i32>} : memref<128x16xf32, #tpu.memory_space<vmem>>, vector<16xf32>,
        %get3A_1901 = arith.constant 127 : i32
        %get3A_1902 = arith.index_cast %get3A_1901 : i32 to index
        %get3A_1903 = arith.constant 0 : index
        %get3A_1904 = tpu.vector_load %arg12[%get3A_1902, %get3A_1903] {strides = array<i32>} : memref<128x16xf32, #tpu.memory_space<vmem>>, vector<16xf32>,
        %slice3A_1905 = vector.extract_strided_slice %get3A_378 {offsets = [15], sizes = [1], strides = [1]} : vector<16xf32> to vector<1xf32>
        %squeeze3A_1906 = vector.extract %slice3A_1905[0] : f32 from vector<1xf32>
        %mul3A_1907 = vector.broadcast %squeeze3A_1906 : f32 to vector<16xf32>
        %mul3A_1908 = arith.mulf %get3A_1904, %mul3A_1907 : vector<16xf32>
        %swap3A_1909 = arith.constant 127 : i32
        %swap3A_1910 = arith.index_cast %swap3A_1909 : i32 to index
        %swap3A_1911 = arith.constant 0 : index
        %swap3A_1912 = tpu.vector_load %arg13[%swap3A_1910, %swap3A_1911] {strides = array<i32>} : memref<128x16xf32, #tpu.memory_space<vmem>>, vector<16xf32>,
        tpu.vector_store %arg13[%swap3A_1910, %swap3A_1911], %mul3A_1908 {strides = array<i32>} : memref<128x16xf32, #tpu.memory_space<vmem>>, vector<16xf32>,
        "tpu.region"() ({
          %run_scoped3A_1913 = tpu.sem_alloc : memref<!tpu.dma_semaphore, #tpu.memory_space<semaphore_mem>>
          %dma_start3A_1914 = arith.constant 0 : i32
          %dma_start3A_1915 = tpu.memref_slice %arg9[%add3A_345, %dma_start3A_1914] : memref<32x128xi32, #tpu.memory_space<vmem>> -> memref<1x128xi32, #tpu.memory_space<vmem>>
          %dma_start3A_1916 = tpu.memref_squeeze %dma_start3A_1915 : memref<1x128xi32, #tpu.memory_space<vmem>> -> memref<128xi32, #tpu.memory_space<vmem>>
          %dma_start3A_1917 = arith.constant 0 : i32
          %dma_start3A_1918 = arith.constant 0 : i32
          %dma_start3A_1919 = tpu.memref_slice %arg15[%dma_start3A_1917, %dma_start3A_1918] : memref<16384x16xf32, #tpu.memory_space<vmem_shared>> -> memref<16384x16xf32, #tpu.memory_space<vmem_shared>>
          tpu.enqueue_indirect_dma source(%arg13 : memref<128x16xf32, #tpu.memory_space<vmem>>) target(%dma_start3A_1919 : memref<16384x16xf32, #tpu.memory_space<vmem_shared>>) offsets(%dma_start3A_1916 : memref<128xi32, #tpu.memory_space<vmem>>) semaphore(%run_scoped3A_1913 : memref<!tpu.dma_semaphore, #tpu.memory_space<semaphore_mem>>) {add = true}
          %dma_wait3A_1920 = arith.constant 0 : i32
          %dma_wait3A_1921 = tpu.memref_slice %arg9[%add3A_345, %dma_wait3A_1920] : memref<32x128xi32, #tpu.memory_space<vmem>> -> memref<1x128xi32, #tpu.memory_space<vmem>>
          %dma_wait3A_1922 = tpu.memref_squeeze %dma_wait3A_1921 : memref<1x128xi32, #tpu.memory_space<vmem>> -> memref<128xi32, #tpu.memory_space<vmem>>
          %dma_wait3A_1923 = arith.constant 0 : i32
          %dma_wait3A_1924 = arith.constant 0 : i32
          %dma_wait3A_1925 = tpu.memref_slice %arg15[%dma_wait3A_1923, %dma_wait3A_1924] : memref<16384x16xf32, #tpu.memory_space<vmem_shared>> -> memref<16384x16xf32, #tpu.memory_space<vmem_shared>>
          tpu.wait_indirect_dma semaphore(%run_scoped3A_1913 : memref<!tpu.dma_semaphore, #tpu.memory_space<semaphore_mem>>) src(%arg13 : memref<128x16xf32, #tpu.memory_space<vmem>>) dst(%dma_wait3A_1925 : memref<16384x16xf32, #tpu.memory_space<vmem_shared>>)
          tpu.yield
        }) : () -> ()
      }
      %scan3A_335 = arith.constant 32 : i32
      %barrier3A_336 = arith.constant 0 : index
      tpu.barrier barrier_id(%barrier3A_336)
      %mul3A_337 = arith.constant 1024 : i32
      %mul3A_338 = arith.muli %arg1, %mul3A_337 : i32
      %mul3A_339 = arith.constant 1024 : i32
      %mul3A_340 = arith.muli %arg1, %mul3A_339 : i32
      "tpu.region"() ({
        %run_scoped3A_341 = tpu.sem_alloc : memref<!tpu.dma_semaphore, #tpu.memory_space<semaphore_mem>>
        %dma_start3A = arith.constant 0 : i32
        %dma_start3A_342 = tpu.memref_slice %arg8[%mul3A_340, %dma_start3A] : memref<16384x16xf32, #tpu.memory_space<hbm>> -> memref<1024x16xf32, #tpu.memory_space<hbm>>
        %dma_start3A_343 = arith.constant 0 : i32
        %dma_start3A_344 = tpu.memref_slice %arg15[%mul3A_338, %dma_start3A_343] : memref<16384x16xf32, #tpu.memory_space<vmem_shared>> -> memref<1024x16xf32, #tpu.memory_space<vmem_shared>>
        tpu.enqueue_dma source(%dma_start3A_344 : memref<1024x16xf32, #tpu.memory_space<vmem_shared>>) target(%dma_start3A_342 : memref<1024x16xf32, #tpu.memory_space<hbm>>) target_semaphore(%run_scoped3A_341 : memref<!tpu.dma_semaphore, #tpu.memory_space<semaphore_mem>>)
        %dma_wait3A = arith.constant 0 : i32
        %dma_wait3A_345 = tpu.memref_slice %arg8[%mul3A_340, %dma_wait3A] : memref<16384x16xf32, #tpu.memory_space<hbm>> -> memref<1024x16xf32, #tpu.memory_space<hbm>>
        %dma_wait3A_346 = arith.constant 0 : i32
        %dma_wait3A_347 = tpu.memref_slice %arg15[%mul3A_338, %dma_wait3A_346] : memref<16384x16xf32, #tpu.memory_space<vmem_shared>> -> memref<1024x16xf32, #tpu.memory_space<vmem_shared>>
        tpu.wait_dma2 semaphore(%run_scoped3A_341 : memref<!tpu.dma_semaphore, #tpu.memory_space<semaphore_mem>>) src(%dma_wait3A_347 : memref<1024x16xf32, #tpu.memory_space<vmem_shared>>) dst(%dma_wait3A_345 : memref<1024x16xf32, #tpu.memory_space<hbm>>)
        tpu.yield
      }) : () -> ()
    } else {
    }
    return
  }
}

#map = affine_map<(d0, d1) -> (0, 0)>
module attributes {stable_mosaic.version = 14 : i64} {
  func.func @_gather_body(%arg0: i32, %arg1: i32, %arg2: memref<8192x100xi32, #tpu.memory_space<hbm>>, %arg3: memref<100000x64xf32, #tpu.memory_space<hbm>>, %arg4: memref<819200x64xf32, #tpu.memory_space<hbm>>, %arg5: memref<32x100xi32, #tpu.memory_space<vmem>>, %arg6: memref<100x64xf32, #tpu.memory_space<vmem>>, %arg7: memref<100x64xf32, #tpu.memory_space<vmem>>, %arg8: memref<!tpu.dma_semaphore, #tpu.memory_space<semaphore_mem>>, %arg9: memref<!tpu.dma_semaphore, #tpu.memory_space<semaphore_mem>>, %arg10: memref<!tpu.dma_semaphore, #tpu.memory_space<semaphore_mem>>, %arg11: memref<!tpu.dma_semaphore, #tpu.memory_space<semaphore_mem>>) attributes {dimension_semantics = [#tpu.dimension_semantics<core_parallel>, #tpu.dimension_semantics<subcore_parallel>], iteration_bounds = array<i64: 2, 16>, scalar_prefetch = 0 : i64, scratch_operands = 7 : i64, tpu.core_type = #tpu.core_type<sc_vector_subcore>, window_params = [{transform_indices = #map}, {transform_indices = #map}, {transform_indices = #map}]} {
    %mul3A = arith.constant 2 : i32
    %mul3A_0 = arith.muli %arg1, %mul3A : i32
    %add3A = arith.addi %mul3A_0, %arg0 : i32
    %mul3A_1 = arith.constant 256 : i32
    %mul3A_2 = arith.muli %add3A, %mul3A_1 : i32
    %scan3A = arith.constant 0 : i32
    %scan3A_3 = arith.constant 8 : i32
    %scan3A_4 = arith.addi %scan3A, %scan3A_3 : i32
    %scan3A_5 = arith.constant 1 : i32
    scf.for %scan3A_7 = %scan3A to %scan3A_4 step %scan3A_5  : i32 {
      %mul3A_8 = arith.constant 1 : i32
      %mul3A_9 = arith.muli %scan3A_7, %mul3A_8 : i32
      %add3A_10 = arith.constant 0 : i32
      %add3A_11 = arith.addi %add3A_10, %mul3A_9 : i32
      %mul3A_12 = arith.constant 32 : i32
      %mul3A_13 = arith.muli %add3A_11, %mul3A_12 : i32
      %add3A_14 = arith.addi %mul3A_2, %mul3A_13 : i32
      "tpu.region"() ({
        %run_scoped3A = tpu.sem_alloc : memref<!tpu.dma_semaphore, #tpu.memory_space<semaphore_mem>>
        %dma_start3A_33 = arith.constant 0 : i32
        %dma_start3A_34 = tpu.memref_slice %arg2[%add3A_14, %dma_start3A_33] : memref<8192x100xi32, #tpu.memory_space<hbm>> -> memref<32x100xi32, #tpu.memory_space<hbm>>
        %dma_start3A_35 = arith.constant 0 : i32
        %dma_start3A_36 = tpu.memref_slice %arg2[%add3A_14, %dma_start3A_35] : memref<8192x100xi32, #tpu.memory_space<hbm>> -> memref<32x100xi32, #tpu.memory_space<hbm>>
        tpu.enqueue_dma source(%dma_start3A_36 : memref<32x100xi32, #tpu.memory_space<hbm>>) target(%arg5 : memref<32x100xi32, #tpu.memory_space<vmem>>) target_semaphore(%run_scoped3A : memref<!tpu.dma_semaphore, #tpu.memory_space<semaphore_mem>>)
        %dma_wait3A = arith.constant 0 : i32
        %dma_wait3A_37 = tpu.memref_slice %arg2[%add3A_14, %dma_wait3A] : memref<8192x100xi32, #tpu.memory_space<hbm>> -> memref<32x100xi32, #tpu.memory_space<hbm>>
        %dma_wait3A_38 = arith.constant 0 : i32
        %dma_wait3A_39 = tpu.memref_slice %arg2[%add3A_14, %dma_wait3A_38] : memref<8192x100xi32, #tpu.memory_space<hbm>> -> memref<32x100xi32, #tpu.memory_space<hbm>>
        tpu.wait_dma2 semaphore(%run_scoped3A : memref<!tpu.dma_semaphore, #tpu.memory_space<semaphore_mem>>) src(%dma_wait3A_39 : memref<32x100xi32, #tpu.memory_space<hbm>>) dst(%arg5 : memref<32x100xi32, #tpu.memory_space<vmem>>)
        tpu.yield
      }) : () -> ()
      %dma_start3A = arith.constant 0 : i32
      %dma_start3A_15 = arith.constant 0 : i32
      %dma_start3A_16 = tpu.memref_slice %arg5[%dma_start3A, %dma_start3A_15] : memref<32x100xi32, #tpu.memory_space<vmem>> -> memref<1x100xi32, #tpu.memory_space<vmem>>
      %dma_start3A_17 = tpu.memref_squeeze %dma_start3A_16 : memref<1x100xi32, #tpu.memory_space<vmem>> -> memref<100xi32, #tpu.memory_space<vmem>>
      %dma_start3A_18 = arith.constant 0 : i32
      %dma_start3A_19 = arith.constant 0 : i32
      %dma_start3A_20 = tpu.memref_slice %arg3[%dma_start3A_18, %dma_start3A_19] : memref<100000x64xf32, #tpu.memory_space<hbm>> -> memref<100000x64xf32, #tpu.memory_space<hbm>>
      tpu.enqueue_indirect_dma source(%dma_start3A_20 : memref<100000x64xf32, #tpu.memory_space<hbm>>) target(%arg6 : memref<100x64xf32, #tpu.memory_space<vmem>>) offsets(%dma_start3A_17 : memref<100xi32, #tpu.memory_space<vmem>>) semaphore(%arg8 : memref<!tpu.dma_semaphore, #tpu.memory_space<semaphore_mem>>)
      %dma_start3A_21 = arith.constant 1 : i32
      %dma_start3A_22 = arith.constant 0 : i32
      %dma_start3A_23 = tpu.memref_slice %arg5[%dma_start3A_21, %dma_start3A_22] : memref<32x100xi32, #tpu.memory_space<vmem>> -> memref<1x100xi32, #tpu.memory_space<vmem>>
      %dma_start3A_24 = tpu.memref_squeeze %dma_start3A_23 : memref<1x100xi32, #tpu.memory_space<vmem>> -> memref<100xi32, #tpu.memory_space<vmem>>
      %dma_start3A_25 = arith.constant 0 : i32
      %dma_start3A_26 = arith.constant 0 : i32
      %dma_start3A_27 = tpu.memref_slice %arg3[%dma_start3A_25, %dma_start3A_26] : memref<100000x64xf32, #tpu.memory_space<hbm>> -> memref<100000x64xf32, #tpu.memory_space<hbm>>
      tpu.enqueue_indirect_dma source(%dma_start3A_27 : memref<100000x64xf32, #tpu.memory_space<hbm>>) target(%arg7 : memref<100x64xf32, #tpu.memory_space<vmem>>) offsets(%dma_start3A_24 : memref<100xi32, #tpu.memory_space<vmem>>) semaphore(%arg9 : memref<!tpu.dma_semaphore, #tpu.memory_space<semaphore_mem>>)
      %scan3A_28 = arith.constant 0 : i32
      %scan3A_29 = arith.constant 16 : i32
      %scan3A_30 = arith.addi %scan3A_28, %scan3A_29 : i32
      %scan3A_31 = arith.constant 1 : i32
      scf.for %scan3A_33 = %scan3A_28 to %scan3A_30 step %scan3A_31  : i32 {
        %mul3A_34 = arith.constant 2 : i32
        %mul3A_35 = arith.muli %scan3A_33, %mul3A_34 : i32
        %add3A_36 = arith.constant 0 : i32
        %add3A_37 = arith.addi %add3A_36, %mul3A_35 : i32
        %dma_wait3A = arith.constant 0 : i32
        %dma_wait3A_38 = tpu.memref_slice %arg5[%add3A_37, %dma_wait3A] : memref<32x100xi32, #tpu.memory_space<vmem>> -> memref<1x100xi32, #tpu.memory_space<vmem>>
        %dma_wait3A_39 = tpu.memref_squeeze %dma_wait3A_38 : memref<1x100xi32, #tpu.memory_space<vmem>> -> memref<100xi32, #tpu.memory_space<vmem>>
        %dma_wait3A_40 = arith.constant 0 : i32
        %dma_wait3A_41 = arith.constant 0 : i32
        %dma_wait3A_42 = tpu.memref_slice %arg3[%dma_wait3A_40, %dma_wait3A_41] : memref<100000x64xf32, #tpu.memory_space<hbm>> -> memref<100000x64xf32, #tpu.memory_space<hbm>>
        tpu.wait_indirect_dma semaphore(%arg8 : memref<!tpu.dma_semaphore, #tpu.memory_space<semaphore_mem>>) src(%dma_wait3A_42 : memref<100000x64xf32, #tpu.memory_space<hbm>>) dst(%arg6 : memref<100x64xf32, #tpu.memory_space<vmem>>)
        %add3A_43 = arith.addi %add3A_14, %add3A_37 : i32
        %mul3A_44 = arith.constant 100 : i32
        %mul3A_45 = arith.muli %add3A_43, %mul3A_44 : i32
        %dma_start3A_46 = arith.constant 0 : i32
        %dma_start3A_47 = tpu.memref_slice %arg4[%mul3A_45, %dma_start3A_46] : memref<819200x64xf32, #tpu.memory_space<hbm>> -> memref<100x64xf32, #tpu.memory_space<hbm>>
        %dma_start3A_48 = arith.constant 0 : i32
        %dma_start3A_49 = tpu.memref_slice %arg4[%mul3A_45, %dma_start3A_48] : memref<819200x64xf32, #tpu.memory_space<hbm>> -> memref<100x64xf32, #tpu.memory_space<hbm>>
        tpu.enqueue_dma source(%arg6 : memref<100x64xf32, #tpu.memory_space<vmem>>) target(%dma_start3A_49 : memref<100x64xf32, #tpu.memory_space<hbm>>) target_semaphore(%arg10 : memref<!tpu.dma_semaphore, #tpu.memory_space<semaphore_mem>>)
        %add3A_50 = arith.constant 1 : i32
        %add3A_51 = arith.addi %add3A_37, %add3A_50 : i32
        %dma_wait3A_52 = arith.constant 0 : i32
        %dma_wait3A_53 = tpu.memref_slice %arg5[%add3A_51, %dma_wait3A_52] : memref<32x100xi32, #tpu.memory_space<vmem>> -> memref<1x100xi32, #tpu.memory_space<vmem>>
        %dma_wait3A_54 = tpu.memref_squeeze %dma_wait3A_53 : memref<1x100xi32, #tpu.memory_space<vmem>> -> memref<100xi32, #tpu.memory_space<vmem>>
        %dma_wait3A_55 = arith.constant 0 : i32
        %dma_wait3A_56 = arith.constant 0 : i32
        %dma_wait3A_57 = tpu.memref_slice %arg3[%dma_wait3A_55, %dma_wait3A_56] : memref<100000x64xf32, #tpu.memory_space<hbm>> -> memref<100000x64xf32, #tpu.memory_space<hbm>>
        tpu.wait_indirect_dma semaphore(%arg9 : memref<!tpu.dma_semaphore, #tpu.memory_space<semaphore_mem>>) src(%dma_wait3A_57 : memref<100000x64xf32, #tpu.memory_space<hbm>>) dst(%arg7 : memref<100x64xf32, #tpu.memory_space<vmem>>)
        %add3A_58 = arith.addi %add3A_14, %add3A_37 : i32
        %add3A_59 = arith.constant 1 : i32
        %add3A_60 = arith.addi %add3A_58, %add3A_59 : i32
        %mul3A_61 = arith.constant 100 : i32
        %mul3A_62 = arith.muli %add3A_60, %mul3A_61 : i32
        %dma_start3A_63 = arith.constant 0 : i32
        %dma_start3A_64 = tpu.memref_slice %arg4[%mul3A_62, %dma_start3A_63] : memref<819200x64xf32, #tpu.memory_space<hbm>> -> memref<100x64xf32, #tpu.memory_space<hbm>>
        %dma_start3A_65 = arith.constant 0 : i32
        %dma_start3A_66 = tpu.memref_slice %arg4[%mul3A_62, %dma_start3A_65] : memref<819200x64xf32, #tpu.memory_space<hbm>> -> memref<100x64xf32, #tpu.memory_space<hbm>>
        tpu.enqueue_dma source(%arg7 : memref<100x64xf32, #tpu.memory_space<vmem>>) target(%dma_start3A_66 : memref<100x64xf32, #tpu.memory_space<hbm>>) target_semaphore(%arg11 : memref<!tpu.dma_semaphore, #tpu.memory_space<semaphore_mem>>)
        %add3A_67 = arith.addi %add3A_14, %add3A_37 : i32
        %mul3A_68 = arith.constant 100 : i32
        %mul3A_69 = arith.muli %add3A_67, %mul3A_68 : i32
        %dma_wait3A_70 = arith.constant 0 : i32
        %dma_wait3A_71 = tpu.memref_slice %arg4[%mul3A_69, %dma_wait3A_70] : memref<819200x64xf32, #tpu.memory_space<hbm>> -> memref<100x64xf32, #tpu.memory_space<hbm>>
        %dma_wait3A_72 = arith.constant 0 : i32
        %dma_wait3A_73 = tpu.memref_slice %arg4[%mul3A_69, %dma_wait3A_72] : memref<819200x64xf32, #tpu.memory_space<hbm>> -> memref<100x64xf32, #tpu.memory_space<hbm>>
        tpu.wait_dma2 semaphore(%arg10 : memref<!tpu.dma_semaphore, #tpu.memory_space<semaphore_mem>>) src(%arg6 : memref<100x64xf32, #tpu.memory_space<vmem>>) dst(%dma_wait3A_73 : memref<100x64xf32, #tpu.memory_space<hbm>>)
        %lt3A = arith.constant 30 : i32
        %lt3A_74 = arith.cmpi slt, %add3A_37, %lt3A : i32
        %convert_element_type3A = arith.extui %lt3A_74 : i1 to i32
        %cond3A = arith.constant 0 : i32
        %cond3A_75 = arith.cmpi ne, %convert_element_type3A, %cond3A : i32
        scf.if %cond3A_75 {
          %add3A_90 = arith.constant 2 : i32
          %add3A_91 = arith.addi %add3A_37, %add3A_90 : i32
          %dma_start3A_92 = arith.constant 0 : i32
          %dma_start3A_93 = tpu.memref_slice %arg5[%add3A_91, %dma_start3A_92] : memref<32x100xi32, #tpu.memory_space<vmem>> -> memref<1x100xi32, #tpu.memory_space<vmem>>
          %dma_start3A_94 = tpu.memref_squeeze %dma_start3A_93 : memref<1x100xi32, #tpu.memory_space<vmem>> -> memref<100xi32, #tpu.memory_space<vmem>>
          %dma_start3A_95 = arith.constant 0 : i32
          %dma_start3A_96 = arith.constant 0 : i32
          %dma_start3A_97 = tpu.memref_slice %arg3[%dma_start3A_95, %dma_start3A_96] : memref<100000x64xf32, #tpu.memory_space<hbm>> -> memref<100000x64xf32, #tpu.memory_space<hbm>>
          tpu.enqueue_indirect_dma source(%dma_start3A_97 : memref<100000x64xf32, #tpu.memory_space<hbm>>) target(%arg6 : memref<100x64xf32, #tpu.memory_space<vmem>>) offsets(%dma_start3A_94 : memref<100xi32, #tpu.memory_space<vmem>>) semaphore(%arg8 : memref<!tpu.dma_semaphore, #tpu.memory_space<semaphore_mem>>)
        } else {
        }
        %add3A_76 = arith.addi %add3A_14, %add3A_37 : i32
        %add3A_77 = arith.constant 1 : i32
        %add3A_78 = arith.addi %add3A_76, %add3A_77 : i32
        %mul3A_79 = arith.constant 100 : i32
        %mul3A_80 = arith.muli %add3A_78, %mul3A_79 : i32
        %dma_wait3A_81 = arith.constant 0 : i32
        %dma_wait3A_82 = tpu.memref_slice %arg4[%mul3A_80, %dma_wait3A_81] : memref<819200x64xf32, #tpu.memory_space<hbm>> -> memref<100x64xf32, #tpu.memory_space<hbm>>
        %dma_wait3A_83 = arith.constant 0 : i32
        %dma_wait3A_84 = tpu.memref_slice %arg4[%mul3A_80, %dma_wait3A_83] : memref<819200x64xf32, #tpu.memory_space<hbm>> -> memref<100x64xf32, #tpu.memory_space<hbm>>
        tpu.wait_dma2 semaphore(%arg11 : memref<!tpu.dma_semaphore, #tpu.memory_space<semaphore_mem>>) src(%arg7 : memref<100x64xf32, #tpu.memory_space<vmem>>) dst(%dma_wait3A_84 : memref<100x64xf32, #tpu.memory_space<hbm>>)
        %lt3A_85 = arith.constant 30 : i32
        %lt3A_86 = arith.cmpi slt, %add3A_37, %lt3A_85 : i32
        %convert_element_type3A_87 = arith.extui %lt3A_86 : i1 to i32
        %cond3A_88 = arith.constant 0 : i32
        %cond3A_89 = arith.cmpi ne, %convert_element_type3A_87, %cond3A_88 : i32
        scf.if %cond3A_89 {
          %add3A_90 = arith.constant 3 : i32
          %add3A_91 = arith.addi %add3A_37, %add3A_90 : i32
          %dma_start3A_92 = arith.constant 0 : i32
          %dma_start3A_93 = tpu.memref_slice %arg5[%add3A_91, %dma_start3A_92] : memref<32x100xi32, #tpu.memory_space<vmem>> -> memref<1x100xi32, #tpu.memory_space<vmem>>
          %dma_start3A_94 = tpu.memref_squeeze %dma_start3A_93 : memref<1x100xi32, #tpu.memory_space<vmem>> -> memref<100xi32, #tpu.memory_space<vmem>>
          %dma_start3A_95 = arith.constant 0 : i32
          %dma_start3A_96 = arith.constant 0 : i32
          %dma_start3A_97 = tpu.memref_slice %arg3[%dma_start3A_95, %dma_start3A_96] : memref<100000x64xf32, #tpu.memory_space<hbm>> -> memref<100000x64xf32, #tpu.memory_space<hbm>>
          tpu.enqueue_indirect_dma source(%dma_start3A_97 : memref<100000x64xf32, #tpu.memory_space<hbm>>) target(%arg7 : memref<100x64xf32, #tpu.memory_space<vmem>>) offsets(%dma_start3A_94 : memref<100xi32, #tpu.memory_space<vmem>>) semaphore(%arg9 : memref<!tpu.dma_semaphore, #tpu.memory_space<semaphore_mem>>)
        } else {
        }
      }
      %scan3A_32 = arith.constant 16 : i32
    }
    %scan3A_6 = arith.constant 8 : i32
    return
  }
}

module attributes {stable_mosaic.version = 14 : i64} {
  func.func @_v_body(%arg0: i32, %arg1: memref<2048x64xf32, #tpu.memory_space<vmem>>, %arg2: memref<64x64xf32, #tpu.memory_space<vmem>>, %arg3: memref<2048x64xf32, #tpu.memory_space<vmem>>) attributes {dimension_semantics = [#tpu.dimension_semantics<arbitrary>], iteration_bounds = array<i64: 8>, scalar_prefetch = 0 : i64, scratch_operands = 0 : i64, tpu.core_type = #tpu.core_type<tc>, window_params = [{transform_indices = @transform_0, window_bounds = array<i64: 2048, 64>}, {pipeline_mode = #tpu.pipeline_mode<synchronous>, transform_indices = @transform_1, window_bounds = array<i64: 64, 64>}, {transform_indices = @transform_2, window_bounds = array<i64: 2048, 64>}]} {
    %get3A = arith.constant 0 : index
    %get3A_0 = arith.constant 0 : index
    %get3A_1 = vector.load %arg1[%get3A, %get3A_0] : memref<2048x64xf32, #tpu.memory_space<vmem>>, vector<2048x64xf32>
    %get3A_2 = arith.constant 0 : index
    %get3A_3 = arith.constant 0 : index
    %get3A_4 = vector.load %arg2[%get3A_2, %get3A_3] : memref<64x64xf32, #tpu.memory_space<vmem>>, vector<64x64xf32>
    %dot_general3A = arith.constant dense<0.000000e+00> : vector<2048x64xf32>
    %dot_general3A_5 = tpu.matmul %get3A_1, %get3A_4, %dot_general3A {dimension_numbers = #tpu.dot_dimension_numbers<[1], [0], [0], [1], [0, 0, 1, 1], [], []>, transpose_lhs_hint = false} : vector<2048x64xf32>, vector<64x64xf32>, vector<2048x64xf32> -> vector<2048x64xf32>
    %swap3A = arith.constant 0 : index
    %swap3A_6 = arith.constant 0 : index
    %swap3A_7 = vector.load %arg3[%swap3A, %swap3A_6] : memref<2048x64xf32, #tpu.memory_space<vmem>>, vector<2048x64xf32>
    tpu.vector_store %arg3[%swap3A, %swap3A_6], %dot_general3A_5 {strides = array<i32>} : memref<2048x64xf32, #tpu.memory_space<vmem>>, vector<2048x64xf32>,
    return
  }
  func.func @transform_0(%arg0: i32) -> (i32, i32) {
    %c0_i32 = arith.constant 0 : i32
    %c0_i32_0 = arith.constant 0 : i32
    return %arg0, %c0_i32 : i32, i32
  }
  func.func @transform_1(%arg0: i32) -> (i32, i32) {
    %c0_i32 = arith.constant 0 : i32
    %c0_i32_0 = arith.constant 0 : i32
    %c0_i32_1 = arith.constant 0 : i32
    return %c0_i32, %c0_i32_0 : i32, i32
  }
  func.func @transform_2(%arg0: i32) -> (i32, i32) {
    %c0_i32 = arith.constant 0 : i32
    %c0_i32_0 = arith.constant 0 : i32
    return %arg0, %c0_i32 : i32, i32
  }
}

module attributes {stable_mosaic.version = 14 : i64} {
  func.func @_attn_body(%arg0: i32, %arg1: memref<256x3200xf32, #tpu.memory_space<vmem>>, %arg2: memref<256x64xf32, #tpu.memory_space<vmem>>, %arg3: memref<64x3200xf32, #tpu.memory_space<vmem>>, %arg4: memref<3200x50xf32, #tpu.memory_space<vmem>>, %arg5: memref<50x3200xf32, #tpu.memory_space<vmem>>, %arg6: memref<3200x64xf32, #tpu.memory_space<vmem>>, %arg7: memref<16x64xf32, #tpu.memory_space<vmem>>, %arg8: memref<1x16xf32, #tpu.memory_space<vmem>>, %arg9: memref<256x16xf32, #tpu.memory_space<vmem>>) attributes {dimension_semantics = [#tpu.dimension_semantics<arbitrary>], iteration_bounds = array<i64: 64>, scalar_prefetch = 0 : i64, scratch_operands = 0 : i64, tpu.core_type = #tpu.core_type<tc>, window_params = [{transform_indices = @transform_0, window_bounds = array<i64: 256, 3200>}, {transform_indices = @transform_1, window_bounds = array<i64: 256, 64>}, {pipeline_mode = #tpu.pipeline_mode<synchronous>, transform_indices = @transform_2, window_bounds = array<i64: 64, 3200>}, {pipeline_mode = #tpu.pipeline_mode<synchronous>, transform_indices = @transform_3, window_bounds = array<i64: 3200, 50>}, {pipeline_mode = #tpu.pipeline_mode<synchronous>, transform_indices = @transform_4, window_bounds = array<i64: 50, 3200>}, {pipeline_mode = #tpu.pipeline_mode<synchronous>, transform_indices = @transform_5, window_bounds = array<i64: 3200, 64>}, {pipeline_mode = #tpu.pipeline_mode<synchronous>, transform_indices = @transform_6, window_bounds = array<i64: 16, 64>}, {pipeline_mode = #tpu.pipeline_mode<synchronous>, transform_indices = @transform_7, window_bounds = array<i64: 1, 16>}, {transform_indices = @transform_8, window_bounds = array<i64: 256, 16>}]} {
    %get3A = arith.constant 0 : index
    %get3A_0 = arith.constant 0 : index
    %get3A_1 = vector.load %arg1[%get3A, %get3A_0] : memref<256x3200xf32, #tpu.memory_space<vmem>>, vector<256x3200xf32>
    %get3A_2 = arith.constant 0 : index
    %get3A_3 = arith.constant 0 : index
    %get3A_4 = vector.load %arg2[%get3A_2, %get3A_3] : memref<256x64xf32, #tpu.memory_space<vmem>>, vector<256x64xf32>
    %get3A_5 = arith.constant 0 : index
    %get3A_6 = arith.constant 0 : index
    %get3A_7 = vector.load %arg3[%get3A_5, %get3A_6] : memref<64x3200xf32, #tpu.memory_space<vmem>>, vector<64x3200xf32>
    %dot_general3A = arith.constant dense<0.000000e+00> : vector<256x3200xf32>
    %dot_general3A_8 = tpu.matmul %get3A_4, %get3A_7, %dot_general3A {dimension_numbers = #tpu.dot_dimension_numbers<[1], [0], [0], [1], [0, 0, 1, 1], [], []>, transpose_lhs_hint = false} : vector<256x64xf32>, vector<64x3200xf32>, vector<256x3200xf32> -> vector<256x3200xf32>
    %mul3A = arith.mulf %get3A_1, %dot_general3A_8 : vector<256x3200xf32>
    %get3A_9 = arith.constant 0 : index
    %get3A_10 = arith.constant 0 : index
    %get3A_11 = vector.load %arg4[%get3A_9, %get3A_10] : memref<3200x50xf32, #tpu.memory_space<vmem>>, vector<3200x50xf32>
    %dot_general3A_12 = arith.constant dense<0.000000e+00> : vector<256x50xf32>
    %dot_general3A_13 = tpu.matmul %mul3A, %get3A_11, %dot_general3A_12 {dimension_numbers = #tpu.dot_dimension_numbers<[1], [0], [0], [1], [0, 0, 1, 1], [], []>, transpose_lhs_hint = false} : vector<256x3200xf32>, vector<3200x50xf32>, vector<256x50xf32> -> vector<256x50xf32>
    %reduce_max3A = arith.constant dense<0xFF800000> : vector<256xf32>
    %reduce_max3A_14 = vector.multi_reduction <maximumf>, %dot_general3A_13, %reduce_max3A [1] : vector<256x50xf32> to vector<256xf32>
    %broadcast_in_dim3A = vector.shape_cast %reduce_max3A_14 : vector<256xf32> to vector<256x1xf32>
    %sub3A = vector.broadcast %broadcast_in_dim3A : vector<256x1xf32> to vector<256x50xf32>
    %sub3A_15 = arith.subf %dot_general3A_13, %sub3A : vector<256x50xf32>
    %exp3A = math.exp %sub3A_15 : vector<256x50xf32>
    %reduce_sum3A = arith.constant dense<0.000000e+00> : vector<256xf32>
    %reduce_sum3A_16 = vector.multi_reduction <add>, %exp3A, %reduce_sum3A [1] : vector<256x50xf32> to vector<256xf32>
    %broadcast_in_dim3A_17 = vector.shape_cast %reduce_sum3A_16 : vector<256xf32> to vector<256x1xf32>
    %div3A = vector.broadcast %broadcast_in_dim3A_17 : vector<256x1xf32> to vector<256x50xf32>
    %div3A_18 = arith.divf %exp3A, %div3A : vector<256x50xf32>
    %get3A_19 = arith.constant 0 : index
    %get3A_20 = arith.constant 0 : index
    %get3A_21 = vector.load %arg5[%get3A_19, %get3A_20] : memref<50x3200xf32, #tpu.memory_space<vmem>>, vector<50x3200xf32>
    %dot_general3A_22 = arith.constant dense<0.000000e+00> : vector<256x3200xf32>
    %dot_general3A_23 = tpu.matmul %div3A_18, %get3A_21, %dot_general3A_22 {dimension_numbers = #tpu.dot_dimension_numbers<[1], [0], [0], [1], [0, 0, 1, 1], [], []>, transpose_lhs_hint = false} : vector<256x50xf32>, vector<50x3200xf32>, vector<256x3200xf32> -> vector<256x3200xf32>
    %mul3A_24 = arith.mulf %dot_general3A_23, %get3A_1 : vector<256x3200xf32>
    %get3A_25 = arith.constant 0 : index
    %get3A_26 = arith.constant 0 : index
    %get3A_27 = vector.load %arg6[%get3A_25, %get3A_26] : memref<3200x64xf32, #tpu.memory_space<vmem>>, vector<3200x64xf32>
    %dot_general3A_28 = arith.constant dense<0.000000e+00> : vector<256x64xf32>
    %dot_general3A_29 = tpu.matmul %mul3A_24, %get3A_27, %dot_general3A_28 {dimension_numbers = #tpu.dot_dimension_numbers<[1], [0], [0], [1], [0, 0, 1, 1], [], []>, transpose_lhs_hint = false} : vector<256x3200xf32>, vector<3200x64xf32>, vector<256x64xf32> -> vector<256x64xf32>
    %get3A_30 = arith.constant 0 : index
    %get3A_31 = arith.constant 0 : index
    %get3A_32 = vector.load %arg7[%get3A_30, %get3A_31] : memref<16x64xf32, #tpu.memory_space<vmem>>, vector<16x64xf32>
    %dot_general3A_33 = arith.constant dense<0.000000e+00> : vector<256x16xf32>
    %dot_general3A_34 = tpu.matmul %dot_general3A_29, %get3A_32, %dot_general3A_33 {dimension_numbers = #tpu.dot_dimension_numbers<[1], [1], [0], [0], [0, 0, 1, 0], [], []>, transpose_lhs_hint = false} : vector<256x64xf32>, vector<16x64xf32>, vector<256x16xf32> -> vector<256x16xf32>
    %get3A_35 = arith.constant 0 : index
    %get3A_36 = arith.constant 0 : index
    %get3A_37 = vector.load %arg8[%get3A_35, %get3A_36] : memref<1x16xf32, #tpu.memory_space<vmem>>, vector<1x16xf32>
    %add3A = vector.broadcast %get3A_37 : vector<1x16xf32> to vector<256x16xf32>
    %add3A_38 = arith.addf %dot_general3A_34, %add3A : vector<256x16xf32>
    %swap3A = arith.constant 0 : index
    %swap3A_39 = arith.constant 0 : index
    %swap3A_40 = vector.load %arg9[%swap3A, %swap3A_39] : memref<256x16xf32, #tpu.memory_space<vmem>>, vector<256x16xf32>
    tpu.vector_store %arg9[%swap3A, %swap3A_39], %add3A_38 {strides = array<i32>} : memref<256x16xf32, #tpu.memory_space<vmem>>, vector<256x16xf32>,
    return
  }
  func.func @transform_0(%arg0: i32) -> (i32, i32) {
    %c0_i32 = arith.constant 0 : i32
    %c0_i32_0 = arith.constant 0 : i32
    return %arg0, %c0_i32 : i32, i32
  }
  func.func @transform_1(%arg0: i32) -> (i32, i32) {
    %c0_i32 = arith.constant 0 : i32
    %c0_i32_0 = arith.constant 0 : i32
    return %arg0, %c0_i32 : i32, i32
  }
  func.func @transform_2(%arg0: i32) -> (i32, i32) {
    %c0_i32 = arith.constant 0 : i32
    %c0_i32_0 = arith.constant 0 : i32
    %c0_i32_1 = arith.constant 0 : i32
    return %c0_i32, %c0_i32_0 : i32, i32
  }
  func.func @transform_3(%arg0: i32) -> (i32, i32) {
    %c0_i32 = arith.constant 0 : i32
    %c0_i32_0 = arith.constant 0 : i32
    %c0_i32_1 = arith.constant 0 : i32
    return %c0_i32, %c0_i32_0 : i32, i32
  }
  func.func @transform_4(%arg0: i32) -> (i32, i32) {
    %c0_i32 = arith.constant 0 : i32
    %c0_i32_0 = arith.constant 0 : i32
    %c0_i32_1 = arith.constant 0 : i32
    return %c0_i32, %c0_i32_0 : i32, i32
  }
  func.func @transform_5(%arg0: i32) -> (i32, i32) {
    %c0_i32 = arith.constant 0 : i32
    %c0_i32_0 = arith.constant 0 : i32
    %c0_i32_1 = arith.constant 0 : i32
    return %c0_i32, %c0_i32_0 : i32, i32
  }
  func.func @transform_6(%arg0: i32) -> (i32, i32) {
    %c0_i32 = arith.constant 0 : i32
    %c0_i32_0 = arith.constant 0 : i32
    %c0_i32_1 = arith.constant 0 : i32
    return %c0_i32, %c0_i32_0 : i32, i32
  }
  func.func @transform_7(%arg0: i32) -> (i32, i32) {
    %c0_i32 = arith.constant 0 : i32
    %c0_i32_0 = arith.constant 0 : i32
    %c0_i32_1 = arith.constant 0 : i32
    return %c0_i32, %c0_i32_0 : i32, i32
  }
  func.func @transform_8(%arg0: i32) -> (i32, i32) {
    %c0_i32 = arith.constant 0 : i32
    %c0_i32_0 = arith.constant 0 : i32
    return %arg0, %c0_i32 : i32, i32
  }
}

</mosaic_0001>

<sc_bundles>
// kernel: kernel.6.cloned.1.call-start
scs
__scs_entry_jumppad:
0x0: {  	(pc) =	sbr.rel $0x88, $3  }
0x1: {  	(tag) =	ssettag $0x0;
	lr =	simm.s32 $0x1  }
0x2: {  	[smem:$0x3F97] =	sst lr;
	_ =	strace $0xD0000000  }
0x3: {  	_ = 	snop  }
0x4: {  	_ = 	snop  }
0x5: {  	_ = 	snop  }
0x6: {  	_ = 	snop  }
0x7: {  	_ = 	snop  }
__scs_overlays_trampoline_lowered:
0x8: {  	[smem:$0x3FA6] =	sst s0  }
0x9: {  	[smem:$0x3FA7] =	sst s1  }
0xa: {  	[smem:$0x3FA8] =	sst s2  }
0xb: {  	[smem:$0x3FA9] =	sst s3  }
0xc: {  	[smem:$0x3FAA] =	sst s4  }
0xd: {  	[smem:$0x3FAB] =	sst s5  }
0xe: {  	[smem:$0x3FAC] =	sst s6  }
0xf: {  	[smem:$0x3FAD] =	sst s7  }
0x10: {  	[smem:$0x3FAE] =	sst s8  }
0x11: {  	[smem:$0x3FAF] =	sst s9;
	s0 =	simm.s32 @!p0 $0x0  }
0x12: {  	s1 =	sld [smem:$0x3F95];
	s0 =	simm.s32 @p0 $0x1  }
0x13: {  	[smem:$0x3FB0] =	sst s0;
	s0 =	simm.s32 @!p1 $0x0  }
0x14: {  	s2 =	sld [smem:$0x3F94];
	s0 =	simm.s32 @p1 $0x1  }
0x15: {  	[smem:$0x3FB1] =	sst s0;
	s0 =	simm.s32 @!p2 $0x0  }
0x16: {  	s3 =	sld [smem:$0x3FDB];
	s0 =	simm.s32 @p2 $0x1  }
0x17: {  	s4 =	simm.s32 $0x1BF5;
	[smem:$0x3FB3] =	sst s0  }
0x18: {  	s0 =	sld [smem:$0x3F96];
	_ =	swait.ge [sflag:s4], $0x0  }
0x19: {  	s7 =	sld [smem:$0x3F97]  }
0x1a: {  	s8 =	sadd.s32 $0xFFFFE003, lr  }
0x1b: {  	s9 =	sadd.s32 $0xFFFFFEF7, lr;
	s5 =	simm.s32 $0xFFFFFFFF;
	p2 =	slt.u32 s8, $0xFFFFF086  }
0x1c: {  	p1 =	slt.u32 s9, $0xF7A;
	s5 =	simm.s32 @!p2 $0x0  }
0x1d: {  	s5 =	simm.s32 @p1 $0x1;
	p0 =	seq.s32 s7, s2  }
0x1e: {  	s7 =	smul.u32 @!p0 $0xF7A, s2;
	p2 =	seq.s32 @!p0 s5, $0x0  }
0x1f: {  	s9 =	smul.u32 $0xF7A, s1;
	s8 =	simm.s32 @!p0 $0x1BF5;
	p2 =	por !p2, p0  }
0x20: {  	[sflag:s8] =	ssyncset.s32 @!p0 $0xFFFFF086;
	s6 =	sadd.s32 @!p0 s3, s7;
	s7 =	simm.s32 @!p0 $0x108  }
0x21: {  	s3 =	sadd.s32 s3, s9;
	s6 =	sadd.s32 @!p0 $0x88, s6;
	s7 =	simm.s32 @p2 $0x1082  }
0x22: {  	[simem:s7], [sflag:s8] =	dma.local @!p0 [hbm:s6], $0xF7A  }
0x23: {  	s9 =	sor.u32 $0xD0000000, s2;
	s6 =	simm.s32 $0x108;
	_ =	swait.ge @!p0 [sflag:s8], $0x0  }
0x24: {  	s3 =	sadd.s32 $0x88, s3;
	s6 =	simm.s32 @!p1 $0x1082;
	[sflag:s4] =	ssyncset.s32 $0xFFFFF086  }
0x25: {  	[simem:s6], [sflag:s4] =	dma.local [hbm:s3], $0xF7A  }
0x26: {  	[smem:$0x3F97] =	sst s1;
	(tag) =	ssettag s2;
	_ =	strace s9  }
0x27: {  	s1 =	sld [smem:$0x3FA7]  }
0x28: {  	s2 =	sld [smem:$0x3FA8]  }
0x29: {  	s4 =	sld [smem:$0x3FAA]  }
0x2a: {  	p0 =	seq.s32 s5, $0x0;
	s5 =	sld [smem:$0x3FAB]  }
0x2b: {  	s6 =	sld [smem:$0x3FAC]  }
0x2c: {  	s7 =	sld [smem:$0x3FAD]  }
0x2d: {  	s3 =	simm.s32 $0x108;
	s8 =	sld [smem:$0x3FAE]  }
0x2e: {  	s3 =	simm.s32 @!p0 $0x1082;
	s9 =	sld [smem:$0x3FAF]  }
0x2f: {  	lr =	sadd.s32 s0, s3;
	s0 =	sld [smem:$0x3FA6]  }
0x30: {  	s3 =	sld [smem:$0x3FA9]  }
0x31: {  	[smem:$0x3FB2] =	sst s10  }
0x32: {  	s10 =	sld [smem:$0x3FB0];
	_ =	sdelay $0x3  }
0x33: {  	p0 =	seq.s32 s10, $0x1;
	s10 =	sld [smem:$0x3FB2];
	_ =	sdelay $0x3  }
0x34: {  	[smem:$0x3FB2] =	sst s10  }
0x35: {  	s10 =	sld [smem:$0x3FB1];
	_ =	sdelay $0x3  }
0x36: {  	p1 =	seq.s32 s10, $0x1;
	s10 =	sld [smem:$0x3FB2];
	_ =	sdelay $0x3  }
0x37: {  	[smem:$0x3FB2] =	sst s10  }
0x38: {  	s10 =	sld [smem:$0x3FB3]  }
0x39: {  	_ = 	snop;
	(pc) =	sbr.ind lr, $3  }
0x3a: {  	_ = 	snop  }
0x3b: {  	_ = 	snop  }
0x3c: {  	p2 =	seq.s32 s10, $0x1;
	s10 =	sld [smem:$0x3FB2]  }
0x3d: {  	_ =	shalt  }
0x3e: {  	_ =	shalt  }
0x3f: {  	_ =	shalt  }
0x40: {  	_ =	shalt  }
0x41: {  	_ =	shalt  }
0x42: {  	_ =	shalt  }
0x43: {  	_ =	shalt  }
0x44: {  	_ =	shalt  }
0x45: {  	_ =	shalt  }
0x46: {  	_ =	shalt  }
0x47: {  	_ =	shalt  }
0x48: {  	_ =	shalt  }
0x49: {  	_ =	shalt  }
0x4a: {  	_ =	shalt  }
0x4b: {  	_ =	shalt  }
0x4c: {  	_ =	shalt  }
0x4d: {  	_ =	shalt  }
0x4e: {  	_ =	shalt  }
0x4f: {  	_ =	shalt  }
0x50: {  	_ =	shalt  }
0x51: {  	_ =	shalt  }
0x52: {  	_ =	shalt  }
0x53: {  	_ =	shalt  }
0x54: {  	_ =	shalt  }
0x55: {  	_ =	shalt  }
0x56: {  	_ =	shalt  }
0x57: {  	_ =	shalt  }
0x58: {  	_ =	shalt  }
0x59: {  	_ =	shalt  }
0x5a: {  	_ =	shalt  }
0x5b: {  	_ =	shalt  }
0x5c: {  	_ =	shalt  }
0x5d: {  	_ =	shalt  }
0x5e: {  	_ =	shalt  }
0x5f: {  	_ =	shalt  }
0x60: {  	_ =	shalt  }
0x61: {  	_ =	shalt  }
0x62: {  	_ =	shalt  }
0x63: {  	_ =	shalt  }
0x64: {  	_ =	shalt  }
0x65: {  	_ =	shalt  }
0x66: {  	_ =	shalt  }
0x67: {  	_ =	shalt  }
0x68: {  	_ =	shalt  }
0x69: {  	_ =	shalt  }
0x6a: {  	_ =	shalt  }
0x6b: {  	_ =	shalt  }
0x6c: {  	_ =	shalt  }
0x6d: {  	_ =	shalt  }
0x6e: {  	_ =	shalt  }
0x6f: {  	_ =	shalt  }
0x70: {  	_ =	shalt  }
0x71: {  	_ =	shalt  }
0x72: {  	_ =	shalt  }
0x73: {  	_ =	shalt  }
0x74: {  	_ =	shalt  }
0x75: {  	_ =	shalt  }
0x76: {  	_ =	shalt  }
0x77: {  	_ =	shalt  }
0x78: {  	_ =	shalt  }
0x79: {  	_ =	shalt  }
0x7a: {  	_ =	shalt  }
0x7b: {  	_ =	shalt  }
0x7c: {  	_ =	shalt  }
0x7d: {  	_ =	shalt  }
0x7e: {  	_ =	shalt  }
0x7f: {  	_ =	shalt  }
0x80: {  	_ =	shalt  }
0x81: {  	_ =	shalt  }
0x82: {  	_ =	shalt  }
0x83: {  	_ =	shalt  }
0x84: {  	_ =	shalt  }
0x85: {  	_ =	shalt  }
0x86: {  	_ =	shalt  }
0x87: {  	_ =	shalt  }
.Lfunc_end0:
.L_simem_size_0:
called_computation_lowered:
.L_overlay_start_0:
0x88: {  	s2 =	sld [smem:$0x3FD9]  }
0x89: {  	s3 =	sld [smem:$0x3FFE];
	_ =	sdelay $0x1  }
0x8a: {  	s1 =	srdreg.scid  }
0x8b: {  	s0 =	sand.u32 $0x1, s1  }
0x8c: {  	s16 =	sshll.u32 s0, $0xA;
	s2 =	sadd.s32 s3, s2  }
0x8d: {  	s2 =	sadd.s32 s2, s16  }
0x8e: {  	[smem:$0x3FBE] =	sst s2  }
0x8f: {  	_ = 	snop  }
0x90: {  	(tm) =	ssettm $0x1  }
0x91: {  	s17 =	sld [smem:$0x3FFB];
	_ =	sdelay $0x3  }
0x92: {  	_ =	strace s17  }
0x93: {  	s2 =	sld [smem:$0x3FFC];
	_ =	sdelay $0x3  }
0x94: {  	_ =	strace s2  }
0x95: {  	s2 =	sld [smem:$0x3FFD];
	_ =	sdelay $0x3  }
0x96: {  	_ =	strace s2  }
0x97: {  	_ =	strace $0x8FFFFFFF  }
0x98: {  	s18 =	sld [smem:$0x3FDB];
	_ =	sdelay $0x1  }
0x99: {  	s19 =	simm.s32 $_scs_section_size  }
0x9a: {  	s4 =	simm.s32 $_size__tile_overlayer_lowered;
	s5 =	simm.s32 $_tile_overlayer_lowered  }
0x9b: {  	s22 =	simm.s32 $0x1BFF;
	s21 =	sshll.u32 s5, $0x1;
	s2 =	sadd.s32 s19, s18  }
0x9c: {  	s6 =	simm.s32 $0x0;
	s20 =	sshll.u32 s4, $0x1;
	s4 =	sadd.s32 s21, s2  }
0x9d: {  	[timem:s6], [sflag:s22] =	dma.local [hbm:s4], s20  }
0x9e: {  	_ =	swait.ge [sflag:s22], s20  }
0x9f: {  	s3 =	ssub.s32 $0x0, s20;
	[sflag:s22] =	ssyncset.done $0x0  }
0xa0: {  	[sflag:s22] =	ssyncadd.s32 s3;
	_ =	sdelay $0x1  }
0xa1: {  	s23 =	simm.s32 $0x1B8B  }
0xa2: {  	_ =	swait.ge [sflag:s23], $0x1  }
0xa3: {  	[sflag:s23] =	ssyncset.done $0x0  }
0xa4: {  	s25 =	simm.s32 $0x1B8E;
	s24 =	sld [smem:$0x3FFE];
	[sflag:s23] =	ssyncadd.s32 $0xFFFFFFFF  }
0xa5: {  	s26 =	simm.s32 $execute0_lowered;
	[smem:$0x3FD2] =	sst s25  }
0xa6: {  	s4 =	sshll.u32 s26, $0x1;
	_ =	strace $0x80000046;
	[dreg:$0x1] =	wrdreg $0xFFFFFFFF  }
0xa7: {  	s28 =	simm.s32 $_size_execute0_lowered;
	s2 =	sadd.s32 s2, s4;
	[dreg:$0x0] =	wrdreg $0x0  }
0xa8: {  	s4 =	sshll.u32 s28, $0x1;
	[dreg:$0x2] =	wrdreg s2  }
0xa9: {  	[dreg:$0x3] =	wrdreg s4  }
0xaa: {  	[dreg:$0x4] =	wrdreg $0xC0  }
0xab: {  	_ =	task [dreg:s6], $0x5FFFF  }
0xac: {  	[dreg:$0x1] =	wrdreg $0xFFFFFFFF  }
0xad: {  	[dreg:$0x0] =	wrdreg $0x60  }
0xae: {  	[dreg:$0x2] =	wrdreg s24  }
0xaf: {  	[dreg:$0x3] =	wrdreg $0x9  }
0xb0: {  	_ =	task.clear_ibuf [dreg:s6], $0x4FFFF;
	_ =	strace $0x90000046  }
0xb1: {  	s29 =	simm.s32 $0x9;
	_ =	strace $0x80000048  }
0xb2: {  	_ =	swait.ge [sflag:s29], $0x1  }
0xb3: {  	[sflag:s29] =	ssyncadd.s32 $0xFFFFFFFF  }
0xb4: {  	_ =	strace $0x90000048  }
0xb5: {  	_ =	sfence  }
0xb6: {  	s30 =	sld [smem:$0x0];
	_ =	sdelay $0x2  }
0xb7: {  	s31 =	sshll.u32 s1, $0xD;
	s1 =	sshrl.u32 s1, $0x2  }
0xb8: {  	s3 =	sand.u32 $0x4000, s31;
	s1 =	sadd.s32 s1, s30  }
0xb9: {  	s0 =	sor.u32 s3, s0;
	s1 =	sshll.u32 s1, $0x11  }
0xba: {  	s0 =	sor.u32 s1, s0  }
0xbb: {  	s0 =	sadd.s32 $0x8F2B, s0  }
0xbc: {  	[sflag:s0] =	ssyncadd.remote.s32 $0x1  }
0xbd: {  	_ =	sfence.sel $0xFFFF  }
0xbe: {  	[dreg:$0x0] =	wrdreg $0xFFFFFFFF;
	(pc) =	sbr.abs _section_cstart, $3  }
0xbf: {  	[dreg:$0x1] =	wrdreg $0xFFFFFFFF  }
0xc0: {  	_ =	task.clear_ibuf [dreg:s6], $0x2FFFF;
	_ =	strace $0x9FFFFFFF  }
0xc1: {  	(tm) =	ssettm $0x7FFFFFFF  }
tec
execute0_lowered:
.L_overlay_start_1:
0x0: {  	(tag) =	ssettag $0x1  }
0x1: {  	s5 =	rddreg [dreg:$0x0]  }
0x2: {  	s0 =	rddreg [dreg:$0x1]  }
0x3: {  	s2 =	simm.s32 $0x0;
	s3 =	srdreg.scid;
	s1 =	stileid.u32  }
0x4: {  	s12 =	simm.s32 $0xD00;
	s13 =	simm.s32 $0x68;
	s14 =	simm.s32 $0x2600  }
0x5: {  	s15 =	simm.s32 $0x1;
	s16 =	simm.s32 $0x2;
	s17 =	simm.s32 $0x3  }
0x6: {  	s18 =	simm.s32 $0x4;
	s19 =	simm.s32 $0x0;
	[smem:$0x7FF] =	sst s2  }
0x7: {  	s7 =	sand.u32 $0x1, s3;
	s8 =	smul.u32 $0x320000, s1;
	s4 =	sadd.s32 $0x188600, s5  }
0x8: {  	s3 =	sadd.s32 $0x1C00, s5;
	s5 =	sadd.s32 $0x24BC00, s5;
	s29 =	smul.u32 $0x64000, s1  }
0x9: {  	s28 =	sshll.u32 s1, $0x9;
	_ =	strace $0x80000047;
	s10 =	smul.u32 $0x190000, s7  }
0xa: {  	s6 =	ssub.s32 $0x2, s7;
	s11 =	sshll.u32 s7, $0x8;
	s30 =	smul.u32 $0x32000, s7  }
0xb: {  	s9 =	sshrl.u32 s6, $0x1;
	s31 =	sadd.s32 s29, s5;
	s8 =	sadd.s32 s10, s8  }
0xc: {  	s9 =	ssub.s32 s6, s9;
	s6 =	sor.u32 s11, s28;
	s8 =	sor.u32 $0x1900, s8  }
0xd: {  	s10 =	simm.s32 $0x5;
	s11 =	simm.s32 $0x64;
	s8 =	sshrl.u32 s8, $0x3  }
0xe: {  	s7 =	smax.u32 s9, $0x1;
	s9 =	sadd.s32 s30, s31;
	s8 =	sadd.s32 s8, s5  }
.LBB2_1:
0xf: {  	s20 =	smov.u32 s9;
	s21 =	smov.u32 s8;
	s22 =	simm.s32 $0x0  }
.LBB2_2:
0x10: {  	s23 =	sshll.u32 s22, $0x5  }
0x11: {  	s23 =	sadd.s32 s6, s23  }
0x12: {  	s24 =	smul.u32 $0xD, s23;
	_ =	sdelay $0x1  }
0x13: {  	s25 =	simm.s32 $0x0;
	s24 =	sadd.s32 s3, s24  }
0x14: {  	[tilespmem:s25], [sflag:$0x5] =	stream.linear.gather [hbm4b:s24+s25], $0xD00, $0x38;
	[tilespmem:$0x3F00] =	vst v63  }
0x15: {  	_ =	swait.ge [sflag:s10], $0xD00  }
0x16: {  	[sflag:s10] =	ssyncset.done $0x0  }
0x17: {  	[sflag:s10] =	ssyncadd.s32 $0xFFFFF300  }
0x18: {  	[tilespmem:s12], [sflag:$0x1] =	stream.indirect.gather [hbm4b:s4+s11], $0x40, s25, s11, $0xb8;
	[tilespmem:$0x3F00] =	vst v63  }
0x19: {  	_ = 	snop  }
0x1a: {  	[tilespmem:s14], [sflag:$0x2] =	stream.indirect.gather [hbm4b:s4+s11], $0x40, s13, s11, $0xb8;
	[tilespmem:$0x3F00] =	vst v63  }
0x1b: {  	_ =	swait.ge [sflag:s15], $0x1900  }
0x1c: {  	[sflag:s15] =	ssyncset.done $0x0  }
0x1d: {  	s29 =	sadd.s32 $0x0, s20;
	[sflag:s15] =	ssyncadd.s32 $0xFFFFE700  }
0x1e: {  	[hbm4b:s29+s2] =	stream.linear.scatter [tilespmem:s12], [sflag:$0x3], $0x1900, $0x38;
	[tilespmem:$0x3F00] =	vst v63  }
0x1f: {  	_ =	swait.ge [sflag:s16], $0x1900  }
0x20: {  	[sflag:s16] =	ssyncset.done $0x0  }
0x21: {  	s30 =	sadd.s32 $0x0, s21;
	[sflag:s16] =	ssyncadd.s32 $0xFFFFE700  }
0x22: {  	[hbm4b:s30+s2] =	stream.linear.scatter [tilespmem:s14], [sflag:$0x4], $0x1900, $0x38;
	[tilespmem:$0x3F00] =	vst v63  }
0x23: {  	_ =	swait.ge [sflag:s17], $0x1900  }
0x24: {  	[sflag:s17] =	ssyncset.done $0x0  }
0x25: {  	s31 =	simm.s32 $0xD0;
	[sflag:s17] =	ssyncadd.s32 $0xFFFFE700  }
0x26: {  	[tilespmem:s12], [sflag:$0x1] =	stream.indirect.gather [hbm4b:s4+s11], $0x40, s31, s11, $0xb8;
	[tilespmem:$0x3F00] =	vst v63  }
0x27: {  	_ =	swait.ge [sflag:s18], $0x1900  }
0x28: {  	s26 =	simm.s32 $0x208;
	[sflag:s18] =	ssyncset.done $0x0  }
0x29: {  	s24 =	simm.s32 $0x138;
	s25 =	simm.s32 $0x640;
	[sflag:s18] =	ssyncadd.s32 $0xFFFFE700  }
.LBB2_3:
0x2a: {  	[tilespmem:s14], [sflag:$0x2] =	stream.indirect.gather [hbm4b:s4+s11], $0x40, s24, s11, $0xb8;
	[tilespmem:$0x3F00] =	vst v63  }
0x2b: {  	s28 =	smov.u32 s25;
	s24 =	smov.u32 s26  }
0x2c: {  	p0 =	sne.s32 s25, $0x5780;
	s25 =	sadd.s32 $0x640, s25;
	_ =	swait.ge [sflag:s15], $0x1900  }
0x2d: {  	[sflag:s15] =	ssyncset.done $0x0  }
0x2e: {  	s29 =	sadd.s32 s28, s20;
	[sflag:s15] =	ssyncadd.s32 $0xFFFFE700  }
0x2f: {  	[hbm4b:s29+s2] =	stream.linear.scatter [tilespmem:s12], [sflag:$0x3], $0x1900, $0x38;
	[tilespmem:$0x3F00] =	vst v63  }
0x30: {  	_ =	swait.ge [sflag:s16], $0x1900  }
0x31: {  	[sflag:s16] =	ssyncset.done $0x0  }
0x32: {  	s28 =	sadd.s32 s28, s21;
	[sflag:s16] =	ssyncadd.s32 $0xFFFFE700  }
0x33: {  	[hbm4b:s28+s2] =	stream.linear.scatter [tilespmem:s14], [sflag:$0x4], $0x1900, $0x38;
	[tilespmem:$0x3F00] =	vst v63  }
0x34: {  	_ =	swait.ge [sflag:s17], $0x1900  }
0x35: {  	[sflag:s17] =	ssyncset.done $0x0  }
.Ltmp0:
0x36: {  	s28 =	sadd.s32 $0xFFFFFF98, s26;
	[sflag:s17] =	ssyncadd.s32 $0xFFFFE700;
	(pc) =	sbr.rel @p0 .LBB2_3-.Ltmp0, $4  }
0x37: {  	[tilespmem:s12], [sflag:$0x1] =	stream.indirect.gather [hbm4b:s4+s11], $0x40, s28, s11, $0xb8;
	[tilespmem:$0x3F00] =	vst v63  }
0x38: {  	_ =	swait.ge [sflag:s18], $0x1900  }
0x39: {  	[sflag:s18] =	ssyncset.done $0x0  }
0x3a: {  	s26 =	sadd.s32 $0xD0, s26;
	[sflag:s18] =	ssyncadd.s32 $0xFFFFE700  }
0x3b: {  	[tilespmem:s14], [sflag:$0x2] =	stream.indirect.gather [hbm4b:s4+s11], $0x40, s24, s11, $0xb8;
	[tilespmem:$0x3F00] =	vst v63  }
0x3c: {  	s23 =	sor.u32 $0x1E, s23  }
0x3d: {  	_ =	swait.ge [sflag:s15], $0x1900;
	s31 =	smul.u32 $0x320, s23  }
0x3e: {  	[sflag:s15] =	ssyncset.done $0x0  }
0x3f: {  	s23 =	smul.u32 $0x1900, s23;
	[sflag:s15] =	ssyncadd.s32 $0xFFFFE700;
	s24 =	sadd.s32 s5, s31  }
0x40: {  	[hbm4b:s24+s2] =	stream.linear.scatter [tilespmem:s12], [sflag:$0x3], $0x1900, $0x38;
	[tilespmem:$0x3F00] =	vst v63  }
0x41: {  	s23 =	sshrl.u32 s23, $0x3;
	_ =	swait.ge [sflag:s16], $0x1900  }
0x42: {  	s23 =	sadd.s32 s5, s23;
	[sflag:s16] =	ssyncset.done $0x0  }
0x43: {  	s22 =	sadd.s32 $0x1, s22;
	s23 =	sadd.s32 $0x320, s23;
	[sflag:s16] =	ssyncadd.s32 $0xFFFFE700  }
0x44: {  	[hbm4b:s23+s2] =	stream.linear.scatter [tilespmem:s14], [sflag:$0x4], $0x1900, $0x38;
	[tilespmem:$0x3F00] =	vst v63  }
0x45: {  	p0 =	sne.s32 s22, $0x8;
	_ =	swait.ge [sflag:s17], $0x1900  }
.Ltmp1:
0x46: {  	[sflag:s17] =	ssyncset.done $0x0;
	(pc) =	sbr.rel @p0 .LBB2_2-.Ltmp1, $4  }
0x47: {  	[sflag:s17] =	ssyncadd.s32 $0xFFFFE700  }
0x48: {  	_ =	swait.ge [sflag:s18], $0x1900  }
0x49: {  	[sflag:s18] =	ssyncset.done $0x0  }
0x4a: {  	s21 =	sadd.s32 $0x6400, s21;
	s20 =	sadd.s32 $0x6400, s20;
	[sflag:s18] =	ssyncadd.s32 $0xFFFFE700  }
0x4b: {  	s19 =	sadd.s32 $0x1, s19  }
0x4c: {  	p0 =	sne.s32 s19, s7  }
.Ltmp2:
0x4d: {  	_ = 	snop;
	(pc) =	sbr.rel @p0 .LBB2_1-.Ltmp2, $1  }
0x4e: {  	_ =	sdelay $0x3  }
0x4f: {  	_ =	sfence.sel $0x180000  }
0x50: {  	[bflag:$0x0] =	sbarrier.arrive $0xFFFF  }
0x51: {  	p0 =	sne.s32 s1, $0x0;
	_ =	strace $0x90000047  }
0x52: {  	s0 =	sadd.s32 @!p0 $0x100000, s0;
	[bflag:$0x2] =	sbarrier.arrive $0xFFFF  }
0x53: {  	[sflag:s0] =	ssyncadd.tile.s32 @!p0 $0x1;
	_ =	shalt  }
.Lfunc_end2:
_tile_overlayer_lowered:
.L_overlay_start_2:
0x54: {  	(tag) =	ssettag $0x2  }
0x55: {  	s0 =	rddreg [dreg:$0x0];
	s2 =	stileid.u32  }
0x56: {  	s1 =	rddreg [dreg:$0x1];
	p0 =	sne.s32 s2, $0x0  }
0x57: {  	s3 =	rddreg [dreg:$0x2];
	[bflag:$0x3] =	sbarrier.arrive $0xFFFF;
	s2 =	simm.s32 @!p0 $0x1C05  }
0x58: {  	[timem:s3], [sflag:s2] =	dma.local @!p0 [hbm:s0], s1  }
0x59: {  	s0 =	simm.s32 @!p0 $0x5  }
0x5a: {  	_ =	swait.ge @!p0 [sflag:s0], s1  }
0x5b: {  	s1 =	ssub.s32 @!p0 $0x0, s1;
	[sflag:s0] =	ssyncset.done @!p0 $0x0  }
0x5c: {  	[sflag:s0] =	ssyncadd.s32 @!p0 s1  }
0x5d: {  	[bflag:$0x3] =	sbarrier.arrive $0xFFFF  }
0x5e: {  	_ =	shalt  }

// kernel: kernel.9.cloned.1.call-start
scs
__scs_entry_jumppad:
0x0: {  	(pc) =	sbr.rel $0x88, $3  }
0x1: {  	(tag) =	ssettag $0x0;
	lr =	simm.s32 $0x1  }
0x2: {  	[smem:$0x3F97] =	sst lr;
	_ =	strace $0xD0000000  }
0x3: {  	_ = 	snop  }
0x4: {  	_ = 	snop  }
0x5: {  	_ = 	snop  }
0x6: {  	_ = 	snop  }
0x7: {  	_ = 	snop  }
__scs_overlays_trampoline_lowered:
0x8: {  	[smem:$0x3FA6] =	sst s0  }
0x9: {  	[smem:$0x3FA7] =	sst s1  }
0xa: {  	[smem:$0x3FA8] =	sst s2  }
0xb: {  	[smem:$0x3FA9] =	sst s3  }
0xc: {  	[smem:$0x3FAA] =	sst s4  }
0xd: {  	[smem:$0x3FAB] =	sst s5  }
0xe: {  	[smem:$0x3FAC] =	sst s6  }
0xf: {  	[smem:$0x3FAD] =	sst s7  }
0x10: {  	[smem:$0x3FAE] =	sst s8  }
0x11: {  	[smem:$0x3FAF] =	sst s9;
	s0 =	simm.s32 @!p0 $0x0  }
0x12: {  	s1 =	sld [smem:$0x3F95];
	s0 =	simm.s32 @p0 $0x1  }
0x13: {  	[smem:$0x3FB0] =	sst s0;
	s0 =	simm.s32 @!p1 $0x0  }
0x14: {  	s2 =	sld [smem:$0x3F94];
	s0 =	simm.s32 @p1 $0x1  }
0x15: {  	[smem:$0x3FB1] =	sst s0;
	s0 =	simm.s32 @!p2 $0x0  }
0x16: {  	s3 =	sld [smem:$0x3FDB];
	s0 =	simm.s32 @p2 $0x1  }
0x17: {  	s4 =	simm.s32 $0x1BF5;
	[smem:$0x3FB3] =	sst s0  }
0x18: {  	s0 =	sld [smem:$0x3F96];
	_ =	swait.ge [sflag:s4], $0x0  }
0x19: {  	s7 =	sld [smem:$0x3F97]  }
0x1a: {  	s8 =	sadd.s32 $0xFFFFE003, lr  }
0x1b: {  	s9 =	sadd.s32 $0xFFFFFEF7, lr;
	s5 =	simm.s32 $0xFFFFFFFF;
	p2 =	slt.u32 s8, $0xFFFFF086  }
0x1c: {  	p1 =	slt.u32 s9, $0xF7A;
	s5 =	simm.s32 @!p2 $0x0  }
0x1d: {  	s5 =	simm.s32 @p1 $0x1;
	p0 =	seq.s32 s7, s2  }
0x1e: {  	s7 =	smul.u32 @!p0 $0xF7A, s2;
	p2 =	seq.s32 @!p0 s5, $0x0  }
0x1f: {  	s9 =	smul.u32 $0xF7A, s1;
	s8 =	simm.s32 @!p0 $0x1BF5;
	p2 =	por !p2, p0  }
0x20: {  	[sflag:s8] =	ssyncset.s32 @!p0 $0xFFFFF086;
	s6 =	sadd.s32 @!p0 s3, s7;
	s7 =	simm.s32 @!p0 $0x108  }
0x21: {  	s3 =	sadd.s32 s3, s9;
	s6 =	sadd.s32 @!p0 $0x88, s6;
	s7 =	simm.s32 @p2 $0x1082  }
0x22: {  	[simem:s7], [sflag:s8] =	dma.local @!p0 [hbm:s6], $0xF7A  }
0x23: {  	s9 =	sor.u32 $0xD0000000, s2;
	s6 =	simm.s32 $0x108;
	_ =	swait.ge @!p0 [sflag:s8], $0x0  }
0x24: {  	s3 =	sadd.s32 $0x88, s3;
	s6 =	simm.s32 @!p1 $0x1082;
	[sflag:s4] =	ssyncset.s32 $0xFFFFF086  }
0x25: {  	[simem:s6], [sflag:s4] =	dma.local [hbm:s3], $0xF7A  }
0x26: {  	[smem:$0x3F97] =	sst s1;
	(tag) =	ssettag s2;
	_ =	strace s9  }
0x27: {  	s1 =	sld [smem:$0x3FA7]  }
0x28: {  	s2 =	sld [smem:$0x3FA8]  }
0x29: {  	s4 =	sld [smem:$0x3FAA]  }
0x2a: {  	p0 =	seq.s32 s5, $0x0;
	s5 =	sld [smem:$0x3FAB]  }
0x2b: {  	s6 =	sld [smem:$0x3FAC]  }
0x2c: {  	s7 =	sld [smem:$0x3FAD]  }
0x2d: {  	s3 =	simm.s32 $0x108;
	s8 =	sld [smem:$0x3FAE]  }
0x2e: {  	s3 =	simm.s32 @!p0 $0x1082;
	s9 =	sld [smem:$0x3FAF]  }
0x2f: {  	lr =	sadd.s32 s0, s3;
	s0 =	sld [smem:$0x3FA6]  }
0x30: {  	s3 =	sld [smem:$0x3FA9]  }
0x31: {  	[smem:$0x3FB2] =	sst s10  }
0x32: {  	s10 =	sld [smem:$0x3FB0];
	_ =	sdelay $0x3  }
0x33: {  	p0 =	seq.s32 s10, $0x1;
	s10 =	sld [smem:$0x3FB2];
	_ =	sdelay $0x3  }
0x34: {  	[smem:$0x3FB2] =	sst s10  }
0x35: {  	s10 =	sld [smem:$0x3FB1];
	_ =	sdelay $0x3  }
0x36: {  	p1 =	seq.s32 s10, $0x1;
	s10 =	sld [smem:$0x3FB2];
	_ =	sdelay $0x3  }
0x37: {  	[smem:$0x3FB2] =	sst s10  }
0x38: {  	s10 =	sld [smem:$0x3FB3]  }
0x39: {  	_ = 	snop;
	(pc) =	sbr.ind lr, $3  }
0x3a: {  	_ = 	snop  }
0x3b: {  	_ = 	snop  }
0x3c: {  	p2 =	seq.s32 s10, $0x1;
	s10 =	sld [smem:$0x3FB2]  }
0x3d: {  	_ =	shalt  }
0x3e: {  	_ =	shalt  }
0x3f: {  	_ =	shalt  }
0x40: {  	_ =	shalt  }
0x41: {  	_ =	shalt  }
0x42: {  	_ =	shalt  }
0x43: {  	_ =	shalt  }
0x44: {  	_ =	shalt  }
0x45: {  	_ =	shalt  }
0x46: {  	_ =	shalt  }
0x47: {  	_ =	shalt  }
0x48: {  	_ =	shalt  }
0x49: {  	_ =	shalt  }
0x4a: {  	_ =	shalt  }
0x4b: {  	_ =	shalt  }
0x4c: {  	_ =	shalt  }
0x4d: {  	_ =	shalt  }
0x4e: {  	_ =	shalt  }
0x4f: {  	_ =	shalt  }
0x50: {  	_ =	shalt  }
0x51: {  	_ =	shalt  }
0x52: {  	_ =	shalt  }
0x53: {  	_ =	shalt  }
0x54: {  	_ =	shalt  }
0x55: {  	_ =	shalt  }
0x56: {  	_ =	shalt  }
0x57: {  	_ =	shalt  }
0x58: {  	_ =	shalt  }
0x59: {  	_ =	shalt  }
0x5a: {  	_ =	shalt  }
0x5b: {  	_ =	shalt  }
0x5c: {  	_ =	shalt  }
0x5d: {  	_ =	shalt  }
0x5e: {  	_ =	shalt  }
0x5f: {  	_ =	shalt  }
0x60: {  	_ =	shalt  }
0x61: {  	_ =	shalt  }
0x62: {  	_ =	shalt  }
0x63: {  	_ =	shalt  }
0x64: {  	_ =	shalt  }
0x65: {  	_ =	shalt  }
0x66: {  	_ =	shalt  }
0x67: {  	_ =	shalt  }
0x68: {  	_ =	shalt  }
0x69: {  	_ =	shalt  }
0x6a: {  	_ =	shalt  }
0x6b: {  	_ =	shalt  }
0x6c: {  	_ =	shalt  }
0x6d: {  	_ =	shalt  }
0x6e: {  	_ =	shalt  }
0x6f: {  	_ =	shalt  }
0x70: {  	_ =	shalt  }
0x71: {  	_ =	shalt  }
0x72: {  	_ =	shalt  }
0x73: {  	_ =	shalt  }
0x74: {  	_ =	shalt  }
0x75: {  	_ =	shalt  }
0x76: {  	_ =	shalt  }
0x77: {  	_ =	shalt  }
0x78: {  	_ =	shalt  }
0x79: {  	_ =	shalt  }
0x7a: {  	_ =	shalt  }
0x7b: {  	_ =	shalt  }
0x7c: {  	_ =	shalt  }
0x7d: {  	_ =	shalt  }
0x7e: {  	_ =	shalt  }
0x7f: {  	_ =	shalt  }
0x80: {  	_ =	shalt  }
0x81: {  	_ =	shalt  }
0x82: {  	_ =	shalt  }
0x83: {  	_ =	shalt  }
0x84: {  	_ =	shalt  }
0x85: {  	_ =	shalt  }
0x86: {  	_ =	shalt  }
0x87: {  	_ =	shalt  }
.Lfunc_end0:
.L_simem_size_0:
called_computation.1_lowered:
.L_overlay_start_0:
0x88: {  	s2 =	sld [smem:$0x3FD9]  }
0x89: {  	s3 =	sld [smem:$0x3FFE];
	_ =	sdelay $0x1  }
0x8a: {  	s1 =	srdreg.scid  }
0x8b: {  	s0 =	sand.u32 $0x1, s1  }
0x8c: {  	s14 =	sshll.u32 s0, $0xA;
	s2 =	sadd.s32 s3, s2  }
0x8d: {  	s2 =	sadd.s32 s2, s14  }
0x8e: {  	[smem:$0x3FBE] =	sst s2  }
0x8f: {  	_ = 	snop  }
0x90: {  	s2 =	sld [smem:$0x3FD0];
	_ =	sdelay $0x1  }
0x91: {  	s15 =	sld [smem:$0x3FC6]  }
0x92: {  	s5 =	simm.s32 $0xA;
	s6 =	simm.s32 $0x10;
	s4 =	sld [smem:$0x3FC4]  }
0x93: {  	[smem:s6], [sflag:s5] =	dma.local [hbm:s2], $0x1  }
0x94: {  	_ =	swait.eq [sflag:s5], $0x1  }
0x95: {  	[sflag:s5] =	ssyncset.done $0x0  }
0x96: {  	s16 =	sld [smem:$0x10];
	[sflag:s5] =	ssyncadd.s32 $0xFFFFFFFF  }
0x97: {  	s17 =	sld [smem:$0x11];
	(tm) =	ssettm $0x1  }
0x98: {  	s18 =	sld [smem:$0x3FFB];
	_ =	sdelay $0x3  }
0x99: {  	_ =	strace s18  }
0x9a: {  	s6 =	sld [smem:$0x3FFC];
	_ =	sdelay $0x3  }
0x9b: {  	_ =	strace s6  }
0x9c: {  	s6 =	sld [smem:$0x3FFD];
	_ =	sdelay $0x3  }
0x9d: {  	_ =	strace s6  }
0x9e: {  	_ =	strace $0x8FFFFFFF  }
0x9f: {  	s19 =	sld [smem:$0x3FDB];
	_ =	sdelay $0x1  }
0xa0: {  	s7 =	simm.s32 $_scs_section_size  }
0xa1: {  	s8 =	simm.s32 $_size__tile_overlayer_lowered;
	s9 =	simm.s32 $_tile_overlayer_lowered  }
0xa2: {  	s22 =	simm.s32 $0x1BFF;
	s21 =	sshll.u32 s9, $0x1;
	s6 =	sadd.s32 s7, s19  }
0xa3: {  	s10 =	simm.s32 $0x0;
	s20 =	sshll.u32 s8, $0x1;
	s8 =	sadd.s32 s21, s6  }
0xa4: {  	[timem:s10], [sflag:s22] =	dma.local [hbm:s8], s20  }
0xa5: {  	_ =	swait.ge [sflag:s22], s20  }
0xa6: {  	s7 =	ssub.s32 $0x0, s20;
	[sflag:s22] =	ssyncset.done $0x0  }
0xa7: {  	[sflag:s22] =	ssyncadd.s32 s7;
	_ =	sdelay $0x1  }
0xa8: {  	s23 =	simm.s32 $0x1B8B  }
0xa9: {  	_ =	swait.ge [sflag:s23], $0x1  }
0xaa: {  	[sflag:s23] =	ssyncset.done $0x0  }
0xab: {  	s25 =	simm.s32 $0x1B8E;
	s24 =	sld [smem:$0x3FFE];
	[sflag:s23] =	ssyncadd.s32 $0xFFFFFFFF  }
0xac: {  	s26 =	simm.s32 $execute0_lowered;
	[smem:$0x3FD2] =	sst s25  }
0xad: {  	s8 =	sshll.u32 s26, $0x1;
	_ =	strace $0x80000049;
	[dreg:$0x1] =	wrdreg $0xFFFFFFFF  }
0xae: {  	s28 =	simm.s32 $_size_execute0_lowered;
	s6 =	sadd.s32 s6, s8;
	[dreg:$0x0] =	wrdreg $0x0  }
0xaf: {  	s8 =	sshll.u32 s28, $0x1;
	[dreg:$0x2] =	wrdreg s6  }
0xb0: {  	[dreg:$0x3] =	wrdreg s8  }
0xb1: {  	[dreg:$0x4] =	wrdreg $0xC0  }
0xb2: {  	_ =	task [dreg:s10], $0x5FFFF  }
0xb3: {  	[dreg:$0x1] =	wrdreg $0xFFFFFFFF  }
0xb4: {  	[dreg:$0x0] =	wrdreg $0x60  }
0xb5: {  	[dreg:$0x2] =	wrdreg s17  }
0xb6: {  	[dreg:$0x3] =	wrdreg s24  }
0xb7: {  	[dreg:$0x4] =	wrdreg s15  }
0xb8: {  	[dreg:$0x5] =	wrdreg s4  }
0xb9: {  	[dreg:$0x6] =	wrdreg s16  }
0xba: {  	[dreg:$0x7] =	wrdreg $0x44000  }
0xbb: {  	[dreg:$0x8] =	wrdreg $0x9  }
0xbc: {  	_ =	task.clear_ibuf [dreg:s10], $0x9FFFF;
	_ =	strace $0x90000049  }
0xbd: {  	s29 =	simm.s32 $0x9;
	_ =	strace $0x8000004B  }
0xbe: {  	_ =	swait.ge [sflag:s29], $0x1  }
0xbf: {  	[sflag:s29] =	ssyncadd.s32 $0xFFFFFFFF  }
0xc0: {  	_ =	strace $0x9000004B  }
0xc1: {  	_ =	sfence  }
0xc2: {  	s30 =	sld [smem:$0x0];
	_ =	sdelay $0x2  }
0xc3: {  	s31 =	sshll.u32 s1, $0xD;
	s1 =	sshrl.u32 s1, $0x2  }
0xc4: {  	s3 =	sand.u32 $0x4000, s31;
	s1 =	sadd.s32 s1, s30  }
0xc5: {  	s0 =	sor.u32 s3, s0;
	s1 =	sshll.u32 s1, $0x11  }
0xc6: {  	s0 =	sor.u32 s1, s0  }
0xc7: {  	s0 =	sadd.s32 $0x8F2B, s0  }
0xc8: {  	[sflag:s0] =	ssyncadd.remote.s32 $0x1  }
0xc9: {  	_ =	sfence.sel $0xFFFF  }
0xca: {  	[dreg:$0x0] =	wrdreg $0xFFFFFFFF;
	(pc) =	sbr.abs _section_cstart, $3  }
0xcb: {  	[dreg:$0x1] =	wrdreg $0xFFFFFFFF  }
0xcc: {  	_ =	task.clear_ibuf [dreg:s10], $0x2FFFF;
	_ =	strace $0x9FFFFFFF  }
0xcd: {  	(tm) =	ssettm $0x7FFFFFFF  }
tec
execute0_lowered:
.L_overlay_start_1:
0x0: {  	(tag) =	ssettag $0x1  }
0x1: {  	s1 =	rddreg [dreg:$0x0]  }
0x2: {  	s0 =	rddreg [dreg:$0x1]  }
0x3: {  	s2 =	rddreg [dreg:$0x2]  }
0x4: {  	s6 =	rddreg [dreg:$0x3]  }
0x5: {  	s4 =	rddreg [dreg:$0x5];
	s5 =	simm.s32 $0x0;
	s3 =	stileid.u32  }
0x6: {  	s7 =	srdreg.scid;
	[smem:$0x7FF] =	sst s5  }
0x7: {  	s19 =	sshll.u32 s3, $0x9;
	s20 =	sand.u32 $0x1, s7;
	s17 =	sshll.u32 s3, $0xE  }
0x8: {  	s31 =	sshll.u32 s3, $0xB;
	_ =	strace $0x8000004A;
	s21 =	sadd.s32 s19, s0  }
0x9: {  	s8 =	ssub.s32 $0x2, s20;
	s0 =	sadd.s32 $0x1C00, s0;
	s7 =	sadd.s32 s17, s4  }
0xa: {  	p0 =	seq.s32 s20, $0x1;
	s2 =	sadd.s32 s2, s19;
	s24 =	sadd.s32 s6, s19  }
0xb: {  	s6 =	simm.s32 $0x80;
	s19 =	simm.s32 $0x3000;
	s20 =	simm.s32 $0x1  }
0xc: {  	[dreg:$0x7] =	wrdreg s0;
	s18 =	sshrl.u32 s8, $0x1;
	s9 =	sadd.s32 $0x800, s7  }
0xd: {  	s10 =	sadd.s32 $0xC00, s7;
	s11 =	sadd.s32 $0x1000, s7;
	s12 =	sadd.s32 $0x1400, s7  }
0xe: {  	s13 =	sadd.s32 $0x1800, s7;
	s14 =	sadd.s32 $0x1C00, s7;
	s15 =	sadd.s32 $0x2000, s7  }
0xf: {  	s16 =	sadd.s32 $0x2400, s7;
	s17 =	sadd.s32 $0x2800, s7;
	[dreg:$0xa] =	wrdreg s2  }
0x10: {  	s22 =	sadd.s32 $0x1FC00, s21;
	s23 =	sadd.s32 $0x21C00, s21;
	[dreg:$0xb] =	wrdreg s24  }
0x11: {  	s25 =	sadd.s32 $0x1BC00, s21;
	s26 =	sadd.s32 $0x1DC00, s21;
	s28 =	sadd.s32 $0x3400, s7  }
.Ltmp0:
0x12: {  	s29 =	sadd.s32 $0x3800, s7;
	[dreg:$0x8] =	wrdreg s22;
	(pc) =	sbr.rel .LBB2_1-.Ltmp0, $4  }
0x13: {  	s30 =	sadd.s32 $0x3C00, s7;
	s2 =	simm.s32 $0x2;
	[dreg:$0x9] =	wrdreg s23  }
0x14: {  	s21 =	simm.s32 $0x3800;
	s0 =	ssub.s32 s8, s18;
	[dreg:$0xc] =	wrdreg s25  }
0x15: {  	s8 =	sadd.s32 $0x400, s7;
	s18 =	sadd.s32 $0x2C00, s7;
	[dreg:$0xd] =	wrdreg s26  }
0x16: {  	v0 =	vimm.f32 $0.0e+00;
	s26 =	sadd.s32 $0x3000, s7;
	s25 =	smax.u32 s0, $0x1;
	s0 =	simm.s32 $0x4000  }
.LBB2_4:
0x17: {  	s22 =	rddreg [dreg:$0x4]  }
.LBB2_8:
0x18: {  	s22 =	sadd.s32 s22, s31;
	s5 =	sadd.s32 $0x1, s5  }
0x19: {  	s23 =	sshll.u32 s3, $0x6;
	[bflag:$0x0] =	sbarrier.arrive $0xFFFF;
	p1 =	sne.s32 s5, s25  }
.Ltmp1:
0x1a: {  	s24 =	sshrl.u32 s7, $0x3;
	s23 =	sor.u32 $0x1C02, s23;
	(pc) =	sbr.rel @!p1 .LBB2_9-.Ltmp1, $4  }
0x1b: {  	[hbm:s22], [sflag:s23] =	dma.local [spmem:s24], $0x800  }
0x1c: {  	_ =	swait.ge [sflag:s2], $0x800  }
0x1d: {  	[sflag:s2] =	ssyncset.done $0x0  }
0x1e: {  	[sflag:s2] =	ssyncadd.s32 $0xFFFFF800  }
.LBB2_1:
0x1f: {  	[tilespmem:$0x4000] =	vst v0  }
0x20: {  	[tilespmem:$0x4010] =	vst v0  }
0x21: {  	[tilespmem:$0x4020] =	vst v0  }
0x22: {  	[tilespmem:$0x4030] =	vst v0  }
0x23: {  	[tilespmem:$0x4040] =	vst v0  }
0x24: {  	[tilespmem:$0x4050] =	vst v0  }
0x25: {  	[tilespmem:$0x4060] =	vst v0  }
0x26: {  	[tilespmem:$0x4070] =	vst v0  }
0x27: {  	[tilespmem:$0x4080] =	vst v0  }
0x28: {  	[tilespmem:$0x4090] =	vst v0  }
0x29: {  	[tilespmem:$0x40A0] =	vst v0  }
0x2a: {  	[tilespmem:$0x40B0] =	vst v0  }
0x2b: {  	[tilespmem:$0x40C0] =	vst v0  }
0x2c: {  	[tilespmem:$0x40D0] =	vst v0  }
0x2d: {  	[tilespmem:$0x40E0] =	vst v0  }
0x2e: {  	[tilespmem:$0x40F0] =	vst v0  }
0x2f: {  	[tilespmem:$0x4100] =	vst v0  }
0x30: {  	[tilespmem:$0x4110] =	vst v0  }
0x31: {  	[tilespmem:$0x4120] =	vst v0  }
0x32: {  	[tilespmem:$0x4130] =	vst v0  }
0x33: {  	[tilespmem:$0x4140] =	vst v0  }
0x34: {  	[tilespmem:$0x4150] =	vst v0  }
0x35: {  	[tilespmem:$0x4160] =	vst v0  }
0x36: {  	[tilespmem:$0x4170] =	vst v0  }
0x37: {  	[tilespmem:$0x4180] =	vst v0  }
0x38: {  	[tilespmem:$0x4190] =	vst v0  }
0x39: {  	[tilespmem:$0x41A0] =	vst v0  }
0x3a: {  	[tilespmem:$0x41B0] =	vst v0  }
0x3b: {  	[tilespmem:$0x41C0] =	vst v0  }
0x3c: {  	[tilespmem:$0x41D0] =	vst v0  }
0x3d: {  	[tilespmem:$0x41E0] =	vst v0  }
0x3e: {  	[tilespmem:$0x41F0] =	vst v0  }
0x3f: {  	[tilespmem:$0x4200] =	vst v0  }
0x40: {  	[tilespmem:$0x4210] =	vst v0  }
0x41: {  	[tilespmem:$0x4220] =	vst v0  }
0x42: {  	[tilespmem:$0x4230] =	vst v0  }
0x43: {  	[tilespmem:$0x4240] =	vst v0  }
0x44: {  	[tilespmem:$0x4250] =	vst v0  }
0x45: {  	[tilespmem:$0x4260] =	vst v0  }
0x46: {  	[tilespmem:$0x4270] =	vst v0  }
0x47: {  	[tilespmem:$0x4280] =	vst v0  }
0x48: {  	[tilespmem:$0x4290] =	vst v0  }
0x49: {  	[tilespmem:$0x42A0] =	vst v0  }
0x4a: {  	[tilespmem:$0x42B0] =	vst v0  }
0x4b: {  	[tilespmem:$0x42C0] =	vst v0  }
0x4c: {  	[tilespmem:$0x42D0] =	vst v0  }
0x4d: {  	[tilespmem:$0x42E0] =	vst v0  }
0x4e: {  	[tilespmem:$0x42F0] =	vst v0  }
0x4f: {  	[tilespmem:$0x4300] =	vst v0  }
0x50: {  	[tilespmem:$0x4310] =	vst v0  }
0x51: {  	[tilespmem:$0x4320] =	vst v0  }
0x52: {  	[tilespmem:$0x4330] =	vst v0  }
0x53: {  	[tilespmem:$0x4340] =	vst v0  }
0x54: {  	[tilespmem:$0x4350] =	vst v0  }
0x55: {  	[tilespmem:$0x4360] =	vst v0  }
0x56: {  	[tilespmem:$0x4370] =	vst v0  }
0x57: {  	[tilespmem:$0x4380] =	vst v0  }
0x58: {  	[tilespmem:$0x4390] =	vst v0  }
0x59: {  	[tilespmem:$0x43A0] =	vst v0  }
0x5a: {  	[tilespmem:$0x43B0] =	vst v0  }
0x5b: {  	[tilespmem:$0x43C0] =	vst v0  }
0x5c: {  	[tilespmem:$0x43D0] =	vst v0  }
0x5d: {  	[tilespmem:$0x43E0] =	vst v0  }
0x5e: {  	[tilespmem:$0x43F0] =	vst v0  }
0x5f: {  	[spmem:s7] =	stream.linear.scatter [tilespmem:s0], [sflag:$0x2], $0x400, $0x38;
	[tilespmem:$0x8400] =	vst v63  }
0x60: {  	_ =	swait.ge [sflag:s2], $0x400  }
0x61: {  	[sflag:s2] =	ssyncset.done $0x0  }
0x62: {  	[sflag:s2] =	ssyncadd.s32 $0xFFFFFC00  }
0x63: {  	[spmem:s8] =	stream.linear.scatter [tilespmem:s0], [sflag:$0x2], $0x400, $0x38;
	[tilespmem:$0x8400] =	vst v63  }
0x64: {  	_ =	swait.ge [sflag:s2], $0x400  }
0x65: {  	[sflag:s2] =	ssyncset.done $0x0  }
0x66: {  	[sflag:s2] =	ssyncadd.s32 $0xFFFFFC00  }
0x67: {  	[spmem:s9] =	stream.linear.scatter [tilespmem:s0], [sflag:$0x2], $0x400, $0x38;
	[tilespmem:$0x8400] =	vst v63  }
0x68: {  	_ =	swait.ge [sflag:s2], $0x400  }
0x69: {  	[sflag:s2] =	ssyncset.done $0x0  }
0x6a: {  	[sflag:s2] =	ssyncadd.s32 $0xFFFFFC00  }
0x6b: {  	[spmem:s10] =	stream.linear.scatter [tilespmem:s0], [sflag:$0x2], $0x400, $0x38;
	[tilespmem:$0x8400] =	vst v63  }
0x6c: {  	_ =	swait.ge [sflag:s2], $0x400  }
0x6d: {  	[sflag:s2] =	ssyncset.done $0x0  }
0x6e: {  	[sflag:s2] =	ssyncadd.s32 $0xFFFFFC00  }
0x6f: {  	[spmem:s11] =	stream.linear.scatter [tilespmem:s0], [sflag:$0x2], $0x400, $0x38;
	[tilespmem:$0x8400] =	vst v63  }
0x70: {  	_ =	swait.ge [sflag:s2], $0x400  }
0x71: {  	[sflag:s2] =	ssyncset.done $0x0  }
0x72: {  	[sflag:s2] =	ssyncadd.s32 $0xFFFFFC00  }
0x73: {  	[spmem:s12] =	stream.linear.scatter [tilespmem:s0], [sflag:$0x2], $0x400, $0x38;
	[tilespmem:$0x8400] =	vst v63  }
0x74: {  	_ =	swait.ge [sflag:s2], $0x400  }
0x75: {  	[sflag:s2] =	ssyncset.done $0x0  }
0x76: {  	[sflag:s2] =	ssyncadd.s32 $0xFFFFFC00  }
0x77: {  	[spmem:s13] =	stream.linear.scatter [tilespmem:s0], [sflag:$0x2], $0x400, $0x38;
	[tilespmem:$0x8400] =	vst v63  }
0x78: {  	_ =	swait.ge [sflag:s2], $0x400  }
0x79: {  	[sflag:s2] =	ssyncset.done $0x0  }
0x7a: {  	[sflag:s2] =	ssyncadd.s32 $0xFFFFFC00  }
0x7b: {  	[spmem:s14] =	stream.linear.scatter [tilespmem:s0], [sflag:$0x2], $0x400, $0x38;
	[tilespmem:$0x8400] =	vst v63  }
0x7c: {  	_ =	swait.ge [sflag:s2], $0x400  }
0x7d: {  	[sflag:s2] =	ssyncset.done $0x0  }
0x7e: {  	[sflag:s2] =	ssyncadd.s32 $0xFFFFFC00  }
0x7f: {  	[spmem:s15] =	stream.linear.scatter [tilespmem:s0], [sflag:$0x2], $0x400, $0x38;
	[tilespmem:$0x8400] =	vst v63  }
0x80: {  	_ =	swait.ge [sflag:s2], $0x400  }
0x81: {  	[sflag:s2] =	ssyncset.done $0x0  }
0x82: {  	[sflag:s2] =	ssyncadd.s32 $0xFFFFFC00  }
0x83: {  	[spmem:s16] =	stream.linear.scatter [tilespmem:s0], [sflag:$0x2], $0x400, $0x38;
	[tilespmem:$0x8400] =	vst v63  }
0x84: {  	_ =	swait.ge [sflag:s2], $0x400  }
0x85: {  	[sflag:s2] =	ssyncset.done $0x0  }
0x86: {  	[sflag:s2] =	ssyncadd.s32 $0xFFFFFC00  }
0x87: {  	[spmem:s17] =	stream.linear.scatter [tilespmem:s0], [sflag:$0x2], $0x400, $0x38;
	[tilespmem:$0x8400] =	vst v63  }
0x88: {  	_ =	swait.ge [sflag:s2], $0x400  }
0x89: {  	[sflag:s2] =	ssyncset.done $0x0  }
0x8a: {  	[sflag:s2] =	ssyncadd.s32 $0xFFFFFC00  }
0x8b: {  	[spmem:s18] =	stream.linear.scatter [tilespmem:s0], [sflag:$0x2], $0x400, $0x38;
	[tilespmem:$0x8400] =	vst v63  }
0x8c: {  	_ =	swait.ge [sflag:s2], $0x400  }
0x8d: {  	[sflag:s2] =	ssyncset.done $0x0  }
0x8e: {  	[sflag:s2] =	ssyncadd.s32 $0xFFFFFC00  }
0x8f: {  	[spmem:s26] =	stream.linear.scatter [tilespmem:s0], [sflag:$0x2], $0x400, $0x38;
	[tilespmem:$0x8400] =	vst v63  }
0x90: {  	_ =	swait.ge [sflag:s2], $0x400  }
0x91: {  	[sflag:s2] =	ssyncset.done $0x0  }
0x92: {  	[sflag:s2] =	ssyncadd.s32 $0xFFFFFC00  }
0x93: {  	[spmem:s28] =	stream.linear.scatter [tilespmem:s0], [sflag:$0x2], $0x400, $0x38;
	[tilespmem:$0x8400] =	vst v63  }
0x94: {  	_ =	swait.ge [sflag:s2], $0x400  }
0x95: {  	[sflag:s2] =	ssyncset.done $0x0  }
0x96: {  	[sflag:s2] =	ssyncadd.s32 $0xFFFFFC00  }
0x97: {  	[spmem:s29] =	stream.linear.scatter [tilespmem:s0], [sflag:$0x2], $0x400, $0x38;
	[tilespmem:$0x8400] =	vst v63  }
0x98: {  	_ =	swait.ge [sflag:s2], $0x400  }
0x99: {  	[sflag:s2] =	ssyncset.done $0x0  }
0x9a: {  	[sflag:s2] =	ssyncadd.s32 $0xFFFFFC00  }
0x9b: {  	[spmem:s30] =	stream.linear.scatter [tilespmem:s0], [sflag:$0x2], $0x400, $0x38;
	[tilespmem:$0x8400] =	vst v63  }
.Ltmp2:
0x9c: {  	_ =	swait.ge [sflag:s2], $0x400;
	(pc) =	sbr.rel @!p0 .LBB2_2-.Ltmp2, $4  }
0x9d: {  	[sflag:s2] =	ssyncset.done $0x0  }
0x9e: {  	[sflag:s2] =	ssyncadd.s32 $0xFFFFFC00  }
0x9f: {  	[bflag:$0x0] =	sbarrier.arrive $0xFFFF  }
0xa0: {  	s22 =	simm.s32 $0x0  }
0xa1: {  	s23 =	rddreg [dreg:$0xc]  }
0xa2: {  	[tilespmem:s22], [sflag:$0x2] =	stream.linear.gather [hbm4b:s23+s22], $0x1000, $0x38;
	[tilespmem:$0x8400] =	vst v63  }
0xa3: {  	_ =	swait.ge [sflag:s2], $0x1000  }
0xa4: {  	[sflag:s2] =	ssyncset.done $0x0  }
0xa5: {  	s24 =	simm.s32 $0x1000;
	s23 =	rddreg [dreg:$0xd];
	[sflag:s2] =	ssyncadd.s32 $0xFFFFF000  }
0xa6: {  	[tilespmem:s24], [sflag:$0x2] =	stream.linear.gather [hbm4b:s23+s22], $0x1000, $0x38;
	[tilespmem:$0x8400] =	vst v63  }
0xa7: {  	_ =	swait.ge [sflag:s2], $0x1000  }
0xa8: {  	[sflag:s2] =	ssyncset.done $0x0  }
0xa9: {  	s24 =	simm.s32 $0x2000;
	s23 =	rddreg [dreg:$0xb];
	[sflag:s2] =	ssyncadd.s32 $0xFFFFF000  }
0xaa: {  	[tilespmem:s24], [sflag:$0x2] =	stream.linear.gather [hbm4b:s23+s22], $0x1000, $0x38;
	[tilespmem:$0x8400] =	vst v63  }
0xab: {  	_ =	swait.ge [sflag:s2], $0x1000  }
0xac: {  	[sflag:s2] =	ssyncset.done $0x0  }
0xad: {  	[sflag:s2] =	ssyncadd.s32 $0xFFFFF000  }
.LBB2_6:
0xae: {  	s23 =	sshra.s32 s22, $0x2  }
0xaf: {  	s24 =	sadd.s32 $0x1000, s23  }
0xb0: {  	[tilespmem:s19], [sflag:$0x1] =	stream.indirect.gather [hbm4b:s1+s6], $0x10, s24, s6, $0xb8;
	[tilespmem:$0x8400] =	vst v63  }
0xb1: {  	_ =	swait.ge [sflag:s20], $0x800  }
0xb2: {  	[sflag:s20] =	ssyncset.done $0x0  }
0xb3: {  	[sflag:s20] =	ssyncadd.s32 $0xFFFFF800  }
0xb4: {  	v8 =	vld [tilespmem:s23+$0x2000]  }
0xb5: {  	v7 =	vld [tilespmem:s23+$0x2010]  }
0xb6: {  	v6 =	vld [tilespmem:s23+$0x2020]  }
0xb7: {  	v5 =	vld [tilespmem:s23+$0x2030]  }
0xb8: {  	v4 =	vld [tilespmem:s23+$0x2040]  }
0xb9: {  	v3 =	vld [tilespmem:s23+$0x2050]  }
0xba: {  	v2 =	vld [tilespmem:s23+$0x2060]  }
0xbb: {  	v1 =	vld [tilespmem:s23+$0x2070]  }
0xbc: {  	v9 =	vld [tilespmem:$0x3000]  }
0xbd: {  	v10 =	vld [tilespmem:$0x3010]  }
0xbe: {  	v11 =	vld [tilespmem:$0x3020]  }
0xbf: {  	v13 =	vld [tilespmem:$0x3030];
	v12 =	vbroadcast v8, $0x0  }
0xc0: {  	v15 =	vld [tilespmem:$0x3040];
	v14 =	vbroadcast v8, $0x1  }
0xc1: {  	v16 =	vld [tilespmem:$0x3050];
	v20 =	vbroadcast v8, $0x2;
	v9 =	vmul.f32 v9, v12  }
0xc2: {  	v17 =	vld [tilespmem:$0x3060];
	v21 =	vbroadcast v8, $0x3;
	v10 =	vmul.f32 v10, v14  }
0xc3: {  	v24 =	vld [tilespmem:$0x3070];
	v23 =	vbroadcast v8, $0x4;
	v22 =	vmul.f32 v11, v20;
	[tilespmem:$0x3800] =	vst v9  }
0xc4: {  	v27 =	vld [tilespmem:$0x3080];
	v26 =	vbroadcast v8, $0x5;
	v25 =	vmul.f32 v13, v21;
	[tilespmem:$0x3810] =	vst v10  }
0xc5: {  	v30 =	vld [tilespmem:$0x3090];
	v29 =	vbroadcast v8, $0x6;
	v28 =	vmul.f32 v15, v23;
	[tilespmem:$0x3820] =	vst v22  }
0xc6: {  	v33 =	vld [tilespmem:$0x30A0];
	v32 =	vbroadcast v8, $0x7;
	v31 =	vmul.f32 v16, v26;
	[tilespmem:$0x3830] =	vst v25  }
0xc7: {  	v36 =	vld [tilespmem:$0x30B0];
	v35 =	vbroadcast v8, $0x8;
	v34 =	vmul.f32 v17, v29;
	[tilespmem:$0x3840] =	vst v28  }
0xc8: {  	v39 =	vld [tilespmem:$0x30C0];
	v38 =	vbroadcast v8, $0x9;
	v37 =	vmul.f32 v24, v32;
	[tilespmem:$0x3850] =	vst v31  }
0xc9: {  	v42 =	vld [tilespmem:$0x30D0];
	v41 =	vbroadcast v8, $0xA;
	v40 =	vmul.f32 v27, v35;
	[tilespmem:$0x3860] =	vst v34  }
0xca: {  	v45 =	vld [tilespmem:$0x30E0];
	v44 =	vbroadcast v8, $0xB;
	v43 =	vmul.f32 v30, v38;
	[tilespmem:$0x3870] =	vst v37  }
0xcb: {  	v48 =	vld [tilespmem:$0x30F0];
	v47 =	vbroadcast v8, $0xC;
	v46 =	vmul.f32 v33, v41;
	[tilespmem:$0x3880] =	vst v40  }
0xcc: {  	v51 =	vld [tilespmem:$0x3100];
	v50 =	vbroadcast v8, $0xD;
	v49 =	vmul.f32 v36, v44;
	[tilespmem:$0x3890] =	vst v43  }
0xcd: {  	v54 =	vld [tilespmem:$0x3110];
	v53 =	vbroadcast v8, $0xE;
	v52 =	vmul.f32 v39, v47;
	[tilespmem:$0x38A0] =	vst v46  }
0xce: {  	v56 =	vld [tilespmem:$0x3120];
	v8 =	vbroadcast v8, $0xF;
	v55 =	vmul.f32 v42, v50;
	[tilespmem:$0x38B0] =	vst v49  }
0xcf: {  	v59 =	vld [tilespmem:$0x3130];
	v58 =	vbroadcast v7, $0x0;
	v57 =	vmul.f32 v45, v53;
	[tilespmem:$0x38C0] =	vst v52  }
0xd0: {  	v61 =	vld [tilespmem:$0x3140];
	v60 =	vbroadcast v7, $0x1;
	v8 =	vmul.f32 v48, v8;
	[tilespmem:$0x38D0] =	vst v55  }
0xd1: {  	v63 =	vbroadcast v7, $0x2;
	v62 =	vmul.f32 v51, v58;
	v20 =	vld [tilespmem:$0x3150];
	[tilespmem:$0x38E0] =	vst v57  }
0xd2: {  	v21 =	vmul.f32 v54, v60;
	v23 =	vld [tilespmem:$0x3160];
	[tilespmem:$0x38F0] =	vst v8;
	v22 =	vbroadcast v7, $0x3  }
0xd3: {  	v24 =	vmul.f32 v56, v63;
	v26 =	vld [tilespmem:$0x3170];
	[tilespmem:$0x3900] =	vst v62;
	v25 =	vbroadcast v7, $0x4  }
0xd4: {  	v29 =	vld [tilespmem:$0x3180];
	[tilespmem:$0x3910] =	vst v21;
	v28 =	vbroadcast v7, $0x5;
	v27 =	vmul.f32 v59, v22  }
0xd5: {  	v32 =	vld [tilespmem:$0x3190];
	[tilespmem:$0x3920] =	vst v24;
	v31 =	vbroadcast v7, $0x6;
	v30 =	vmul.f32 v61, v25  }
0xd6: {  	v35 =	vld [tilespmem:$0x31A0];
	v34 =	vbroadcast v7, $0x7;
	v33 =	vmul.f32 v20, v28;
	[tilespmem:$0x3930] =	vst v27  }
0xd7: {  	v38 =	vld [tilespmem:$0x31B0];
	v37 =	vbroadcast v7, $0x8;
	v36 =	vmul.f32 v23, v31;
	[tilespmem:$0x3940] =	vst v30  }
0xd8: {  	v41 =	vld [tilespmem:$0x31C0];
	v40 =	vbroadcast v7, $0x9;
	v39 =	vmul.f32 v26, v34;
	[tilespmem:$0x3950] =	vst v33  }
0xd9: {  	v44 =	vld [tilespmem:$0x31D0];
	v43 =	vbroadcast v7, $0xA;
	v42 =	vmul.f32 v29, v37;
	[tilespmem:$0x3960] =	vst v36  }
0xda: {  	v47 =	vld [tilespmem:$0x31E0];
	v46 =	vbroadcast v7, $0xB;
	v45 =	vmul.f32 v32, v40;
	[tilespmem:$0x3970] =	vst v39  }
0xdb: {  	v50 =	vld [tilespmem:$0x31F0];
	v49 =	vbroadcast v7, $0xC;
	v48 =	vmul.f32 v35, v43;
	[tilespmem:$0x3980] =	vst v42  }
0xdc: {  	v53 =	vld [tilespmem:$0x3200];
	v52 =	vbroadcast v7, $0xD;
	v51 =	vmul.f32 v38, v46;
	[tilespmem:$0x3990] =	vst v45  }
0xdd: {  	v56 =	vld [tilespmem:$0x3210];
	v55 =	vbroadcast v7, $0xE;
	v54 =	vmul.f32 v41, v49;
	[tilespmem:$0x39A0] =	vst v48  }
0xde: {  	v58 =	vld [tilespmem:$0x3220];
	v7 =	vbroadcast v7, $0xF;
	v57 =	vmul.f32 v44, v52;
	[tilespmem:$0x39B0] =	vst v51  }
0xdf: {  	v60 =	vbroadcast v6, $0x0;
	v63 =	vld [tilespmem:$0x3240];
	v59 =	vmul.f32 v47, v55;
	[tilespmem:$0x39C0] =	vst v54  }
0xe0: {  	v62 =	vbroadcast v6, $0x1;
	v61 =	vld [tilespmem:$0x3230];
	v7 =	vmul.f32 v50, v7;
	[tilespmem:$0x39D0] =	vst v57  }
0xe1: {  	v19 =	vbroadcast v6, $0x2;
	v18 =	vmul.f32 v53, v60;
	v20 =	vld [tilespmem:$0x3250];
	[tilespmem:$0x39E0] =	vst v59  }
0xe2: {  	v25 =	vbroadcast v6, $0x4;
	v21 =	vmul.f32 v56, v62;
	v23 =	vld [tilespmem:$0x3260];
	[tilespmem:$0x39F0] =	vst v7  }
0xe3: {  	v22 =	vbroadcast v6, $0x3;
	v24 =	vmul.f32 v58, v19;
	v26 =	vld [tilespmem:$0x3270];
	[tilespmem:$0x3A00] =	vst v18  }
0xe4: {  	v28 =	vbroadcast v6, $0x5;
	v29 =	vld [tilespmem:$0x3280];
	v30 =	vmul.f32 v63, v25;
	[tilespmem:$0x3A10] =	vst v21  }
0xe5: {  	v31 =	vbroadcast v6, $0x6;
	v32 =	vld [tilespmem:$0x3290];
	[tilespmem:$0x3A20] =	vst v24;
	v27 =	vmul.f32 v61, v22  }
0xe6: {  	v34 =	vbroadcast v6, $0x7;
	v35 =	vld [tilespmem:$0x32A0];
	[tilespmem:$0x3A40] =	vst v30;
	v33 =	vmul.f32 v20, v28  }
0xe7: {  	v37 =	vbroadcast v6, $0x8;
	v38 =	vld [tilespmem:$0x32B0];
	v36 =	vmul.f32 v23, v31;
	[tilespmem:$0x3A30] =	vst v27  }
0xe8: {  	v40 =	vbroadcast v6, $0x9;
	v41 =	vld [tilespmem:$0x32C0];
	v39 =	vmul.f32 v26, v34;
	[tilespmem:$0x3A50] =	vst v33  }
0xe9: {  	v43 =	vbroadcast v6, $0xA;
	v44 =	vld [tilespmem:$0x32D0];
	v42 =	vmul.f32 v29, v37;
	[tilespmem:$0x3A60] =	vst v36  }
0xea: {  	v46 =	vbroadcast v6, $0xB;
	v47 =	vld [tilespmem:$0x32E0];
	v45 =	vmul.f32 v32, v40;
	[tilespmem:$0x3A70] =	vst v39  }
0xeb: {  	v49 =	vbroadcast v6, $0xC;
	v50 =	vld [tilespmem:$0x32F0];
	v48 =	vmul.f32 v35, v43;
	[tilespmem:$0x3A80] =	vst v42  }
0xec: {  	v52 =	vbroadcast v6, $0xD;
	v53 =	vld [tilespmem:$0x3300];
	v51 =	vmul.f32 v38, v46;
	[tilespmem:$0x3A90] =	vst v45  }
0xed: {  	v55 =	vbroadcast v6, $0xE;
	v56 =	vld [tilespmem:$0x3310];
	v54 =	vmul.f32 v41, v49;
	[tilespmem:$0x3AA0] =	vst v48  }
0xee: {  	v6 =	vbroadcast v6, $0xF;
	v58 =	vld [tilespmem:$0x3320];
	v57 =	vmul.f32 v44, v52;
	[tilespmem:$0x3AB0] =	vst v51  }
0xef: {  	v60 =	vbroadcast v5, $0x0;
	v63 =	vld [tilespmem:$0x3340];
	v59 =	vmul.f32 v47, v55;
	[tilespmem:$0x3AC0] =	vst v54  }
0xf0: {  	v62 =	vbroadcast v5, $0x1;
	v18 =	vld [tilespmem:$0x3350];
	v6 =	vmul.f32 v50, v6;
	[tilespmem:$0x3AD0] =	vst v57  }
0xf1: {  	v17 =	vbroadcast v5, $0x2;
	v21 =	vld [tilespmem:$0x3360];
	v16 =	vmul.f32 v53, v60;
	[tilespmem:$0x3AE0] =	vst v59  }
0xf2: {  	v61 =	vld [tilespmem:$0x3330];
	v22 =	vbroadcast v5, $0x4;
	v19 =	vmul.f32 v56, v62;
	[tilespmem:$0x3AF0] =	vst v6  }
0xf3: {  	v25 =	vbroadcast v5, $0x5;
	v8 =	vmul.f32 v58, v17;
	v23 =	vld [tilespmem:$0x3370];
	[tilespmem:$0x3B00] =	vst v16  }
0xf4: {  	v26 =	vld [tilespmem:$0x3380];
	v28 =	vbroadcast v5, $0x6;
	v27 =	vmul.f32 v63, v22;
	[tilespmem:$0x3B10] =	vst v19  }
0xf5: {  	v20 =	vbroadcast v5, $0x3;
	v29 =	vld [tilespmem:$0x3390];
	[tilespmem:$0x3B20] =	vst v8;
	v30 =	vmul.f32 v18, v25  }
0xf6: {  	v31 =	vbroadcast v5, $0x7;
	v32 =	vld [tilespmem:$0x33A0];
	v33 =	vmul.f32 v21, v28;
	[tilespmem:$0x3B40] =	vst v27  }
0xf7: {  	v34 =	vbroadcast v5, $0x8;
	v35 =	vld [tilespmem:$0x33B0];
	v24 =	vmul.f32 v61, v20;
	[tilespmem:$0x3B50] =	vst v30  }
0xf8: {  	v37 =	vbroadcast v5, $0x9;
	v38 =	vld [tilespmem:$0x33C0];
	[tilespmem:$0x3B60] =	vst v33;
	v36 =	vmul.f32 v23, v31  }
0xf9: {  	v40 =	vbroadcast v5, $0xA;
	v41 =	vld [tilespmem:$0x33D0];
	v39 =	vmul.f32 v26, v34;
	[tilespmem:$0x3B30] =	vst v24  }
0xfa: {  	v43 =	vbroadcast v5, $0xB;
	v44 =	vld [tilespmem:$0x33E0];
	v42 =	vmul.f32 v29, v37;
	[tilespmem:$0x3B70] =	vst v36  }
0xfb: {  	v46 =	vbroadcast v5, $0xC;
	v47 =	vld [tilespmem:$0x33F0];
	v45 =	vmul.f32 v32, v40;
	[tilespmem:$0x3B80] =	vst v39  }
0xfc: {  	v49 =	vbroadcast v5, $0xD;
	v50 =	vld [tilespmem:$0x3400];
	v48 =	vmul.f32 v35, v43;
	[tilespmem:$0x3B90] =	vst v42  }
0xfd: {  	v52 =	vbroadcast v5, $0xE;
	v53 =	vld [tilespmem:$0x3410];
	v51 =	vmul.f32 v38, v46;
	[tilespmem:$0x3BA0] =	vst v45  }
0xfe: {  	v5 =	vbroadcast v5, $0xF;
	v55 =	vld [tilespmem:$0x3420];
	v54 =	vmul.f32 v41, v49;
	[tilespmem:$0x3BB0] =	vst v48  }
0xff: {  	v58 =	vld [tilespmem:$0x3430];
	v57 =	vbroadcast v4, $0x0;
	v56 =	vmul.f32 v44, v52;
	[tilespmem:$0x3BC0] =	vst v51  }
0x100: {  	v60 =	vld [tilespmem:$0x3440];
	v59 =	vbroadcast v4, $0x1;
	v5 =	vmul.f32 v47, v5;
	[tilespmem:$0x3BD0] =	vst v54  }
0x101: {  	v62 =	vbroadcast v4, $0x2;
	v63 =	vld [tilespmem:$0x3450];
	v61 =	vmul.f32 v50, v57;
	[tilespmem:$0x3BE0] =	vst v56  }
0x102: {  	v17 =	vbroadcast v4, $0x3;
	v18 =	vld [tilespmem:$0x3460];
	v16 =	vmul.f32 v53, v59;
	[tilespmem:$0x3BF0] =	vst v5  }
0x103: {  	v19 =	vbroadcast v4, $0x4;
	v20 =	vld [tilespmem:$0x3470];
	v7 =	vmul.f32 v55, v62;
	[tilespmem:$0x3C00] =	vst v61  }
0x104: {  	v22 =	vbroadcast v4, $0x5;
	v21 =	vmul.f32 v58, v17;
	v23 =	vld [tilespmem:$0x3480];
	[tilespmem:$0x3C10] =	vst v16  }
0x105: {  	v25 =	vbroadcast v4, $0x6;
	v26 =	vld [tilespmem:$0x3490];
	v24 =	vmul.f32 v60, v19;
	[tilespmem:$0x3C20] =	vst v7  }
0x106: {  	v28 =	vbroadcast v4, $0x7;
	v29 =	vld [tilespmem:$0x34A0];
	v27 =	vmul.f32 v63, v22;
	[tilespmem:$0x3C30] =	vst v21  }
0x107: {  	v31 =	vbroadcast v4, $0x8;
	v32 =	vld [tilespmem:$0x34B0];
	v30 =	vmul.f32 v18, v25;
	[tilespmem:$0x3C40] =	vst v24  }
0x108: {  	v34 =	vbroadcast v4, $0x9;
	v35 =	vld [tilespmem:$0x34C0];
	[tilespmem:$0x3C50] =	vst v27;
	v33 =	vmul.f32 v20, v28  }
0x109: {  	v37 =	vbroadcast v4, $0xA;
	v38 =	vld [tilespmem:$0x34D0];
	[tilespmem:$0x3C60] =	vst v30;
	v36 =	vmul.f32 v23, v31  }
0x10a: {  	v40 =	vbroadcast v4, $0xB;
	v41 =	vld [tilespmem:$0x34E0];
	v39 =	vmul.f32 v26, v34;
	[tilespmem:$0x3C70] =	vst v33  }
0x10b: {  	v43 =	vbroadcast v4, $0xC;
	v44 =	vld [tilespmem:$0x34F0];
	v42 =	vmul.f32 v29, v37;
	[tilespmem:$0x3C80] =	vst v36  }
0x10c: {  	v46 =	vbroadcast v4, $0xD;
	v47 =	vld [tilespmem:$0x3500];
	v45 =	vmul.f32 v32, v40;
	[tilespmem:$0x3C90] =	vst v39  }
0x10d: {  	v49 =	vbroadcast v4, $0xE;
	v50 =	vld [tilespmem:$0x3510];
	v48 =	vmul.f32 v35, v43;
	[tilespmem:$0x3CA0] =	vst v42  }
0x10e: {  	v4 =	vbroadcast v4, $0xF;
	v52 =	vld [tilespmem:$0x3520];
	v51 =	vmul.f32 v38, v46;
	[tilespmem:$0x3CB0] =	vst v45  }
0x10f: {  	v55 =	vld [tilespmem:$0x3530];
	v54 =	vbroadcast v3, $0x0;
	v53 =	vmul.f32 v41, v49;
	[tilespmem:$0x3CC0] =	vst v48  }
0x110: {  	v57 =	vld [tilespmem:$0x3540];
	v56 =	vbroadcast v3, $0x1;
	v4 =	vmul.f32 v44, v4;
	[tilespmem:$0x3CD0] =	vst v51  }
0x111: {  	v59 =	vbroadcast v3, $0x2;
	v17 =	vld [tilespmem:$0x3570];
	v58 =	vmul.f32 v47, v54;
	[tilespmem:$0x3CE0] =	vst v53  }
0x112: {  	v62 =	vbroadcast v3, $0x3;
	v60 =	vld [tilespmem:$0x3550];
	v61 =	vmul.f32 v50, v56;
	[tilespmem:$0x3CF0] =	vst v4  }
0x113: {  	v63 =	vld [tilespmem:$0x3560];
	v16 =	vbroadcast v3, $0x4;
	v6 =	vmul.f32 v52, v59;
	[tilespmem:$0x3D00] =	vst v58  }
0x114: {  	v25 =	vbroadcast v3, $0x7;
	v20 =	vld [tilespmem:$0x3580];
	v18 =	vmul.f32 v55, v62;
	[tilespmem:$0x3D10] =	vst v61  }
0x115: {  	v19 =	vbroadcast v3, $0x5;
	v21 =	vmul.f32 v57, v16;
	v23 =	vld [tilespmem:$0x3590];
	[tilespmem:$0x3D20] =	vst v6  }
0x116: {  	v22 =	vbroadcast v3, $0x6;
	v26 =	vld [tilespmem:$0x35A0];
	v30 =	vmul.f32 v17, v25;
	[tilespmem:$0x3D30] =	vst v18  }
0x117: {  	v28 =	vbroadcast v3, $0x8;
	v29 =	vld [tilespmem:$0x35B0];
	v24 =	vmul.f32 v60, v19;
	[tilespmem:$0x3D40] =	vst v21  }
0x118: {  	v31 =	vbroadcast v3, $0x9;
	v32 =	vld [tilespmem:$0x35C0];
	v27 =	vmul.f32 v63, v22;
	[tilespmem:$0x3D70] =	vst v30  }
0x119: {  	v34 =	vbroadcast v3, $0xA;
	v35 =	vld [tilespmem:$0x35D0];
	[tilespmem:$0x3D50] =	vst v24;
	v33 =	vmul.f32 v20, v28  }
0x11a: {  	v37 =	vbroadcast v3, $0xB;
	v38 =	vld [tilespmem:$0x35E0];
	[tilespmem:$0x3D60] =	vst v27;
	v36 =	vmul.f32 v23, v31  }
0x11b: {  	v40 =	vbroadcast v3, $0xC;
	v41 =	vld [tilespmem:$0x35F0];
	v39 =	vmul.f32 v26, v34;
	[tilespmem:$0x3D80] =	vst v33  }
0x11c: {  	v43 =	vbroadcast v3, $0xD;
	v44 =	vld [tilespmem:$0x3600];
	v42 =	vmul.f32 v29, v37;
	[tilespmem:$0x3D90] =	vst v36  }
0x11d: {  	v46 =	vbroadcast v3, $0xE;
	v47 =	vld [tilespmem:$0x3610];
	v45 =	vmul.f32 v32, v40;
	[tilespmem:$0x3DA0] =	vst v39  }
0x11e: {  	v3 =	vbroadcast v3, $0xF;
	v49 =	vld [tilespmem:$0x3620];
	v48 =	vmul.f32 v35, v43;
	[tilespmem:$0x3DB0] =	vst v42  }
0x11f: {  	v52 =	vld [tilespmem:$0x3630];
	v51 =	vbroadcast v2, $0x0;
	v50 =	vmul.f32 v38, v46;
	[tilespmem:$0x3DC0] =	vst v45  }
0x120: {  	v54 =	vld [tilespmem:$0x3640];
	v53 =	vbroadcast v2, $0x1;
	v3 =	vmul.f32 v41, v3;
	[tilespmem:$0x3DD0] =	vst v48  }
0x121: {  	v56 =	vbroadcast v2, $0x2;
	v57 =	vld [tilespmem:$0x3650];
	v55 =	vmul.f32 v44, v51;
	[tilespmem:$0x3DE0] =	vst v50  }
0x122: {  	v59 =	vld [tilespmem:$0x3660];
	v58 =	vbroadcast v2, $0x3;
	[tilespmem:$0x3DF0] =	vst v3;
	v3 =	vmul.f32 v47, v53  }
0x123: {  	v60 =	vbroadcast v2, $0x4;
	v61 =	vld [tilespmem:$0x3670];
	v5 =	vmul.f32 v49, v56;
	[tilespmem:$0x3E00] =	vst v55  }
0x124: {  	v62 =	vbroadcast v2, $0x5;
	v63 =	vld [tilespmem:$0x3680];
	[tilespmem:$0x3E10] =	vst v3;
	v3 =	vmul.f32 v52, v58  }
0x125: {  	v13 =	vbroadcast v2, $0x6;
	v14 =	vld [tilespmem:$0x3690];
	v12 =	vmul.f32 v54, v60;
	[tilespmem:$0x3E20] =	vst v5  }
0x126: {  	v15 =	vbroadcast v2, $0x7;
	v16 =	vld [tilespmem:$0x36A0];
	[tilespmem:$0x3E30] =	vst v3;
	v3 =	vmul.f32 v57, v62  }
0x127: {  	v19 =	vld [tilespmem:$0x36B0];
	v18 =	vbroadcast v2, $0x8;
	v17 =	vmul.f32 v59, v13;
	[tilespmem:$0x3E40] =	vst v12  }
0x128: {  	v21 =	vld [tilespmem:$0x36C0];
	v20 =	vbroadcast v2, $0x9;
	[tilespmem:$0x3E50] =	vst v3;
	v3 =	vmul.f32 v61, v15  }
0x129: {  	v24 =	vld [tilespmem:$0x36D0];
	v23 =	vbroadcast v2, $0xA;
	v22 =	vmul.f32 v63, v18;
	[tilespmem:$0x3E60] =	vst v17  }
0x12a: {  	v25 =	vbroadcast v2, $0xB;
	v26 =	vld [tilespmem:$0x36E0];
	[tilespmem:$0x3E70] =	vst v3;
	v3 =	vmul.f32 v14, v20  }
0x12b: {  	v28 =	vbroadcast v2, $0xC;
	v29 =	vld [tilespmem:$0x36F0];
	v27 =	vmul.f32 v16, v23;
	[tilespmem:$0x3E80] =	vst v22  }
0x12c: {  	v30 =	vbroadcast v2, $0xD;
	v31 =	vld [tilespmem:$0x3700];
	[tilespmem:$0x3E90] =	vst v3;
	v3 =	vmul.f32 v19, v25  }
0x12d: {  	v34 =	vld [tilespmem:$0x3710];
	v33 =	vbroadcast v2, $0xE;
	v32 =	vmul.f32 v21, v28;
	[tilespmem:$0x3EA0] =	vst v27  }
0x12e: {  	v35 =	vld [tilespmem:$0x3720];
	v2 =	vbroadcast v2, $0xF;
	[tilespmem:$0x3EB0] =	vst v3;
	v3 =	vmul.f32 v24, v30  }
0x12f: {  	v37 =	vbroadcast v1, $0x0;
	v38 =	vld [tilespmem:$0x3730];
	[tilespmem:$0x3EC0] =	vst v32;
	v36 =	vmul.f32 v26, v33  }
0x130: {  	v43 =	vld [tilespmem:$0x3760];
	v2 =	vmul.f32 v29, v2;
	[tilespmem:$0x3ED0] =	vst v3;
	v3 =	vbroadcast v1, $0x1  }
0x131: {  	v41 =	vbroadcast v1, $0x2;
	v42 =	vld [tilespmem:$0x3750];
	v40 =	vmul.f32 v31, v37;
	[tilespmem:$0x3EE0] =	vst v36  }
0x132: {  	v46 =	vld [tilespmem:$0x3780];
	[tilespmem:$0x3EF0] =	vst v2;
	v2 =	vmul.f32 v34, v3;
	v3 =	vbroadcast v1, $0x3  }
0x133: {  	v45 =	vld [tilespmem:$0x3770];
	v48 =	vbroadcast v1, $0x6;
	v4 =	vmul.f32 v35, v41;
	[tilespmem:$0x3F00] =	vst v40  }
0x134: {  	v54 =	vld [tilespmem:$0x37C0];
	[tilespmem:$0x3F10] =	vst v2;
	v2 =	vmul.f32 v38, v3;
	v3 =	vbroadcast v1, $0x5  }
0x135: {  	v49 =	vld [tilespmem:$0x3790];
	v52 =	vbroadcast v1, $0x8;
	v51 =	vmul.f32 v43, v48;
	[tilespmem:$0x3F20] =	vst v4  }
0x136: {  	v39 =	vld [tilespmem:$0x3740];
	[tilespmem:$0x3F30] =	vst v2;
	v2 =	vmul.f32 v42, v3;
	v3 =	vbroadcast v1, $0x7  }
0x137: {  	v60 =	vbroadcast v1, $0xC;
	v53 =	vld [tilespmem:$0x37B0];
	v55 =	vmul.f32 v46, v52;
	[tilespmem:$0x3F60] =	vst v51  }
0x138: {  	v50 =	vld [tilespmem:$0x37A0];
	[tilespmem:$0x3F50] =	vst v2;
	v2 =	vmul.f32 v45, v3;
	v3 =	vbroadcast v1, $0x9  }
0x139: {  	v44 =	vbroadcast v1, $0x4;
	v57 =	vld [tilespmem:$0x37D0];
	v62 =	vmul.f32 v54, v60;
	[tilespmem:$0x3F80] =	vst v55  }
0x13a: {  	v58 =	vld [tilespmem:$0x37E0];
	[tilespmem:$0x3F70] =	vst v2;
	v2 =	vmul.f32 v49, v3;
	v3 =	vbroadcast v1, $0xB  }
0x13b: {  	v56 =	vbroadcast v1, $0xA;
	v47 =	vmul.f32 v39, v44;
	v61 =	vld [tilespmem:$0x37F0];
	[tilespmem:$0x3FC0] =	vst v62  }
0x13c: {  	[tilespmem:$0x3F90] =	vst v2;
	v2 =	vmul.f32 v53, v3;
	v3 =	vbroadcast v1, $0xD  }
0x13d: {  	v63 =	vbroadcast v1, $0xE;
	v59 =	vmul.f32 v50, v56;
	[tilespmem:$0x3F40] =	vst v47  }
0x13e: {  	v1 =	vbroadcast v1, $0xF;
	[tilespmem:$0x3FB0] =	vst v2;
	v2 =	vmul.f32 v57, v3  }
0x13f: {  	[tilespmem:$0x3FA0] =	vst v59;
	v3 =	vmul.f32 v58, v63  }
0x140: {  	v1 =	vmul.f32 v61, v1;
	[tilespmem:$0x3FD0] =	vst v2  }
0x141: {  	p1 =	sne.s32 s22, $0x3E00;
	[tilespmem:$0x3FE0] =	vst v3  }
.Ltmp3:
0x142: {  	[tilespmem:$0x3FF0] =	vst v1;
	(pc) =	sbr.rel @p1 .LBB2_6-.Ltmp3, $4  }
0x143: {  	[spmem:s4] =	stream.indirect.scatter.add.f32 [tilespmem:s21], [sflag:$0x2], $0x10, s23, s6, $0xb8;
	[tilespmem:$0x8400] =	vst v63  }
0x144: {  	_ =	swait.ge [sflag:s2], $0x800  }
0x145: {  	[sflag:s2] =	ssyncset.done $0x0  }
0x146: {  	s22 =	sadd.s32 $0x200, s22;
	[sflag:s2] =	ssyncadd.s32 $0xFFFFF800  }
.Ltmp4:
0x147: {  	(pc) =	sbr.rel .LBB2_8-.Ltmp4, $2  }
0x148: {  	_ =	sdelay $0x2  }
0x149: {  	s22 =	rddreg [dreg:$0x7]  }
.LBB2_2:
0x14a: {  	s23 =	rddreg [dreg:$0x8]  }
0x14b: {  	[tilespmem:s22], [sflag:$0x2] =	stream.linear.gather [hbm4b:s23+s22], $0x1000, $0x38;
	[tilespmem:$0x8400] =	vst v63  }
0x14c: {  	_ =	swait.ge [sflag:s2], $0x1000  }
0x14d: {  	[sflag:s2] =	ssyncset.done $0x0  }
0x14e: {  	s24 =	simm.s32 $0x1000;
	s23 =	rddreg [dreg:$0x9];
	[sflag:s2] =	ssyncadd.s32 $0xFFFFF000  }
0x14f: {  	[tilespmem:s24], [sflag:$0x2] =	stream.linear.gather [hbm4b:s23+s22], $0x1000, $0x38;
	[tilespmem:$0x8400] =	vst v63  }
0x150: {  	_ =	swait.ge [sflag:s2], $0x1000  }
0x151: {  	[sflag:s2] =	ssyncset.done $0x0  }
0x152: {  	s24 =	simm.s32 $0x2000;
	s23 =	rddreg [dreg:$0xa];
	[sflag:s2] =	ssyncadd.s32 $0xFFFFF000  }
0x153: {  	[tilespmem:s24], [sflag:$0x2] =	stream.linear.gather [hbm4b:s23+s22], $0x1000, $0x38;
	[tilespmem:$0x8400] =	vst v63  }
0x154: {  	_ =	swait.ge [sflag:s2], $0x1000  }
0x155: {  	[sflag:s2] =	ssyncset.done $0x0  }
0x156: {  	[sflag:s2] =	ssyncadd.s32 $0xFFFFF000  }
.LBB2_3:
0x157: {  	s23 =	sshra.s32 s22, $0x2  }
0x158: {  	s24 =	sadd.s32 $0x1000, s23  }
0x159: {  	[tilespmem:s19], [sflag:$0x1] =	stream.indirect.gather [hbm4b:s1+s6], $0x10, s24, s6, $0xb8;
	[tilespmem:$0x8400] =	vst v63  }
0x15a: {  	_ =	swait.ge [sflag:s20], $0x800  }
0x15b: {  	[sflag:s20] =	ssyncset.done $0x0  }
0x15c: {  	[sflag:s20] =	ssyncadd.s32 $0xFFFFF800  }
0x15d: {  	v8 =	vld [tilespmem:s23+$0x2000]  }
0x15e: {  	v7 =	vld [tilespmem:s23+$0x2010]  }
0x15f: {  	v6 =	vld [tilespmem:s23+$0x2020]  }
0x160: {  	v5 =	vld [tilespmem:s23+$0x2030]  }
0x161: {  	v4 =	vld [tilespmem:s23+$0x2040]  }
0x162: {  	v3 =	vld [tilespmem:s23+$0x2050]  }
0x163: {  	v2 =	vld [tilespmem:s23+$0x2060]  }
0x164: {  	v1 =	vld [tilespmem:s23+$0x2070]  }
0x165: {  	v9 =	vld [tilespmem:$0x3000]  }
0x166: {  	v10 =	vld [tilespmem:$0x3010]  }
0x167: {  	v11 =	vld [tilespmem:$0x3020]  }
0x168: {  	v13 =	vld [tilespmem:$0x3030];
	v12 =	vbroadcast v8, $0x0  }
0x169: {  	v15 =	vld [tilespmem:$0x3040];
	v14 =	vbroadcast v8, $0x1  }
0x16a: {  	v16 =	vld [tilespmem:$0x3050];
	v20 =	vbroadcast v8, $0x2;
	v9 =	vmul.f32 v9, v12  }
0x16b: {  	v17 =	vld [tilespmem:$0x3060];
	v21 =	vbroadcast v8, $0x3;
	v10 =	vmul.f32 v10, v14  }
0x16c: {  	v24 =	vld [tilespmem:$0x3070];
	v23 =	vbroadcast v8, $0x4;
	v22 =	vmul.f32 v11, v20;
	[tilespmem:$0x3800] =	vst v9  }
0x16d: {  	v27 =	vld [tilespmem:$0x3080];
	v26 =	vbroadcast v8, $0x5;
	v25 =	vmul.f32 v13, v21;
	[tilespmem:$0x3810] =	vst v10  }
0x16e: {  	v30 =	vld [tilespmem:$0x3090];
	v29 =	vbroadcast v8, $0x6;
	v28 =	vmul.f32 v15, v23;
	[tilespmem:$0x3820] =	vst v22  }
0x16f: {  	v33 =	vld [tilespmem:$0x30A0];
	v32 =	vbroadcast v8, $0x7;
	v31 =	vmul.f32 v16, v26;
	[tilespmem:$0x3830] =	vst v25  }
0x170: {  	v36 =	vld [tilespmem:$0x30B0];
	v35 =	vbroadcast v8, $0x8;
	v34 =	vmul.f32 v17, v29;
	[tilespmem:$0x3840] =	vst v28  }
0x171: {  	v39 =	vld [tilespmem:$0x30C0];
	v38 =	vbroadcast v8, $0x9;
	v37 =	vmul.f32 v24, v32;
	[tilespmem:$0x3850] =	vst v31  }
0x172: {  	v42 =	vld [tilespmem:$0x30D0];
	v41 =	vbroadcast v8, $0xA;
	v40 =	vmul.f32 v27, v35;
	[tilespmem:$0x3860] =	vst v34  }
0x173: {  	v45 =	vld [tilespmem:$0x30E0];
	v44 =	vbroadcast v8, $0xB;
	v43 =	vmul.f32 v30, v38;
	[tilespmem:$0x3870] =	vst v37  }
0x174: {  	v48 =	vld [tilespmem:$0x30F0];
	v47 =	vbroadcast v8, $0xC;
	v46 =	vmul.f32 v33, v41;
	[tilespmem:$0x3880] =	vst v40  }
0x175: {  	v51 =	vld [tilespmem:$0x3100];
	v50 =	vbroadcast v8, $0xD;
	v49 =	vmul.f32 v36, v44;
	[tilespmem:$0x3890] =	vst v43  }
0x176: {  	v54 =	vld [tilespmem:$0x3110];
	v53 =	vbroadcast v8, $0xE;
	v52 =	vmul.f32 v39, v47;
	[tilespmem:$0x38A0] =	vst v46  }
0x177: {  	v56 =	vld [tilespmem:$0x3120];
	v8 =	vbroadcast v8, $0xF;
	v55 =	vmul.f32 v42, v50;
	[tilespmem:$0x38B0] =	vst v49  }
0x178: {  	v59 =	vld [tilespmem:$0x3130];
	v58 =	vbroadcast v7, $0x0;
	v57 =	vmul.f32 v45, v53;
	[tilespmem:$0x38C0] =	vst v52  }
0x179: {  	v61 =	vld [tilespmem:$0x3140];
	v60 =	vbroadcast v7, $0x1;
	v8 =	vmul.f32 v48, v8;
	[tilespmem:$0x38D0] =	vst v55  }
0x17a: {  	v63 =	vbroadcast v7, $0x2;
	v62 =	vmul.f32 v51, v58;
	v20 =	vld [tilespmem:$0x3150];
	[tilespmem:$0x38E0] =	vst v57  }
0x17b: {  	v21 =	vmul.f32 v54, v60;
	v23 =	vld [tilespmem:$0x3160];
	[tilespmem:$0x38F0] =	vst v8;
	v22 =	vbroadcast v7, $0x3  }
0x17c: {  	v24 =	vmul.f32 v56, v63;
	v26 =	vld [tilespmem:$0x3170];
	[tilespmem:$0x3900] =	vst v62;
	v25 =	vbroadcast v7, $0x4  }
0x17d: {  	v29 =	vld [tilespmem:$0x3180];
	[tilespmem:$0x3910] =	vst v21;
	v28 =	vbroadcast v7, $0x5;
	v27 =	vmul.f32 v59, v22  }
0x17e: {  	v32 =	vld [tilespmem:$0x3190];
	[tilespmem:$0x3920] =	vst v24;
	v31 =	vbroadcast v7, $0x6;
	v30 =	vmul.f32 v61, v25  }
0x17f: {  	v35 =	vld [tilespmem:$0x31A0];
	v34 =	vbroadcast v7, $0x7;
	v33 =	vmul.f32 v20, v28;
	[tilespmem:$0x3930] =	vst v27  }
0x180: {  	v38 =	vld [tilespmem:$0x31B0];
	v37 =	vbroadcast v7, $0x8;
	v36 =	vmul.f32 v23, v31;
	[tilespmem:$0x3940] =	vst v30  }
0x181: {  	v41 =	vld [tilespmem:$0x31C0];
	v40 =	vbroadcast v7, $0x9;
	v39 =	vmul.f32 v26, v34;
	[tilespmem:$0x3950] =	vst v33  }
0x182: {  	v44 =	vld [tilespmem:$0x31D0];
	v43 =	vbroadcast v7, $0xA;
	v42 =	vmul.f32 v29, v37;
	[tilespmem:$0x3960] =	vst v36  }
0x183: {  	v47 =	vld [tilespmem:$0x31E0];
	v46 =	vbroadcast v7, $0xB;
	v45 =	vmul.f32 v32, v40;
	[tilespmem:$0x3970] =	vst v39  }
0x184: {  	v50 =	vld [tilespmem:$0x31F0];
	v49 =	vbroadcast v7, $0xC;
	v48 =	vmul.f32 v35, v43;
	[tilespmem:$0x3980] =	vst v42  }
0x185: {  	v53 =	vld [tilespmem:$0x3200];
	v52 =	vbroadcast v7, $0xD;
	v51 =	vmul.f32 v38, v46;
	[tilespmem:$0x3990] =	vst v45  }
0x186: {  	v56 =	vld [tilespmem:$0x3210];
	v55 =	vbroadcast v7, $0xE;
	v54 =	vmul.f32 v41, v49;
	[tilespmem:$0x39A0] =	vst v48  }
0x187: {  	v58 =	vld [tilespmem:$0x3220];
	v7 =	vbroadcast v7, $0xF;
	v57 =	vmul.f32 v44, v52;
	[tilespmem:$0x39B0] =	vst v51  }
0x188: {  	v60 =	vbroadcast v6, $0x0;
	v63 =	vld [tilespmem:$0x3240];
	v59 =	vmul.f32 v47, v55;
	[tilespmem:$0x39C0] =	vst v54  }
0x189: {  	v62 =	vbroadcast v6, $0x1;
	v61 =	vld [tilespmem:$0x3230];
	v7 =	vmul.f32 v50, v7;
	[tilespmem:$0x39D0] =	vst v57  }
0x18a: {  	v19 =	vbroadcast v6, $0x2;
	v18 =	vmul.f32 v53, v60;
	v20 =	vld [tilespmem:$0x3250];
	[tilespmem:$0x39E0] =	vst v59  }
0x18b: {  	v25 =	vbroadcast v6, $0x4;
	v21 =	vmul.f32 v56, v62;
	v23 =	vld [tilespmem:$0x3260];
	[tilespmem:$0x39F0] =	vst v7  }
0x18c: {  	v22 =	vbroadcast v6, $0x3;
	v24 =	vmul.f32 v58, v19;
	v26 =	vld [tilespmem:$0x3270];
	[tilespmem:$0x3A00] =	vst v18  }
0x18d: {  	v28 =	vbroadcast v6, $0x5;
	v29 =	vld [tilespmem:$0x3280];
	v30 =	vmul.f32 v63, v25;
	[tilespmem:$0x3A10] =	vst v21  }
0x18e: {  	v31 =	vbroadcast v6, $0x6;
	v32 =	vld [tilespmem:$0x3290];
	[tilespmem:$0x3A20] =	vst v24;
	v27 =	vmul.f32 v61, v22  }
0x18f: {  	v34 =	vbroadcast v6, $0x7;
	v35 =	vld [tilespmem:$0x32A0];
	[tilespmem:$0x3A40] =	vst v30;
	v33 =	vmul.f32 v20, v28  }
0x190: {  	v37 =	vbroadcast v6, $0x8;
	v38 =	vld [tilespmem:$0x32B0];
	v36 =	vmul.f32 v23, v31;
	[tilespmem:$0x3A30] =	vst v27  }
0x191: {  	v40 =	vbroadcast v6, $0x9;
	v41 =	vld [tilespmem:$0x32C0];
	v39 =	vmul.f32 v26, v34;
	[tilespmem:$0x3A50] =	vst v33  }
0x192: {  	v43 =	vbroadcast v6, $0xA;
	v44 =	vld [tilespmem:$0x32D0];
	v42 =	vmul.f32 v29, v37;
	[tilespmem:$0x3A60] =	vst v36  }
0x193: {  	v46 =	vbroadcast v6, $0xB;
	v47 =	vld [tilespmem:$0x32E0];
	v45 =	vmul.f32 v32, v40;
	[tilespmem:$0x3A70] =	vst v39  }
0x194: {  	v49 =	vbroadcast v6, $0xC;
	v50 =	vld [tilespmem:$0x32F0];
	v48 =	vmul.f32 v35, v43;
	[tilespmem:$0x3A80] =	vst v42  }
0x195: {  	v52 =	vbroadcast v6, $0xD;
	v53 =	vld [tilespmem:$0x3300];
	v51 =	vmul.f32 v38, v46;
	[tilespmem:$0x3A90] =	vst v45  }
0x196: {  	v55 =	vbroadcast v6, $0xE;
	v56 =	vld [tilespmem:$0x3310];
	v54 =	vmul.f32 v41, v49;
	[tilespmem:$0x3AA0] =	vst v48  }
0x197: {  	v6 =	vbroadcast v6, $0xF;
	v58 =	vld [tilespmem:$0x3320];
	v57 =	vmul.f32 v44, v52;
	[tilespmem:$0x3AB0] =	vst v51  }
0x198: {  	v60 =	vbroadcast v5, $0x0;
	v63 =	vld [tilespmem:$0x3340];
	v59 =	vmul.f32 v47, v55;
	[tilespmem:$0x3AC0] =	vst v54  }
0x199: {  	v62 =	vbroadcast v5, $0x1;
	v18 =	vld [tilespmem:$0x3350];
	v6 =	vmul.f32 v50, v6;
	[tilespmem:$0x3AD0] =	vst v57  }
0x19a: {  	v17 =	vbroadcast v5, $0x2;
	v21 =	vld [tilespmem:$0x3360];
	v16 =	vmul.f32 v53, v60;
	[tilespmem:$0x3AE0] =	vst v59  }
0x19b: {  	v61 =	vld [tilespmem:$0x3330];
	v22 =	vbroadcast v5, $0x4;
	v19 =	vmul.f32 v56, v62;
	[tilespmem:$0x3AF0] =	vst v6  }
0x19c: {  	v25 =	vbroadcast v5, $0x5;
	v8 =	vmul.f32 v58, v17;
	v23 =	vld [tilespmem:$0x3370];
	[tilespmem:$0x3B00] =	vst v16  }
0x19d: {  	v26 =	vld [tilespmem:$0x3380];
	v28 =	vbroadcast v5, $0x6;
	v27 =	vmul.f32 v63, v22;
	[tilespmem:$0x3B10] =	vst v19  }
0x19e: {  	v20 =	vbroadcast v5, $0x3;
	v29 =	vld [tilespmem:$0x3390];
	[tilespmem:$0x3B20] =	vst v8;
	v30 =	vmul.f32 v18, v25  }
0x19f: {  	v31 =	vbroadcast v5, $0x7;
	v32 =	vld [tilespmem:$0x33A0];
	v33 =	vmul.f32 v21, v28;
	[tilespmem:$0x3B40] =	vst v27  }
0x1a0: {  	v34 =	vbroadcast v5, $0x8;
	v35 =	vld [tilespmem:$0x33B0];
	v24 =	vmul.f32 v61, v20;
	[tilespmem:$0x3B50] =	vst v30  }
0x1a1: {  	v37 =	vbroadcast v5, $0x9;
	v38 =	vld [tilespmem:$0x33C0];
	[tilespmem:$0x3B60] =	vst v33;
	v36 =	vmul.f32 v23, v31  }
0x1a2: {  	v40 =	vbroadcast v5, $0xA;
	v41 =	vld [tilespmem:$0x33D0];
	v39 =	vmul.f32 v26, v34;
	[tilespmem:$0x3B30] =	vst v24  }
0x1a3: {  	v43 =	vbroadcast v5, $0xB;
	v44 =	vld [tilespmem:$0x33E0];
	v42 =	vmul.f32 v29, v37;
	[tilespmem:$0x3B70] =	vst v36  }
0x1a4: {  	v46 =	vbroadcast v5, $0xC;
	v47 =	vld [tilespmem:$0x33F0];
	v45 =	vmul.f32 v32, v40;
	[tilespmem:$0x3B80] =	vst v39  }
0x1a5: {  	v49 =	vbroadcast v5, $0xD;
	v50 =	vld [tilespmem:$0x3400];
	v48 =	vmul.f32 v35, v43;
	[tilespmem:$0x3B90] =	vst v42  }
0x1a6: {  	v52 =	vbroadcast v5, $0xE;
	v53 =	vld [tilespmem:$0x3410];
	v51 =	vmul.f32 v38, v46;
	[tilespmem:$0x3BA0] =	vst v45  }
0x1a7: {  	v5 =	vbroadcast v5, $0xF;
	v55 =	vld [tilespmem:$0x3420];
	v54 =	vmul.f32 v41, v49;
	[tilespmem:$0x3BB0] =	vst v48  }
0x1a8: {  	v58 =	vld [tilespmem:$0x3430];
	v57 =	vbroadcast v4, $0x0;
	v56 =	vmul.f32 v44, v52;
	[tilespmem:$0x3BC0] =	vst v51  }
0x1a9: {  	v60 =	vld [tilespmem:$0x3440];
	v59 =	vbroadcast v4, $0x1;
	v5 =	vmul.f32 v47, v5;
	[tilespmem:$0x3BD0] =	vst v54  }
0x1aa: {  	v62 =	vbroadcast v4, $0x2;
	v63 =	vld [tilespmem:$0x3450];
	v61 =	vmul.f32 v50, v57;
	[tilespmem:$0x3BE0] =	vst v56  }
0x1ab: {  	v17 =	vbroadcast v4, $0x3;
	v18 =	vld [tilespmem:$0x3460];
	v16 =	vmul.f32 v53, v59;
	[tilespmem:$0x3BF0] =	vst v5  }
0x1ac: {  	v19 =	vbroadcast v4, $0x4;
	v20 =	vld [tilespmem:$0x3470];
	v7 =	vmul.f32 v55, v62;
	[tilespmem:$0x3C00] =	vst v61  }
0x1ad: {  	v22 =	vbroadcast v4, $0x5;
	v21 =	vmul.f32 v58, v17;
	v23 =	vld [tilespmem:$0x3480];
	[tilespmem:$0x3C10] =	vst v16  }
0x1ae: {  	v25 =	vbroadcast v4, $0x6;
	v26 =	vld [tilespmem:$0x3490];
	v24 =	vmul.f32 v60, v19;
	[tilespmem:$0x3C20] =	vst v7  }
0x1af: {  	v28 =	vbroadcast v4, $0x7;
	v29 =	vld [tilespmem:$0x34A0];
	v27 =	vmul.f32 v63, v22;
	[tilespmem:$0x3C30] =	vst v21  }
0x1b0: {  	v31 =	vbroadcast v4, $0x8;
	v32 =	vld [tilespmem:$0x34B0];
	v30 =	vmul.f32 v18, v25;
	[tilespmem:$0x3C40] =	vst v24  }
0x1b1: {  	v34 =	vbroadcast v4, $0x9;
	v35 =	vld [tilespmem:$0x34C0];
	[tilespmem:$0x3C50] =	vst v27;
	v33 =	vmul.f32 v20, v28  }
0x1b2: {  	v37 =	vbroadcast v4, $0xA;
	v38 =	vld [tilespmem:$0x34D0];
	[tilespmem:$0x3C60] =	vst v30;
	v36 =	vmul.f32 v23, v31  }
0x1b3: {  	v40 =	vbroadcast v4, $0xB;
	v41 =	vld [tilespmem:$0x34E0];
	v39 =	vmul.f32 v26, v34;
	[tilespmem:$0x3C70] =	vst v33  }
0x1b4: {  	v43 =	vbroadcast v4, $0xC;
	v44 =	vld [tilespmem:$0x34F0];
	v42 =	vmul.f32 v29, v37;
	[tilespmem:$0x3C80] =	vst v36  }
0x1b5: {  	v46 =	vbroadcast v4, $0xD;
	v47 =	vld [tilespmem:$0x3500];
	v45 =	vmul.f32 v32, v40;
	[tilespmem:$0x3C90] =	vst v39  }
0x1b6: {  	v49 =	vbroadcast v4, $0xE;
	v50 =	vld [tilespmem:$0x3510];
	v48 =	vmul.f32 v35, v43;
	[tilespmem:$0x3CA0] =	vst v42  }
0x1b7: {  	v4 =	vbroadcast v4, $0xF;
	v52 =	vld [tilespmem:$0x3520];
	v51 =	vmul.f32 v38, v46;
	[tilespmem:$0x3CB0] =	vst v45  }
0x1b8: {  	v55 =	vld [tilespmem:$0x3530];
	v54 =	vbroadcast v3, $0x0;
	v53 =	vmul.f32 v41, v49;
	[tilespmem:$0x3CC0] =	vst v48  }
0x1b9: {  	v57 =	vld [tilespmem:$0x3540];
	v56 =	vbroadcast v3, $0x1;
	v4 =	vmul.f32 v44, v4;
	[tilespmem:$0x3CD0] =	vst v51  }
0x1ba: {  	v59 =	vbroadcast v3, $0x2;
	v17 =	vld [tilespmem:$0x3570];
	v58 =	vmul.f32 v47, v54;
	[tilespmem:$0x3CE0] =	vst v53  }
0x1bb: {  	v62 =	vbroadcast v3, $0x3;
	v60 =	vld [tilespmem:$0x3550];
	v61 =	vmul.f32 v50, v56;
	[tilespmem:$0x3CF0] =	vst v4  }
0x1bc: {  	v63 =	vld [tilespmem:$0x3560];
	v16 =	vbroadcast v3, $0x4;
	v6 =	vmul.f32 v52, v59;
	[tilespmem:$0x3D00] =	vst v58  }
0x1bd: {  	v25 =	vbroadcast v3, $0x7;
	v20 =	vld [tilespmem:$0x3580];
	v18 =	vmul.f32 v55, v62;
	[tilespmem:$0x3D10] =	vst v61  }
0x1be: {  	v19 =	vbroadcast v3, $0x5;
	v21 =	vmul.f32 v57, v16;
	v23 =	vld [tilespmem:$0x3590];
	[tilespmem:$0x3D20] =	vst v6  }
0x1bf: {  	v22 =	vbroadcast v3, $0x6;
	v26 =	vld [tilespmem:$0x35A0];
	v30 =	vmul.f32 v17, v25;
	[tilespmem:$0x3D30] =	vst v18  }
0x1c0: {  	v28 =	vbroadcast v3, $0x8;
	v29 =	vld [tilespmem:$0x35B0];
	v24 =	vmul.f32 v60, v19;
	[tilespmem:$0x3D40] =	vst v21  }
0x1c1: {  	v31 =	vbroadcast v3, $0x9;
	v32 =	vld [tilespmem:$0x35C0];
	v27 =	vmul.f32 v63, v22;
	[tilespmem:$0x3D70] =	vst v30  }
0x1c2: {  	v34 =	vbroadcast v3, $0xA;
	v35 =	vld [tilespmem:$0x35D0];
	[tilespmem:$0x3D50] =	vst v24;
	v33 =	vmul.f32 v20, v28  }
0x1c3: {  	v37 =	vbroadcast v3, $0xB;
	v38 =	vld [tilespmem:$0x35E0];
	[tilespmem:$0x3D60] =	vst v27;
	v36 =	vmul.f32 v23, v31  }
0x1c4: {  	v40 =	vbroadcast v3, $0xC;
	v41 =	vld [tilespmem:$0x35F0];
	v39 =	vmul.f32 v26, v34;
	[tilespmem:$0x3D80] =	vst v33  }
0x1c5: {  	v43 =	vbroadcast v3, $0xD;
	v44 =	vld [tilespmem:$0x3600];
	v42 =	vmul.f32 v29, v37;
	[tilespmem:$0x3D90] =	vst v36  }
0x1c6: {  	v46 =	vbroadcast v3, $0xE;
	v47 =	vld [tilespmem:$0x3610];
	v45 =	vmul.f32 v32, v40;
	[tilespmem:$0x3DA0] =	vst v39  }
0x1c7: {  	v3 =	vbroadcast v3, $0xF;
	v49 =	vld [tilespmem:$0x3620];
	v48 =	vmul.f32 v35, v43;
	[tilespmem:$0x3DB0] =	vst v42  }
0x1c8: {  	v52 =	vld [tilespmem:$0x3630];
	v51 =	vbroadcast v2, $0x0;
	v50 =	vmul.f32 v38, v46;
	[tilespmem:$0x3DC0] =	vst v45  }
0x1c9: {  	v54 =	vld [tilespmem:$0x3640];
	v53 =	vbroadcast v2, $0x1;
	v3 =	vmul.f32 v41, v3;
	[tilespmem:$0x3DD0] =	vst v48  }
0x1ca: {  	v56 =	vbroadcast v2, $0x2;
	v57 =	vld [tilespmem:$0x3650];
	v55 =	vmul.f32 v44, v51;
	[tilespmem:$0x3DE0] =	vst v50  }
0x1cb: {  	v59 =	vld [tilespmem:$0x3660];
	v58 =	vbroadcast v2, $0x3;
	[tilespmem:$0x3DF0] =	vst v3;
	v3 =	vmul.f32 v47, v53  }
0x1cc: {  	v60 =	vbroadcast v2, $0x4;
	v61 =	vld [tilespmem:$0x3670];
	v5 =	vmul.f32 v49, v56;
	[tilespmem:$0x3E00] =	vst v55  }
0x1cd: {  	v62 =	vbroadcast v2, $0x5;
	v63 =	vld [tilespmem:$0x3680];
	[tilespmem:$0x3E10] =	vst v3;
	v3 =	vmul.f32 v52, v58  }
0x1ce: {  	v13 =	vbroadcast v2, $0x6;
	v14 =	vld [tilespmem:$0x3690];
	v12 =	vmul.f32 v54, v60;
	[tilespmem:$0x3E20] =	vst v5  }
0x1cf: {  	v15 =	vbroadcast v2, $0x7;
	v16 =	vld [tilespmem:$0x36A0];
	[tilespmem:$0x3E30] =	vst v3;
	v3 =	vmul.f32 v57, v62  }
0x1d0: {  	v19 =	vld [tilespmem:$0x36B0];
	v18 =	vbroadcast v2, $0x8;
	v17 =	vmul.f32 v59, v13;
	[tilespmem:$0x3E40] =	vst v12  }
0x1d1: {  	v21 =	vld [tilespmem:$0x36C0];
	v20 =	vbroadcast v2, $0x9;
	[tilespmem:$0x3E50] =	vst v3;
	v3 =	vmul.f32 v61, v15  }
0x1d2: {  	v24 =	vld [tilespmem:$0x36D0];
	v23 =	vbroadcast v2, $0xA;
	v22 =	vmul.f32 v63, v18;
	[tilespmem:$0x3E60] =	vst v17  }
0x1d3: {  	v25 =	vbroadcast v2, $0xB;
	v26 =	vld [tilespmem:$0x36E0];
	[tilespmem:$0x3E70] =	vst v3;
	v3 =	vmul.f32 v14, v20  }
0x1d4: {  	v28 =	vbroadcast v2, $0xC;
	v29 =	vld [tilespmem:$0x36F0];
	v27 =	vmul.f32 v16, v23;
	[tilespmem:$0x3E80] =	vst v22  }
0x1d5: {  	v30 =	vbroadcast v2, $0xD;
	v31 =	vld [tilespmem:$0x3700];
	[tilespmem:$0x3E90] =	vst v3;
	v3 =	vmul.f32 v19, v25  }
0x1d6: {  	v34 =	vld [tilespmem:$0x3710];
	v33 =	vbroadcast v2, $0xE;
	v32 =	vmul.f32 v21, v28;
	[tilespmem:$0x3EA0] =	vst v27  }
0x1d7: {  	v35 =	vld [tilespmem:$0x3720];
	v2 =	vbroadcast v2, $0xF;
	[tilespmem:$0x3EB0] =	vst v3;
	v3 =	vmul.f32 v24, v30  }
0x1d8: {  	v37 =	vbroadcast v1, $0x0;
	v38 =	vld [tilespmem:$0x3730];
	[tilespmem:$0x3EC0] =	vst v32;
	v36 =	vmul.f32 v26, v33  }
0x1d9: {  	v43 =	vld [tilespmem:$0x3760];
	v2 =	vmul.f32 v29, v2;
	[tilespmem:$0x3ED0] =	vst v3;
	v3 =	vbroadcast v1, $0x1  }
0x1da: {  	v41 =	vbroadcast v1, $0x2;
	v42 =	vld [tilespmem:$0x3750];
	v40 =	vmul.f32 v31, v37;
	[tilespmem:$0x3EE0] =	vst v36  }
0x1db: {  	v46 =	vld [tilespmem:$0x3780];
	[tilespmem:$0x3EF0] =	vst v2;
	v2 =	vmul.f32 v34, v3;
	v3 =	vbroadcast v1, $0x3  }
0x1dc: {  	v45 =	vld [tilespmem:$0x3770];
	v48 =	vbroadcast v1, $0x6;
	v4 =	vmul.f32 v35, v41;
	[tilespmem:$0x3F00] =	vst v40  }
0x1dd: {  	v54 =	vld [tilespmem:$0x37C0];
	[tilespmem:$0x3F10] =	vst v2;
	v2 =	vmul.f32 v38, v3;
	v3 =	vbroadcast v1, $0x5  }
0x1de: {  	v49 =	vld [tilespmem:$0x3790];
	v52 =	vbroadcast v1, $0x8;
	v51 =	vmul.f32 v43, v48;
	[tilespmem:$0x3F20] =	vst v4  }
0x1df: {  	v39 =	vld [tilespmem:$0x3740];
	[tilespmem:$0x3F30] =	vst v2;
	v2 =	vmul.f32 v42, v3;
	v3 =	vbroadcast v1, $0x7  }
0x1e0: {  	v60 =	vbroadcast v1, $0xC;
	v53 =	vld [tilespmem:$0x37B0];
	v55 =	vmul.f32 v46, v52;
	[tilespmem:$0x3F60] =	vst v51  }
0x1e1: {  	v50 =	vld [tilespmem:$0x37A0];
	[tilespmem:$0x3F50] =	vst v2;
	v2 =	vmul.f32 v45, v3;
	v3 =	vbroadcast v1, $0x9  }
0x1e2: {  	v44 =	vbroadcast v1, $0x4;
	v57 =	vld [tilespmem:$0x37D0];
	v62 =	vmul.f32 v54, v60;
	[tilespmem:$0x3F80] =	vst v55  }
0x1e3: {  	v58 =	vld [tilespmem:$0x37E0];
	[tilespmem:$0x3F70] =	vst v2;
	v2 =	vmul.f32 v49, v3;
	v3 =	vbroadcast v1, $0xB  }
0x1e4: {  	v56 =	vbroadcast v1, $0xA;
	v47 =	vmul.f32 v39, v44;
	v61 =	vld [tilespmem:$0x37F0];
	[tilespmem:$0x3FC0] =	vst v62  }
0x1e5: {  	[tilespmem:$0x3F90] =	vst v2;
	v2 =	vmul.f32 v53, v3;
	v3 =	vbroadcast v1, $0xD  }
0x1e6: {  	v63 =	vbroadcast v1, $0xE;
	v59 =	vmul.f32 v50, v56;
	[tilespmem:$0x3F40] =	vst v47  }
0x1e7: {  	v1 =	vbroadcast v1, $0xF;
	[tilespmem:$0x3FB0] =	vst v2;
	v2 =	vmul.f32 v57, v3  }
0x1e8: {  	[tilespmem:$0x3FA0] =	vst v59;
	v3 =	vmul.f32 v58, v63  }
0x1e9: {  	v1 =	vmul.f32 v61, v1;
	[tilespmem:$0x3FD0] =	vst v2  }
0x1ea: {  	p1 =	seq.s32 s22, $0x3E00;
	[tilespmem:$0x3FE0] =	vst v3  }
.Ltmp5:
0x1eb: {  	[tilespmem:$0x3FF0] =	vst v1;
	(pc) =	sbr.rel @!p1 .LBB2_3-.Ltmp5, $4  }
0x1ec: {  	[spmem:s4] =	stream.indirect.scatter.add.f32 [tilespmem:s21], [sflag:$0x2], $0x10, s23, s6, $0xb8;
	[tilespmem:$0x8400] =	vst v63  }
0x1ed: {  	_ =	swait.ge [sflag:s2], $0x800  }
0x1ee: {  	[sflag:s2] =	ssyncset.done $0x0  }
0x1ef: {  	s22 =	sadd.s32 $0x200, s22;
	[sflag:s2] =	ssyncadd.s32 $0xFFFFF800  }
.Ltmp6:
0x1f0: {  	_ = 	snop;
	(pc) =	sbr.rel .LBB2_4-.Ltmp6, $1  }
0x1f1: {  	_ =	sdelay $0x3  }
.LBB2_9:
0x1f2: {  	_ =	sfence.sel $0x180000  }
0x1f3: {  	[bflag:$0x0] =	sbarrier.arrive $0xFFFF  }
0x1f4: {  	_ =	strace $0x9000004A  }
0x1f5: {  	[bflag:$0x2] =	sbarrier.arrive $0xFFFF  }
0x1f6: {  	p0 =	sne.s32 s3, $0x0;
	s0 =	rddreg [dreg:$0x6]  }
0x1f7: {  	s0 =	sadd.s32 @!p0 $0x100000, s0  }
0x1f8: {  	[sflag:s0] =	ssyncadd.tile.s32 @!p0 $0x1;
	_ =	shalt  }
.Lfunc_end2:
_tile_overlayer_lowered:
.L_overlay_start_2:
0x1f9: {  	(tag) =	ssettag $0x2  }
0x1fa: {  	s0 =	rddreg [dreg:$0x0];
	s2 =	stileid.u32  }
0x1fb: {  	s1 =	rddreg [dreg:$0x1];
	p0 =	sne.s32 s2, $0x0  }
0x1fc: {  	s3 =	rddreg [dreg:$0x2];
	[bflag:$0x3] =	sbarrier.arrive $0xFFFF;
	s2 =	simm.s32 @!p0 $0x1C02  }
0x1fd: {  	[timem:s3], [sflag:s2] =	dma.local @!p0 [hbm:s0], s1  }
0x1fe: {  	s0 =	simm.s32 @!p0 $0x2  }
0x1ff: {  	_ =	swait.ge @!p0 [sflag:s0], s1  }
0x200: {  	s1 =	ssub.s32 @!p0 $0x0, s1;
	[sflag:s0] =	ssyncset.done @!p0 $0x0  }
0x201: {  	[sflag:s0] =	ssyncadd.s32 @!p0 s1  }
0x202: {  	[bflag:$0x3] =	sbarrier.arrive $0xFFFF  }
0x203: {  	_ =	shalt  }

</sc_bundles>
